<compile_context>
chip_gen: v7x
topology: tpu7x:2x2x1
jax: 0.10.2.dev20260603
libtpu: 0.0.44.dev20260713+nightly
codegen_flags: <defaults>
</compile_context>

<pallas_src>
import functools

import jax
import jax.numpy as jnp
from jax import lax
from jax.experimental import pallas as pl
from jax.experimental.pallas import tpu as pltpu
from jax.experimental.pallas import tpu_sc as plsc

H_DIM = 64
BATCH = 16384
_NC = 2
_NS = 16
_NW = _NC * _NS
_B_PER_W = BATCH // _NW
_G = 16
_N_G = _B_PER_W // _G
_HP = 16
_N_HP = H_DIM // _HP


def _emb_body(idx_hbm, table_hbm, out_hbm, idx_v, staged_v, out_v, sem0, sem1):
    wid = lax.axis_index("s") * _NC + lax.axis_index("c")
    base = wid * _B_PER_W
    pltpu.sync_copy(idx_hbm.at[pl.ds(base, _B_PER_W)], idx_v)

    lanes = lax.iota(jnp.int32, 16)
    sems = (sem0, sem1)

    def starts_of(g):
        r = idx_v[pl.ds(g * _G, _G)]
        a128 = lax.shift_left(lax.shift_right_logical(r, 7), 7)
        return [pl.multiple_of(a128[k], 128) for k in range(_G)]

    def issue(starts, h, buf):
        for k in range(_G):
            pltpu.async_copy(
                table_hbm.at[pl.ds(h * _HP, _HP), pl.ds(starts[k], 128)],
                staged_v.at[buf, k],
                sems[buf],
            )

    def drain(buf):
        for _ in range(_G):
            pltpu.make_async_copy(
                table_hbm.at[pl.ds(0, _HP), pl.ds(0, 128)],
                staged_v.at[buf, 0],
                sems[buf],
            ).wait()

    def extract(l128, g, h, buf):
        for cc in range(_HP):
            vals = plsc.load_gather(
                staged_v.at[buf], [lanes, jnp.full((16,), cc, jnp.int32), l128]
            )
            out_v[h * _HP + cc, pl.ds(g * _G, _G)] = vals

    issue(starts_of(0), 0, 0)

    def _group(g, carry):
        r = idx_v[pl.ds(g * _G, _G)]
        l128 = lax.bitwise_and(r, 127)
        starts = starts_of(g)
        issue(starts, 1, 1)
        drain(0)
        extract(l128, g, 0, 0)
        issue(starts, 2, 0)
        drain(1)
        extract(l128, g, 1, 1)
        issue(starts, 3, 1)
        drain(0)
        extract(l128, g, 2, 0)
        g_next = lax.min(g + 1, _N_G - 1)
        issue(starts_of(g_next), 0, 0)
        drain(1)
        extract(l128, g, 3, 1)
        return carry

    lax.fori_loop(0, _N_G, _group, 0)
    drain(0)
    pltpu.sync_copy(out_v, out_hbm.at[:, pl.ds(base, _B_PER_W)])


@jax.jit
def kernel(node_id, table):
    idx = jnp.asarray(node_id, jnp.int32)
    table_t = table.T
    f = functools.partial(
        pl.kernel,
        mesh=plsc.VectorSubcoreMesh(core_axis_name="c", subcore_axis_name="s"),
        out_type=jax.ShapeDtypeStruct((H_DIM, BATCH), jnp.float32),
        compiler_params=pltpu.CompilerParams(needs_layout_passes=False),
        scratch_types=[
            pltpu.VMEM((_B_PER_W,), jnp.int32),
            pltpu.VMEM((2, _G, _HP, 128), jnp.float32),
            pltpu.VMEM((H_DIM, _B_PER_W), jnp.float32),
            pltpu.SemaphoreType.DMA,
            pltpu.SemaphoreType.DMA,
        ],
    )(_emb_body)
    out_t = f(idx, table_t)
    return out_t.T

# --- scband reference (transcript-rebuilt; emitter-appended) ---
"""Pipeline reference for scband-embedding-layer-22488448762381 (READ-ONLY COPY).

The authoritative reference and input builder live on the scoring server;
editing this copy changes nothing except your own understanding.
"""

import jax, jax.numpy as jnp
import numpy as np

NUM_NODES = 1000000
H_DIM = 64
BATCH = 16384


def setup_inputs(seed: int = 0) -> dict:
    key = jax.random.key(seed)
    k1, k2 = jax.random.split(key)
    node_id = jax.random.randint(k1, (BATCH,), 0, NUM_NODES)
    table = jax.random.normal(k2, (NUM_NODES, H_DIM), dtype=jnp.float32)
    # padding_idx=0 -> row 0 is zeros
    table = table.at[0].set(0.0)
    return {"node_id": node_id, "table": table}


def reference(node_id, table):
    # EmbeddingLayer.forward: h = embedding(node_id) with padding_idx=0
    # Enforce padding row zero (matches nn.Embedding(padding_idx=0) semantics).
    table_eff = table.at[0].set(0.0)
    h = jnp.take(table_eff, node_id, axis=0)
    return h

if __name__ == "__main__":
    import jax
    _d = setup_inputs()
    print(jax.jit(kernel)(*tuple(_d.values())))

</pallas_src>

<mosaic_0001>
#map = affine_map<(d0, d1) -> (0)>
#map1 = affine_map<(d0, d1) -> (0, 0)>
module attributes {stable_mosaic.version = 14 : i64} {
  func.func @_emb_body(%arg0: i32, %arg1: i32, %arg2: memref<16384xi32, #tpu.memory_space<hbm>>, %arg3: memref<64x1000000xf32, #tpu.memory_space<hbm>>, %arg4: memref<64x16384xf32, #tpu.memory_space<hbm>>, %arg5: memref<512xi32, #tpu.memory_space<vmem>>, %arg6: memref<2x16x16x128xf32, #tpu.memory_space<vmem>>, %arg7: memref<64x512xf32, #tpu.memory_space<vmem>>, %arg8: memref<!tpu.dma_semaphore, #tpu.memory_space<semaphore_mem>>, %arg9: memref<!tpu.dma_semaphore, #tpu.memory_space<semaphore_mem>>) attributes {dimension_semantics = [#tpu.dimension_semantics<core_parallel>, #tpu.dimension_semantics<subcore_parallel>], iteration_bounds = array<i64: 2, 16>, scalar_prefetch = 0 : i64, scratch_operands = 5 : i64, tpu.core_type = #tpu.core_type<sc_vector_subcore>, window_params = [{transform_indices = #map}, {transform_indices = #map1}, {transform_indices = #map1}]} {
    %mul3A = arith.constant 2 : i32
    %mul3A_0 = arith.muli %arg1, %mul3A : i32
    %add3A = arith.addi %mul3A_0, %arg0 : i32
    %mul3A_1 = arith.constant 512 : i32
    %mul3A_2 = arith.muli %add3A, %mul3A_1 : i32
    "tpu.region"() ({
      %run_scoped3A = tpu.sem_alloc : memref<!tpu.dma_semaphore, #tpu.memory_space<semaphore_mem>>
      %dma_start3A_536 = tpu.memref_slice %arg2[%mul3A_2] : memref<16384xi32, #tpu.memory_space<hbm>> -> memref<512xi32, #tpu.memory_space<hbm>>
      %dma_start3A_537 = tpu.memref_slice %arg2[%mul3A_2] : memref<16384xi32, #tpu.memory_space<hbm>> -> memref<512xi32, #tpu.memory_space<hbm>>
      tpu.enqueue_dma source(%dma_start3A_537 : memref<512xi32, #tpu.memory_space<hbm>>) target(%arg5 : memref<512xi32, #tpu.memory_space<vmem>>) target_semaphore(%run_scoped3A : memref<!tpu.dma_semaphore, #tpu.memory_space<semaphore_mem>>)
      %dma_wait3A_538 = tpu.memref_slice %arg2[%mul3A_2] : memref<16384xi32, #tpu.memory_space<hbm>> -> memref<512xi32, #tpu.memory_space<hbm>>
      %dma_wait3A_539 = tpu.memref_slice %arg2[%mul3A_2] : memref<16384xi32, #tpu.memory_space<hbm>> -> memref<512xi32, #tpu.memory_space<hbm>>
      tpu.wait_dma2 semaphore(%run_scoped3A : memref<!tpu.dma_semaphore, #tpu.memory_space<semaphore_mem>>) src(%dma_wait3A_539 : memref<512xi32, #tpu.memory_space<hbm>>) dst(%arg5 : memref<512xi32, #tpu.memory_space<vmem>>)
      tpu.yield
    }) : () -> ()
    %iota3A = tpu.iota {dimensions = array<i32: 0>} : vector<16xi32>
    %get3A = arith.constant 0 : index
    %get3A_3 = tpu.vector_load %arg5[%get3A] {strides = array<i32>} : memref<512xi32, #tpu.memory_space<vmem>>, vector<16xi32>,
    %shift_right_logical3A = arith.constant 7 : i32
    %shift_right_logical3A_4 = vector.broadcast %shift_right_logical3A : i32 to vector<16xi32>
    %shift_right_logical3A_5 = arith.shrui %get3A_3, %shift_right_logical3A_4 : vector<16xi32>
    %shift_left3A = arith.constant 7 : i32
    %shift_left3A_6 = vector.broadcast %shift_left3A : i32 to vector<16xi32>
    %shift_left3A_7 = arith.shli %shift_right_logical3A_5, %shift_left3A_6 : vector<16xi32>
    %slice3A = vector.extract_strided_slice %shift_left3A_7 {offsets = [0], sizes = [1], strides = [1]} : vector<16xi32> to vector<1xi32>
    %squeeze3A = vector.extract %slice3A[0] : i32 from vector<1xi32>
    %multiple_of3A = tpu.assume_multiple %squeeze3A, 128 : i32
    %slice3A_8 = vector.extract_strided_slice %shift_left3A_7 {offsets = [1], sizes = [1], strides = [1]} : vector<16xi32> to vector<1xi32>
    %squeeze3A_9 = vector.extract %slice3A_8[0] : i32 from vector<1xi32>
    %multiple_of3A_10 = tpu.assume_multiple %squeeze3A_9, 128 : i32
    %slice3A_11 = vector.extract_strided_slice %shift_left3A_7 {offsets = [2], sizes = [1], strides = [1]} : vector<16xi32> to vector<1xi32>
    %squeeze3A_12 = vector.extract %slice3A_11[0] : i32 from vector<1xi32>
    %multiple_of3A_13 = tpu.assume_multiple %squeeze3A_12, 128 : i32
    %slice3A_14 = vector.extract_strided_slice %shift_left3A_7 {offsets = [3], sizes = [1], strides = [1]} : vector<16xi32> to vector<1xi32>
    %squeeze3A_15 = vector.extract %slice3A_14[0] : i32 from vector<1xi32>
    %multiple_of3A_16 = tpu.assume_multiple %squeeze3A_15, 128 : i32
    %slice3A_17 = vector.extract_strided_slice %shift_left3A_7 {offsets = [4], sizes = [1], strides = [1]} : vector<16xi32> to vector<1xi32>
    %squeeze3A_18 = vector.extract %slice3A_17[0] : i32 from vector<1xi32>
    %multiple_of3A_19 = tpu.assume_multiple %squeeze3A_18, 128 : i32
    %slice3A_20 = vector.extract_strided_slice %shift_left3A_7 {offsets = [5], sizes = [1], strides = [1]} : vector<16xi32> to vector<1xi32>
    %squeeze3A_21 = vector.extract %slice3A_20[0] : i32 from vector<1xi32>
    %multiple_of3A_22 = tpu.assume_multiple %squeeze3A_21, 128 : i32
    %slice3A_23 = vector.extract_strided_slice %shift_left3A_7 {offsets = [6], sizes = [1], strides = [1]} : vector<16xi32> to vector<1xi32>
    %squeeze3A_24 = vector.extract %slice3A_23[0] : i32 from vector<1xi32>
    %multiple_of3A_25 = tpu.assume_multiple %squeeze3A_24, 128 : i32
    %slice3A_26 = vector.extract_strided_slice %shift_left3A_7 {offsets = [7], sizes = [1], strides = [1]} : vector<16xi32> to vector<1xi32>
    %squeeze3A_27 = vector.extract %slice3A_26[0] : i32 from vector<1xi32>
    %multiple_of3A_28 = tpu.assume_multiple %squeeze3A_27, 128 : i32
    %slice3A_29 = vector.extract_strided_slice %shift_left3A_7 {offsets = [8], sizes = [1], strides = [1]} : vector<16xi32> to vector<1xi32>
    %squeeze3A_30 = vector.extract %slice3A_29[0] : i32 from vector<1xi32>
    %multiple_of3A_31 = tpu.assume_multiple %squeeze3A_30, 128 : i32
    %slice3A_32 = vector.extract_strided_slice %shift_left3A_7 {offsets = [9], sizes = [1], strides = [1]} : vector<16xi32> to vector<1xi32>
    %squeeze3A_33 = vector.extract %slice3A_32[0] : i32 from vector<1xi32>
    %multiple_of3A_34 = tpu.assume_multiple %squeeze3A_33, 128 : i32
    %slice3A_35 = vector.extract_strided_slice %shift_left3A_7 {offsets = [10], sizes = [1], strides = [1]} : vector<16xi32> to vector<1xi32>
    %squeeze3A_36 = vector.extract %slice3A_35[0] : i32 from vector<1xi32>
    %multiple_of3A_37 = tpu.assume_multiple %squeeze3A_36, 128 : i32
    %slice3A_38 = vector.extract_strided_slice %shift_left3A_7 {offsets = [11], sizes = [1], strides = [1]} : vector<16xi32> to vector<1xi32>
    %squeeze3A_39 = vector.extract %slice3A_38[0] : i32 from vector<1xi32>
    %multiple_of3A_40 = tpu.assume_multiple %squeeze3A_39, 128 : i32
    %slice3A_41 = vector.extract_strided_slice %shift_left3A_7 {offsets = [12], sizes = [1], strides = [1]} : vector<16xi32> to vector<1xi32>
    %squeeze3A_42 = vector.extract %slice3A_41[0] : i32 from vector<1xi32>
    %multiple_of3A_43 = tpu.assume_multiple %squeeze3A_42, 128 : i32
    %slice3A_44 = vector.extract_strided_slice %shift_left3A_7 {offsets = [13], sizes = [1], strides = [1]} : vector<16xi32> to vector<1xi32>
    %squeeze3A_45 = vector.extract %slice3A_44[0] : i32 from vector<1xi32>
    %multiple_of3A_46 = tpu.assume_multiple %squeeze3A_45, 128 : i32
    %slice3A_47 = vector.extract_strided_slice %shift_left3A_7 {offsets = [14], sizes = [1], strides = [1]} : vector<16xi32> to vector<1xi32>
    %squeeze3A_48 = vector.extract %slice3A_47[0] : i32 from vector<1xi32>
    %multiple_of3A_49 = tpu.assume_multiple %squeeze3A_48, 128 : i32
    %slice3A_50 = vector.extract_strided_slice %shift_left3A_7 {offsets = [15], sizes = [1], strides = [1]} : vector<16xi32> to vector<1xi32>
    %squeeze3A_51 = vector.extract %slice3A_50[0] : i32 from vector<1xi32>
    %multiple_of3A_52 = tpu.assume_multiple %squeeze3A_51, 128 : i32
    %dma_start3A = arith.constant 0 : i32
    %dma_start3A_53 = arith.constant 0 : i32
    %dma_start3A_54 = arith.constant 0 : i32
    %dma_start3A_55 = arith.constant 0 : i32
    %dma_start3A_56 = tpu.memref_slice %arg6[%dma_start3A, %dma_start3A_53, %dma_start3A_54, %dma_start3A_55] : memref<2x16x16x128xf32, #tpu.memory_space<vmem>> -> memref<1x1x16x128xf32, #tpu.memory_space<vmem>>
    %dma_start3A_57 = tpu.memref_squeeze %dma_start3A_56 : memref<1x1x16x128xf32, #tpu.memory_space<vmem>> -> memref<16x128xf32, #tpu.memory_space<vmem>>
    %dma_start3A_58 = arith.constant 0 : i32
    %dma_start3A_59 = tpu.memref_slice %arg3[%dma_start3A_58, %multiple_of3A] : memref<64x1000000xf32, #tpu.memory_space<hbm>> -> memref<16x128xf32, #tpu.memory_space<hbm>>
    %dma_start3A_60 = arith.constant 0 : i32
    %dma_start3A_61 = arith.constant 0 : i32
    %dma_start3A_62 = tpu.memref_slice %arg6[%dma_start3A, %dma_start3A_53, %dma_start3A_60, %dma_start3A_61] : memref<2x16x16x128xf32, #tpu.memory_space<vmem>> -> memref<1x1x16x128xf32, #tpu.memory_space<vmem>>
    %dma_start3A_63 = tpu.memref_squeeze %dma_start3A_62 : memref<1x1x16x128xf32, #tpu.memory_space<vmem>> -> memref<16x128xf32, #tpu.memory_space<vmem>>
    %dma_start3A_64 = arith.constant 0 : i32
    %dma_start3A_65 = tpu.memref_slice %arg3[%dma_start3A_64, %multiple_of3A] : memref<64x1000000xf32, #tpu.memory_space<hbm>> -> memref<16x128xf32, #tpu.memory_space<hbm>>
    tpu.enqueue_dma source(%dma_start3A_65 : memref<16x128xf32, #tpu.memory_space<hbm>>) target(%dma_start3A_63 : memref<16x128xf32, #tpu.memory_space<vmem>>) target_semaphore(%arg8 : memref<!tpu.dma_semaphore, #tpu.memory_space<semaphore_mem>>)
    %dma_start3A_66 = arith.constant 0 : i32
    %dma_start3A_67 = arith.constant 1 : i32
    %dma_start3A_68 = arith.constant 0 : i32
    %dma_start3A_69 = arith.constant 0 : i32
    %dma_start3A_70 = tpu.memref_slice %arg6[%dma_start3A_66, %dma_start3A_67, %dma_start3A_68, %dma_start3A_69] : memref<2x16x16x128xf32, #tpu.memory_space<vmem>> -> memref<1x1x16x128xf32, #tpu.memory_space<vmem>>
    %dma_start3A_71 = tpu.memref_squeeze %dma_start3A_70 : memref<1x1x16x128xf32, #tpu.memory_space<vmem>> -> memref<16x128xf32, #tpu.memory_space<vmem>>
    %dma_start3A_72 = arith.constant 0 : i32
    %dma_start3A_73 = tpu.memref_slice %arg3[%dma_start3A_72, %multiple_of3A_10] : memref<64x1000000xf32, #tpu.memory_space<hbm>> -> memref<16x128xf32, #tpu.memory_space<hbm>>
    %dma_start3A_74 = arith.constant 0 : i32
    %dma_start3A_75 = arith.constant 0 : i32
    %dma_start3A_76 = tpu.memref_slice %arg6[%dma_start3A_66, %dma_start3A_67, %dma_start3A_74, %dma_start3A_75] : memref<2x16x16x128xf32, #tpu.memory_space<vmem>> -> memref<1x1x16x128xf32, #tpu.memory_space<vmem>>
    %dma_start3A_77 = tpu.memref_squeeze %dma_start3A_76 : memref<1x1x16x128xf32, #tpu.memory_space<vmem>> -> memref<16x128xf32, #tpu.memory_space<vmem>>
    %dma_start3A_78 = arith.constant 0 : i32
    %dma_start3A_79 = tpu.memref_slice %arg3[%dma_start3A_78, %multiple_of3A_10] : memref<64x1000000xf32, #tpu.memory_space<hbm>> -> memref<16x128xf32, #tpu.memory_space<hbm>>
    tpu.enqueue_dma source(%dma_start3A_79 : memref<16x128xf32, #tpu.memory_space<hbm>>) target(%dma_start3A_77 : memref<16x128xf32, #tpu.memory_space<vmem>>) target_semaphore(%arg8 : memref<!tpu.dma_semaphore, #tpu.memory_space<semaphore_mem>>)
    %dma_start3A_80 = arith.constant 0 : i32
    %dma_start3A_81 = arith.constant 2 : i32
    %dma_start3A_82 = arith.constant 0 : i32
    %dma_start3A_83 = arith.constant 0 : i32
    %dma_start3A_84 = tpu.memref_slice %arg6[%dma_start3A_80, %dma_start3A_81, %dma_start3A_82, %dma_start3A_83] : memref<2x16x16x128xf32, #tpu.memory_space<vmem>> -> memref<1x1x16x128xf32, #tpu.memory_space<vmem>>
    %dma_start3A_85 = tpu.memref_squeeze %dma_start3A_84 : memref<1x1x16x128xf32, #tpu.memory_space<vmem>> -> memref<16x128xf32, #tpu.memory_space<vmem>>
    %dma_start3A_86 = arith.constant 0 : i32
    %dma_start3A_87 = tpu.memref_slice %arg3[%dma_start3A_86, %multiple_of3A_13] : memref<64x1000000xf32, #tpu.memory_space<hbm>> -> memref<16x128xf32, #tpu.memory_space<hbm>>
    %dma_start3A_88 = arith.constant 0 : i32
    %dma_start3A_89 = arith.constant 0 : i32
    %dma_start3A_90 = tpu.memref_slice %arg6[%dma_start3A_80, %dma_start3A_81, %dma_start3A_88, %dma_start3A_89] : memref<2x16x16x128xf32, #tpu.memory_space<vmem>> -> memref<1x1x16x128xf32, #tpu.memory_space<vmem>>
    %dma_start3A_91 = tpu.memref_squeeze %dma_start3A_90 : memref<1x1x16x128xf32, #tpu.memory_space<vmem>> -> memref<16x128xf32, #tpu.memory_space<vmem>>
    %dma_start3A_92 = arith.constant 0 : i32
    %dma_start3A_93 = tpu.memref_slice %arg3[%dma_start3A_92, %multiple_of3A_13] : memref<64x1000000xf32, #tpu.memory_space<hbm>> -> memref<16x128xf32, #tpu.memory_space<hbm>>
    tpu.enqueue_dma source(%dma_start3A_93 : memref<16x128xf32, #tpu.memory_space<hbm>>) target(%dma_start3A_91 : memref<16x128xf32, #tpu.memory_space<vmem>>) target_semaphore(%arg8 : memref<!tpu.dma_semaphore, #tpu.memory_space<semaphore_mem>>)
    %dma_start3A_94 = arith.constant 0 : i32
    %dma_start3A_95 = arith.constant 3 : i32
    %dma_start3A_96 = arith.constant 0 : i32
    %dma_start3A_97 = arith.constant 0 : i32
    %dma_start3A_98 = tpu.memref_slice %arg6[%dma_start3A_94, %dma_start3A_95, %dma_start3A_96, %dma_start3A_97] : memref<2x16x16x128xf32, #tpu.memory_space<vmem>> -> memref<1x1x16x128xf32, #tpu.memory_space<vmem>>
    %dma_start3A_99 = tpu.memref_squeeze %dma_start3A_98 : memref<1x1x16x128xf32, #tpu.memory_space<vmem>> -> memref<16x128xf32, #tpu.memory_space<vmem>>
    %dma_start3A_100 = arith.constant 0 : i32
    %dma_start3A_101 = tpu.memref_slice %arg3[%dma_start3A_100, %multiple_of3A_16] : memref<64x1000000xf32, #tpu.memory_space<hbm>> -> memref<16x128xf32, #tpu.memory_space<hbm>>
    %dma_start3A_102 = arith.constant 0 : i32
    %dma_start3A_103 = arith.constant 0 : i32
    %dma_start3A_104 = tpu.memref_slice %arg6[%dma_start3A_94, %dma_start3A_95, %dma_start3A_102, %dma_start3A_103] : memref<2x16x16x128xf32, #tpu.memory_space<vmem>> -> memref<1x1x16x128xf32, #tpu.memory_space<vmem>>
    %dma_start3A_105 = tpu.memref_squeeze %dma_start3A_104 : memref<1x1x16x128xf32, #tpu.memory_space<vmem>> -> memref<16x128xf32, #tpu.memory_space<vmem>>
    %dma_start3A_106 = arith.constant 0 : i32
    %dma_start3A_107 = tpu.memref_slice %arg3[%dma_start3A_106, %multiple_of3A_16] : memref<64x1000000xf32, #tpu.memory_space<hbm>> -> memref<16x128xf32, #tpu.memory_space<hbm>>
    tpu.enqueue_dma source(%dma_start3A_107 : memref<16x128xf32, #tpu.memory_space<hbm>>) target(%dma_start3A_105 : memref<16x128xf32, #tpu.memory_space<vmem>>) target_semaphore(%arg8 : memref<!tpu.dma_semaphore, #tpu.memory_space<semaphore_mem>>)
    %dma_start3A_108 = arith.constant 0 : i32
    %dma_start3A_109 = arith.constant 4 : i32
    %dma_start3A_110 = arith.constant 0 : i32
    %dma_start3A_111 = arith.constant 0 : i32
    %dma_start3A_112 = tpu.memref_slice %arg6[%dma_start3A_108, %dma_start3A_109, %dma_start3A_110, %dma_start3A_111] : memref<2x16x16x128xf32, #tpu.memory_space<vmem>> -> memref<1x1x16x128xf32, #tpu.memory_space<vmem>>
    %dma_start3A_113 = tpu.memref_squeeze %dma_start3A_112 : memref<1x1x16x128xf32, #tpu.memory_space<vmem>> -> memref<16x128xf32, #tpu.memory_space<vmem>>
    %dma_start3A_114 = arith.constant 0 : i32
    %dma_start3A_115 = tpu.memref_slice %arg3[%dma_start3A_114, %multiple_of3A_19] : memref<64x1000000xf32, #tpu.memory_space<hbm>> -> memref<16x128xf32, #tpu.memory_space<hbm>>
    %dma_start3A_116 = arith.constant 0 : i32
    %dma_start3A_117 = arith.constant 0 : i32
    %dma_start3A_118 = tpu.memref_slice %arg6[%dma_start3A_108, %dma_start3A_109, %dma_start3A_116, %dma_start3A_117] : memref<2x16x16x128xf32, #tpu.memory_space<vmem>> -> memref<1x1x16x128xf32, #tpu.memory_space<vmem>>
    %dma_start3A_119 = tpu.memref_squeeze %dma_start3A_118 : memref<1x1x16x128xf32, #tpu.memory_space<vmem>> -> memref<16x128xf32, #tpu.memory_space<vmem>>
    %dma_start3A_120 = arith.constant 0 : i32
    %dma_start3A_121 = tpu.memref_slice %arg3[%dma_start3A_120, %multiple_of3A_19] : memref<64x1000000xf32, #tpu.memory_space<hbm>> -> memref<16x128xf32, #tpu.memory_space<hbm>>
    tpu.enqueue_dma source(%dma_start3A_121 : memref<16x128xf32, #tpu.memory_space<hbm>>) target(%dma_start3A_119 : memref<16x128xf32, #tpu.memory_space<vmem>>) target_semaphore(%arg8 : memref<!tpu.dma_semaphore, #tpu.memory_space<semaphore_mem>>)
    %dma_start3A_122 = arith.constant 0 : i32
    %dma_start3A_123 = arith.constant 5 : i32
    %dma_start3A_124 = arith.constant 0 : i32
    %dma_start3A_125 = arith.constant 0 : i32
    %dma_start3A_126 = tpu.memref_slice %arg6[%dma_start3A_122, %dma_start3A_123, %dma_start3A_124, %dma_start3A_125] : memref<2x16x16x128xf32, #tpu.memory_space<vmem>> -> memref<1x1x16x128xf32, #tpu.memory_space<vmem>>
    %dma_start3A_127 = tpu.memref_squeeze %dma_start3A_126 : memref<1x1x16x128xf32, #tpu.memory_space<vmem>> -> memref<16x128xf32, #tpu.memory_space<vmem>>
    %dma_start3A_128 = arith.constant 0 : i32
    %dma_start3A_129 = tpu.memref_slice %arg3[%dma_start3A_128, %multiple_of3A_22] : memref<64x1000000xf32, #tpu.memory_space<hbm>> -> memref<16x128xf32, #tpu.memory_space<hbm>>
    %dma_start3A_130 = arith.constant 0 : i32
    %dma_start3A_131 = arith.constant 0 : i32
    %dma_start3A_132 = tpu.memref_slice %arg6[%dma_start3A_122, %dma_start3A_123, %dma_start3A_130, %dma_start3A_131] : memref<2x16x16x128xf32, #tpu.memory_space<vmem>> -> memref<1x1x16x128xf32, #tpu.memory_space<vmem>>
    %dma_start3A_133 = tpu.memref_squeeze %dma_start3A_132 : memref<1x1x16x128xf32, #tpu.memory_space<vmem>> -> memref<16x128xf32, #tpu.memory_space<vmem>>
    %dma_start3A_134 = arith.constant 0 : i32
    %dma_start3A_135 = tpu.memref_slice %arg3[%dma_start3A_134, %multiple_of3A_22] : memref<64x1000000xf32, #tpu.memory_space<hbm>> -> memref<16x128xf32, #tpu.memory_space<hbm>>
    tpu.enqueue_dma source(%dma_start3A_135 : memref<16x128xf32, #tpu.memory_space<hbm>>) target(%dma_start3A_133 : memref<16x128xf32, #tpu.memory_space<vmem>>) target_semaphore(%arg8 : memref<!tpu.dma_semaphore, #tpu.memory_space<semaphore_mem>>)
    %dma_start3A_136 = arith.constant 0 : i32
    %dma_start3A_137 = arith.constant 6 : i32
    %dma_start3A_138 = arith.constant 0 : i32
    %dma_start3A_139 = arith.constant 0 : i32
    %dma_start3A_140 = tpu.memref_slice %arg6[%dma_start3A_136, %dma_start3A_137, %dma_start3A_138, %dma_start3A_139] : memref<2x16x16x128xf32, #tpu.memory_space<vmem>> -> memref<1x1x16x128xf32, #tpu.memory_space<vmem>>
    %dma_start3A_141 = tpu.memref_squeeze %dma_start3A_140 : memref<1x1x16x128xf32, #tpu.memory_space<vmem>> -> memref<16x128xf32, #tpu.memory_space<vmem>>
    %dma_start3A_142 = arith.constant 0 : i32
    %dma_start3A_143 = tpu.memref_slice %arg3[%dma_start3A_142, %multiple_of3A_25] : memref<64x1000000xf32, #tpu.memory_space<hbm>> -> memref<16x128xf32, #tpu.memory_space<hbm>>
    %dma_start3A_144 = arith.constant 0 : i32
    %dma_start3A_145 = arith.constant 0 : i32
    %dma_start3A_146 = tpu.memref_slice %arg6[%dma_start3A_136, %dma_start3A_137, %dma_start3A_144, %dma_start3A_145] : memref<2x16x16x128xf32, #tpu.memory_space<vmem>> -> memref<1x1x16x128xf32, #tpu.memory_space<vmem>>
    %dma_start3A_147 = tpu.memref_squeeze %dma_start3A_146 : memref<1x1x16x128xf32, #tpu.memory_space<vmem>> -> memref<16x128xf32, #tpu.memory_space<vmem>>
    %dma_start3A_148 = arith.constant 0 : i32
    %dma_start3A_149 = tpu.memref_slice %arg3[%dma_start3A_148, %multiple_of3A_25] : memref<64x1000000xf32, #tpu.memory_space<hbm>> -> memref<16x128xf32, #tpu.memory_space<hbm>>
    tpu.enqueue_dma source(%dma_start3A_149 : memref<16x128xf32, #tpu.memory_space<hbm>>) target(%dma_start3A_147 : memref<16x128xf32, #tpu.memory_space<vmem>>) target_semaphore(%arg8 : memref<!tpu.dma_semaphore, #tpu.memory_space<semaphore_mem>>)
    %dma_start3A_150 = arith.constant 0 : i32
    %dma_start3A_151 = arith.constant 7 : i32
    %dma_start3A_152 = arith.constant 0 : i32
    %dma_start3A_153 = arith.constant 0 : i32
    %dma_start3A_154 = tpu.memref_slice %arg6[%dma_start3A_150, %dma_start3A_151, %dma_start3A_152, %dma_start3A_153] : memref<2x16x16x128xf32, #tpu.memory_space<vmem>> -> memref<1x1x16x128xf32, #tpu.memory_space<vmem>>
    %dma_start3A_155 = tpu.memref_squeeze %dma_start3A_154 : memref<1x1x16x128xf32, #tpu.memory_space<vmem>> -> memref<16x128xf32, #tpu.memory_space<vmem>>
    %dma_start3A_156 = arith.constant 0 : i32
    %dma_start3A_157 = tpu.memref_slice %arg3[%dma_start3A_156, %multiple_of3A_28] : memref<64x1000000xf32, #tpu.memory_space<hbm>> -> memref<16x128xf32, #tpu.memory_space<hbm>>
    %dma_start3A_158 = arith.constant 0 : i32
    %dma_start3A_159 = arith.constant 0 : i32
    %dma_start3A_160 = tpu.memref_slice %arg6[%dma_start3A_150, %dma_start3A_151, %dma_start3A_158, %dma_start3A_159] : memref<2x16x16x128xf32, #tpu.memory_space<vmem>> -> memref<1x1x16x128xf32, #tpu.memory_space<vmem>>
    %dma_start3A_161 = tpu.memref_squeeze %dma_start3A_160 : memref<1x1x16x128xf32, #tpu.memory_space<vmem>> -> memref<16x128xf32, #tpu.memory_space<vmem>>
    %dma_start3A_162 = arith.constant 0 : i32
    %dma_start3A_163 = tpu.memref_slice %arg3[%dma_start3A_162, %multiple_of3A_28] : memref<64x1000000xf32, #tpu.memory_space<hbm>> -> memref<16x128xf32, #tpu.memory_space<hbm>>
    tpu.enqueue_dma source(%dma_start3A_163 : memref<16x128xf32, #tpu.memory_space<hbm>>) target(%dma_start3A_161 : memref<16x128xf32, #tpu.memory_space<vmem>>) target_semaphore(%arg8 : memref<!tpu.dma_semaphore, #tpu.memory_space<semaphore_mem>>)
    %dma_start3A_164 = arith.constant 0 : i32
    %dma_start3A_165 = arith.constant 8 : i32
    %dma_start3A_166 = arith.constant 0 : i32
    %dma_start3A_167 = arith.constant 0 : i32
    %dma_start3A_168 = tpu.memref_slice %arg6[%dma_start3A_164, %dma_start3A_165, %dma_start3A_166, %dma_start3A_167] : memref<2x16x16x128xf32, #tpu.memory_space<vmem>> -> memref<1x1x16x128xf32, #tpu.memory_space<vmem>>
    %dma_start3A_169 = tpu.memref_squeeze %dma_start3A_168 : memref<1x1x16x128xf32, #tpu.memory_space<vmem>> -> memref<16x128xf32, #tpu.memory_space<vmem>>
    %dma_start3A_170 = arith.constant 0 : i32
    %dma_start3A_171 = tpu.memref_slice %arg3[%dma_start3A_170, %multiple_of3A_31] : memref<64x1000000xf32, #tpu.memory_space<hbm>> -> memref<16x128xf32, #tpu.memory_space<hbm>>
    %dma_start3A_172 = arith.constant 0 : i32
    %dma_start3A_173 = arith.constant 0 : i32
    %dma_start3A_174 = tpu.memref_slice %arg6[%dma_start3A_164, %dma_start3A_165, %dma_start3A_172, %dma_start3A_173] : memref<2x16x16x128xf32, #tpu.memory_space<vmem>> -> memref<1x1x16x128xf32, #tpu.memory_space<vmem>>
    %dma_start3A_175 = tpu.memref_squeeze %dma_start3A_174 : memref<1x1x16x128xf32, #tpu.memory_space<vmem>> -> memref<16x128xf32, #tpu.memory_space<vmem>>
    %dma_start3A_176 = arith.constant 0 : i32
    %dma_start3A_177 = tpu.memref_slice %arg3[%dma_start3A_176, %multiple_of3A_31] : memref<64x1000000xf32, #tpu.memory_space<hbm>> -> memref<16x128xf32, #tpu.memory_space<hbm>>
    tpu.enqueue_dma source(%dma_start3A_177 : memref<16x128xf32, #tpu.memory_space<hbm>>) target(%dma_start3A_175 : memref<16x128xf32, #tpu.memory_space<vmem>>) target_semaphore(%arg8 : memref<!tpu.dma_semaphore, #tpu.memory_space<semaphore_mem>>)
    %dma_start3A_178 = arith.constant 0 : i32
    %dma_start3A_179 = arith.constant 9 : i32
    %dma_start3A_180 = arith.constant 0 : i32
    %dma_start3A_181 = arith.constant 0 : i32
    %dma_start3A_182 = tpu.memref_slice %arg6[%dma_start3A_178, %dma_start3A_179, %dma_start3A_180, %dma_start3A_181] : memref<2x16x16x128xf32, #tpu.memory_space<vmem>> -> memref<1x1x16x128xf32, #tpu.memory_space<vmem>>
    %dma_start3A_183 = tpu.memref_squeeze %dma_start3A_182 : memref<1x1x16x128xf32, #tpu.memory_space<vmem>> -> memref<16x128xf32, #tpu.memory_space<vmem>>
    %dma_start3A_184 = arith.constant 0 : i32
    %dma_start3A_185 = tpu.memref_slice %arg3[%dma_start3A_184, %multiple_of3A_34] : memref<64x1000000xf32, #tpu.memory_space<hbm>> -> memref<16x128xf32, #tpu.memory_space<hbm>>
    %dma_start3A_186 = arith.constant 0 : i32
    %dma_start3A_187 = arith.constant 0 : i32
    %dma_start3A_188 = tpu.memref_slice %arg6[%dma_start3A_178, %dma_start3A_179, %dma_start3A_186, %dma_start3A_187] : memref<2x16x16x128xf32, #tpu.memory_space<vmem>> -> memref<1x1x16x128xf32, #tpu.memory_space<vmem>>
    %dma_start3A_189 = tpu.memref_squeeze %dma_start3A_188 : memref<1x1x16x128xf32, #tpu.memory_space<vmem>> -> memref<16x128xf32, #tpu.memory_space<vmem>>
    %dma_start3A_190 = arith.constant 0 : i32
    %dma_start3A_191 = tpu.memref_slice %arg3[%dma_start3A_190, %multiple_of3A_34] : memref<64x1000000xf32, #tpu.memory_space<hbm>> -> memref<16x128xf32, #tpu.memory_space<hbm>>
    tpu.enqueue_dma source(%dma_start3A_191 : memref<16x128xf32, #tpu.memory_space<hbm>>) target(%dma_start3A_189 : memref<16x128xf32, #tpu.memory_space<vmem>>) target_semaphore(%arg8 : memref<!tpu.dma_semaphore, #tpu.memory_space<semaphore_mem>>)
    %dma_start3A_192 = arith.constant 0 : i32
    %dma_start3A_193 = arith.constant 10 : i32
    %dma_start3A_194 = arith.constant 0 : i32
    %dma_start3A_195 = arith.constant 0 : i32
    %dma_start3A_196 = tpu.memref_slice %arg6[%dma_start3A_192, %dma_start3A_193, %dma_start3A_194, %dma_start3A_195] : memref<2x16x16x128xf32, #tpu.memory_space<vmem>> -> memref<1x1x16x128xf32, #tpu.memory_space<vmem>>
    %dma_start3A_197 = tpu.memref_squeeze %dma_start3A_196 : memref<1x1x16x128xf32, #tpu.memory_space<vmem>> -> memref<16x128xf32, #tpu.memory_space<vmem>>
    %dma_start3A_198 = arith.constant 0 : i32
    %dma_start3A_199 = tpu.memref_slice %arg3[%dma_start3A_198, %multiple_of3A_37] : memref<64x1000000xf32, #tpu.memory_space<hbm>> -> memref<16x128xf32, #tpu.memory_space<hbm>>
    %dma_start3A_200 = arith.constant 0 : i32
    %dma_start3A_201 = arith.constant 0 : i32
    %dma_start3A_202 = tpu.memref_slice %arg6[%dma_start3A_192, %dma_start3A_193, %dma_start3A_200, %dma_start3A_201] : memref<2x16x16x128xf32, #tpu.memory_space<vmem>> -> memref<1x1x16x128xf32, #tpu.memory_space<vmem>>
    %dma_start3A_203 = tpu.memref_squeeze %dma_start3A_202 : memref<1x1x16x128xf32, #tpu.memory_space<vmem>> -> memref<16x128xf32, #tpu.memory_space<vmem>>
    %dma_start3A_204 = arith.constant 0 : i32
    %dma_start3A_205 = tpu.memref_slice %arg3[%dma_start3A_204, %multiple_of3A_37] : memref<64x1000000xf32, #tpu.memory_space<hbm>> -> memref<16x128xf32, #tpu.memory_space<hbm>>
    tpu.enqueue_dma source(%dma_start3A_205 : memref<16x128xf32, #tpu.memory_space<hbm>>) target(%dma_start3A_203 : memref<16x128xf32, #tpu.memory_space<vmem>>) target_semaphore(%arg8 : memref<!tpu.dma_semaphore, #tpu.memory_space<semaphore_mem>>)
    %dma_start3A_206 = arith.constant 0 : i32
    %dma_start3A_207 = arith.constant 11 : i32
    %dma_start3A_208 = arith.constant 0 : i32
    %dma_start3A_209 = arith.constant 0 : i32
    %dma_start3A_210 = tpu.memref_slice %arg6[%dma_start3A_206, %dma_start3A_207, %dma_start3A_208, %dma_start3A_209] : memref<2x16x16x128xf32, #tpu.memory_space<vmem>> -> memref<1x1x16x128xf32, #tpu.memory_space<vmem>>
    %dma_start3A_211 = tpu.memref_squeeze %dma_start3A_210 : memref<1x1x16x128xf32, #tpu.memory_space<vmem>> -> memref<16x128xf32, #tpu.memory_space<vmem>>
    %dma_start3A_212 = arith.constant 0 : i32
    %dma_start3A_213 = tpu.memref_slice %arg3[%dma_start3A_212, %multiple_of3A_40] : memref<64x1000000xf32, #tpu.memory_space<hbm>> -> memref<16x128xf32, #tpu.memory_space<hbm>>
    %dma_start3A_214 = arith.constant 0 : i32
    %dma_start3A_215 = arith.constant 0 : i32
    %dma_start3A_216 = tpu.memref_slice %arg6[%dma_start3A_206, %dma_start3A_207, %dma_start3A_214, %dma_start3A_215] : memref<2x16x16x128xf32, #tpu.memory_space<vmem>> -> memref<1x1x16x128xf32, #tpu.memory_space<vmem>>
    %dma_start3A_217 = tpu.memref_squeeze %dma_start3A_216 : memref<1x1x16x128xf32, #tpu.memory_space<vmem>> -> memref<16x128xf32, #tpu.memory_space<vmem>>
    %dma_start3A_218 = arith.constant 0 : i32
    %dma_start3A_219 = tpu.memref_slice %arg3[%dma_start3A_218, %multiple_of3A_40] : memref<64x1000000xf32, #tpu.memory_space<hbm>> -> memref<16x128xf32, #tpu.memory_space<hbm>>
    tpu.enqueue_dma source(%dma_start3A_219 : memref<16x128xf32, #tpu.memory_space<hbm>>) target(%dma_start3A_217 : memref<16x128xf32, #tpu.memory_space<vmem>>) target_semaphore(%arg8 : memref<!tpu.dma_semaphore, #tpu.memory_space<semaphore_mem>>)
    %dma_start3A_220 = arith.constant 0 : i32
    %dma_start3A_221 = arith.constant 12 : i32
    %dma_start3A_222 = arith.constant 0 : i32
    %dma_start3A_223 = arith.constant 0 : i32
    %dma_start3A_224 = tpu.memref_slice %arg6[%dma_start3A_220, %dma_start3A_221, %dma_start3A_222, %dma_start3A_223] : memref<2x16x16x128xf32, #tpu.memory_space<vmem>> -> memref<1x1x16x128xf32, #tpu.memory_space<vmem>>
    %dma_start3A_225 = tpu.memref_squeeze %dma_start3A_224 : memref<1x1x16x128xf32, #tpu.memory_space<vmem>> -> memref<16x128xf32, #tpu.memory_space<vmem>>
    %dma_start3A_226 = arith.constant 0 : i32
    %dma_start3A_227 = tpu.memref_slice %arg3[%dma_start3A_226, %multiple_of3A_43] : memref<64x1000000xf32, #tpu.memory_space<hbm>> -> memref<16x128xf32, #tpu.memory_space<hbm>>
    %dma_start3A_228 = arith.constant 0 : i32
    %dma_start3A_229 = arith.constant 0 : i32
    %dma_start3A_230 = tpu.memref_slice %arg6[%dma_start3A_220, %dma_start3A_221, %dma_start3A_228, %dma_start3A_229] : memref<2x16x16x128xf32, #tpu.memory_space<vmem>> -> memref<1x1x16x128xf32, #tpu.memory_space<vmem>>
    %dma_start3A_231 = tpu.memref_squeeze %dma_start3A_230 : memref<1x1x16x128xf32, #tpu.memory_space<vmem>> -> memref<16x128xf32, #tpu.memory_space<vmem>>
    %dma_start3A_232 = arith.constant 0 : i32
    %dma_start3A_233 = tpu.memref_slice %arg3[%dma_start3A_232, %multiple_of3A_43] : memref<64x1000000xf32, #tpu.memory_space<hbm>> -> memref<16x128xf32, #tpu.memory_space<hbm>>
    tpu.enqueue_dma source(%dma_start3A_233 : memref<16x128xf32, #tpu.memory_space<hbm>>) target(%dma_start3A_231 : memref<16x128xf32, #tpu.memory_space<vmem>>) target_semaphore(%arg8 : memref<!tpu.dma_semaphore, #tpu.memory_space<semaphore_mem>>)
    %dma_start3A_234 = arith.constant 0 : i32
    %dma_start3A_235 = arith.constant 13 : i32
    %dma_start3A_236 = arith.constant 0 : i32
    %dma_start3A_237 = arith.constant 0 : i32
    %dma_start3A_238 = tpu.memref_slice %arg6[%dma_start3A_234, %dma_start3A_235, %dma_start3A_236, %dma_start3A_237] : memref<2x16x16x128xf32, #tpu.memory_space<vmem>> -> memref<1x1x16x128xf32, #tpu.memory_space<vmem>>
    %dma_start3A_239 = tpu.memref_squeeze %dma_start3A_238 : memref<1x1x16x128xf32, #tpu.memory_space<vmem>> -> memref<16x128xf32, #tpu.memory_space<vmem>>
    %dma_start3A_240 = arith.constant 0 : i32
    %dma_start3A_241 = tpu.memref_slice %arg3[%dma_start3A_240, %multiple_of3A_46] : memref<64x1000000xf32, #tpu.memory_space<hbm>> -> memref<16x128xf32, #tpu.memory_space<hbm>>
    %dma_start3A_242 = arith.constant 0 : i32
    %dma_start3A_243 = arith.constant 0 : i32
    %dma_start3A_244 = tpu.memref_slice %arg6[%dma_start3A_234, %dma_start3A_235, %dma_start3A_242, %dma_start3A_243] : memref<2x16x16x128xf32, #tpu.memory_space<vmem>> -> memref<1x1x16x128xf32, #tpu.memory_space<vmem>>
    %dma_start3A_245 = tpu.memref_squeeze %dma_start3A_244 : memref<1x1x16x128xf32, #tpu.memory_space<vmem>> -> memref<16x128xf32, #tpu.memory_space<vmem>>
    %dma_start3A_246 = arith.constant 0 : i32
    %dma_start3A_247 = tpu.memref_slice %arg3[%dma_start3A_246, %multiple_of3A_46] : memref<64x1000000xf32, #tpu.memory_space<hbm>> -> memref<16x128xf32, #tpu.memory_space<hbm>>
    tpu.enqueue_dma source(%dma_start3A_247 : memref<16x128xf32, #tpu.memory_space<hbm>>) target(%dma_start3A_245 : memref<16x128xf32, #tpu.memory_space<vmem>>) target_semaphore(%arg8 : memref<!tpu.dma_semaphore, #tpu.memory_space<semaphore_mem>>)
    %dma_start3A_248 = arith.constant 0 : i32
    %dma_start3A_249 = arith.constant 14 : i32
    %dma_start3A_250 = arith.constant 0 : i32
    %dma_start3A_251 = arith.constant 0 : i32
    %dma_start3A_252 = tpu.memref_slice %arg6[%dma_start3A_248, %dma_start3A_249, %dma_start3A_250, %dma_start3A_251] : memref<2x16x16x128xf32, #tpu.memory_space<vmem>> -> memref<1x1x16x128xf32, #tpu.memory_space<vmem>>
    %dma_start3A_253 = tpu.memref_squeeze %dma_start3A_252 : memref<1x1x16x128xf32, #tpu.memory_space<vmem>> -> memref<16x128xf32, #tpu.memory_space<vmem>>
    %dma_start3A_254 = arith.constant 0 : i32
    %dma_start3A_255 = tpu.memref_slice %arg3[%dma_start3A_254, %multiple_of3A_49] : memref<64x1000000xf32, #tpu.memory_space<hbm>> -> memref<16x128xf32, #tpu.memory_space<hbm>>
    %dma_start3A_256 = arith.constant 0 : i32
    %dma_start3A_257 = arith.constant 0 : i32
    %dma_start3A_258 = tpu.memref_slice %arg6[%dma_start3A_248, %dma_start3A_249, %dma_start3A_256, %dma_start3A_257] : memref<2x16x16x128xf32, #tpu.memory_space<vmem>> -> memref<1x1x16x128xf32, #tpu.memory_space<vmem>>
    %dma_start3A_259 = tpu.memref_squeeze %dma_start3A_258 : memref<1x1x16x128xf32, #tpu.memory_space<vmem>> -> memref<16x128xf32, #tpu.memory_space<vmem>>
    %dma_start3A_260 = arith.constant 0 : i32
    %dma_start3A_261 = tpu.memref_slice %arg3[%dma_start3A_260, %multiple_of3A_49] : memref<64x1000000xf32, #tpu.memory_space<hbm>> -> memref<16x128xf32, #tpu.memory_space<hbm>>
    tpu.enqueue_dma source(%dma_start3A_261 : memref<16x128xf32, #tpu.memory_space<hbm>>) target(%dma_start3A_259 : memref<16x128xf32, #tpu.memory_space<vmem>>) target_semaphore(%arg8 : memref<!tpu.dma_semaphore, #tpu.memory_space<semaphore_mem>>)
    %dma_start3A_262 = arith.constant 0 : i32
    %dma_start3A_263 = arith.constant 15 : i32
    %dma_start3A_264 = arith.constant 0 : i32
    %dma_start3A_265 = arith.constant 0 : i32
    %dma_start3A_266 = tpu.memref_slice %arg6[%dma_start3A_262, %dma_start3A_263, %dma_start3A_264, %dma_start3A_265] : memref<2x16x16x128xf32, #tpu.memory_space<vmem>> -> memref<1x1x16x128xf32, #tpu.memory_space<vmem>>
    %dma_start3A_267 = tpu.memref_squeeze %dma_start3A_266 : memref<1x1x16x128xf32, #tpu.memory_space<vmem>> -> memref<16x128xf32, #tpu.memory_space<vmem>>
    %dma_start3A_268 = arith.constant 0 : i32
    %dma_start3A_269 = tpu.memref_slice %arg3[%dma_start3A_268, %multiple_of3A_52] : memref<64x1000000xf32, #tpu.memory_space<hbm>> -> memref<16x128xf32, #tpu.memory_space<hbm>>
    %dma_start3A_270 = arith.constant 0 : i32
    %dma_start3A_271 = arith.constant 0 : i32
    %dma_start3A_272 = tpu.memref_slice %arg6[%dma_start3A_262, %dma_start3A_263, %dma_start3A_270, %dma_start3A_271] : memref<2x16x16x128xf32, #tpu.memory_space<vmem>> -> memref<1x1x16x128xf32, #tpu.memory_space<vmem>>
    %dma_start3A_273 = tpu.memref_squeeze %dma_start3A_272 : memref<1x1x16x128xf32, #tpu.memory_space<vmem>> -> memref<16x128xf32, #tpu.memory_space<vmem>>
    %dma_start3A_274 = arith.constant 0 : i32
    %dma_start3A_275 = tpu.memref_slice %arg3[%dma_start3A_274, %multiple_of3A_52] : memref<64x1000000xf32, #tpu.memory_space<hbm>> -> memref<16x128xf32, #tpu.memory_space<hbm>>
    tpu.enqueue_dma source(%dma_start3A_275 : memref<16x128xf32, #tpu.memory_space<hbm>>) target(%dma_start3A_273 : memref<16x128xf32, #tpu.memory_space<vmem>>) target_semaphore(%arg8 : memref<!tpu.dma_semaphore, #tpu.memory_space<semaphore_mem>>)
    %scan3A = arith.constant 0 : i32
    %scan3A_276 = arith.constant 0 : i32
    %scan3A_277 = arith.constant 32 : i32
    %scan3A_278 = arith.addi %scan3A_276, %scan3A_277 : i32
    %scan3A_279 = arith.constant 1 : i32
    scf.for %scan3A_536 = %scan3A_276 to %scan3A_278 step %scan3A_279  : i32 {
      %mul3A_537 = arith.constant 16 : i32
      %mul3A_538 = arith.muli %scan3A_536, %mul3A_537 : i32
      %get3A_539 = arith.index_cast %mul3A_538 : i32 to index
      %get3A_540 = tpu.vector_load %arg5[%get3A_539] {strides = array<i32>} : memref<512xi32, #tpu.memory_space<vmem>>, vector<16xi32>,
      %and3A = arith.constant 127 : i32
      %and3A_541 = vector.broadcast %and3A : i32 to vector<16xi32>
      %and3A_542 = arith.andi %get3A_540, %and3A_541 : vector<16xi32>
      %mul3A_543 = arith.constant 16 : i32
      %mul3A_544 = arith.muli %scan3A_536, %mul3A_543 : i32
      %get3A_545 = arith.index_cast %mul3A_544 : i32 to index
      %get3A_546 = tpu.vector_load %arg5[%get3A_545] {strides = array<i32>} : memref<512xi32, #tpu.memory_space<vmem>>, vector<16xi32>,
      %shift_right_logical3A_547 = arith.constant 7 : i32
      %shift_right_logical3A_548 = vector.broadcast %shift_right_logical3A_547 : i32 to vector<16xi32>
      %shift_right_logical3A_549 = arith.shrui %get3A_546, %shift_right_logical3A_548 : vector<16xi32>
      %shift_left3A_550 = arith.constant 7 : i32
      %shift_left3A_551 = vector.broadcast %shift_left3A_550 : i32 to vector<16xi32>
      %shift_left3A_552 = arith.shli %shift_right_logical3A_549, %shift_left3A_551 : vector<16xi32>
      %slice3A_553 = vector.extract_strided_slice %shift_left3A_552 {offsets = [0], sizes = [1], strides = [1]} : vector<16xi32> to vector<1xi32>
      %squeeze3A_554 = vector.extract %slice3A_553[0] : i32 from vector<1xi32>
      %multiple_of3A_555 = tpu.assume_multiple %squeeze3A_554, 128 : i32
      %slice3A_556 = vector.extract_strided_slice %shift_left3A_552 {offsets = [1], sizes = [1], strides = [1]} : vector<16xi32> to vector<1xi32>
      %squeeze3A_557 = vector.extract %slice3A_556[0] : i32 from vector<1xi32>
      %multiple_of3A_558 = tpu.assume_multiple %squeeze3A_557, 128 : i32
      %slice3A_559 = vector.extract_strided_slice %shift_left3A_552 {offsets = [2], sizes = [1], strides = [1]} : vector<16xi32> to vector<1xi32>
      %squeeze3A_560 = vector.extract %slice3A_559[0] : i32 from vector<1xi32>
      %multiple_of3A_561 = tpu.assume_multiple %squeeze3A_560, 128 : i32
      %slice3A_562 = vector.extract_strided_slice %shift_left3A_552 {offsets = [3], sizes = [1], strides = [1]} : vector<16xi32> to vector<1xi32>
      %squeeze3A_563 = vector.extract %slice3A_562[0] : i32 from vector<1xi32>
      %multiple_of3A_564 = tpu.assume_multiple %squeeze3A_563, 128 : i32
      %slice3A_565 = vector.extract_strided_slice %shift_left3A_552 {offsets = [4], sizes = [1], strides = [1]} : vector<16xi32> to vector<1xi32>
      %squeeze3A_566 = vector.extract %slice3A_565[0] : i32 from vector<1xi32>
      %multiple_of3A_567 = tpu.assume_multiple %squeeze3A_566, 128 : i32
      %slice3A_568 = vector.extract_strided_slice %shift_left3A_552 {offsets = [5], sizes = [1], strides = [1]} : vector<16xi32> to vector<1xi32>
      %squeeze3A_569 = vector.extract %slice3A_568[0] : i32 from vector<1xi32>
      %multiple_of3A_570 = tpu.assume_multiple %squeeze3A_569, 128 : i32
      %slice3A_571 = vector.extract_strided_slice %shift_left3A_552 {offsets = [6], sizes = [1], strides = [1]} : vector<16xi32> to vector<1xi32>
      %squeeze3A_572 = vector.extract %slice3A_571[0] : i32 from vector<1xi32>
      %multiple_of3A_573 = tpu.assume_multiple %squeeze3A_572, 128 : i32
      %slice3A_574 = vector.extract_strided_slice %shift_left3A_552 {offsets = [7], sizes = [1], strides = [1]} : vector<16xi32> to vector<1xi32>
      %squeeze3A_575 = vector.extract %slice3A_574[0] : i32 from vector<1xi32>
      %multiple_of3A_576 = tpu.assume_multiple %squeeze3A_575, 128 : i32
      %slice3A_577 = vector.extract_strided_slice %shift_left3A_552 {offsets = [8], sizes = [1], strides = [1]} : vector<16xi32> to vector<1xi32>
      %squeeze3A_578 = vector.extract %slice3A_577[0] : i32 from vector<1xi32>
      %multiple_of3A_579 = tpu.assume_multiple %squeeze3A_578, 128 : i32
      %slice3A_580 = vector.extract_strided_slice %shift_left3A_552 {offsets = [9], sizes = [1], strides = [1]} : vector<16xi32> to vector<1xi32>
      %squeeze3A_581 = vector.extract %slice3A_580[0] : i32 from vector<1xi32>
      %multiple_of3A_582 = tpu.assume_multiple %squeeze3A_581, 128 : i32
      %slice3A_583 = vector.extract_strided_slice %shift_left3A_552 {offsets = [10], sizes = [1], strides = [1]} : vector<16xi32> to vector<1xi32>
      %squeeze3A_584 = vector.extract %slice3A_583[0] : i32 from vector<1xi32>
      %multiple_of3A_585 = tpu.assume_multiple %squeeze3A_584, 128 : i32
      %slice3A_586 = vector.extract_strided_slice %shift_left3A_552 {offsets = [11], sizes = [1], strides = [1]} : vector<16xi32> to vector<1xi32>
      %squeeze3A_587 = vector.extract %slice3A_586[0] : i32 from vector<1xi32>
      %multiple_of3A_588 = tpu.assume_multiple %squeeze3A_587, 128 : i32
      %slice3A_589 = vector.extract_strided_slice %shift_left3A_552 {offsets = [12], sizes = [1], strides = [1]} : vector<16xi32> to vector<1xi32>
      %squeeze3A_590 = vector.extract %slice3A_589[0] : i32 from vector<1xi32>
      %multiple_of3A_591 = tpu.assume_multiple %squeeze3A_590, 128 : i32
      %slice3A_592 = vector.extract_strided_slice %shift_left3A_552 {offsets = [13], sizes = [1], strides = [1]} : vector<16xi32> to vector<1xi32>
      %squeeze3A_593 = vector.extract %slice3A_592[0] : i32 from vector<1xi32>
      %multiple_of3A_594 = tpu.assume_multiple %squeeze3A_593, 128 : i32
      %slice3A_595 = vector.extract_strided_slice %shift_left3A_552 {offsets = [14], sizes = [1], strides = [1]} : vector<16xi32> to vector<1xi32>
      %squeeze3A_596 = vector.extract %slice3A_595[0] : i32 from vector<1xi32>
      %multiple_of3A_597 = tpu.assume_multiple %squeeze3A_596, 128 : i32
      %slice3A_598 = vector.extract_strided_slice %shift_left3A_552 {offsets = [15], sizes = [1], strides = [1]} : vector<16xi32> to vector<1xi32>
      %squeeze3A_599 = vector.extract %slice3A_598[0] : i32 from vector<1xi32>
      %multiple_of3A_600 = tpu.assume_multiple %squeeze3A_599, 128 : i32
      %dma_start3A_601 = arith.constant 1 : i32
      %dma_start3A_602 = arith.constant 0 : i32
      %dma_start3A_603 = arith.constant 0 : i32
      %dma_start3A_604 = arith.constant 0 : i32
      %dma_start3A_605 = tpu.memref_slice %arg6[%dma_start3A_601, %dma_start3A_602, %dma_start3A_603, %dma_start3A_604] : memref<2x16x16x128xf32, #tpu.memory_space<vmem>> -> memref<1x1x16x128xf32, #tpu.memory_space<vmem>>
      %dma_start3A_606 = tpu.memref_squeeze %dma_start3A_605 : memref<1x1x16x128xf32, #tpu.memory_space<vmem>> -> memref<16x128xf32, #tpu.memory_space<vmem>>
      %dma_start3A_607 = arith.constant 16 : i32
      %dma_start3A_608 = tpu.memref_slice %arg3[%dma_start3A_607, %multiple_of3A_555] : memref<64x1000000xf32, #tpu.memory_space<hbm>> -> memref<16x128xf32, #tpu.memory_space<hbm>>
      %dma_start3A_609 = arith.constant 0 : i32
      %dma_start3A_610 = arith.constant 0 : i32
      %dma_start3A_611 = tpu.memref_slice %arg6[%dma_start3A_601, %dma_start3A_602, %dma_start3A_609, %dma_start3A_610] : memref<2x16x16x128xf32, #tpu.memory_space<vmem>> -> memref<1x1x16x128xf32, #tpu.memory_space<vmem>>
      %dma_start3A_612 = tpu.memref_squeeze %dma_start3A_611 : memref<1x1x16x128xf32, #tpu.memory_space<vmem>> -> memref<16x128xf32, #tpu.memory_space<vmem>>
      %dma_start3A_613 = arith.constant 16 : i32
      %dma_start3A_614 = tpu.memref_slice %arg3[%dma_start3A_613, %multiple_of3A_555] : memref<64x1000000xf32, #tpu.memory_space<hbm>> -> memref<16x128xf32, #tpu.memory_space<hbm>>
      tpu.enqueue_dma source(%dma_start3A_614 : memref<16x128xf32, #tpu.memory_space<hbm>>) target(%dma_start3A_612 : memref<16x128xf32, #tpu.memory_space<vmem>>) target_semaphore(%arg9 : memref<!tpu.dma_semaphore, #tpu.memory_space<semaphore_mem>>)
      %dma_start3A_615 = arith.constant 1 : i32
      %dma_start3A_616 = arith.constant 1 : i32
      %dma_start3A_617 = arith.constant 0 : i32
      %dma_start3A_618 = arith.constant 0 : i32
      %dma_start3A_619 = tpu.memref_slice %arg6[%dma_start3A_615, %dma_start3A_616, %dma_start3A_617, %dma_start3A_618] : memref<2x16x16x128xf32, #tpu.memory_space<vmem>> -> memref<1x1x16x128xf32, #tpu.memory_space<vmem>>
      %dma_start3A_620 = tpu.memref_squeeze %dma_start3A_619 : memref<1x1x16x128xf32, #tpu.memory_space<vmem>> -> memref<16x128xf32, #tpu.memory_space<vmem>>
      %dma_start3A_621 = arith.constant 16 : i32
      %dma_start3A_622 = tpu.memref_slice %arg3[%dma_start3A_621, %multiple_of3A_558] : memref<64x1000000xf32, #tpu.memory_space<hbm>> -> memref<16x128xf32, #tpu.memory_space<hbm>>
      %dma_start3A_623 = arith.constant 0 : i32
      %dma_start3A_624 = arith.constant 0 : i32
      %dma_start3A_625 = tpu.memref_slice %arg6[%dma_start3A_615, %dma_start3A_616, %dma_start3A_623, %dma_start3A_624] : memref<2x16x16x128xf32, #tpu.memory_space<vmem>> -> memref<1x1x16x128xf32, #tpu.memory_space<vmem>>
      %dma_start3A_626 = tpu.memref_squeeze %dma_start3A_625 : memref<1x1x16x128xf32, #tpu.memory_space<vmem>> -> memref<16x128xf32, #tpu.memory_space<vmem>>
      %dma_start3A_627 = arith.constant 16 : i32
      %dma_start3A_628 = tpu.memref_slice %arg3[%dma_start3A_627, %multiple_of3A_558] : memref<64x1000000xf32, #tpu.memory_space<hbm>> -> memref<16x128xf32, #tpu.memory_space<hbm>>
      tpu.enqueue_dma source(%dma_start3A_628 : memref<16x128xf32, #tpu.memory_space<hbm>>) target(%dma_start3A_626 : memref<16x128xf32, #tpu.memory_space<vmem>>) target_semaphore(%arg9 : memref<!tpu.dma_semaphore, #tpu.memory_space<semaphore_mem>>)
      %dma_start3A_629 = arith.constant 1 : i32
      %dma_start3A_630 = arith.constant 2 : i32
      %dma_start3A_631 = arith.constant 0 : i32
      %dma_start3A_632 = arith.constant 0 : i32
      %dma_start3A_633 = tpu.memref_slice %arg6[%dma_start3A_629, %dma_start3A_630, %dma_start3A_631, %dma_start3A_632] : memref<2x16x16x128xf32, #tpu.memory_space<vmem>> -> memref<1x1x16x128xf32, #tpu.memory_space<vmem>>
      %dma_start3A_634 = tpu.memref_squeeze %dma_start3A_633 : memref<1x1x16x128xf32, #tpu.memory_space<vmem>> -> memref<16x128xf32, #tpu.memory_space<vmem>>
      %dma_start3A_635 = arith.constant 16 : i32
      %dma_start3A_636 = tpu.memref_slice %arg3[%dma_start3A_635, %multiple_of3A_561] : memref<64x1000000xf32, #tpu.memory_space<hbm>> -> memref<16x128xf32, #tpu.memory_space<hbm>>
      %dma_start3A_637 = arith.constant 0 : i32
      %dma_start3A_638 = arith.constant 0 : i32
      %dma_start3A_639 = tpu.memref_slice %arg6[%dma_start3A_629, %dma_start3A_630, %dma_start3A_637, %dma_start3A_638] : memref<2x16x16x128xf32, #tpu.memory_space<vmem>> -> memref<1x1x16x128xf32, #tpu.memory_space<vmem>>
      %dma_start3A_640 = tpu.memref_squeeze %dma_start3A_639 : memref<1x1x16x128xf32, #tpu.memory_space<vmem>> -> memref<16x128xf32, #tpu.memory_space<vmem>>
      %dma_start3A_641 = arith.constant 16 : i32
      %dma_start3A_642 = tpu.memref_slice %arg3[%dma_start3A_641, %multiple_of3A_561] : memref<64x1000000xf32, #tpu.memory_space<hbm>> -> memref<16x128xf32, #tpu.memory_space<hbm>>
      tpu.enqueue_dma source(%dma_start3A_642 : memref<16x128xf32, #tpu.memory_space<hbm>>) target(%dma_start3A_640 : memref<16x128xf32, #tpu.memory_space<vmem>>) target_semaphore(%arg9 : memref<!tpu.dma_semaphore, #tpu.memory_space<semaphore_mem>>)
      %dma_start3A_643 = arith.constant 1 : i32
      %dma_start3A_644 = arith.constant 3 : i32
      %dma_start3A_645 = arith.constant 0 : i32
      %dma_start3A_646 = arith.constant 0 : i32
      %dma_start3A_647 = tpu.memref_slice %arg6[%dma_start3A_643, %dma_start3A_644, %dma_start3A_645, %dma_start3A_646] : memref<2x16x16x128xf32, #tpu.memory_space<vmem>> -> memref<1x1x16x128xf32, #tpu.memory_space<vmem>>
      %dma_start3A_648 = tpu.memref_squeeze %dma_start3A_647 : memref<1x1x16x128xf32, #tpu.memory_space<vmem>> -> memref<16x128xf32, #tpu.memory_space<vmem>>
      %dma_start3A_649 = arith.constant 16 : i32
      %dma_start3A_650 = tpu.memref_slice %arg3[%dma_start3A_649, %multiple_of3A_564] : memref<64x1000000xf32, #tpu.memory_space<hbm>> -> memref<16x128xf32, #tpu.memory_space<hbm>>
      %dma_start3A_651 = arith.constant 0 : i32
      %dma_start3A_652 = arith.constant 0 : i32
      %dma_start3A_653 = tpu.memref_slice %arg6[%dma_start3A_643, %dma_start3A_644, %dma_start3A_651, %dma_start3A_652] : memref<2x16x16x128xf32, #tpu.memory_space<vmem>> -> memref<1x1x16x128xf32, #tpu.memory_space<vmem>>
      %dma_start3A_654 = tpu.memref_squeeze %dma_start3A_653 : memref<1x1x16x128xf32, #tpu.memory_space<vmem>> -> memref<16x128xf32, #tpu.memory_space<vmem>>
      %dma_start3A_655 = arith.constant 16 : i32
      %dma_start3A_656 = tpu.memref_slice %arg3[%dma_start3A_655, %multiple_of3A_564] : memref<64x1000000xf32, #tpu.memory_space<hbm>> -> memref<16x128xf32, #tpu.memory_space<hbm>>
      tpu.enqueue_dma source(%dma_start3A_656 : memref<16x128xf32, #tpu.memory_space<hbm>>) target(%dma_start3A_654 : memref<16x128xf32, #tpu.memory_space<vmem>>) target_semaphore(%arg9 : memref<!tpu.dma_semaphore, #tpu.memory_space<semaphore_mem>>)
      %dma_start3A_657 = arith.constant 1 : i32
      %dma_start3A_658 = arith.constant 4 : i32
      %dma_start3A_659 = arith.constant 0 : i32
      %dma_start3A_660 = arith.constant 0 : i32
      %dma_start3A_661 = tpu.memref_slice %arg6[%dma_start3A_657, %dma_start3A_658, %dma_start3A_659, %dma_start3A_660] : memref<2x16x16x128xf32, #tpu.memory_space<vmem>> -> memref<1x1x16x128xf32, #tpu.memory_space<vmem>>
      %dma_start3A_662 = tpu.memref_squeeze %dma_start3A_661 : memref<1x1x16x128xf32, #tpu.memory_space<vmem>> -> memref<16x128xf32, #tpu.memory_space<vmem>>
      %dma_start3A_663 = arith.constant 16 : i32
      %dma_start3A_664 = tpu.memref_slice %arg3[%dma_start3A_663, %multiple_of3A_567] : memref<64x1000000xf32, #tpu.memory_space<hbm>> -> memref<16x128xf32, #tpu.memory_space<hbm>>
      %dma_start3A_665 = arith.constant 0 : i32
      %dma_start3A_666 = arith.constant 0 : i32
      %dma_start3A_667 = tpu.memref_slice %arg6[%dma_start3A_657, %dma_start3A_658, %dma_start3A_665, %dma_start3A_666] : memref<2x16x16x128xf32, #tpu.memory_space<vmem>> -> memref<1x1x16x128xf32, #tpu.memory_space<vmem>>
      %dma_start3A_668 = tpu.memref_squeeze %dma_start3A_667 : memref<1x1x16x128xf32, #tpu.memory_space<vmem>> -> memref<16x128xf32, #tpu.memory_space<vmem>>
      %dma_start3A_669 = arith.constant 16 : i32
      %dma_start3A_670 = tpu.memref_slice %arg3[%dma_start3A_669, %multiple_of3A_567] : memref<64x1000000xf32, #tpu.memory_space<hbm>> -> memref<16x128xf32, #tpu.memory_space<hbm>>
      tpu.enqueue_dma source(%dma_start3A_670 : memref<16x128xf32, #tpu.memory_space<hbm>>) target(%dma_start3A_668 : memref<16x128xf32, #tpu.memory_space<vmem>>) target_semaphore(%arg9 : memref<!tpu.dma_semaphore, #tpu.memory_space<semaphore_mem>>)
      %dma_start3A_671 = arith.constant 1 : i32
      %dma_start3A_672 = arith.constant 5 : i32
      %dma_start3A_673 = arith.constant 0 : i32
      %dma_start3A_674 = arith.constant 0 : i32
      %dma_start3A_675 = tpu.memref_slice %arg6[%dma_start3A_671, %dma_start3A_672, %dma_start3A_673, %dma_start3A_674] : memref<2x16x16x128xf32, #tpu.memory_space<vmem>> -> memref<1x1x16x128xf32, #tpu.memory_space<vmem>>
      %dma_start3A_676 = tpu.memref_squeeze %dma_start3A_675 : memref<1x1x16x128xf32, #tpu.memory_space<vmem>> -> memref<16x128xf32, #tpu.memory_space<vmem>>
      %dma_start3A_677 = arith.constant 16 : i32
      %dma_start3A_678 = tpu.memref_slice %arg3[%dma_start3A_677, %multiple_of3A_570] : memref<64x1000000xf32, #tpu.memory_space<hbm>> -> memref<16x128xf32, #tpu.memory_space<hbm>>
      %dma_start3A_679 = arith.constant 0 : i32
      %dma_start3A_680 = arith.constant 0 : i32
      %dma_start3A_681 = tpu.memref_slice %arg6[%dma_start3A_671, %dma_start3A_672, %dma_start3A_679, %dma_start3A_680] : memref<2x16x16x128xf32, #tpu.memory_space<vmem>> -> memref<1x1x16x128xf32, #tpu.memory_space<vmem>>
      %dma_start3A_682 = tpu.memref_squeeze %dma_start3A_681 : memref<1x1x16x128xf32, #tpu.memory_space<vmem>> -> memref<16x128xf32, #tpu.memory_space<vmem>>
      %dma_start3A_683 = arith.constant 16 : i32
      %dma_start3A_684 = tpu.memref_slice %arg3[%dma_start3A_683, %multiple_of3A_570] : memref<64x1000000xf32, #tpu.memory_space<hbm>> -> memref<16x128xf32, #tpu.memory_space<hbm>>
      tpu.enqueue_dma source(%dma_start3A_684 : memref<16x128xf32, #tpu.memory_space<hbm>>) target(%dma_start3A_682 : memref<16x128xf32, #tpu.memory_space<vmem>>) target_semaphore(%arg9 : memref<!tpu.dma_semaphore, #tpu.memory_space<semaphore_mem>>)
      %dma_start3A_685 = arith.constant 1 : i32
      %dma_start3A_686 = arith.constant 6 : i32
      %dma_start3A_687 = arith.constant 0 : i32
      %dma_start3A_688 = arith.constant 0 : i32
      %dma_start3A_689 = tpu.memref_slice %arg6[%dma_start3A_685, %dma_start3A_686, %dma_start3A_687, %dma_start3A_688] : memref<2x16x16x128xf32, #tpu.memory_space<vmem>> -> memref<1x1x16x128xf32, #tpu.memory_space<vmem>>
      %dma_start3A_690 = tpu.memref_squeeze %dma_start3A_689 : memref<1x1x16x128xf32, #tpu.memory_space<vmem>> -> memref<16x128xf32, #tpu.memory_space<vmem>>
      %dma_start3A_691 = arith.constant 16 : i32
      %dma_start3A_692 = tpu.memref_slice %arg3[%dma_start3A_691, %multiple_of3A_573] : memref<64x1000000xf32, #tpu.memory_space<hbm>> -> memref<16x128xf32, #tpu.memory_space<hbm>>
      %dma_start3A_693 = arith.constant 0 : i32
      %dma_start3A_694 = arith.constant 0 : i32
      %dma_start3A_695 = tpu.memref_slice %arg6[%dma_start3A_685, %dma_start3A_686, %dma_start3A_693, %dma_start3A_694] : memref<2x16x16x128xf32, #tpu.memory_space<vmem>> -> memref<1x1x16x128xf32, #tpu.memory_space<vmem>>
      %dma_start3A_696 = tpu.memref_squeeze %dma_start3A_695 : memref<1x1x16x128xf32, #tpu.memory_space<vmem>> -> memref<16x128xf32, #tpu.memory_space<vmem>>
      %dma_start3A_697 = arith.constant 16 : i32
      %dma_start3A_698 = tpu.memref_slice %arg3[%dma_start3A_697, %multiple_of3A_573] : memref<64x1000000xf32, #tpu.memory_space<hbm>> -> memref<16x128xf32, #tpu.memory_space<hbm>>
      tpu.enqueue_dma source(%dma_start3A_698 : memref<16x128xf32, #tpu.memory_space<hbm>>) target(%dma_start3A_696 : memref<16x128xf32, #tpu.memory_space<vmem>>) target_semaphore(%arg9 : memref<!tpu.dma_semaphore, #tpu.memory_space<semaphore_mem>>)
      %dma_start3A_699 = arith.constant 1 : i32
      %dma_start3A_700 = arith.constant 7 : i32
      %dma_start3A_701 = arith.constant 0 : i32
      %dma_start3A_702 = arith.constant 0 : i32
      %dma_start3A_703 = tpu.memref_slice %arg6[%dma_start3A_699, %dma_start3A_700, %dma_start3A_701, %dma_start3A_702] : memref<2x16x16x128xf32, #tpu.memory_space<vmem>> -> memref<1x1x16x128xf32, #tpu.memory_space<vmem>>
      %dma_start3A_704 = tpu.memref_squeeze %dma_start3A_703 : memref<1x1x16x128xf32, #tpu.memory_space<vmem>> -> memref<16x128xf32, #tpu.memory_space<vmem>>
      %dma_start3A_705 = arith.constant 16 : i32
      %dma_start3A_706 = tpu.memref_slice %arg3[%dma_start3A_705, %multiple_of3A_576] : memref<64x1000000xf32, #tpu.memory_space<hbm>> -> memref<16x128xf32, #tpu.memory_space<hbm>>
      %dma_start3A_707 = arith.constant 0 : i32
      %dma_start3A_708 = arith.constant 0 : i32
      %dma_start3A_709 = tpu.memref_slice %arg6[%dma_start3A_699, %dma_start3A_700, %dma_start3A_707, %dma_start3A_708] : memref<2x16x16x128xf32, #tpu.memory_space<vmem>> -> memref<1x1x16x128xf32, #tpu.memory_space<vmem>>
      %dma_start3A_710 = tpu.memref_squeeze %dma_start3A_709 : memref<1x1x16x128xf32, #tpu.memory_space<vmem>> -> memref<16x128xf32, #tpu.memory_space<vmem>>
      %dma_start3A_711 = arith.constant 16 : i32
      %dma_start3A_712 = tpu.memref_slice %arg3[%dma_start3A_711, %multiple_of3A_576] : memref<64x1000000xf32, #tpu.memory_space<hbm>> -> memref<16x128xf32, #tpu.memory_space<hbm>>
      tpu.enqueue_dma source(%dma_start3A_712 : memref<16x128xf32, #tpu.memory_space<hbm>>) target(%dma_start3A_710 : memref<16x128xf32, #tpu.memory_space<vmem>>) target_semaphore(%arg9 : memref<!tpu.dma_semaphore, #tpu.memory_space<semaphore_mem>>)
      %dma_start3A_713 = arith.constant 1 : i32
      %dma_start3A_714 = arith.constant 8 : i32
      %dma_start3A_715 = arith.constant 0 : i32
      %dma_start3A_716 = arith.constant 0 : i32
      %dma_start3A_717 = tpu.memref_slice %arg6[%dma_start3A_713, %dma_start3A_714, %dma_start3A_715, %dma_start3A_716] : memref<2x16x16x128xf32, #tpu.memory_space<vmem>> -> memref<1x1x16x128xf32, #tpu.memory_space<vmem>>
      %dma_start3A_718 = tpu.memref_squeeze %dma_start3A_717 : memref<1x1x16x128xf32, #tpu.memory_space<vmem>> -> memref<16x128xf32, #tpu.memory_space<vmem>>
      %dma_start3A_719 = arith.constant 16 : i32
      %dma_start3A_720 = tpu.memref_slice %arg3[%dma_start3A_719, %multiple_of3A_579] : memref<64x1000000xf32, #tpu.memory_space<hbm>> -> memref<16x128xf32, #tpu.memory_space<hbm>>
      %dma_start3A_721 = arith.constant 0 : i32
      %dma_start3A_722 = arith.constant 0 : i32
      %dma_start3A_723 = tpu.memref_slice %arg6[%dma_start3A_713, %dma_start3A_714, %dma_start3A_721, %dma_start3A_722] : memref<2x16x16x128xf32, #tpu.memory_space<vmem>> -> memref<1x1x16x128xf32, #tpu.memory_space<vmem>>
      %dma_start3A_724 = tpu.memref_squeeze %dma_start3A_723 : memref<1x1x16x128xf32, #tpu.memory_space<vmem>> -> memref<16x128xf32, #tpu.memory_space<vmem>>
      %dma_start3A_725 = arith.constant 16 : i32
      %dma_start3A_726 = tpu.memref_slice %arg3[%dma_start3A_725, %multiple_of3A_579] : memref<64x1000000xf32, #tpu.memory_space<hbm>> -> memref<16x128xf32, #tpu.memory_space<hbm>>
      tpu.enqueue_dma source(%dma_start3A_726 : memref<16x128xf32, #tpu.memory_space<hbm>>) target(%dma_start3A_724 : memref<16x128xf32, #tpu.memory_space<vmem>>) target_semaphore(%arg9 : memref<!tpu.dma_semaphore, #tpu.memory_space<semaphore_mem>>)
      %dma_start3A_727 = arith.constant 1 : i32
      %dma_start3A_728 = arith.constant 9 : i32
      %dma_start3A_729 = arith.constant 0 : i32
      %dma_start3A_730 = arith.constant 0 : i32
      %dma_start3A_731 = tpu.memref_slice %arg6[%dma_start3A_727, %dma_start3A_728, %dma_start3A_729, %dma_start3A_730] : memref<2x16x16x128xf32, #tpu.memory_space<vmem>> -> memref<1x1x16x128xf32, #tpu.memory_space<vmem>>
      %dma_start3A_732 = tpu.memref_squeeze %dma_start3A_731 : memref<1x1x16x128xf32, #tpu.memory_space<vmem>> -> memref<16x128xf32, #tpu.memory_space<vmem>>
      %dma_start3A_733 = arith.constant 16 : i32
      %dma_start3A_734 = tpu.memref_slice %arg3[%dma_start3A_733, %multiple_of3A_582] : memref<64x1000000xf32, #tpu.memory_space<hbm>> -> memref<16x128xf32, #tpu.memory_space<hbm>>
      %dma_start3A_735 = arith.constant 0 : i32
      %dma_start3A_736 = arith.constant 0 : i32
      %dma_start3A_737 = tpu.memref_slice %arg6[%dma_start3A_727, %dma_start3A_728, %dma_start3A_735, %dma_start3A_736] : memref<2x16x16x128xf32, #tpu.memory_space<vmem>> -> memref<1x1x16x128xf32, #tpu.memory_space<vmem>>
      %dma_start3A_738 = tpu.memref_squeeze %dma_start3A_737 : memref<1x1x16x128xf32, #tpu.memory_space<vmem>> -> memref<16x128xf32, #tpu.memory_space<vmem>>
      %dma_start3A_739 = arith.constant 16 : i32
      %dma_start3A_740 = tpu.memref_slice %arg3[%dma_start3A_739, %multiple_of3A_582] : memref<64x1000000xf32, #tpu.memory_space<hbm>> -> memref<16x128xf32, #tpu.memory_space<hbm>>
      tpu.enqueue_dma source(%dma_start3A_740 : memref<16x128xf32, #tpu.memory_space<hbm>>) target(%dma_start3A_738 : memref<16x128xf32, #tpu.memory_space<vmem>>) target_semaphore(%arg9 : memref<!tpu.dma_semaphore, #tpu.memory_space<semaphore_mem>>)
      %dma_start3A_741 = arith.constant 1 : i32
      %dma_start3A_742 = arith.constant 10 : i32
      %dma_start3A_743 = arith.constant 0 : i32
      %dma_start3A_744 = arith.constant 0 : i32
      %dma_start3A_745 = tpu.memref_slice %arg6[%dma_start3A_741, %dma_start3A_742, %dma_start3A_743, %dma_start3A_744] : memref<2x16x16x128xf32, #tpu.memory_space<vmem>> -> memref<1x1x16x128xf32, #tpu.memory_space<vmem>>
      %dma_start3A_746 = tpu.memref_squeeze %dma_start3A_745 : memref<1x1x16x128xf32, #tpu.memory_space<vmem>> -> memref<16x128xf32, #tpu.memory_space<vmem>>
      %dma_start3A_747 = arith.constant 16 : i32
      %dma_start3A_748 = tpu.memref_slice %arg3[%dma_start3A_747, %multiple_of3A_585] : memref<64x1000000xf32, #tpu.memory_space<hbm>> -> memref<16x128xf32, #tpu.memory_space<hbm>>
      %dma_start3A_749 = arith.constant 0 : i32
      %dma_start3A_750 = arith.constant 0 : i32
      %dma_start3A_751 = tpu.memref_slice %arg6[%dma_start3A_741, %dma_start3A_742, %dma_start3A_749, %dma_start3A_750] : memref<2x16x16x128xf32, #tpu.memory_space<vmem>> -> memref<1x1x16x128xf32, #tpu.memory_space<vmem>>
      %dma_start3A_752 = tpu.memref_squeeze %dma_start3A_751 : memref<1x1x16x128xf32, #tpu.memory_space<vmem>> -> memref<16x128xf32, #tpu.memory_space<vmem>>
      %dma_start3A_753 = arith.constant 16 : i32
      %dma_start3A_754 = tpu.memref_slice %arg3[%dma_start3A_753, %multiple_of3A_585] : memref<64x1000000xf32, #tpu.memory_space<hbm>> -> memref<16x128xf32, #tpu.memory_space<hbm>>
      tpu.enqueue_dma source(%dma_start3A_754 : memref<16x128xf32, #tpu.memory_space<hbm>>) target(%dma_start3A_752 : memref<16x128xf32, #tpu.memory_space<vmem>>) target_semaphore(%arg9 : memref<!tpu.dma_semaphore, #tpu.memory_space<semaphore_mem>>)
      %dma_start3A_755 = arith.constant 1 : i32
      %dma_start3A_756 = arith.constant 11 : i32
      %dma_start3A_757 = arith.constant 0 : i32
      %dma_start3A_758 = arith.constant 0 : i32
      %dma_start3A_759 = tpu.memref_slice %arg6[%dma_start3A_755, %dma_start3A_756, %dma_start3A_757, %dma_start3A_758] : memref<2x16x16x128xf32, #tpu.memory_space<vmem>> -> memref<1x1x16x128xf32, #tpu.memory_space<vmem>>
      %dma_start3A_760 = tpu.memref_squeeze %dma_start3A_759 : memref<1x1x16x128xf32, #tpu.memory_space<vmem>> -> memref<16x128xf32, #tpu.memory_space<vmem>>
      %dma_start3A_761 = arith.constant 16 : i32
      %dma_start3A_762 = tpu.memref_slice %arg3[%dma_start3A_761, %multiple_of3A_588] : memref<64x1000000xf32, #tpu.memory_space<hbm>> -> memref<16x128xf32, #tpu.memory_space<hbm>>
      %dma_start3A_763 = arith.constant 0 : i32
      %dma_start3A_764 = arith.constant 0 : i32
      %dma_start3A_765 = tpu.memref_slice %arg6[%dma_start3A_755, %dma_start3A_756, %dma_start3A_763, %dma_start3A_764] : memref<2x16x16x128xf32, #tpu.memory_space<vmem>> -> memref<1x1x16x128xf32, #tpu.memory_space<vmem>>
      %dma_start3A_766 = tpu.memref_squeeze %dma_start3A_765 : memref<1x1x16x128xf32, #tpu.memory_space<vmem>> -> memref<16x128xf32, #tpu.memory_space<vmem>>
      %dma_start3A_767 = arith.constant 16 : i32
      %dma_start3A_768 = tpu.memref_slice %arg3[%dma_start3A_767, %multiple_of3A_588] : memref<64x1000000xf32, #tpu.memory_space<hbm>> -> memref<16x128xf32, #tpu.memory_space<hbm>>
      tpu.enqueue_dma source(%dma_start3A_768 : memref<16x128xf32, #tpu.memory_space<hbm>>) target(%dma_start3A_766 : memref<16x128xf32, #tpu.memory_space<vmem>>) target_semaphore(%arg9 : memref<!tpu.dma_semaphore, #tpu.memory_space<semaphore_mem>>)
      %dma_start3A_769 = arith.constant 1 : i32
      %dma_start3A_770 = arith.constant 12 : i32
      %dma_start3A_771 = arith.constant 0 : i32
      %dma_start3A_772 = arith.constant 0 : i32
      %dma_start3A_773 = tpu.memref_slice %arg6[%dma_start3A_769, %dma_start3A_770, %dma_start3A_771, %dma_start3A_772] : memref<2x16x16x128xf32, #tpu.memory_space<vmem>> -> memref<1x1x16x128xf32, #tpu.memory_space<vmem>>
      %dma_start3A_774 = tpu.memref_squeeze %dma_start3A_773 : memref<1x1x16x128xf32, #tpu.memory_space<vmem>> -> memref<16x128xf32, #tpu.memory_space<vmem>>
      %dma_start3A_775 = arith.constant 16 : i32
      %dma_start3A_776 = tpu.memref_slice %arg3[%dma_start3A_775, %multiple_of3A_591] : memref<64x1000000xf32, #tpu.memory_space<hbm>> -> memref<16x128xf32, #tpu.memory_space<hbm>>
      %dma_start3A_777 = arith.constant 0 : i32
      %dma_start3A_778 = arith.constant 0 : i32
      %dma_start3A_779 = tpu.memref_slice %arg6[%dma_start3A_769, %dma_start3A_770, %dma_start3A_777, %dma_start3A_778] : memref<2x16x16x128xf32, #tpu.memory_space<vmem>> -> memref<1x1x16x128xf32, #tpu.memory_space<vmem>>
      %dma_start3A_780 = tpu.memref_squeeze %dma_start3A_779 : memref<1x1x16x128xf32, #tpu.memory_space<vmem>> -> memref<16x128xf32, #tpu.memory_space<vmem>>
      %dma_start3A_781 = arith.constant 16 : i32
      %dma_start3A_782 = tpu.memref_slice %arg3[%dma_start3A_781, %multiple_of3A_591] : memref<64x1000000xf32, #tpu.memory_space<hbm>> -> memref<16x128xf32, #tpu.memory_space<hbm>>
      tpu.enqueue_dma source(%dma_start3A_782 : memref<16x128xf32, #tpu.memory_space<hbm>>) target(%dma_start3A_780 : memref<16x128xf32, #tpu.memory_space<vmem>>) target_semaphore(%arg9 : memref<!tpu.dma_semaphore, #tpu.memory_space<semaphore_mem>>)
      %dma_start3A_783 = arith.constant 1 : i32
      %dma_start3A_784 = arith.constant 13 : i32
      %dma_start3A_785 = arith.constant 0 : i32
      %dma_start3A_786 = arith.constant 0 : i32
      %dma_start3A_787 = tpu.memref_slice %arg6[%dma_start3A_783, %dma_start3A_784, %dma_start3A_785, %dma_start3A_786] : memref<2x16x16x128xf32, #tpu.memory_space<vmem>> -> memref<1x1x16x128xf32, #tpu.memory_space<vmem>>
      %dma_start3A_788 = tpu.memref_squeeze %dma_start3A_787 : memref<1x1x16x128xf32, #tpu.memory_space<vmem>> -> memref<16x128xf32, #tpu.memory_space<vmem>>
      %dma_start3A_789 = arith.constant 16 : i32
      %dma_start3A_790 = tpu.memref_slice %arg3[%dma_start3A_789, %multiple_of3A_594] : memref<64x1000000xf32, #tpu.memory_space<hbm>> -> memref<16x128xf32, #tpu.memory_space<hbm>>
      %dma_start3A_791 = arith.constant 0 : i32
      %dma_start3A_792 = arith.constant 0 : i32
      %dma_start3A_793 = tpu.memref_slice %arg6[%dma_start3A_783, %dma_start3A_784, %dma_start3A_791, %dma_start3A_792] : memref<2x16x16x128xf32, #tpu.memory_space<vmem>> -> memref<1x1x16x128xf32, #tpu.memory_space<vmem>>
      %dma_start3A_794 = tpu.memref_squeeze %dma_start3A_793 : memref<1x1x16x128xf32, #tpu.memory_space<vmem>> -> memref<16x128xf32, #tpu.memory_space<vmem>>
      %dma_start3A_795 = arith.constant 16 : i32
      %dma_start3A_796 = tpu.memref_slice %arg3[%dma_start3A_795, %multiple_of3A_594] : memref<64x1000000xf32, #tpu.memory_space<hbm>> -> memref<16x128xf32, #tpu.memory_space<hbm>>
      tpu.enqueue_dma source(%dma_start3A_796 : memref<16x128xf32, #tpu.memory_space<hbm>>) target(%dma_start3A_794 : memref<16x128xf32, #tpu.memory_space<vmem>>) target_semaphore(%arg9 : memref<!tpu.dma_semaphore, #tpu.memory_space<semaphore_mem>>)
      %dma_start3A_797 = arith.constant 1 : i32
      %dma_start3A_798 = arith.constant 14 : i32
      %dma_start3A_799 = arith.constant 0 : i32
      %dma_start3A_800 = arith.constant 0 : i32
      %dma_start3A_801 = tpu.memref_slice %arg6[%dma_start3A_797, %dma_start3A_798, %dma_start3A_799, %dma_start3A_800] : memref<2x16x16x128xf32, #tpu.memory_space<vmem>> -> memref<1x1x16x128xf32, #tpu.memory_space<vmem>>
      %dma_start3A_802 = tpu.memref_squeeze %dma_start3A_801 : memref<1x1x16x128xf32, #tpu.memory_space<vmem>> -> memref<16x128xf32, #tpu.memory_space<vmem>>
      %dma_start3A_803 = arith.constant 16 : i32
      %dma_start3A_804 = tpu.memref_slice %arg3[%dma_start3A_803, %multiple_of3A_597] : memref<64x1000000xf32, #tpu.memory_space<hbm>> -> memref<16x128xf32, #tpu.memory_space<hbm>>
      %dma_start3A_805 = arith.constant 0 : i32
      %dma_start3A_806 = arith.constant 0 : i32
      %dma_start3A_807 = tpu.memref_slice %arg6[%dma_start3A_797, %dma_start3A_798, %dma_start3A_805, %dma_start3A_806] : memref<2x16x16x128xf32, #tpu.memory_space<vmem>> -> memref<1x1x16x128xf32, #tpu.memory_space<vmem>>
      %dma_start3A_808 = tpu.memref_squeeze %dma_start3A_807 : memref<1x1x16x128xf32, #tpu.memory_space<vmem>> -> memref<16x128xf32, #tpu.memory_space<vmem>>
      %dma_start3A_809 = arith.constant 16 : i32
      %dma_start3A_810 = tpu.memref_slice %arg3[%dma_start3A_809, %multiple_of3A_597] : memref<64x1000000xf32, #tpu.memory_space<hbm>> -> memref<16x128xf32, #tpu.memory_space<hbm>>
      tpu.enqueue_dma source(%dma_start3A_810 : memref<16x128xf32, #tpu.memory_space<hbm>>) target(%dma_start3A_808 : memref<16x128xf32, #tpu.memory_space<vmem>>) target_semaphore(%arg9 : memref<!tpu.dma_semaphore, #tpu.memory_space<semaphore_mem>>)
      %dma_start3A_811 = arith.constant 1 : i32
      %dma_start3A_812 = arith.constant 15 : i32
      %dma_start3A_813 = arith.constant 0 : i32
      %dma_start3A_814 = arith.constant 0 : i32
      %dma_start3A_815 = tpu.memref_slice %arg6[%dma_start3A_811, %dma_start3A_812, %dma_start3A_813, %dma_start3A_814] : memref<2x16x16x128xf32, #tpu.memory_space<vmem>> -> memref<1x1x16x128xf32, #tpu.memory_space<vmem>>
      %dma_start3A_816 = tpu.memref_squeeze %dma_start3A_815 : memref<1x1x16x128xf32, #tpu.memory_space<vmem>> -> memref<16x128xf32, #tpu.memory_space<vmem>>
      %dma_start3A_817 = arith.constant 16 : i32
      %dma_start3A_818 = tpu.memref_slice %arg3[%dma_start3A_817, %multiple_of3A_600] : memref<64x1000000xf32, #tpu.memory_space<hbm>> -> memref<16x128xf32, #tpu.memory_space<hbm>>
      %dma_start3A_819 = arith.constant 0 : i32
      %dma_start3A_820 = arith.constant 0 : i32
      %dma_start3A_821 = tpu.memref_slice %arg6[%dma_start3A_811, %dma_start3A_812, %dma_start3A_819, %dma_start3A_820] : memref<2x16x16x128xf32, #tpu.memory_space<vmem>> -> memref<1x1x16x128xf32, #tpu.memory_space<vmem>>
      %dma_start3A_822 = tpu.memref_squeeze %dma_start3A_821 : memref<1x1x16x128xf32, #tpu.memory_space<vmem>> -> memref<16x128xf32, #tpu.memory_space<vmem>>
      %dma_start3A_823 = arith.constant 16 : i32
      %dma_start3A_824 = tpu.memref_slice %arg3[%dma_start3A_823, %multiple_of3A_600] : memref<64x1000000xf32, #tpu.memory_space<hbm>> -> memref<16x128xf32, #tpu.memory_space<hbm>>
      tpu.enqueue_dma source(%dma_start3A_824 : memref<16x128xf32, #tpu.memory_space<hbm>>) target(%dma_start3A_822 : memref<16x128xf32, #tpu.memory_space<vmem>>) target_semaphore(%arg9 : memref<!tpu.dma_semaphore, #tpu.memory_space<semaphore_mem>>)
      %dma_wait3A_825 = arith.constant 0 : i32
      %dma_wait3A_826 = arith.constant 0 : i32
      %dma_wait3A_827 = arith.constant 0 : i32
      %dma_wait3A_828 = arith.constant 0 : i32
      %dma_wait3A_829 = tpu.memref_slice %arg6[%dma_wait3A_825, %dma_wait3A_826, %dma_wait3A_827, %dma_wait3A_828] : memref<2x16x16x128xf32, #tpu.memory_space<vmem>> -> memref<1x1x16x128xf32, #tpu.memory_space<vmem>>
      %dma_wait3A_830 = tpu.memref_squeeze %dma_wait3A_829 : memref<1x1x16x128xf32, #tpu.memory_space<vmem>> -> memref<16x128xf32, #tpu.memory_space<vmem>>
      %dma_wait3A_831 = arith.constant 0 : i32
      %dma_wait3A_832 = arith.constant 0 : i32
      %dma_wait3A_833 = tpu.memref_slice %arg3[%dma_wait3A_831, %dma_wait3A_832] : memref<64x1000000xf32, #tpu.memory_space<hbm>> -> memref<16x128xf32, #tpu.memory_space<hbm>>
      %dma_wait3A_834 = arith.constant 0 : i32
      %dma_wait3A_835 = arith.constant 0 : i32
      %dma_wait3A_836 = tpu.memref_slice %arg6[%dma_wait3A_825, %dma_wait3A_826, %dma_wait3A_834, %dma_wait3A_835] : memref<2x16x16x128xf32, #tpu.memory_space<vmem>> -> memref<1x1x16x128xf32, #tpu.memory_space<vmem>>
      %dma_wait3A_837 = tpu.memref_squeeze %dma_wait3A_836 : memref<1x1x16x128xf32, #tpu.memory_space<vmem>> -> memref<16x128xf32, #tpu.memory_space<vmem>>
      %dma_wait3A_838 = arith.constant 0 : i32
      %dma_wait3A_839 = arith.constant 0 : i32
      %dma_wait3A_840 = tpu.memref_slice %arg3[%dma_wait3A_838, %dma_wait3A_839] : memref<64x1000000xf32, #tpu.memory_space<hbm>> -> memref<16x128xf32, #tpu.memory_space<hbm>>
      tpu.wait_dma2 semaphore(%arg8 : memref<!tpu.dma_semaphore, #tpu.memory_space<semaphore_mem>>) src(%dma_wait3A_840 : memref<16x128xf32, #tpu.memory_space<hbm>>) dst(%dma_wait3A_837 : memref<16x128xf32, #tpu.memory_space<vmem>>)
      %dma_wait3A_841 = arith.constant 0 : i32
      %dma_wait3A_842 = arith.constant 0 : i32
      %dma_wait3A_843 = arith.constant 0 : i32
      %dma_wait3A_844 = arith.constant 0 : i32
      %dma_wait3A_845 = tpu.memref_slice %arg6[%dma_wait3A_841, %dma_wait3A_842, %dma_wait3A_843, %dma_wait3A_844] : memref<2x16x16x128xf32, #tpu.memory_space<vmem>> -> memref<1x1x16x128xf32, #tpu.memory_space<vmem>>
      %dma_wait3A_846 = tpu.memref_squeeze %dma_wait3A_845 : memref<1x1x16x128xf32, #tpu.memory_space<vmem>> -> memref<16x128xf32, #tpu.memory_space<vmem>>
      %dma_wait3A_847 = arith.constant 0 : i32
      %dma_wait3A_848 = arith.constant 0 : i32
      %dma_wait3A_849 = tpu.memref_slice %arg3[%dma_wait3A_847, %dma_wait3A_848] : memref<64x1000000xf32, #tpu.memory_space<hbm>> -> memref<16x128xf32, #tpu.memory_space<hbm>>
      %dma_wait3A_850 = arith.constant 0 : i32
      %dma_wait3A_851 = arith.constant 0 : i32
      %dma_wait3A_852 = tpu.memref_slice %arg6[%dma_wait3A_841, %dma_wait3A_842, %dma_wait3A_850, %dma_wait3A_851] : memref<2x16x16x128xf32, #tpu.memory_space<vmem>> -> memref<1x1x16x128xf32, #tpu.memory_space<vmem>>
      %dma_wait3A_853 = tpu.memref_squeeze %dma_wait3A_852 : memref<1x1x16x128xf32, #tpu.memory_space<vmem>> -> memref<16x128xf32, #tpu.memory_space<vmem>>
      %dma_wait3A_854 = arith.constant 0 : i32
      %dma_wait3A_855 = arith.constant 0 : i32
      %dma_wait3A_856 = tpu.memref_slice %arg3[%dma_wait3A_854, %dma_wait3A_855] : memref<64x1000000xf32, #tpu.memory_space<hbm>> -> memref<16x128xf32, #tpu.memory_space<hbm>>
      tpu.wait_dma2 semaphore(%arg8 : memref<!tpu.dma_semaphore, #tpu.memory_space<semaphore_mem>>) src(%dma_wait3A_856 : memref<16x128xf32, #tpu.memory_space<hbm>>) dst(%dma_wait3A_853 : memref<16x128xf32, #tpu.memory_space<vmem>>)
      %dma_wait3A_857 = arith.constant 0 : i32
      %dma_wait3A_858 = arith.constant 0 : i32
      %dma_wait3A_859 = arith.constant 0 : i32
      %dma_wait3A_860 = arith.constant 0 : i32
      %dma_wait3A_861 = tpu.memref_slice %arg6[%dma_wait3A_857, %dma_wait3A_858, %dma_wait3A_859, %dma_wait3A_860] : memref<2x16x16x128xf32, #tpu.memory_space<vmem>> -> memref<1x1x16x128xf32, #tpu.memory_space<vmem>>
      %dma_wait3A_862 = tpu.memref_squeeze %dma_wait3A_861 : memref<1x1x16x128xf32, #tpu.memory_space<vmem>> -> memref<16x128xf32, #tpu.memory_space<vmem>>
      %dma_wait3A_863 = arith.constant 0 : i32
      %dma_wait3A_864 = arith.constant 0 : i32
      %dma_wait3A_865 = tpu.memref_slice %arg3[%dma_wait3A_863, %dma_wait3A_864] : memref<64x1000000xf32, #tpu.memory_space<hbm>> -> memref<16x128xf32, #tpu.memory_space<hbm>>
      %dma_wait3A_866 = arith.constant 0 : i32
      %dma_wait3A_867 = arith.constant 0 : i32
      %dma_wait3A_868 = tpu.memref_slice %arg6[%dma_wait3A_857, %dma_wait3A_858, %dma_wait3A_866, %dma_wait3A_867] : memref<2x16x16x128xf32, #tpu.memory_space<vmem>> -> memref<1x1x16x128xf32, #tpu.memory_space<vmem>>
      %dma_wait3A_869 = tpu.memref_squeeze %dma_wait3A_868 : memref<1x1x16x128xf32, #tpu.memory_space<vmem>> -> memref<16x128xf32, #tpu.memory_space<vmem>>
      %dma_wait3A_870 = arith.constant 0 : i32
      %dma_wait3A_871 = arith.constant 0 : i32
      %dma_wait3A_872 = tpu.memref_slice %arg3[%dma_wait3A_870, %dma_wait3A_871] : memref<64x1000000xf32, #tpu.memory_space<hbm>> -> memref<16x128xf32, #tpu.memory_space<hbm>>
      tpu.wait_dma2 semaphore(%arg8 : memref<!tpu.dma_semaphore, #tpu.memory_space<semaphore_mem>>) src(%dma_wait3A_872 : memref<16x128xf32, #tpu.memory_space<hbm>>) dst(%dma_wait3A_869 : memref<16x128xf32, #tpu.memory_space<vmem>>)
      %dma_wait3A_873 = arith.constant 0 : i32
      %dma_wait3A_874 = arith.constant 0 : i32
      %dma_wait3A_875 = arith.constant 0 : i32
      %dma_wait3A_876 = arith.constant 0 : i32
      %dma_wait3A_877 = tpu.memref_slice %arg6[%dma_wait3A_873, %dma_wait3A_874, %dma_wait3A_875, %dma_wait3A_876] : memref<2x16x16x128xf32, #tpu.memory_space<vmem>> -> memref<1x1x16x128xf32, #tpu.memory_space<vmem>>
      %dma_wait3A_878 = tpu.memref_squeeze %dma_wait3A_877 : memref<1x1x16x128xf32, #tpu.memory_space<vmem>> -> memref<16x128xf32, #tpu.memory_space<vmem>>
      %dma_wait3A_879 = arith.constant 0 : i32
      %dma_wait3A_880 = arith.constant 0 : i32
      %dma_wait3A_881 = tpu.memref_slice %arg3[%dma_wait3A_879, %dma_wait3A_880] : memref<64x1000000xf32, #tpu.memory_space<hbm>> -> memref<16x128xf32, #tpu.memory_space<hbm>>
      %dma_wait3A_882 = arith.constant 0 : i32
      %dma_wait3A_883 = arith.constant 0 : i32
      %dma_wait3A_884 = tpu.memref_slice %arg6[%dma_wait3A_873, %dma_wait3A_874, %dma_wait3A_882, %dma_wait3A_883] : memref<2x16x16x128xf32, #tpu.memory_space<vmem>> -> memref<1x1x16x128xf32, #tpu.memory_space<vmem>>
      %dma_wait3A_885 = tpu.memref_squeeze %dma_wait3A_884 : memref<1x1x16x128xf32, #tpu.memory_space<vmem>> -> memref<16x128xf32, #tpu.memory_space<vmem>>
      %dma_wait3A_886 = arith.constant 0 : i32
      %dma_wait3A_887 = arith.constant 0 : i32
      %dma_wait3A_888 = tpu.memref_slice %arg3[%dma_wait3A_886, %dma_wait3A_887] : memref<64x1000000xf32, #tpu.memory_space<hbm>> -> memref<16x128xf32, #tpu.memory_space<hbm>>
      tpu.wait_dma2 semaphore(%arg8 : memref<!tpu.dma_semaphore, #tpu.memory_space<semaphore_mem>>) src(%dma_wait3A_888 : memref<16x128xf32, #tpu.memory_space<hbm>>) dst(%dma_wait3A_885 : memref<16x128xf32, #tpu.memory_space<vmem>>)
      %dma_wait3A_889 = arith.constant 0 : i32
      %dma_wait3A_890 = arith.constant 0 : i32
      %dma_wait3A_891 = arith.constant 0 : i32
      %dma_wait3A_892 = arith.constant 0 : i32
      %dma_wait3A_893 = tpu.memref_slice %arg6[%dma_wait3A_889, %dma_wait3A_890, %dma_wait3A_891, %dma_wait3A_892] : memref<2x16x16x128xf32, #tpu.memory_space<vmem>> -> memref<1x1x16x128xf32, #tpu.memory_space<vmem>>
      %dma_wait3A_894 = tpu.memref_squeeze %dma_wait3A_893 : memref<1x1x16x128xf32, #tpu.memory_space<vmem>> -> memref<16x128xf32, #tpu.memory_space<vmem>>
      %dma_wait3A_895 = arith.constant 0 : i32
      %dma_wait3A_896 = arith.constant 0 : i32
      %dma_wait3A_897 = tpu.memref_slice %arg3[%dma_wait3A_895, %dma_wait3A_896] : memref<64x1000000xf32, #tpu.memory_space<hbm>> -> memref<16x128xf32, #tpu.memory_space<hbm>>
      %dma_wait3A_898 = arith.constant 0 : i32
      %dma_wait3A_899 = arith.constant 0 : i32
      %dma_wait3A_900 = tpu.memref_slice %arg6[%dma_wait3A_889, %dma_wait3A_890, %dma_wait3A_898, %dma_wait3A_899] : memref<2x16x16x128xf32, #tpu.memory_space<vmem>> -> memref<1x1x16x128xf32, #tpu.memory_space<vmem>>
      %dma_wait3A_901 = tpu.memref_squeeze %dma_wait3A_900 : memref<1x1x16x128xf32, #tpu.memory_space<vmem>> -> memref<16x128xf32, #tpu.memory_space<vmem>>
      %dma_wait3A_902 = arith.constant 0 : i32
      %dma_wait3A_903 = arith.constant 0 : i32
      %dma_wait3A_904 = tpu.memref_slice %arg3[%dma_wait3A_902, %dma_wait3A_903] : memref<64x1000000xf32, #tpu.memory_space<hbm>> -> memref<16x128xf32, #tpu.memory_space<hbm>>
      tpu.wait_dma2 semaphore(%arg8 : memref<!tpu.dma_semaphore, #tpu.memory_space<semaphore_mem>>) src(%dma_wait3A_904 : memref<16x128xf32, #tpu.memory_space<hbm>>) dst(%dma_wait3A_901 : memref<16x128xf32, #tpu.memory_space<vmem>>)
      %dma_wait3A_905 = arith.constant 0 : i32
      %dma_wait3A_906 = arith.constant 0 : i32
      %dma_wait3A_907 = arith.constant 0 : i32
      %dma_wait3A_908 = arith.constant 0 : i32
      %dma_wait3A_909 = tpu.memref_slice %arg6[%dma_wait3A_905, %dma_wait3A_906, %dma_wait3A_907, %dma_wait3A_908] : memref<2x16x16x128xf32, #tpu.memory_space<vmem>> -> memref<1x1x16x128xf32, #tpu.memory_space<vmem>>
      %dma_wait3A_910 = tpu.memref_squeeze %dma_wait3A_909 : memref<1x1x16x128xf32, #tpu.memory_space<vmem>> -> memref<16x128xf32, #tpu.memory_space<vmem>>
      %dma_wait3A_911 = arith.constant 0 : i32
      %dma_wait3A_912 = arith.constant 0 : i32
      %dma_wait3A_913 = tpu.memref_slice %arg3[%dma_wait3A_911, %dma_wait3A_912] : memref<64x1000000xf32, #tpu.memory_space<hbm>> -> memref<16x128xf32, #tpu.memory_space<hbm>>
      %dma_wait3A_914 = arith.constant 0 : i32
      %dma_wait3A_915 = arith.constant 0 : i32
      %dma_wait3A_916 = tpu.memref_slice %arg6[%dma_wait3A_905, %dma_wait3A_906, %dma_wait3A_914, %dma_wait3A_915] : memref<2x16x16x128xf32, #tpu.memory_space<vmem>> -> memref<1x1x16x128xf32, #tpu.memory_space<vmem>>
      %dma_wait3A_917 = tpu.memref_squeeze %dma_wait3A_916 : memref<1x1x16x128xf32, #tpu.memory_space<vmem>> -> memref<16x128xf32, #tpu.memory_space<vmem>>
      %dma_wait3A_918 = arith.constant 0 : i32
      %dma_wait3A_919 = arith.constant 0 : i32
      %dma_wait3A_920 = tpu.memref_slice %arg3[%dma_wait3A_918, %dma_wait3A_919] : memref<64x1000000xf32, #tpu.memory_space<hbm>> -> memref<16x128xf32, #tpu.memory_space<hbm>>
      tpu.wait_dma2 semaphore(%arg8 : memref<!tpu.dma_semaphore, #tpu.memory_space<semaphore_mem>>) src(%dma_wait3A_920 : memref<16x128xf32, #tpu.memory_space<hbm>>) dst(%dma_wait3A_917 : memref<16x128xf32, #tpu.memory_space<vmem>>)
      %dma_wait3A_921 = arith.constant 0 : i32
      %dma_wait3A_922 = arith.constant 0 : i32
      %dma_wait3A_923 = arith.constant 0 : i32
      %dma_wait3A_924 = arith.constant 0 : i32
      %dma_wait3A_925 = tpu.memref_slice %arg6[%dma_wait3A_921, %dma_wait3A_922, %dma_wait3A_923, %dma_wait3A_924] : memref<2x16x16x128xf32, #tpu.memory_space<vmem>> -> memref<1x1x16x128xf32, #tpu.memory_space<vmem>>
      %dma_wait3A_926 = tpu.memref_squeeze %dma_wait3A_925 : memref<1x1x16x128xf32, #tpu.memory_space<vmem>> -> memref<16x128xf32, #tpu.memory_space<vmem>>
      %dma_wait3A_927 = arith.constant 0 : i32
      %dma_wait3A_928 = arith.constant 0 : i32
      %dma_wait3A_929 = tpu.memref_slice %arg3[%dma_wait3A_927, %dma_wait3A_928] : memref<64x1000000xf32, #tpu.memory_space<hbm>> -> memref<16x128xf32, #tpu.memory_space<hbm>>
      %dma_wait3A_930 = arith.constant 0 : i32
      %dma_wait3A_931 = arith.constant 0 : i32
      %dma_wait3A_932 = tpu.memref_slice %arg6[%dma_wait3A_921, %dma_wait3A_922, %dma_wait3A_930, %dma_wait3A_931] : memref<2x16x16x128xf32, #tpu.memory_space<vmem>> -> memref<1x1x16x128xf32, #tpu.memory_space<vmem>>
      %dma_wait3A_933 = tpu.memref_squeeze %dma_wait3A_932 : memref<1x1x16x128xf32, #tpu.memory_space<vmem>> -> memref<16x128xf32, #tpu.memory_space<vmem>>
      %dma_wait3A_934 = arith.constant 0 : i32
      %dma_wait3A_935 = arith.constant 0 : i32
      %dma_wait3A_936 = tpu.memref_slice %arg3[%dma_wait3A_934, %dma_wait3A_935] : memref<64x1000000xf32, #tpu.memory_space<hbm>> -> memref<16x128xf32, #tpu.memory_space<hbm>>
      tpu.wait_dma2 semaphore(%arg8 : memref<!tpu.dma_semaphore, #tpu.memory_space<semaphore_mem>>) src(%dma_wait3A_936 : memref<16x128xf32, #tpu.memory_space<hbm>>) dst(%dma_wait3A_933 : memref<16x128xf32, #tpu.memory_space<vmem>>)
      %dma_wait3A_937 = arith.constant 0 : i32
      %dma_wait3A_938 = arith.constant 0 : i32
      %dma_wait3A_939 = arith.constant 0 : i32
      %dma_wait3A_940 = arith.constant 0 : i32
      %dma_wait3A_941 = tpu.memref_slice %arg6[%dma_wait3A_937, %dma_wait3A_938, %dma_wait3A_939, %dma_wait3A_940] : memref<2x16x16x128xf32, #tpu.memory_space<vmem>> -> memref<1x1x16x128xf32, #tpu.memory_space<vmem>>
      %dma_wait3A_942 = tpu.memref_squeeze %dma_wait3A_941 : memref<1x1x16x128xf32, #tpu.memory_space<vmem>> -> memref<16x128xf32, #tpu.memory_space<vmem>>
      %dma_wait3A_943 = arith.constant 0 : i32
      %dma_wait3A_944 = arith.constant 0 : i32
      %dma_wait3A_945 = tpu.memref_slice %arg3[%dma_wait3A_943, %dma_wait3A_944] : memref<64x1000000xf32, #tpu.memory_space<hbm>> -> memref<16x128xf32, #tpu.memory_space<hbm>>
      %dma_wait3A_946 = arith.constant 0 : i32
      %dma_wait3A_947 = arith.constant 0 : i32
      %dma_wait3A_948 = tpu.memref_slice %arg6[%dma_wait3A_937, %dma_wait3A_938, %dma_wait3A_946, %dma_wait3A_947] : memref<2x16x16x128xf32, #tpu.memory_space<vmem>> -> memref<1x1x16x128xf32, #tpu.memory_space<vmem>>
      %dma_wait3A_949 = tpu.memref_squeeze %dma_wait3A_948 : memref<1x1x16x128xf32, #tpu.memory_space<vmem>> -> memref<16x128xf32, #tpu.memory_space<vmem>>
      %dma_wait3A_950 = arith.constant 0 : i32
      %dma_wait3A_951 = arith.constant 0 : i32
      %dma_wait3A_952 = tpu.memref_slice %arg3[%dma_wait3A_950, %dma_wait3A_951] : memref<64x1000000xf32, #tpu.memory_space<hbm>> -> memref<16x128xf32, #tpu.memory_space<hbm>>
      tpu.wait_dma2 semaphore(%arg8 : memref<!tpu.dma_semaphore, #tpu.memory_space<semaphore_mem>>) src(%dma_wait3A_952 : memref<16x128xf32, #tpu.memory_space<hbm>>) dst(%dma_wait3A_949 : memref<16x128xf32, #tpu.memory_space<vmem>>)
      %dma_wait3A_953 = arith.constant 0 : i32
      %dma_wait3A_954 = arith.constant 0 : i32
      %dma_wait3A_955 = arith.constant 0 : i32
      %dma_wait3A_956 = arith.constant 0 : i32
      %dma_wait3A_957 = tpu.memref_slice %arg6[%dma_wait3A_953, %dma_wait3A_954, %dma_wait3A_955, %dma_wait3A_956] : memref<2x16x16x128xf32, #tpu.memory_space<vmem>> -> memref<1x1x16x128xf32, #tpu.memory_space<vmem>>
      %dma_wait3A_958 = tpu.memref_squeeze %dma_wait3A_957 : memref<1x1x16x128xf32, #tpu.memory_space<vmem>> -> memref<16x128xf32, #tpu.memory_space<vmem>>
      %dma_wait3A_959 = arith.constant 0 : i32
      %dma_wait3A_960 = arith.constant 0 : i32
      %dma_wait3A_961 = tpu.memref_slice %arg3[%dma_wait3A_959, %dma_wait3A_960] : memref<64x1000000xf32, #tpu.memory_space<hbm>> -> memref<16x128xf32, #tpu.memory_space<hbm>>
      %dma_wait3A_962 = arith.constant 0 : i32
      %dma_wait3A_963 = arith.constant 0 : i32
      %dma_wait3A_964 = tpu.memref_slice %arg6[%dma_wait3A_953, %dma_wait3A_954, %dma_wait3A_962, %dma_wait3A_963] : memref<2x16x16x128xf32, #tpu.memory_space<vmem>> -> memref<1x1x16x128xf32, #tpu.memory_space<vmem>>
      %dma_wait3A_965 = tpu.memref_squeeze %dma_wait3A_964 : memref<1x1x16x128xf32, #tpu.memory_space<vmem>> -> memref<16x128xf32, #tpu.memory_space<vmem>>
      %dma_wait3A_966 = arith.constant 0 : i32
      %dma_wait3A_967 = arith.constant 0 : i32
      %dma_wait3A_968 = tpu.memref_slice %arg3[%dma_wait3A_966, %dma_wait3A_967] : memref<64x1000000xf32, #tpu.memory_space<hbm>> -> memref<16x128xf32, #tpu.memory_space<hbm>>
      tpu.wait_dma2 semaphore(%arg8 : memref<!tpu.dma_semaphore, #tpu.memory_space<semaphore_mem>>) src(%dma_wait3A_968 : memref<16x128xf32, #tpu.memory_space<hbm>>) dst(%dma_wait3A_965 : memref<16x128xf32, #tpu.memory_space<vmem>>)
      %dma_wait3A_969 = arith.constant 0 : i32
      %dma_wait3A_970 = arith.constant 0 : i32
      %dma_wait3A_971 = arith.constant 0 : i32
      %dma_wait3A_972 = arith.constant 0 : i32
      %dma_wait3A_973 = tpu.memref_slice %arg6[%dma_wait3A_969, %dma_wait3A_970, %dma_wait3A_971, %dma_wait3A_972] : memref<2x16x16x128xf32, #tpu.memory_space<vmem>> -> memref<1x1x16x128xf32, #tpu.memory_space<vmem>>
      %dma_wait3A_974 = tpu.memref_squeeze %dma_wait3A_973 : memref<1x1x16x128xf32, #tpu.memory_space<vmem>> -> memref<16x128xf32, #tpu.memory_space<vmem>>
      %dma_wait3A_975 = arith.constant 0 : i32
      %dma_wait3A_976 = arith.constant 0 : i32
      %dma_wait3A_977 = tpu.memref_slice %arg3[%dma_wait3A_975, %dma_wait3A_976] : memref<64x1000000xf32, #tpu.memory_space<hbm>> -> memref<16x128xf32, #tpu.memory_space<hbm>>
      %dma_wait3A_978 = arith.constant 0 : i32
      %dma_wait3A_979 = arith.constant 0 : i32
      %dma_wait3A_980 = tpu.memref_slice %arg6[%dma_wait3A_969, %dma_wait3A_970, %dma_wait3A_978, %dma_wait3A_979] : memref<2x16x16x128xf32, #tpu.memory_space<vmem>> -> memref<1x1x16x128xf32, #tpu.memory_space<vmem>>
      %dma_wait3A_981 = tpu.memref_squeeze %dma_wait3A_980 : memref<1x1x16x128xf32, #tpu.memory_space<vmem>> -> memref<16x128xf32, #tpu.memory_space<vmem>>
      %dma_wait3A_982 = arith.constant 0 : i32
      %dma_wait3A_983 = arith.constant 0 : i32
      %dma_wait3A_984 = tpu.memref_slice %arg3[%dma_wait3A_982, %dma_wait3A_983] : memref<64x1000000xf32, #tpu.memory_space<hbm>> -> memref<16x128xf32, #tpu.memory_space<hbm>>
      tpu.wait_dma2 semaphore(%arg8 : memref<!tpu.dma_semaphore, #tpu.memory_space<semaphore_mem>>) src(%dma_wait3A_984 : memref<16x128xf32, #tpu.memory_space<hbm>>) dst(%dma_wait3A_981 : memref<16x128xf32, #tpu.memory_space<vmem>>)
      %dma_wait3A_985 = arith.constant 0 : i32
      %dma_wait3A_986 = arith.constant 0 : i32
      %dma_wait3A_987 = arith.constant 0 : i32
      %dma_wait3A_988 = arith.constant 0 : i32
      %dma_wait3A_989 = tpu.memref_slice %arg6[%dma_wait3A_985, %dma_wait3A_986, %dma_wait3A_987, %dma_wait3A_988] : memref<2x16x16x128xf32, #tpu.memory_space<vmem>> -> memref<1x1x16x128xf32, #tpu.memory_space<vmem>>
      %dma_wait3A_990 = tpu.memref_squeeze %dma_wait3A_989 : memref<1x1x16x128xf32, #tpu.memory_space<vmem>> -> memref<16x128xf32, #tpu.memory_space<vmem>>
      %dma_wait3A_991 = arith.constant 0 : i32
      %dma_wait3A_992 = arith.constant 0 : i32
      %dma_wait3A_993 = tpu.memref_slice %arg3[%dma_wait3A_991, %dma_wait3A_992] : memref<64x1000000xf32, #tpu.memory_space<hbm>> -> memref<16x128xf32, #tpu.memory_space<hbm>>
      %dma_wait3A_994 = arith.constant 0 : i32
      %dma_wait3A_995 = arith.constant 0 : i32
      %dma_wait3A_996 = tpu.memref_slice %arg6[%dma_wait3A_985, %dma_wait3A_986, %dma_wait3A_994, %dma_wait3A_995] : memref<2x16x16x128xf32, #tpu.memory_space<vmem>> -> memref<1x1x16x128xf32, #tpu.memory_space<vmem>>
      %dma_wait3A_997 = tpu.memref_squeeze %dma_wait3A_996 : memref<1x1x16x128xf32, #tpu.memory_space<vmem>> -> memref<16x128xf32, #tpu.memory_space<vmem>>
      %dma_wait3A_998 = arith.constant 0 : i32
      %dma_wait3A_999 = arith.constant 0 : i32
      %dma_wait3A_1000 = tpu.memref_slice %arg3[%dma_wait3A_998, %dma_wait3A_999] : memref<64x1000000xf32, #tpu.memory_space<hbm>> -> memref<16x128xf32, #tpu.memory_space<hbm>>
      tpu.wait_dma2 semaphore(%arg8 : memref<!tpu.dma_semaphore, #tpu.memory_space<semaphore_mem>>) src(%dma_wait3A_1000 : memref<16x128xf32, #tpu.memory_space<hbm>>) dst(%dma_wait3A_997 : memref<16x128xf32, #tpu.memory_space<vmem>>)
      %dma_wait3A_1001 = arith.constant 0 : i32
      %dma_wait3A_1002 = arith.constant 0 : i32
      %dma_wait3A_1003 = arith.constant 0 : i32
      %dma_wait3A_1004 = arith.constant 0 : i32
      %dma_wait3A_1005 = tpu.memref_slice %arg6[%dma_wait3A_1001, %dma_wait3A_1002, %dma_wait3A_1003, %dma_wait3A_1004] : memref<2x16x16x128xf32, #tpu.memory_space<vmem>> -> memref<1x1x16x128xf32, #tpu.memory_space<vmem>>
      %dma_wait3A_1006 = tpu.memref_squeeze %dma_wait3A_1005 : memref<1x1x16x128xf32, #tpu.memory_space<vmem>> -> memref<16x128xf32, #tpu.memory_space<vmem>>
      %dma_wait3A_1007 = arith.constant 0 : i32
      %dma_wait3A_1008 = arith.constant 0 : i32
      %dma_wait3A_1009 = tpu.memref_slice %arg3[%dma_wait3A_1007, %dma_wait3A_1008] : memref<64x1000000xf32, #tpu.memory_space<hbm>> -> memref<16x128xf32, #tpu.memory_space<hbm>>
      %dma_wait3A_1010 = arith.constant 0 : i32
      %dma_wait3A_1011 = arith.constant 0 : i32
      %dma_wait3A_1012 = tpu.memref_slice %arg6[%dma_wait3A_1001, %dma_wait3A_1002, %dma_wait3A_1010, %dma_wait3A_1011] : memref<2x16x16x128xf32, #tpu.memory_space<vmem>> -> memref<1x1x16x128xf32, #tpu.memory_space<vmem>>
      %dma_wait3A_1013 = tpu.memref_squeeze %dma_wait3A_1012 : memref<1x1x16x128xf32, #tpu.memory_space<vmem>> -> memref<16x128xf32, #tpu.memory_space<vmem>>
      %dma_wait3A_1014 = arith.constant 0 : i32
      %dma_wait3A_1015 = arith.constant 0 : i32
      %dma_wait3A_1016 = tpu.memref_slice %arg3[%dma_wait3A_1014, %dma_wait3A_1015] : memref<64x1000000xf32, #tpu.memory_space<hbm>> -> memref<16x128xf32, #tpu.memory_space<hbm>>
      tpu.wait_dma2 semaphore(%arg8 : memref<!tpu.dma_semaphore, #tpu.memory_space<semaphore_mem>>) src(%dma_wait3A_1016 : memref<16x128xf32, #tpu.memory_space<hbm>>) dst(%dma_wait3A_1013 : memref<16x128xf32, #tpu.memory_space<vmem>>)
      %dma_wait3A_1017 = arith.constant 0 : i32
      %dma_wait3A_1018 = arith.constant 0 : i32
      %dma_wait3A_1019 = arith.constant 0 : i32
      %dma_wait3A_1020 = arith.constant 0 : i32
      %dma_wait3A_1021 = tpu.memref_slice %arg6[%dma_wait3A_1017, %dma_wait3A_1018, %dma_wait3A_1019, %dma_wait3A_1020] : memref<2x16x16x128xf32, #tpu.memory_space<vmem>> -> memref<1x1x16x128xf32, #tpu.memory_space<vmem>>
      %dma_wait3A_1022 = tpu.memref_squeeze %dma_wait3A_1021 : memref<1x1x16x128xf32, #tpu.memory_space<vmem>> -> memref<16x128xf32, #tpu.memory_space<vmem>>
      %dma_wait3A_1023 = arith.constant 0 : i32
      %dma_wait3A_1024 = arith.constant 0 : i32
      %dma_wait3A_1025 = tpu.memref_slice %arg3[%dma_wait3A_1023, %dma_wait3A_1024] : memref<64x1000000xf32, #tpu.memory_space<hbm>> -> memref<16x128xf32, #tpu.memory_space<hbm>>
      %dma_wait3A_1026 = arith.constant 0 : i32
      %dma_wait3A_1027 = arith.constant 0 : i32
      %dma_wait3A_1028 = tpu.memref_slice %arg6[%dma_wait3A_1017, %dma_wait3A_1018, %dma_wait3A_1026, %dma_wait3A_1027] : memref<2x16x16x128xf32, #tpu.memory_space<vmem>> -> memref<1x1x16x128xf32, #tpu.memory_space<vmem>>
      %dma_wait3A_1029 = tpu.memref_squeeze %dma_wait3A_1028 : memref<1x1x16x128xf32, #tpu.memory_space<vmem>> -> memref<16x128xf32, #tpu.memory_space<vmem>>
      %dma_wait3A_1030 = arith.constant 0 : i32
      %dma_wait3A_1031 = arith.constant 0 : i32
      %dma_wait3A_1032 = tpu.memref_slice %arg3[%dma_wait3A_1030, %dma_wait3A_1031] : memref<64x1000000xf32, #tpu.memory_space<hbm>> -> memref<16x128xf32, #tpu.memory_space<hbm>>
      tpu.wait_dma2 semaphore(%arg8 : memref<!tpu.dma_semaphore, #tpu.memory_space<semaphore_mem>>) src(%dma_wait3A_1032 : memref<16x128xf32, #tpu.memory_space<hbm>>) dst(%dma_wait3A_1029 : memref<16x128xf32, #tpu.memory_space<vmem>>)
      %dma_wait3A_1033 = arith.constant 0 : i32
      %dma_wait3A_1034 = arith.constant 0 : i32
      %dma_wait3A_1035 = arith.constant 0 : i32
      %dma_wait3A_1036 = arith.constant 0 : i32
      %dma_wait3A_1037 = tpu.memref_slice %arg6[%dma_wait3A_1033, %dma_wait3A_1034, %dma_wait3A_1035, %dma_wait3A_1036] : memref<2x16x16x128xf32, #tpu.memory_space<vmem>> -> memref<1x1x16x128xf32, #tpu.memory_space<vmem>>
      %dma_wait3A_1038 = tpu.memref_squeeze %dma_wait3A_1037 : memref<1x1x16x128xf32, #tpu.memory_space<vmem>> -> memref<16x128xf32, #tpu.memory_space<vmem>>
      %dma_wait3A_1039 = arith.constant 0 : i32
      %dma_wait3A_1040 = arith.constant 0 : i32
      %dma_wait3A_1041 = tpu.memref_slice %arg3[%dma_wait3A_1039, %dma_wait3A_1040] : memref<64x1000000xf32, #tpu.memory_space<hbm>> -> memref<16x128xf32, #tpu.memory_space<hbm>>
      %dma_wait3A_1042 = arith.constant 0 : i32
      %dma_wait3A_1043 = arith.constant 0 : i32
      %dma_wait3A_1044 = tpu.memref_slice %arg6[%dma_wait3A_1033, %dma_wait3A_1034, %dma_wait3A_1042, %dma_wait3A_1043] : memref<2x16x16x128xf32, #tpu.memory_space<vmem>> -> memref<1x1x16x128xf32, #tpu.memory_space<vmem>>
      %dma_wait3A_1045 = tpu.memref_squeeze %dma_wait3A_1044 : memref<1x1x16x128xf32, #tpu.memory_space<vmem>> -> memref<16x128xf32, #tpu.memory_space<vmem>>
      %dma_wait3A_1046 = arith.constant 0 : i32
      %dma_wait3A_1047 = arith.constant 0 : i32
      %dma_wait3A_1048 = tpu.memref_slice %arg3[%dma_wait3A_1046, %dma_wait3A_1047] : memref<64x1000000xf32, #tpu.memory_space<hbm>> -> memref<16x128xf32, #tpu.memory_space<hbm>>
      tpu.wait_dma2 semaphore(%arg8 : memref<!tpu.dma_semaphore, #tpu.memory_space<semaphore_mem>>) src(%dma_wait3A_1048 : memref<16x128xf32, #tpu.memory_space<hbm>>) dst(%dma_wait3A_1045 : memref<16x128xf32, #tpu.memory_space<vmem>>)
      %dma_wait3A_1049 = arith.constant 0 : i32
      %dma_wait3A_1050 = arith.constant 0 : i32
      %dma_wait3A_1051 = arith.constant 0 : i32
      %dma_wait3A_1052 = arith.constant 0 : i32
      %dma_wait3A_1053 = tpu.memref_slice %arg6[%dma_wait3A_1049, %dma_wait3A_1050, %dma_wait3A_1051, %dma_wait3A_1052] : memref<2x16x16x128xf32, #tpu.memory_space<vmem>> -> memref<1x1x16x128xf32, #tpu.memory_space<vmem>>
      %dma_wait3A_1054 = tpu.memref_squeeze %dma_wait3A_1053 : memref<1x1x16x128xf32, #tpu.memory_space<vmem>> -> memref<16x128xf32, #tpu.memory_space<vmem>>
      %dma_wait3A_1055 = arith.constant 0 : i32
      %dma_wait3A_1056 = arith.constant 0 : i32
      %dma_wait3A_1057 = tpu.memref_slice %arg3[%dma_wait3A_1055, %dma_wait3A_1056] : memref<64x1000000xf32, #tpu.memory_space<hbm>> -> memref<16x128xf32, #tpu.memory_space<hbm>>
      %dma_wait3A_1058 = arith.constant 0 : i32
      %dma_wait3A_1059 = arith.constant 0 : i32
      %dma_wait3A_1060 = tpu.memref_slice %arg6[%dma_wait3A_1049, %dma_wait3A_1050, %dma_wait3A_1058, %dma_wait3A_1059] : memref<2x16x16x128xf32, #tpu.memory_space<vmem>> -> memref<1x1x16x128xf32, #tpu.memory_space<vmem>>
      %dma_wait3A_1061 = tpu.memref_squeeze %dma_wait3A_1060 : memref<1x1x16x128xf32, #tpu.memory_space<vmem>> -> memref<16x128xf32, #tpu.memory_space<vmem>>
      %dma_wait3A_1062 = arith.constant 0 : i32
      %dma_wait3A_1063 = arith.constant 0 : i32
      %dma_wait3A_1064 = tpu.memref_slice %arg3[%dma_wait3A_1062, %dma_wait3A_1063] : memref<64x1000000xf32, #tpu.memory_space<hbm>> -> memref<16x128xf32, #tpu.memory_space<hbm>>
      tpu.wait_dma2 semaphore(%arg8 : memref<!tpu.dma_semaphore, #tpu.memory_space<semaphore_mem>>) src(%dma_wait3A_1064 : memref<16x128xf32, #tpu.memory_space<hbm>>) dst(%dma_wait3A_1061 : memref<16x128xf32, #tpu.memory_space<vmem>>)
      %dma_wait3A_1065 = arith.constant 0 : i32
      %dma_wait3A_1066 = arith.constant 0 : i32
      %dma_wait3A_1067 = arith.constant 0 : i32
      %dma_wait3A_1068 = arith.constant 0 : i32
      %dma_wait3A_1069 = tpu.memref_slice %arg6[%dma_wait3A_1065, %dma_wait3A_1066, %dma_wait3A_1067, %dma_wait3A_1068] : memref<2x16x16x128xf32, #tpu.memory_space<vmem>> -> memref<1x1x16x128xf32, #tpu.memory_space<vmem>>
      %dma_wait3A_1070 = tpu.memref_squeeze %dma_wait3A_1069 : memref<1x1x16x128xf32, #tpu.memory_space<vmem>> -> memref<16x128xf32, #tpu.memory_space<vmem>>
      %dma_wait3A_1071 = arith.constant 0 : i32
      %dma_wait3A_1072 = arith.constant 0 : i32
      %dma_wait3A_1073 = tpu.memref_slice %arg3[%dma_wait3A_1071, %dma_wait3A_1072] : memref<64x1000000xf32, #tpu.memory_space<hbm>> -> memref<16x128xf32, #tpu.memory_space<hbm>>
      %dma_wait3A_1074 = arith.constant 0 : i32
      %dma_wait3A_1075 = arith.constant 0 : i32
      %dma_wait3A_1076 = tpu.memref_slice %arg6[%dma_wait3A_1065, %dma_wait3A_1066, %dma_wait3A_1074, %dma_wait3A_1075] : memref<2x16x16x128xf32, #tpu.memory_space<vmem>> -> memref<1x1x16x128xf32, #tpu.memory_space<vmem>>
      %dma_wait3A_1077 = tpu.memref_squeeze %dma_wait3A_1076 : memref<1x1x16x128xf32, #tpu.memory_space<vmem>> -> memref<16x128xf32, #tpu.memory_space<vmem>>
      %dma_wait3A_1078 = arith.constant 0 : i32
      %dma_wait3A_1079 = arith.constant 0 : i32
      %dma_wait3A_1080 = tpu.memref_slice %arg3[%dma_wait3A_1078, %dma_wait3A_1079] : memref<64x1000000xf32, #tpu.memory_space<hbm>> -> memref<16x128xf32, #tpu.memory_space<hbm>>
      tpu.wait_dma2 semaphore(%arg8 : memref<!tpu.dma_semaphore, #tpu.memory_space<semaphore_mem>>) src(%dma_wait3A_1080 : memref<16x128xf32, #tpu.memory_space<hbm>>) dst(%dma_wait3A_1077 : memref<16x128xf32, #tpu.memory_space<vmem>>)
      %broadcast_in_dim3A = arith.constant 0 : i32
      %broadcast_in_dim3A_1081 = vector.broadcast %broadcast_in_dim3A : i32 to vector<16xi32>
      %gather3A = arith.constant 0 : i32
      %gather3A_1082 = arith.constant 0 : i32
      %gather3A_1083 = arith.constant 0 : i32
      %gather3A_1084 = arith.constant 0 : i32
      %gather3A_1085 = tpu.memref_slice %arg6[%gather3A, %gather3A_1082, %gather3A_1083, %gather3A_1084] : memref<2x16x16x128xf32, #tpu.memory_space<vmem>> -> memref<1x16x16x128xf32, #tpu.memory_space<vmem>>
      %gather3A_1086 = tpu.memref_squeeze %gather3A_1085 : memref<1x16x16x128xf32, #tpu.memory_space<vmem>> -> memref<16x16x128xf32, #tpu.memory_space<vmem>>
      %gather3A_1087 = tpu.vector_load_idx %gather3A_1086[%iota3A, %broadcast_in_dim3A_1081, %and3A_542] : memref<16x16x128xf32, #tpu.memory_space<vmem>>[vector<16xi32>, vector<16xi32>, vector<16xi32>], vector<16xf32>,
      %mul3A_1088 = arith.constant 16 : i32
      %mul3A_1089 = arith.muli %scan3A_536, %mul3A_1088 : i32
      %swap3A = arith.constant 0 : i32
      %swap3A_1090 = arith.index_cast %swap3A : i32 to index
      %swap3A_1091 = arith.index_cast %mul3A_1089 : i32 to index
      %swap3A_1092 = tpu.vector_load %arg7[%swap3A_1090, %swap3A_1091] {strides = array<i32>} : memref<64x512xf32, #tpu.memory_space<vmem>>, vector<16xf32>,
      tpu.vector_store %arg7[%swap3A_1090, %swap3A_1091], %gather3A_1087 {strides = array<i32>} : memref<64x512xf32, #tpu.memory_space<vmem>>, vector<16xf32>,
      %broadcast_in_dim3A_1093 = arith.constant 1 : i32
      %broadcast_in_dim3A_1094 = vector.broadcast %broadcast_in_dim3A_1093 : i32 to vector<16xi32>
      %gather3A_1095 = arith.constant 0 : i32
      %gather3A_1096 = arith.constant 0 : i32
      %gather3A_1097 = arith.constant 0 : i32
      %gather3A_1098 = arith.constant 0 : i32
      %gather3A_1099 = tpu.memref_slice %arg6[%gather3A_1095, %gather3A_1096, %gather3A_1097, %gather3A_1098] : memref<2x16x16x128xf32, #tpu.memory_space<vmem>> -> memref<1x16x16x128xf32, #tpu.memory_space<vmem>>
      %gather3A_1100 = tpu.memref_squeeze %gather3A_1099 : memref<1x16x16x128xf32, #tpu.memory_space<vmem>> -> memref<16x16x128xf32, #tpu.memory_space<vmem>>
      %gather3A_1101 = tpu.vector_load_idx %gather3A_1100[%iota3A, %broadcast_in_dim3A_1094, %and3A_542] : memref<16x16x128xf32, #tpu.memory_space<vmem>>[vector<16xi32>, vector<16xi32>, vector<16xi32>], vector<16xf32>,
      %mul3A_1102 = arith.constant 16 : i32
      %mul3A_1103 = arith.muli %scan3A_536, %mul3A_1102 : i32
      %swap3A_1104 = arith.constant 1 : i32
      %swap3A_1105 = arith.index_cast %swap3A_1104 : i32 to index
      %swap3A_1106 = arith.index_cast %mul3A_1103 : i32 to index
      %swap3A_1107 = tpu.vector_load %arg7[%swap3A_1105, %swap3A_1106] {strides = array<i32>} : memref<64x512xf32, #tpu.memory_space<vmem>>, vector<16xf32>,
      tpu.vector_store %arg7[%swap3A_1105, %swap3A_1106], %gather3A_1101 {strides = array<i32>} : memref<64x512xf32, #tpu.memory_space<vmem>>, vector<16xf32>,
      %broadcast_in_dim3A_1108 = arith.constant 2 : i32
      %broadcast_in_dim3A_1109 = vector.broadcast %broadcast_in_dim3A_1108 : i32 to vector<16xi32>
      %gather3A_1110 = arith.constant 0 : i32
      %gather3A_1111 = arith.constant 0 : i32
      %gather3A_1112 = arith.constant 0 : i32
      %gather3A_1113 = arith.constant 0 : i32
      %gather3A_1114 = tpu.memref_slice %arg6[%gather3A_1110, %gather3A_1111, %gather3A_1112, %gather3A_1113] : memref<2x16x16x128xf32, #tpu.memory_space<vmem>> -> memref<1x16x16x128xf32, #tpu.memory_space<vmem>>
      %gather3A_1115 = tpu.memref_squeeze %gather3A_1114 : memref<1x16x16x128xf32, #tpu.memory_space<vmem>> -> memref<16x16x128xf32, #tpu.memory_space<vmem>>
      %gather3A_1116 = tpu.vector_load_idx %gather3A_1115[%iota3A, %broadcast_in_dim3A_1109, %and3A_542] : memref<16x16x128xf32, #tpu.memory_space<vmem>>[vector<16xi32>, vector<16xi32>, vector<16xi32>], vector<16xf32>,
      %mul3A_1117 = arith.constant 16 : i32
      %mul3A_1118 = arith.muli %scan3A_536, %mul3A_1117 : i32
      %swap3A_1119 = arith.constant 2 : i32
      %swap3A_1120 = arith.index_cast %swap3A_1119 : i32 to index
      %swap3A_1121 = arith.index_cast %mul3A_1118 : i32 to index
      %swap3A_1122 = tpu.vector_load %arg7[%swap3A_1120, %swap3A_1121] {strides = array<i32>} : memref<64x512xf32, #tpu.memory_space<vmem>>, vector<16xf32>,
      tpu.vector_store %arg7[%swap3A_1120, %swap3A_1121], %gather3A_1116 {strides = array<i32>} : memref<64x512xf32, #tpu.memory_space<vmem>>, vector<16xf32>,
      %broadcast_in_dim3A_1123 = arith.constant 3 : i32
      %broadcast_in_dim3A_1124 = vector.broadcast %broadcast_in_dim3A_1123 : i32 to vector<16xi32>
      %gather3A_1125 = arith.constant 0 : i32
      %gather3A_1126 = arith.constant 0 : i32
      %gather3A_1127 = arith.constant 0 : i32
      %gather3A_1128 = arith.constant 0 : i32
      %gather3A_1129 = tpu.memref_slice %arg6[%gather3A_1125, %gather3A_1126, %gather3A_1127, %gather3A_1128] : memref<2x16x16x128xf32, #tpu.memory_space<vmem>> -> memref<1x16x16x128xf32, #tpu.memory_space<vmem>>
      %gather3A_1130 = tpu.memref_squeeze %gather3A_1129 : memref<1x16x16x128xf32, #tpu.memory_space<vmem>> -> memref<16x16x128xf32, #tpu.memory_space<vmem>>
      %gather3A_1131 = tpu.vector_load_idx %gather3A_1130[%iota3A, %broadcast_in_dim3A_1124, %and3A_542] : memref<16x16x128xf32, #tpu.memory_space<vmem>>[vector<16xi32>, vector<16xi32>, vector<16xi32>], vector<16xf32>,
      %mul3A_1132 = arith.constant 16 : i32
      %mul3A_1133 = arith.muli %scan3A_536, %mul3A_1132 : i32
      %swap3A_1134 = arith.constant 3 : i32
      %swap3A_1135 = arith.index_cast %swap3A_1134 : i32 to index
      %swap3A_1136 = arith.index_cast %mul3A_1133 : i32 to index
      %swap3A_1137 = tpu.vector_load %arg7[%swap3A_1135, %swap3A_1136] {strides = array<i32>} : memref<64x512xf32, #tpu.memory_space<vmem>>, vector<16xf32>,
      tpu.vector_store %arg7[%swap3A_1135, %swap3A_1136], %gather3A_1131 {strides = array<i32>} : memref<64x512xf32, #tpu.memory_space<vmem>>, vector<16xf32>,
      %broadcast_in_dim3A_1138 = arith.constant 4 : i32
      %broadcast_in_dim3A_1139 = vector.broadcast %broadcast_in_dim3A_1138 : i32 to vector<16xi32>
      %gather3A_1140 = arith.constant 0 : i32
      %gather3A_1141 = arith.constant 0 : i32
      %gather3A_1142 = arith.constant 0 : i32
      %gather3A_1143 = arith.constant 0 : i32
      %gather3A_1144 = tpu.memref_slice %arg6[%gather3A_1140, %gather3A_1141, %gather3A_1142, %gather3A_1143] : memref<2x16x16x128xf32, #tpu.memory_space<vmem>> -> memref<1x16x16x128xf32, #tpu.memory_space<vmem>>
      %gather3A_1145 = tpu.memref_squeeze %gather3A_1144 : memref<1x16x16x128xf32, #tpu.memory_space<vmem>> -> memref<16x16x128xf32, #tpu.memory_space<vmem>>
      %gather3A_1146 = tpu.vector_load_idx %gather3A_1145[%iota3A, %broadcast_in_dim3A_1139, %and3A_542] : memref<16x16x128xf32, #tpu.memory_space<vmem>>[vector<16xi32>, vector<16xi32>, vector<16xi32>], vector<16xf32>,
      %mul3A_1147 = arith.constant 16 : i32
      %mul3A_1148 = arith.muli %scan3A_536, %mul3A_1147 : i32
      %swap3A_1149 = arith.constant 4 : i32
      %swap3A_1150 = arith.index_cast %swap3A_1149 : i32 to index
      %swap3A_1151 = arith.index_cast %mul3A_1148 : i32 to index
      %swap3A_1152 = tpu.vector_load %arg7[%swap3A_1150, %swap3A_1151] {strides = array<i32>} : memref<64x512xf32, #tpu.memory_space<vmem>>, vector<16xf32>,
      tpu.vector_store %arg7[%swap3A_1150, %swap3A_1151], %gather3A_1146 {strides = array<i32>} : memref<64x512xf32, #tpu.memory_space<vmem>>, vector<16xf32>,
      %broadcast_in_dim3A_1153 = arith.constant 5 : i32
      %broadcast_in_dim3A_1154 = vector.broadcast %broadcast_in_dim3A_1153 : i32 to vector<16xi32>
      %gather3A_1155 = arith.constant 0 : i32
      %gather3A_1156 = arith.constant 0 : i32
      %gather3A_1157 = arith.constant 0 : i32
      %gather3A_1158 = arith.constant 0 : i32
      %gather3A_1159 = tpu.memref_slice %arg6[%gather3A_1155, %gather3A_1156, %gather3A_1157, %gather3A_1158] : memref<2x16x16x128xf32, #tpu.memory_space<vmem>> -> memref<1x16x16x128xf32, #tpu.memory_space<vmem>>
      %gather3A_1160 = tpu.memref_squeeze %gather3A_1159 : memref<1x16x16x128xf32, #tpu.memory_space<vmem>> -> memref<16x16x128xf32, #tpu.memory_space<vmem>>
      %gather3A_1161 = tpu.vector_load_idx %gather3A_1160[%iota3A, %broadcast_in_dim3A_1154, %and3A_542] : memref<16x16x128xf32, #tpu.memory_space<vmem>>[vector<16xi32>, vector<16xi32>, vector<16xi32>], vector<16xf32>,
      %mul3A_1162 = arith.constant 16 : i32
      %mul3A_1163 = arith.muli %scan3A_536, %mul3A_1162 : i32
      %swap3A_1164 = arith.constant 5 : i32
      %swap3A_1165 = arith.index_cast %swap3A_1164 : i32 to index
      %swap3A_1166 = arith.index_cast %mul3A_1163 : i32 to index
      %swap3A_1167 = tpu.vector_load %arg7[%swap3A_1165, %swap3A_1166] {strides = array<i32>} : memref<64x512xf32, #tpu.memory_space<vmem>>, vector<16xf32>,
      tpu.vector_store %arg7[%swap3A_1165, %swap3A_1166], %gather3A_1161 {strides = array<i32>} : memref<64x512xf32, #tpu.memory_space<vmem>>, vector<16xf32>,
      %broadcast_in_dim3A_1168 = arith.constant 6 : i32
      %broadcast_in_dim3A_1169 = vector.broadcast %broadcast_in_dim3A_1168 : i32 to vector<16xi32>
      %gather3A_1170 = arith.constant 0 : i32
      %gather3A_1171 = arith.constant 0 : i32
      %gather3A_1172 = arith.constant 0 : i32
      %gather3A_1173 = arith.constant 0 : i32
      %gather3A_1174 = tpu.memref_slice %arg6[%gather3A_1170, %gather3A_1171, %gather3A_1172, %gather3A_1173] : memref<2x16x16x128xf32, #tpu.memory_space<vmem>> -> memref<1x16x16x128xf32, #tpu.memory_space<vmem>>
      %gather3A_1175 = tpu.memref_squeeze %gather3A_1174 : memref<1x16x16x128xf32, #tpu.memory_space<vmem>> -> memref<16x16x128xf32, #tpu.memory_space<vmem>>
      %gather3A_1176 = tpu.vector_load_idx %gather3A_1175[%iota3A, %broadcast_in_dim3A_1169, %and3A_542] : memref<16x16x128xf32, #tpu.memory_space<vmem>>[vector<16xi32>, vector<16xi32>, vector<16xi32>], vector<16xf32>,
      %mul3A_1177 = arith.constant 16 : i32
      %mul3A_1178 = arith.muli %scan3A_536, %mul3A_1177 : i32
      %swap3A_1179 = arith.constant 6 : i32
      %swap3A_1180 = arith.index_cast %swap3A_1179 : i32 to index
      %swap3A_1181 = arith.index_cast %mul3A_1178 : i32 to index
      %swap3A_1182 = tpu.vector_load %arg7[%swap3A_1180, %swap3A_1181] {strides = array<i32>} : memref<64x512xf32, #tpu.memory_space<vmem>>, vector<16xf32>,
      tpu.vector_store %arg7[%swap3A_1180, %swap3A_1181], %gather3A_1176 {strides = array<i32>} : memref<64x512xf32, #tpu.memory_space<vmem>>, vector<16xf32>,
      %broadcast_in_dim3A_1183 = arith.constant 7 : i32
      %broadcast_in_dim3A_1184 = vector.broadcast %broadcast_in_dim3A_1183 : i32 to vector<16xi32>
      %gather3A_1185 = arith.constant 0 : i32
      %gather3A_1186 = arith.constant 0 : i32
      %gather3A_1187 = arith.constant 0 : i32
      %gather3A_1188 = arith.constant 0 : i32
      %gather3A_1189 = tpu.memref_slice %arg6[%gather3A_1185, %gather3A_1186, %gather3A_1187, %gather3A_1188] : memref<2x16x16x128xf32, #tpu.memory_space<vmem>> -> memref<1x16x16x128xf32, #tpu.memory_space<vmem>>
      %gather3A_1190 = tpu.memref_squeeze %gather3A_1189 : memref<1x16x16x128xf32, #tpu.memory_space<vmem>> -> memref<16x16x128xf32, #tpu.memory_space<vmem>>
      %gather3A_1191 = tpu.vector_load_idx %gather3A_1190[%iota3A, %broadcast_in_dim3A_1184, %and3A_542] : memref<16x16x128xf32, #tpu.memory_space<vmem>>[vector<16xi32>, vector<16xi32>, vector<16xi32>], vector<16xf32>,
      %mul3A_1192 = arith.constant 16 : i32
      %mul3A_1193 = arith.muli %scan3A_536, %mul3A_1192 : i32
      %swap3A_1194 = arith.constant 7 : i32
      %swap3A_1195 = arith.index_cast %swap3A_1194 : i32 to index
      %swap3A_1196 = arith.index_cast %mul3A_1193 : i32 to index
      %swap3A_1197 = tpu.vector_load %arg7[%swap3A_1195, %swap3A_1196] {strides = array<i32>} : memref<64x512xf32, #tpu.memory_space<vmem>>, vector<16xf32>,
      tpu.vector_store %arg7[%swap3A_1195, %swap3A_1196], %gather3A_1191 {strides = array<i32>} : memref<64x512xf32, #tpu.memory_space<vmem>>, vector<16xf32>,
      %broadcast_in_dim3A_1198 = arith.constant 8 : i32
      %broadcast_in_dim3A_1199 = vector.broadcast %broadcast_in_dim3A_1198 : i32 to vector<16xi32>
      %gather3A_1200 = arith.constant 0 : i32
      %gather3A_1201 = arith.constant 0 : i32
      %gather3A_1202 = arith.constant 0 : i32
      %gather3A_1203 = arith.constant 0 : i32
      %gather3A_1204 = tpu.memref_slice %arg6[%gather3A_1200, %gather3A_1201, %gather3A_1202, %gather3A_1203] : memref<2x16x16x128xf32, #tpu.memory_space<vmem>> -> memref<1x16x16x128xf32, #tpu.memory_space<vmem>>
      %gather3A_1205 = tpu.memref_squeeze %gather3A_1204 : memref<1x16x16x128xf32, #tpu.memory_space<vmem>> -> memref<16x16x128xf32, #tpu.memory_space<vmem>>
      %gather3A_1206 = tpu.vector_load_idx %gather3A_1205[%iota3A, %broadcast_in_dim3A_1199, %and3A_542] : memref<16x16x128xf32, #tpu.memory_space<vmem>>[vector<16xi32>, vector<16xi32>, vector<16xi32>], vector<16xf32>,
      %mul3A_1207 = arith.constant 16 : i32
      %mul3A_1208 = arith.muli %scan3A_536, %mul3A_1207 : i32
      %swap3A_1209 = arith.constant 8 : i32
      %swap3A_1210 = arith.index_cast %swap3A_1209 : i32 to index
      %swap3A_1211 = arith.index_cast %mul3A_1208 : i32 to index
      %swap3A_1212 = tpu.vector_load %arg7[%swap3A_1210, %swap3A_1211] {strides = array<i32>} : memref<64x512xf32, #tpu.memory_space<vmem>>, vector<16xf32>,
      tpu.vector_store %arg7[%swap3A_1210, %swap3A_1211], %gather3A_1206 {strides = array<i32>} : memref<64x512xf32, #tpu.memory_space<vmem>>, vector<16xf32>,
      %broadcast_in_dim3A_1213 = arith.constant 9 : i32
      %broadcast_in_dim3A_1214 = vector.broadcast %broadcast_in_dim3A_1213 : i32 to vector<16xi32>
      %gather3A_1215 = arith.constant 0 : i32
      %gather3A_1216 = arith.constant 0 : i32
      %gather3A_1217 = arith.constant 0 : i32
      %gather3A_1218 = arith.constant 0 : i32
      %gather3A_1219 = tpu.memref_slice %arg6[%gather3A_1215, %gather3A_1216, %gather3A_1217, %gather3A_1218] : memref<2x16x16x128xf32, #tpu.memory_space<vmem>> -> memref<1x16x16x128xf32, #tpu.memory_space<vmem>>
      %gather3A_1220 = tpu.memref_squeeze %gather3A_1219 : memref<1x16x16x128xf32, #tpu.memory_space<vmem>> -> memref<16x16x128xf32, #tpu.memory_space<vmem>>
      %gather3A_1221 = tpu.vector_load_idx %gather3A_1220[%iota3A, %broadcast_in_dim3A_1214, %and3A_542] : memref<16x16x128xf32, #tpu.memory_space<vmem>>[vector<16xi32>, vector<16xi32>, vector<16xi32>], vector<16xf32>,
      %mul3A_1222 = arith.constant 16 : i32
      %mul3A_1223 = arith.muli %scan3A_536, %mul3A_1222 : i32
      %swap3A_1224 = arith.constant 9 : i32
      %swap3A_1225 = arith.index_cast %swap3A_1224 : i32 to index
      %swap3A_1226 = arith.index_cast %mul3A_1223 : i32 to index
      %swap3A_1227 = tpu.vector_load %arg7[%swap3A_1225, %swap3A_1226] {strides = array<i32>} : memref<64x512xf32, #tpu.memory_space<vmem>>, vector<16xf32>,
      tpu.vector_store %arg7[%swap3A_1225, %swap3A_1226], %gather3A_1221 {strides = array<i32>} : memref<64x512xf32, #tpu.memory_space<vmem>>, vector<16xf32>,
      %broadcast_in_dim3A_1228 = arith.constant 10 : i32
      %broadcast_in_dim3A_1229 = vector.broadcast %broadcast_in_dim3A_1228 : i32 to vector<16xi32>
      %gather3A_1230 = arith.constant 0 : i32
      %gather3A_1231 = arith.constant 0 : i32
      %gather3A_1232 = arith.constant 0 : i32
      %gather3A_1233 = arith.constant 0 : i32
      %gather3A_1234 = tpu.memref_slice %arg6[%gather3A_1230, %gather3A_1231, %gather3A_1232, %gather3A_1233] : memref<2x16x16x128xf32, #tpu.memory_space<vmem>> -> memref<1x16x16x128xf32, #tpu.memory_space<vmem>>
      %gather3A_1235 = tpu.memref_squeeze %gather3A_1234 : memref<1x16x16x128xf32, #tpu.memory_space<vmem>> -> memref<16x16x128xf32, #tpu.memory_space<vmem>>
      %gather3A_1236 = tpu.vector_load_idx %gather3A_1235[%iota3A, %broadcast_in_dim3A_1229, %and3A_542] : memref<16x16x128xf32, #tpu.memory_space<vmem>>[vector<16xi32>, vector<16xi32>, vector<16xi32>], vector<16xf32>,
      %mul3A_1237 = arith.constant 16 : i32
      %mul3A_1238 = arith.muli %scan3A_536, %mul3A_1237 : i32
      %swap3A_1239 = arith.constant 10 : i32
      %swap3A_1240 = arith.index_cast %swap3A_1239 : i32 to index
      %swap3A_1241 = arith.index_cast %mul3A_1238 : i32 to index
      %swap3A_1242 = tpu.vector_load %arg7[%swap3A_1240, %swap3A_1241] {strides = array<i32>} : memref<64x512xf32, #tpu.memory_space<vmem>>, vector<16xf32>,
      tpu.vector_store %arg7[%swap3A_1240, %swap3A_1241], %gather3A_1236 {strides = array<i32>} : memref<64x512xf32, #tpu.memory_space<vmem>>, vector<16xf32>,
      %broadcast_in_dim3A_1243 = arith.constant 11 : i32
      %broadcast_in_dim3A_1244 = vector.broadcast %broadcast_in_dim3A_1243 : i32 to vector<16xi32>
      %gather3A_1245 = arith.constant 0 : i32
      %gather3A_1246 = arith.constant 0 : i32
      %gather3A_1247 = arith.constant 0 : i32
      %gather3A_1248 = arith.constant 0 : i32
      %gather3A_1249 = tpu.memref_slice %arg6[%gather3A_1245, %gather3A_1246, %gather3A_1247, %gather3A_1248] : memref<2x16x16x128xf32, #tpu.memory_space<vmem>> -> memref<1x16x16x128xf32, #tpu.memory_space<vmem>>
      %gather3A_1250 = tpu.memref_squeeze %gather3A_1249 : memref<1x16x16x128xf32, #tpu.memory_space<vmem>> -> memref<16x16x128xf32, #tpu.memory_space<vmem>>
      %gather3A_1251 = tpu.vector_load_idx %gather3A_1250[%iota3A, %broadcast_in_dim3A_1244, %and3A_542] : memref<16x16x128xf32, #tpu.memory_space<vmem>>[vector<16xi32>, vector<16xi32>, vector<16xi32>], vector<16xf32>,
      %mul3A_1252 = arith.constant 16 : i32
      %mul3A_1253 = arith.muli %scan3A_536, %mul3A_1252 : i32
      %swap3A_1254 = arith.constant 11 : i32
      %swap3A_1255 = arith.index_cast %swap3A_1254 : i32 to index
      %swap3A_1256 = arith.index_cast %mul3A_1253 : i32 to index
      %swap3A_1257 = tpu.vector_load %arg7[%swap3A_1255, %swap3A_1256] {strides = array<i32>} : memref<64x512xf32, #tpu.memory_space<vmem>>, vector<16xf32>,
      tpu.vector_store %arg7[%swap3A_1255, %swap3A_1256], %gather3A_1251 {strides = array<i32>} : memref<64x512xf32, #tpu.memory_space<vmem>>, vector<16xf32>,
      %broadcast_in_dim3A_1258 = arith.constant 12 : i32
      %broadcast_in_dim3A_1259 = vector.broadcast %broadcast_in_dim3A_1258 : i32 to vector<16xi32>
      %gather3A_1260 = arith.constant 0 : i32
      %gather3A_1261 = arith.constant 0 : i32
      %gather3A_1262 = arith.constant 0 : i32
      %gather3A_1263 = arith.constant 0 : i32
      %gather3A_1264 = tpu.memref_slice %arg6[%gather3A_1260, %gather3A_1261, %gather3A_1262, %gather3A_1263] : memref<2x16x16x128xf32, #tpu.memory_space<vmem>> -> memref<1x16x16x128xf32, #tpu.memory_space<vmem>>
      %gather3A_1265 = tpu.memref_squeeze %gather3A_1264 : memref<1x16x16x128xf32, #tpu.memory_space<vmem>> -> memref<16x16x128xf32, #tpu.memory_space<vmem>>
      %gather3A_1266 = tpu.vector_load_idx %gather3A_1265[%iota3A, %broadcast_in_dim3A_1259, %and3A_542] : memref<16x16x128xf32, #tpu.memory_space<vmem>>[vector<16xi32>, vector<16xi32>, vector<16xi32>], vector<16xf32>,
      %mul3A_1267 = arith.constant 16 : i32
      %mul3A_1268 = arith.muli %scan3A_536, %mul3A_1267 : i32
      %swap3A_1269 = arith.constant 12 : i32
      %swap3A_1270 = arith.index_cast %swap3A_1269 : i32 to index
      %swap3A_1271 = arith.index_cast %mul3A_1268 : i32 to index
      %swap3A_1272 = tpu.vector_load %arg7[%swap3A_1270, %swap3A_1271] {strides = array<i32>} : memref<64x512xf32, #tpu.memory_space<vmem>>, vector<16xf32>,
      tpu.vector_store %arg7[%swap3A_1270, %swap3A_1271], %gather3A_1266 {strides = array<i32>} : memref<64x512xf32, #tpu.memory_space<vmem>>, vector<16xf32>,
      %broadcast_in_dim3A_1273 = arith.constant 13 : i32
      %broadcast_in_dim3A_1274 = vector.broadcast %broadcast_in_dim3A_1273 : i32 to vector<16xi32>
      %gather3A_1275 = arith.constant 0 : i32
      %gather3A_1276 = arith.constant 0 : i32
      %gather3A_1277 = arith.constant 0 : i32
      %gather3A_1278 = arith.constant 0 : i32
      %gather3A_1279 = tpu.memref_slice %arg6[%gather3A_1275, %gather3A_1276, %gather3A_1277, %gather3A_1278] : memref<2x16x16x128xf32, #tpu.memory_space<vmem>> -> memref<1x16x16x128xf32, #tpu.memory_space<vmem>>
      %gather3A_1280 = tpu.memref_squeeze %gather3A_1279 : memref<1x16x16x128xf32, #tpu.memory_space<vmem>> -> memref<16x16x128xf32, #tpu.memory_space<vmem>>
      %gather3A_1281 = tpu.vector_load_idx %gather3A_1280[%iota3A, %broadcast_in_dim3A_1274, %and3A_542] : memref<16x16x128xf32, #tpu.memory_space<vmem>>[vector<16xi32>, vector<16xi32>, vector<16xi32>], vector<16xf32>,
      %mul3A_1282 = arith.constant 16 : i32
      %mul3A_1283 = arith.muli %scan3A_536, %mul3A_1282 : i32
      %swap3A_1284 = arith.constant 13 : i32
      %swap3A_1285 = arith.index_cast %swap3A_1284 : i32 to index
      %swap3A_1286 = arith.index_cast %mul3A_1283 : i32 to index
      %swap3A_1287 = tpu.vector_load %arg7[%swap3A_1285, %swap3A_1286] {strides = array<i32>} : memref<64x512xf32, #tpu.memory_space<vmem>>, vector<16xf32>,
      tpu.vector_store %arg7[%swap3A_1285, %swap3A_1286], %gather3A_1281 {strides = array<i32>} : memref<64x512xf32, #tpu.memory_space<vmem>>, vector<16xf32>,
      %broadcast_in_dim3A_1288 = arith.constant 14 : i32
      %broadcast_in_dim3A_1289 = vector.broadcast %broadcast_in_dim3A_1288 : i32 to vector<16xi32>
      %gather3A_1290 = arith.constant 0 : i32
      %gather3A_1291 = arith.constant 0 : i32
      %gather3A_1292 = arith.constant 0 : i32
      %gather3A_1293 = arith.constant 0 : i32
      %gather3A_1294 = tpu.memref_slice %arg6[%gather3A_1290, %gather3A_1291, %gather3A_1292, %gather3A_1293] : memref<2x16x16x128xf32, #tpu.memory_space<vmem>> -> memref<1x16x16x128xf32, #tpu.memory_space<vmem>>
      %gather3A_1295 = tpu.memref_squeeze %gather3A_1294 : memref<1x16x16x128xf32, #tpu.memory_space<vmem>> -> memref<16x16x128xf32, #tpu.memory_space<vmem>>
      %gather3A_1296 = tpu.vector_load_idx %gather3A_1295[%iota3A, %broadcast_in_dim3A_1289, %and3A_542] : memref<16x16x128xf32, #tpu.memory_space<vmem>>[vector<16xi32>, vector<16xi32>, vector<16xi32>], vector<16xf32>,
      %mul3A_1297 = arith.constant 16 : i32
      %mul3A_1298 = arith.muli %scan3A_536, %mul3A_1297 : i32
      %swap3A_1299 = arith.constant 14 : i32
      %swap3A_1300 = arith.index_cast %swap3A_1299 : i32 to index
      %swap3A_1301 = arith.index_cast %mul3A_1298 : i32 to index
      %swap3A_1302 = tpu.vector_load %arg7[%swap3A_1300, %swap3A_1301] {strides = array<i32>} : memref<64x512xf32, #tpu.memory_space<vmem>>, vector<16xf32>,
      tpu.vector_store %arg7[%swap3A_1300, %swap3A_1301], %gather3A_1296 {strides = array<i32>} : memref<64x512xf32, #tpu.memory_space<vmem>>, vector<16xf32>,
      %broadcast_in_dim3A_1303 = arith.constant 15 : i32
      %broadcast_in_dim3A_1304 = vector.broadcast %broadcast_in_dim3A_1303 : i32 to vector<16xi32>
      %gather3A_1305 = arith.constant 0 : i32
      %gather3A_1306 = arith.constant 0 : i32
      %gather3A_1307 = arith.constant 0 : i32
      %gather3A_1308 = arith.constant 0 : i32
      %gather3A_1309 = tpu.memref_slice %arg6[%gather3A_1305, %gather3A_1306, %gather3A_1307, %gather3A_1308] : memref<2x16x16x128xf32, #tpu.memory_space<vmem>> -> memref<1x16x16x128xf32, #tpu.memory_space<vmem>>
      %gather3A_1310 = tpu.memref_squeeze %gather3A_1309 : memref<1x16x16x128xf32, #tpu.memory_space<vmem>> -> memref<16x16x128xf32, #tpu.memory_space<vmem>>
      %gather3A_1311 = tpu.vector_load_idx %gather3A_1310[%iota3A, %broadcast_in_dim3A_1304, %and3A_542] : memref<16x16x128xf32, #tpu.memory_space<vmem>>[vector<16xi32>, vector<16xi32>, vector<16xi32>], vector<16xf32>,
      %mul3A_1312 = arith.constant 16 : i32
      %mul3A_1313 = arith.muli %scan3A_536, %mul3A_1312 : i32
      %swap3A_1314 = arith.constant 15 : i32
      %swap3A_1315 = arith.index_cast %swap3A_1314 : i32 to index
      %swap3A_1316 = arith.index_cast %mul3A_1313 : i32 to index
      %swap3A_1317 = tpu.vector_load %arg7[%swap3A_1315, %swap3A_1316] {strides = array<i32>} : memref<64x512xf32, #tpu.memory_space<vmem>>, vector<16xf32>,
      tpu.vector_store %arg7[%swap3A_1315, %swap3A_1316], %gather3A_1311 {strides = array<i32>} : memref<64x512xf32, #tpu.memory_space<vmem>>, vector<16xf32>,
      %dma_start3A_1318 = arith.constant 0 : i32
      %dma_start3A_1319 = arith.constant 0 : i32
      %dma_start3A_1320 = arith.constant 0 : i32
      %dma_start3A_1321 = arith.constant 0 : i32
      %dma_start3A_1322 = tpu.memref_slice %arg6[%dma_start3A_1318, %dma_start3A_1319, %dma_start3A_1320, %dma_start3A_1321] : memref<2x16x16x128xf32, #tpu.memory_space<vmem>> -> memref<1x1x16x128xf32, #tpu.memory_space<vmem>>
      %dma_start3A_1323 = tpu.memref_squeeze %dma_start3A_1322 : memref<1x1x16x128xf32, #tpu.memory_space<vmem>> -> memref<16x128xf32, #tpu.memory_space<vmem>>
      %dma_start3A_1324 = arith.constant 32 : i32
      %dma_start3A_1325 = tpu.memref_slice %arg3[%dma_start3A_1324, %multiple_of3A_555] : memref<64x1000000xf32, #tpu.memory_space<hbm>> -> memref<16x128xf32, #tpu.memory_space<hbm>>
      %dma_start3A_1326 = arith.constant 0 : i32
      %dma_start3A_1327 = arith.constant 0 : i32
      %dma_start3A_1328 = tpu.memref_slice %arg6[%dma_start3A_1318, %dma_start3A_1319, %dma_start3A_1326, %dma_start3A_1327] : memref<2x16x16x128xf32, #tpu.memory_space<vmem>> -> memref<1x1x16x128xf32, #tpu.memory_space<vmem>>
      %dma_start3A_1329 = tpu.memref_squeeze %dma_start3A_1328 : memref<1x1x16x128xf32, #tpu.memory_space<vmem>> -> memref<16x128xf32, #tpu.memory_space<vmem>>
      %dma_start3A_1330 = arith.constant 32 : i32
      %dma_start3A_1331 = tpu.memref_slice %arg3[%dma_start3A_1330, %multiple_of3A_555] : memref<64x1000000xf32, #tpu.memory_space<hbm>> -> memref<16x128xf32, #tpu.memory_space<hbm>>
      tpu.enqueue_dma source(%dma_start3A_1331 : memref<16x128xf32, #tpu.memory_space<hbm>>) target(%dma_start3A_1329 : memref<16x128xf32, #tpu.memory_space<vmem>>) target_semaphore(%arg8 : memref<!tpu.dma_semaphore, #tpu.memory_space<semaphore_mem>>)
      %dma_start3A_1332 = arith.constant 0 : i32
      %dma_start3A_1333 = arith.constant 1 : i32
      %dma_start3A_1334 = arith.constant 0 : i32
      %dma_start3A_1335 = arith.constant 0 : i32
      %dma_start3A_1336 = tpu.memref_slice %arg6[%dma_start3A_1332, %dma_start3A_1333, %dma_start3A_1334, %dma_start3A_1335] : memref<2x16x16x128xf32, #tpu.memory_space<vmem>> -> memref<1x1x16x128xf32, #tpu.memory_space<vmem>>
      %dma_start3A_1337 = tpu.memref_squeeze %dma_start3A_1336 : memref<1x1x16x128xf32, #tpu.memory_space<vmem>> -> memref<16x128xf32, #tpu.memory_space<vmem>>
      %dma_start3A_1338 = arith.constant 32 : i32
      %dma_start3A_1339 = tpu.memref_slice %arg3[%dma_start3A_1338, %multiple_of3A_558] : memref<64x1000000xf32, #tpu.memory_space<hbm>> -> memref<16x128xf32, #tpu.memory_space<hbm>>
      %dma_start3A_1340 = arith.constant 0 : i32
      %dma_start3A_1341 = arith.constant 0 : i32
      %dma_start3A_1342 = tpu.memref_slice %arg6[%dma_start3A_1332, %dma_start3A_1333, %dma_start3A_1340, %dma_start3A_1341] : memref<2x16x16x128xf32, #tpu.memory_space<vmem>> -> memref<1x1x16x128xf32, #tpu.memory_space<vmem>>
      %dma_start3A_1343 = tpu.memref_squeeze %dma_start3A_1342 : memref<1x1x16x128xf32, #tpu.memory_space<vmem>> -> memref<16x128xf32, #tpu.memory_space<vmem>>
      %dma_start3A_1344 = arith.constant 32 : i32
      %dma_start3A_1345 = tpu.memref_slice %arg3[%dma_start3A_1344, %multiple_of3A_558] : memref<64x1000000xf32, #tpu.memory_space<hbm>> -> memref<16x128xf32, #tpu.memory_space<hbm>>
      tpu.enqueue_dma source(%dma_start3A_1345 : memref<16x128xf32, #tpu.memory_space<hbm>>) target(%dma_start3A_1343 : memref<16x128xf32, #tpu.memory_space<vmem>>) target_semaphore(%arg8 : memref<!tpu.dma_semaphore, #tpu.memory_space<semaphore_mem>>)
      %dma_start3A_1346 = arith.constant 0 : i32
      %dma_start3A_1347 = arith.constant 2 : i32
      %dma_start3A_1348 = arith.constant 0 : i32
      %dma_start3A_1349 = arith.constant 0 : i32
      %dma_start3A_1350 = tpu.memref_slice %arg6[%dma_start3A_1346, %dma_start3A_1347, %dma_start3A_1348, %dma_start3A_1349] : memref<2x16x16x128xf32, #tpu.memory_space<vmem>> -> memref<1x1x16x128xf32, #tpu.memory_space<vmem>>
      %dma_start3A_1351 = tpu.memref_squeeze %dma_start3A_1350 : memref<1x1x16x128xf32, #tpu.memory_space<vmem>> -> memref<16x128xf32, #tpu.memory_space<vmem>>
      %dma_start3A_1352 = arith.constant 32 : i32
      %dma_start3A_1353 = tpu.memref_slice %arg3[%dma_start3A_1352, %multiple_of3A_561] : memref<64x1000000xf32, #tpu.memory_space<hbm>> -> memref<16x128xf32, #tpu.memory_space<hbm>>
      %dma_start3A_1354 = arith.constant 0 : i32
      %dma_start3A_1355 = arith.constant 0 : i32
      %dma_start3A_1356 = tpu.memref_slice %arg6[%dma_start3A_1346, %dma_start3A_1347, %dma_start3A_1354, %dma_start3A_1355] : memref<2x16x16x128xf32, #tpu.memory_space<vmem>> -> memref<1x1x16x128xf32, #tpu.memory_space<vmem>>
      %dma_start3A_1357 = tpu.memref_squeeze %dma_start3A_1356 : memref<1x1x16x128xf32, #tpu.memory_space<vmem>> -> memref<16x128xf32, #tpu.memory_space<vmem>>
      %dma_start3A_1358 = arith.constant 32 : i32
      %dma_start3A_1359 = tpu.memref_slice %arg3[%dma_start3A_1358, %multiple_of3A_561] : memref<64x1000000xf32, #tpu.memory_space<hbm>> -> memref<16x128xf32, #tpu.memory_space<hbm>>
      tpu.enqueue_dma source(%dma_start3A_1359 : memref<16x128xf32, #tpu.memory_space<hbm>>) target(%dma_start3A_1357 : memref<16x128xf32, #tpu.memory_space<vmem>>) target_semaphore(%arg8 : memref<!tpu.dma_semaphore, #tpu.memory_space<semaphore_mem>>)
      %dma_start3A_1360 = arith.constant 0 : i32
      %dma_start3A_1361 = arith.constant 3 : i32
      %dma_start3A_1362 = arith.constant 0 : i32
      %dma_start3A_1363 = arith.constant 0 : i32
      %dma_start3A_1364 = tpu.memref_slice %arg6[%dma_start3A_1360, %dma_start3A_1361, %dma_start3A_1362, %dma_start3A_1363] : memref<2x16x16x128xf32, #tpu.memory_space<vmem>> -> memref<1x1x16x128xf32, #tpu.memory_space<vmem>>
      %dma_start3A_1365 = tpu.memref_squeeze %dma_start3A_1364 : memref<1x1x16x128xf32, #tpu.memory_space<vmem>> -> memref<16x128xf32, #tpu.memory_space<vmem>>
      %dma_start3A_1366 = arith.constant 32 : i32
      %dma_start3A_1367 = tpu.memref_slice %arg3[%dma_start3A_1366, %multiple_of3A_564] : memref<64x1000000xf32, #tpu.memory_space<hbm>> -> memref<16x128xf32, #tpu.memory_space<hbm>>
      %dma_start3A_1368 = arith.constant 0 : i32
      %dma_start3A_1369 = arith.constant 0 : i32
      %dma_start3A_1370 = tpu.memref_slice %arg6[%dma_start3A_1360, %dma_start3A_1361, %dma_start3A_1368, %dma_start3A_1369] : memref<2x16x16x128xf32, #tpu.memory_space<vmem>> -> memref<1x1x16x128xf32, #tpu.memory_space<vmem>>
      %dma_start3A_1371 = tpu.memref_squeeze %dma_start3A_1370 : memref<1x1x16x128xf32, #tpu.memory_space<vmem>> -> memref<16x128xf32, #tpu.memory_space<vmem>>
      %dma_start3A_1372 = arith.constant 32 : i32
      %dma_start3A_1373 = tpu.memref_slice %arg3[%dma_start3A_1372, %multiple_of3A_564] : memref<64x1000000xf32, #tpu.memory_space<hbm>> -> memref<16x128xf32, #tpu.memory_space<hbm>>
      tpu.enqueue_dma source(%dma_start3A_1373 : memref<16x128xf32, #tpu.memory_space<hbm>>) target(%dma_start3A_1371 : memref<16x128xf32, #tpu.memory_space<vmem>>) target_semaphore(%arg8 : memref<!tpu.dma_semaphore, #tpu.memory_space<semaphore_mem>>)
      %dma_start3A_1374 = arith.constant 0 : i32
      %dma_start3A_1375 = arith.constant 4 : i32
      %dma_start3A_1376 = arith.constant 0 : i32
      %dma_start3A_1377 = arith.constant 0 : i32
      %dma_start3A_1378 = tpu.memref_slice %arg6[%dma_start3A_1374, %dma_start3A_1375, %dma_start3A_1376, %dma_start3A_1377] : memref<2x16x16x128xf32, #tpu.memory_space<vmem>> -> memref<1x1x16x128xf32, #tpu.memory_space<vmem>>
      %dma_start3A_1379 = tpu.memref_squeeze %dma_start3A_1378 : memref<1x1x16x128xf32, #tpu.memory_space<vmem>> -> memref<16x128xf32, #tpu.memory_space<vmem>>
      %dma_start3A_1380 = arith.constant 32 : i32
      %dma_start3A_1381 = tpu.memref_slice %arg3[%dma_start3A_1380, %multiple_of3A_567] : memref<64x1000000xf32, #tpu.memory_space<hbm>> -> memref<16x128xf32, #tpu.memory_space<hbm>>
      %dma_start3A_1382 = arith.constant 0 : i32
      %dma_start3A_1383 = arith.constant 0 : i32
      %dma_start3A_1384 = tpu.memref_slice %arg6[%dma_start3A_1374, %dma_start3A_1375, %dma_start3A_1382, %dma_start3A_1383] : memref<2x16x16x128xf32, #tpu.memory_space<vmem>> -> memref<1x1x16x128xf32, #tpu.memory_space<vmem>>
      %dma_start3A_1385 = tpu.memref_squeeze %dma_start3A_1384 : memref<1x1x16x128xf32, #tpu.memory_space<vmem>> -> memref<16x128xf32, #tpu.memory_space<vmem>>
      %dma_start3A_1386 = arith.constant 32 : i32
      %dma_start3A_1387 = tpu.memref_slice %arg3[%dma_start3A_1386, %multiple_of3A_567] : memref<64x1000000xf32, #tpu.memory_space<hbm>> -> memref<16x128xf32, #tpu.memory_space<hbm>>
      tpu.enqueue_dma source(%dma_start3A_1387 : memref<16x128xf32, #tpu.memory_space<hbm>>) target(%dma_start3A_1385 : memref<16x128xf32, #tpu.memory_space<vmem>>) target_semaphore(%arg8 : memref<!tpu.dma_semaphore, #tpu.memory_space<semaphore_mem>>)
      %dma_start3A_1388 = arith.constant 0 : i32
      %dma_start3A_1389 = arith.constant 5 : i32
      %dma_start3A_1390 = arith.constant 0 : i32
      %dma_start3A_1391 = arith.constant 0 : i32
      %dma_start3A_1392 = tpu.memref_slice %arg6[%dma_start3A_1388, %dma_start3A_1389, %dma_start3A_1390, %dma_start3A_1391] : memref<2x16x16x128xf32, #tpu.memory_space<vmem>> -> memref<1x1x16x128xf32, #tpu.memory_space<vmem>>
      %dma_start3A_1393 = tpu.memref_squeeze %dma_start3A_1392 : memref<1x1x16x128xf32, #tpu.memory_space<vmem>> -> memref<16x128xf32, #tpu.memory_space<vmem>>
      %dma_start3A_1394 = arith.constant 32 : i32
      %dma_start3A_1395 = tpu.memref_slice %arg3[%dma_start3A_1394, %multiple_of3A_570] : memref<64x1000000xf32, #tpu.memory_space<hbm>> -> memref<16x128xf32, #tpu.memory_space<hbm>>
      %dma_start3A_1396 = arith.constant 0 : i32
      %dma_start3A_1397 = arith.constant 0 : i32
      %dma_start3A_1398 = tpu.memref_slice %arg6[%dma_start3A_1388, %dma_start3A_1389, %dma_start3A_1396, %dma_start3A_1397] : memref<2x16x16x128xf32, #tpu.memory_space<vmem>> -> memref<1x1x16x128xf32, #tpu.memory_space<vmem>>
      %dma_start3A_1399 = tpu.memref_squeeze %dma_start3A_1398 : memref<1x1x16x128xf32, #tpu.memory_space<vmem>> -> memref<16x128xf32, #tpu.memory_space<vmem>>
      %dma_start3A_1400 = arith.constant 32 : i32
      %dma_start3A_1401 = tpu.memref_slice %arg3[%dma_start3A_1400, %multiple_of3A_570] : memref<64x1000000xf32, #tpu.memory_space<hbm>> -> memref<16x128xf32, #tpu.memory_space<hbm>>
      tpu.enqueue_dma source(%dma_start3A_1401 : memref<16x128xf32, #tpu.memory_space<hbm>>) target(%dma_start3A_1399 : memref<16x128xf32, #tpu.memory_space<vmem>>) target_semaphore(%arg8 : memref<!tpu.dma_semaphore, #tpu.memory_space<semaphore_mem>>)
      %dma_start3A_1402 = arith.constant 0 : i32
      %dma_start3A_1403 = arith.constant 6 : i32
      %dma_start3A_1404 = arith.constant 0 : i32
      %dma_start3A_1405 = arith.constant 0 : i32
      %dma_start3A_1406 = tpu.memref_slice %arg6[%dma_start3A_1402, %dma_start3A_1403, %dma_start3A_1404, %dma_start3A_1405] : memref<2x16x16x128xf32, #tpu.memory_space<vmem>> -> memref<1x1x16x128xf32, #tpu.memory_space<vmem>>
      %dma_start3A_1407 = tpu.memref_squeeze %dma_start3A_1406 : memref<1x1x16x128xf32, #tpu.memory_space<vmem>> -> memref<16x128xf32, #tpu.memory_space<vmem>>
      %dma_start3A_1408 = arith.constant 32 : i32
      %dma_start3A_1409 = tpu.memref_slice %arg3[%dma_start3A_1408, %multiple_of3A_573] : memref<64x1000000xf32, #tpu.memory_space<hbm>> -> memref<16x128xf32, #tpu.memory_space<hbm>>
      %dma_start3A_1410 = arith.constant 0 : i32
      %dma_start3A_1411 = arith.constant 0 : i32
      %dma_start3A_1412 = tpu.memref_slice %arg6[%dma_start3A_1402, %dma_start3A_1403, %dma_start3A_1410, %dma_start3A_1411] : memref<2x16x16x128xf32, #tpu.memory_space<vmem>> -> memref<1x1x16x128xf32, #tpu.memory_space<vmem>>
      %dma_start3A_1413 = tpu.memref_squeeze %dma_start3A_1412 : memref<1x1x16x128xf32, #tpu.memory_space<vmem>> -> memref<16x128xf32, #tpu.memory_space<vmem>>
      %dma_start3A_1414 = arith.constant 32 : i32
      %dma_start3A_1415 = tpu.memref_slice %arg3[%dma_start3A_1414, %multiple_of3A_573] : memref<64x1000000xf32, #tpu.memory_space<hbm>> -> memref<16x128xf32, #tpu.memory_space<hbm>>
      tpu.enqueue_dma source(%dma_start3A_1415 : memref<16x128xf32, #tpu.memory_space<hbm>>) target(%dma_start3A_1413 : memref<16x128xf32, #tpu.memory_space<vmem>>) target_semaphore(%arg8 : memref<!tpu.dma_semaphore, #tpu.memory_space<semaphore_mem>>)
      %dma_start3A_1416 = arith.constant 0 : i32
      %dma_start3A_1417 = arith.constant 7 : i32
      %dma_start3A_1418 = arith.constant 0 : i32
      %dma_start3A_1419 = arith.constant 0 : i32
      %dma_start3A_1420 = tpu.memref_slice %arg6[%dma_start3A_1416, %dma_start3A_1417, %dma_start3A_1418, %dma_start3A_1419] : memref<2x16x16x128xf32, #tpu.memory_space<vmem>> -> memref<1x1x16x128xf32, #tpu.memory_space<vmem>>
      %dma_start3A_1421 = tpu.memref_squeeze %dma_start3A_1420 : memref<1x1x16x128xf32, #tpu.memory_space<vmem>> -> memref<16x128xf32, #tpu.memory_space<vmem>>
      %dma_start3A_1422 = arith.constant 32 : i32
      %dma_start3A_1423 = tpu.memref_slice %arg3[%dma_start3A_1422, %multiple_of3A_576] : memref<64x1000000xf32, #tpu.memory_space<hbm>> -> memref<16x128xf32, #tpu.memory_space<hbm>>
      %dma_start3A_1424 = arith.constant 0 : i32
      %dma_start3A_1425 = arith.constant 0 : i32
      %dma_start3A_1426 = tpu.memref_slice %arg6[%dma_start3A_1416, %dma_start3A_1417, %dma_start3A_1424, %dma_start3A_1425] : memref<2x16x16x128xf32, #tpu.memory_space<vmem>> -> memref<1x1x16x128xf32, #tpu.memory_space<vmem>>
      %dma_start3A_1427 = tpu.memref_squeeze %dma_start3A_1426 : memref<1x1x16x128xf32, #tpu.memory_space<vmem>> -> memref<16x128xf32, #tpu.memory_space<vmem>>
      %dma_start3A_1428 = arith.constant 32 : i32
      %dma_start3A_1429 = tpu.memref_slice %arg3[%dma_start3A_1428, %multiple_of3A_576] : memref<64x1000000xf32, #tpu.memory_space<hbm>> -> memref<16x128xf32, #tpu.memory_space<hbm>>
      tpu.enqueue_dma source(%dma_start3A_1429 : memref<16x128xf32, #tpu.memory_space<hbm>>) target(%dma_start3A_1427 : memref<16x128xf32, #tpu.memory_space<vmem>>) target_semaphore(%arg8 : memref<!tpu.dma_semaphore, #tpu.memory_space<semaphore_mem>>)
      %dma_start3A_1430 = arith.constant 0 : i32
      %dma_start3A_1431 = arith.constant 8 : i32
      %dma_start3A_1432 = arith.constant 0 : i32
      %dma_start3A_1433 = arith.constant 0 : i32
      %dma_start3A_1434 = tpu.memref_slice %arg6[%dma_start3A_1430, %dma_start3A_1431, %dma_start3A_1432, %dma_start3A_1433] : memref<2x16x16x128xf32, #tpu.memory_space<vmem>> -> memref<1x1x16x128xf32, #tpu.memory_space<vmem>>
      %dma_start3A_1435 = tpu.memref_squeeze %dma_start3A_1434 : memref<1x1x16x128xf32, #tpu.memory_space<vmem>> -> memref<16x128xf32, #tpu.memory_space<vmem>>
      %dma_start3A_1436 = arith.constant 32 : i32
      %dma_start3A_1437 = tpu.memref_slice %arg3[%dma_start3A_1436, %multiple_of3A_579] : memref<64x1000000xf32, #tpu.memory_space<hbm>> -> memref<16x128xf32, #tpu.memory_space<hbm>>
      %dma_start3A_1438 = arith.constant 0 : i32
      %dma_start3A_1439 = arith.constant 0 : i32
      %dma_start3A_1440 = tpu.memref_slice %arg6[%dma_start3A_1430, %dma_start3A_1431, %dma_start3A_1438, %dma_start3A_1439] : memref<2x16x16x128xf32, #tpu.memory_space<vmem>> -> memref<1x1x16x128xf32, #tpu.memory_space<vmem>>
      %dma_start3A_1441 = tpu.memref_squeeze %dma_start3A_1440 : memref<1x1x16x128xf32, #tpu.memory_space<vmem>> -> memref<16x128xf32, #tpu.memory_space<vmem>>
      %dma_start3A_1442 = arith.constant 32 : i32
      %dma_start3A_1443 = tpu.memref_slice %arg3[%dma_start3A_1442, %multiple_of3A_579] : memref<64x1000000xf32, #tpu.memory_space<hbm>> -> memref<16x128xf32, #tpu.memory_space<hbm>>
      tpu.enqueue_dma source(%dma_start3A_1443 : memref<16x128xf32, #tpu.memory_space<hbm>>) target(%dma_start3A_1441 : memref<16x128xf32, #tpu.memory_space<vmem>>) target_semaphore(%arg8 : memref<!tpu.dma_semaphore, #tpu.memory_space<semaphore_mem>>)
      %dma_start3A_1444 = arith.constant 0 : i32
      %dma_start3A_1445 = arith.constant 9 : i32
      %dma_start3A_1446 = arith.constant 0 : i32
      %dma_start3A_1447 = arith.constant 0 : i32
      %dma_start3A_1448 = tpu.memref_slice %arg6[%dma_start3A_1444, %dma_start3A_1445, %dma_start3A_1446, %dma_start3A_1447] : memref<2x16x16x128xf32, #tpu.memory_space<vmem>> -> memref<1x1x16x128xf32, #tpu.memory_space<vmem>>
      %dma_start3A_1449 = tpu.memref_squeeze %dma_start3A_1448 : memref<1x1x16x128xf32, #tpu.memory_space<vmem>> -> memref<16x128xf32, #tpu.memory_space<vmem>>
      %dma_start3A_1450 = arith.constant 32 : i32
      %dma_start3A_1451 = tpu.memref_slice %arg3[%dma_start3A_1450, %multiple_of3A_582] : memref<64x1000000xf32, #tpu.memory_space<hbm>> -> memref<16x128xf32, #tpu.memory_space<hbm>>
      %dma_start3A_1452 = arith.constant 0 : i32
      %dma_start3A_1453 = arith.constant 0 : i32
      %dma_start3A_1454 = tpu.memref_slice %arg6[%dma_start3A_1444, %dma_start3A_1445, %dma_start3A_1452, %dma_start3A_1453] : memref<2x16x16x128xf32, #tpu.memory_space<vmem>> -> memref<1x1x16x128xf32, #tpu.memory_space<vmem>>
      %dma_start3A_1455 = tpu.memref_squeeze %dma_start3A_1454 : memref<1x1x16x128xf32, #tpu.memory_space<vmem>> -> memref<16x128xf32, #tpu.memory_space<vmem>>
      %dma_start3A_1456 = arith.constant 32 : i32
      %dma_start3A_1457 = tpu.memref_slice %arg3[%dma_start3A_1456, %multiple_of3A_582] : memref<64x1000000xf32, #tpu.memory_space<hbm>> -> memref<16x128xf32, #tpu.memory_space<hbm>>
      tpu.enqueue_dma source(%dma_start3A_1457 : memref<16x128xf32, #tpu.memory_space<hbm>>) target(%dma_start3A_1455 : memref<16x128xf32, #tpu.memory_space<vmem>>) target_semaphore(%arg8 : memref<!tpu.dma_semaphore, #tpu.memory_space<semaphore_mem>>)
      %dma_start3A_1458 = arith.constant 0 : i32
      %dma_start3A_1459 = arith.constant 10 : i32
      %dma_start3A_1460 = arith.constant 0 : i32
      %dma_start3A_1461 = arith.constant 0 : i32
      %dma_start3A_1462 = tpu.memref_slice %arg6[%dma_start3A_1458, %dma_start3A_1459, %dma_start3A_1460, %dma_start3A_1461] : memref<2x16x16x128xf32, #tpu.memory_space<vmem>> -> memref<1x1x16x128xf32, #tpu.memory_space<vmem>>
      %dma_start3A_1463 = tpu.memref_squeeze %dma_start3A_1462 : memref<1x1x16x128xf32, #tpu.memory_space<vmem>> -> memref<16x128xf32, #tpu.memory_space<vmem>>
      %dma_start3A_1464 = arith.constant 32 : i32
      %dma_start3A_1465 = tpu.memref_slice %arg3[%dma_start3A_1464, %multiple_of3A_585] : memref<64x1000000xf32, #tpu.memory_space<hbm>> -> memref<16x128xf32, #tpu.memory_space<hbm>>
      %dma_start3A_1466 = arith.constant 0 : i32
      %dma_start3A_1467 = arith.constant 0 : i32
      %dma_start3A_1468 = tpu.memref_slice %arg6[%dma_start3A_1458, %dma_start3A_1459, %dma_start3A_1466, %dma_start3A_1467] : memref<2x16x16x128xf32, #tpu.memory_space<vmem>> -> memref<1x1x16x128xf32, #tpu.memory_space<vmem>>
      %dma_start3A_1469 = tpu.memref_squeeze %dma_start3A_1468 : memref<1x1x16x128xf32, #tpu.memory_space<vmem>> -> memref<16x128xf32, #tpu.memory_space<vmem>>
      %dma_start3A_1470 = arith.constant 32 : i32
      %dma_start3A_1471 = tpu.memref_slice %arg3[%dma_start3A_1470, %multiple_of3A_585] : memref<64x1000000xf32, #tpu.memory_space<hbm>> -> memref<16x128xf32, #tpu.memory_space<hbm>>
      tpu.enqueue_dma source(%dma_start3A_1471 : memref<16x128xf32, #tpu.memory_space<hbm>>) target(%dma_start3A_1469 : memref<16x128xf32, #tpu.memory_space<vmem>>) target_semaphore(%arg8 : memref<!tpu.dma_semaphore, #tpu.memory_space<semaphore_mem>>)
      %dma_start3A_1472 = arith.constant 0 : i32
      %dma_start3A_1473 = arith.constant 11 : i32
      %dma_start3A_1474 = arith.constant 0 : i32
      %dma_start3A_1475 = arith.constant 0 : i32
      %dma_start3A_1476 = tpu.memref_slice %arg6[%dma_start3A_1472, %dma_start3A_1473, %dma_start3A_1474, %dma_start3A_1475] : memref<2x16x16x128xf32, #tpu.memory_space<vmem>> -> memref<1x1x16x128xf32, #tpu.memory_space<vmem>>
      %dma_start3A_1477 = tpu.memref_squeeze %dma_start3A_1476 : memref<1x1x16x128xf32, #tpu.memory_space<vmem>> -> memref<16x128xf32, #tpu.memory_space<vmem>>
      %dma_start3A_1478 = arith.constant 32 : i32
      %dma_start3A_1479 = tpu.memref_slice %arg3[%dma_start3A_1478, %multiple_of3A_588] : memref<64x1000000xf32, #tpu.memory_space<hbm>> -> memref<16x128xf32, #tpu.memory_space<hbm>>
      %dma_start3A_1480 = arith.constant 0 : i32
      %dma_start3A_1481 = arith.constant 0 : i32
      %dma_start3A_1482 = tpu.memref_slice %arg6[%dma_start3A_1472, %dma_start3A_1473, %dma_start3A_1480, %dma_start3A_1481] : memref<2x16x16x128xf32, #tpu.memory_space<vmem>> -> memref<1x1x16x128xf32, #tpu.memory_space<vmem>>
      %dma_start3A_1483 = tpu.memref_squeeze %dma_start3A_1482 : memref<1x1x16x128xf32, #tpu.memory_space<vmem>> -> memref<16x128xf32, #tpu.memory_space<vmem>>
      %dma_start3A_1484 = arith.constant 32 : i32
      %dma_start3A_1485 = tpu.memref_slice %arg3[%dma_start3A_1484, %multiple_of3A_588] : memref<64x1000000xf32, #tpu.memory_space<hbm>> -> memref<16x128xf32, #tpu.memory_space<hbm>>
      tpu.enqueue_dma source(%dma_start3A_1485 : memref<16x128xf32, #tpu.memory_space<hbm>>) target(%dma_start3A_1483 : memref<16x128xf32, #tpu.memory_space<vmem>>) target_semaphore(%arg8 : memref<!tpu.dma_semaphore, #tpu.memory_space<semaphore_mem>>)
      %dma_start3A_1486 = arith.constant 0 : i32
      %dma_start3A_1487 = arith.constant 12 : i32
      %dma_start3A_1488 = arith.constant 0 : i32
      %dma_start3A_1489 = arith.constant 0 : i32
      %dma_start3A_1490 = tpu.memref_slice %arg6[%dma_start3A_1486, %dma_start3A_1487, %dma_start3A_1488, %dma_start3A_1489] : memref<2x16x16x128xf32, #tpu.memory_space<vmem>> -> memref<1x1x16x128xf32, #tpu.memory_space<vmem>>
      %dma_start3A_1491 = tpu.memref_squeeze %dma_start3A_1490 : memref<1x1x16x128xf32, #tpu.memory_space<vmem>> -> memref<16x128xf32, #tpu.memory_space<vmem>>
      %dma_start3A_1492 = arith.constant 32 : i32
      %dma_start3A_1493 = tpu.memref_slice %arg3[%dma_start3A_1492, %multiple_of3A_591] : memref<64x1000000xf32, #tpu.memory_space<hbm>> -> memref<16x128xf32, #tpu.memory_space<hbm>>
      %dma_start3A_1494 = arith.constant 0 : i32
      %dma_start3A_1495 = arith.constant 0 : i32
      %dma_start3A_1496 = tpu.memref_slice %arg6[%dma_start3A_1486, %dma_start3A_1487, %dma_start3A_1494, %dma_start3A_1495] : memref<2x16x16x128xf32, #tpu.memory_space<vmem>> -> memref<1x1x16x128xf32, #tpu.memory_space<vmem>>
      %dma_start3A_1497 = tpu.memref_squeeze %dma_start3A_1496 : memref<1x1x16x128xf32, #tpu.memory_space<vmem>> -> memref<16x128xf32, #tpu.memory_space<vmem>>
      %dma_start3A_1498 = arith.constant 32 : i32
      %dma_start3A_1499 = tpu.memref_slice %arg3[%dma_start3A_1498, %multiple_of3A_591] : memref<64x1000000xf32, #tpu.memory_space<hbm>> -> memref<16x128xf32, #tpu.memory_space<hbm>>
      tpu.enqueue_dma source(%dma_start3A_1499 : memref<16x128xf32, #tpu.memory_space<hbm>>) target(%dma_start3A_1497 : memref<16x128xf32, #tpu.memory_space<vmem>>) target_semaphore(%arg8 : memref<!tpu.dma_semaphore, #tpu.memory_space<semaphore_mem>>)
      %dma_start3A_1500 = arith.constant 0 : i32
      %dma_start3A_1501 = arith.constant 13 : i32
      %dma_start3A_1502 = arith.constant 0 : i32
      %dma_start3A_1503 = arith.constant 0 : i32
      %dma_start3A_1504 = tpu.memref_slice %arg6[%dma_start3A_1500, %dma_start3A_1501, %dma_start3A_1502, %dma_start3A_1503] : memref<2x16x16x128xf32, #tpu.memory_space<vmem>> -> memref<1x1x16x128xf32, #tpu.memory_space<vmem>>
      %dma_start3A_1505 = tpu.memref_squeeze %dma_start3A_1504 : memref<1x1x16x128xf32, #tpu.memory_space<vmem>> -> memref<16x128xf32, #tpu.memory_space<vmem>>
      %dma_start3A_1506 = arith.constant 32 : i32
      %dma_start3A_1507 = tpu.memref_slice %arg3[%dma_start3A_1506, %multiple_of3A_594] : memref<64x1000000xf32, #tpu.memory_space<hbm>> -> memref<16x128xf32, #tpu.memory_space<hbm>>
      %dma_start3A_1508 = arith.constant 0 : i32
      %dma_start3A_1509 = arith.constant 0 : i32
      %dma_start3A_1510 = tpu.memref_slice %arg6[%dma_start3A_1500, %dma_start3A_1501, %dma_start3A_1508, %dma_start3A_1509] : memref<2x16x16x128xf32, #tpu.memory_space<vmem>> -> memref<1x1x16x128xf32, #tpu.memory_space<vmem>>
      %dma_start3A_1511 = tpu.memref_squeeze %dma_start3A_1510 : memref<1x1x16x128xf32, #tpu.memory_space<vmem>> -> memref<16x128xf32, #tpu.memory_space<vmem>>
      %dma_start3A_1512 = arith.constant 32 : i32
      %dma_start3A_1513 = tpu.memref_slice %arg3[%dma_start3A_1512, %multiple_of3A_594] : memref<64x1000000xf32, #tpu.memory_space<hbm>> -> memref<16x128xf32, #tpu.memory_space<hbm>>
      tpu.enqueue_dma source(%dma_start3A_1513 : memref<16x128xf32, #tpu.memory_space<hbm>>) target(%dma_start3A_1511 : memref<16x128xf32, #tpu.memory_space<vmem>>) target_semaphore(%arg8 : memref<!tpu.dma_semaphore, #tpu.memory_space<semaphore_mem>>)
      %dma_start3A_1514 = arith.constant 0 : i32
      %dma_start3A_1515 = arith.constant 14 : i32
      %dma_start3A_1516 = arith.constant 0 : i32
      %dma_start3A_1517 = arith.constant 0 : i32
      %dma_start3A_1518 = tpu.memref_slice %arg6[%dma_start3A_1514, %dma_start3A_1515, %dma_start3A_1516, %dma_start3A_1517] : memref<2x16x16x128xf32, #tpu.memory_space<vmem>> -> memref<1x1x16x128xf32, #tpu.memory_space<vmem>>
      %dma_start3A_1519 = tpu.memref_squeeze %dma_start3A_1518 : memref<1x1x16x128xf32, #tpu.memory_space<vmem>> -> memref<16x128xf32, #tpu.memory_space<vmem>>
      %dma_start3A_1520 = arith.constant 32 : i32
      %dma_start3A_1521 = tpu.memref_slice %arg3[%dma_start3A_1520, %multiple_of3A_597] : memref<64x1000000xf32, #tpu.memory_space<hbm>> -> memref<16x128xf32, #tpu.memory_space<hbm>>
      %dma_start3A_1522 = arith.constant 0 : i32
      %dma_start3A_1523 = arith.constant 0 : i32
      %dma_start3A_1524 = tpu.memref_slice %arg6[%dma_start3A_1514, %dma_start3A_1515, %dma_start3A_1522, %dma_start3A_1523] : memref<2x16x16x128xf32, #tpu.memory_space<vmem>> -> memref<1x1x16x128xf32, #tpu.memory_space<vmem>>
      %dma_start3A_1525 = tpu.memref_squeeze %dma_start3A_1524 : memref<1x1x16x128xf32, #tpu.memory_space<vmem>> -> memref<16x128xf32, #tpu.memory_space<vmem>>
      %dma_start3A_1526 = arith.constant 32 : i32
      %dma_start3A_1527 = tpu.memref_slice %arg3[%dma_start3A_1526, %multiple_of3A_597] : memref<64x1000000xf32, #tpu.memory_space<hbm>> -> memref<16x128xf32, #tpu.memory_space<hbm>>
      tpu.enqueue_dma source(%dma_start3A_1527 : memref<16x128xf32, #tpu.memory_space<hbm>>) target(%dma_start3A_1525 : memref<16x128xf32, #tpu.memory_space<vmem>>) target_semaphore(%arg8 : memref<!tpu.dma_semaphore, #tpu.memory_space<semaphore_mem>>)
      %dma_start3A_1528 = arith.constant 0 : i32
      %dma_start3A_1529 = arith.constant 15 : i32
      %dma_start3A_1530 = arith.constant 0 : i32
      %dma_start3A_1531 = arith.constant 0 : i32
      %dma_start3A_1532 = tpu.memref_slice %arg6[%dma_start3A_1528, %dma_start3A_1529, %dma_start3A_1530, %dma_start3A_1531] : memref<2x16x16x128xf32, #tpu.memory_space<vmem>> -> memref<1x1x16x128xf32, #tpu.memory_space<vmem>>
      %dma_start3A_1533 = tpu.memref_squeeze %dma_start3A_1532 : memref<1x1x16x128xf32, #tpu.memory_space<vmem>> -> memref<16x128xf32, #tpu.memory_space<vmem>>
      %dma_start3A_1534 = arith.constant 32 : i32
      %dma_start3A_1535 = tpu.memref_slice %arg3[%dma_start3A_1534, %multiple_of3A_600] : memref<64x1000000xf32, #tpu.memory_space<hbm>> -> memref<16x128xf32, #tpu.memory_space<hbm>>
      %dma_start3A_1536 = arith.constant 0 : i32
      %dma_start3A_1537 = arith.constant 0 : i32
      %dma_start3A_1538 = tpu.memref_slice %arg6[%dma_start3A_1528, %dma_start3A_1529, %dma_start3A_1536, %dma_start3A_1537] : memref<2x16x16x128xf32, #tpu.memory_space<vmem>> -> memref<1x1x16x128xf32, #tpu.memory_space<vmem>>
      %dma_start3A_1539 = tpu.memref_squeeze %dma_start3A_1538 : memref<1x1x16x128xf32, #tpu.memory_space<vmem>> -> memref<16x128xf32, #tpu.memory_space<vmem>>
      %dma_start3A_1540 = arith.constant 32 : i32
      %dma_start3A_1541 = tpu.memref_slice %arg3[%dma_start3A_1540, %multiple_of3A_600] : memref<64x1000000xf32, #tpu.memory_space<hbm>> -> memref<16x128xf32, #tpu.memory_space<hbm>>
      tpu.enqueue_dma source(%dma_start3A_1541 : memref<16x128xf32, #tpu.memory_space<hbm>>) target(%dma_start3A_1539 : memref<16x128xf32, #tpu.memory_space<vmem>>) target_semaphore(%arg8 : memref<!tpu.dma_semaphore, #tpu.memory_space<semaphore_mem>>)
      %dma_wait3A_1542 = arith.constant 1 : i32
      %dma_wait3A_1543 = arith.constant 0 : i32
      %dma_wait3A_1544 = arith.constant 0 : i32
      %dma_wait3A_1545 = arith.constant 0 : i32
      %dma_wait3A_1546 = tpu.memref_slice %arg6[%dma_wait3A_1542, %dma_wait3A_1543, %dma_wait3A_1544, %dma_wait3A_1545] : memref<2x16x16x128xf32, #tpu.memory_space<vmem>> -> memref<1x1x16x128xf32, #tpu.memory_space<vmem>>
      %dma_wait3A_1547 = tpu.memref_squeeze %dma_wait3A_1546 : memref<1x1x16x128xf32, #tpu.memory_space<vmem>> -> memref<16x128xf32, #tpu.memory_space<vmem>>
      %dma_wait3A_1548 = arith.constant 0 : i32
      %dma_wait3A_1549 = arith.constant 0 : i32
      %dma_wait3A_1550 = tpu.memref_slice %arg3[%dma_wait3A_1548, %dma_wait3A_1549] : memref<64x1000000xf32, #tpu.memory_space<hbm>> -> memref<16x128xf32, #tpu.memory_space<hbm>>
      %dma_wait3A_1551 = arith.constant 0 : i32
      %dma_wait3A_1552 = arith.constant 0 : i32
      %dma_wait3A_1553 = tpu.memref_slice %arg6[%dma_wait3A_1542, %dma_wait3A_1543, %dma_wait3A_1551, %dma_wait3A_1552] : memref<2x16x16x128xf32, #tpu.memory_space<vmem>> -> memref<1x1x16x128xf32, #tpu.memory_space<vmem>>
      %dma_wait3A_1554 = tpu.memref_squeeze %dma_wait3A_1553 : memref<1x1x16x128xf32, #tpu.memory_space<vmem>> -> memref<16x128xf32, #tpu.memory_space<vmem>>
      %dma_wait3A_1555 = arith.constant 0 : i32
      %dma_wait3A_1556 = arith.constant 0 : i32
      %dma_wait3A_1557 = tpu.memref_slice %arg3[%dma_wait3A_1555, %dma_wait3A_1556] : memref<64x1000000xf32, #tpu.memory_space<hbm>> -> memref<16x128xf32, #tpu.memory_space<hbm>>
      tpu.wait_dma2 semaphore(%arg9 : memref<!tpu.dma_semaphore, #tpu.memory_space<semaphore_mem>>) src(%dma_wait3A_1557 : memref<16x128xf32, #tpu.memory_space<hbm>>) dst(%dma_wait3A_1554 : memref<16x128xf32, #tpu.memory_space<vmem>>)
      %dma_wait3A_1558 = arith.constant 1 : i32
      %dma_wait3A_1559 = arith.constant 0 : i32
      %dma_wait3A_1560 = arith.constant 0 : i32
      %dma_wait3A_1561 = arith.constant 0 : i32
      %dma_wait3A_1562 = tpu.memref_slice %arg6[%dma_wait3A_1558, %dma_wait3A_1559, %dma_wait3A_1560, %dma_wait3A_1561] : memref<2x16x16x128xf32, #tpu.memory_space<vmem>> -> memref<1x1x16x128xf32, #tpu.memory_space<vmem>>
      %dma_wait3A_1563 = tpu.memref_squeeze %dma_wait3A_1562 : memref<1x1x16x128xf32, #tpu.memory_space<vmem>> -> memref<16x128xf32, #tpu.memory_space<vmem>>
      %dma_wait3A_1564 = arith.constant 0 : i32
      %dma_wait3A_1565 = arith.constant 0 : i32
      %dma_wait3A_1566 = tpu.memref_slice %arg3[%dma_wait3A_1564, %dma_wait3A_1565] : memref<64x1000000xf32, #tpu.memory_space<hbm>> -> memref<16x128xf32, #tpu.memory_space<hbm>>
      %dma_wait3A_1567 = arith.constant 0 : i32
      %dma_wait3A_1568 = arith.constant 0 : i32
      %dma_wait3A_1569 = tpu.memref_slice %arg6[%dma_wait3A_1558, %dma_wait3A_1559, %dma_wait3A_1567, %dma_wait3A_1568] : memref<2x16x16x128xf32, #tpu.memory_space<vmem>> -> memref<1x1x16x128xf32, #tpu.memory_space<vmem>>
      %dma_wait3A_1570 = tpu.memref_squeeze %dma_wait3A_1569 : memref<1x1x16x128xf32, #tpu.memory_space<vmem>> -> memref<16x128xf32, #tpu.memory_space<vmem>>
      %dma_wait3A_1571 = arith.constant 0 : i32
      %dma_wait3A_1572 = arith.constant 0 : i32
      %dma_wait3A_1573 = tpu.memref_slice %arg3[%dma_wait3A_1571, %dma_wait3A_1572] : memref<64x1000000xf32, #tpu.memory_space<hbm>> -> memref<16x128xf32, #tpu.memory_space<hbm>>
      tpu.wait_dma2 semaphore(%arg9 : memref<!tpu.dma_semaphore, #tpu.memory_space<semaphore_mem>>) src(%dma_wait3A_1573 : memref<16x128xf32, #tpu.memory_space<hbm>>) dst(%dma_wait3A_1570 : memref<16x128xf32, #tpu.memory_space<vmem>>)
      %dma_wait3A_1574 = arith.constant 1 : i32
      %dma_wait3A_1575 = arith.constant 0 : i32
      %dma_wait3A_1576 = arith.constant 0 : i32
      %dma_wait3A_1577 = arith.constant 0 : i32
      %dma_wait3A_1578 = tpu.memref_slice %arg6[%dma_wait3A_1574, %dma_wait3A_1575, %dma_wait3A_1576, %dma_wait3A_1577] : memref<2x16x16x128xf32, #tpu.memory_space<vmem>> -> memref<1x1x16x128xf32, #tpu.memory_space<vmem>>
      %dma_wait3A_1579 = tpu.memref_squeeze %dma_wait3A_1578 : memref<1x1x16x128xf32, #tpu.memory_space<vmem>> -> memref<16x128xf32, #tpu.memory_space<vmem>>
      %dma_wait3A_1580 = arith.constant 0 : i32
      %dma_wait3A_1581 = arith.constant 0 : i32
      %dma_wait3A_1582 = tpu.memref_slice %arg3[%dma_wait3A_1580, %dma_wait3A_1581] : memref<64x1000000xf32, #tpu.memory_space<hbm>> -> memref<16x128xf32, #tpu.memory_space<hbm>>
      %dma_wait3A_1583 = arith.constant 0 : i32
      %dma_wait3A_1584 = arith.constant 0 : i32
      %dma_wait3A_1585 = tpu.memref_slice %arg6[%dma_wait3A_1574, %dma_wait3A_1575, %dma_wait3A_1583, %dma_wait3A_1584] : memref<2x16x16x128xf32, #tpu.memory_space<vmem>> -> memref<1x1x16x128xf32, #tpu.memory_space<vmem>>
      %dma_wait3A_1586 = tpu.memref_squeeze %dma_wait3A_1585 : memref<1x1x16x128xf32, #tpu.memory_space<vmem>> -> memref<16x128xf32, #tpu.memory_space<vmem>>
      %dma_wait3A_1587 = arith.constant 0 : i32
      %dma_wait3A_1588 = arith.constant 0 : i32
      %dma_wait3A_1589 = tpu.memref_slice %arg3[%dma_wait3A_1587, %dma_wait3A_1588] : memref<64x1000000xf32, #tpu.memory_space<hbm>> -> memref<16x128xf32, #tpu.memory_space<hbm>>
      tpu.wait_dma2 semaphore(%arg9 : memref<!tpu.dma_semaphore, #tpu.memory_space<semaphore_mem>>) src(%dma_wait3A_1589 : memref<16x128xf32, #tpu.memory_space<hbm>>) dst(%dma_wait3A_1586 : memref<16x128xf32, #tpu.memory_space<vmem>>)
      %dma_wait3A_1590 = arith.constant 1 : i32
      %dma_wait3A_1591 = arith.constant 0 : i32
      %dma_wait3A_1592 = arith.constant 0 : i32
      %dma_wait3A_1593 = arith.constant 0 : i32
      %dma_wait3A_1594 = tpu.memref_slice %arg6[%dma_wait3A_1590, %dma_wait3A_1591, %dma_wait3A_1592, %dma_wait3A_1593] : memref<2x16x16x128xf32, #tpu.memory_space<vmem>> -> memref<1x1x16x128xf32, #tpu.memory_space<vmem>>
      %dma_wait3A_1595 = tpu.memref_squeeze %dma_wait3A_1594 : memref<1x1x16x128xf32, #tpu.memory_space<vmem>> -> memref<16x128xf32, #tpu.memory_space<vmem>>
      %dma_wait3A_1596 = arith.constant 0 : i32
      %dma_wait3A_1597 = arith.constant 0 : i32
      %dma_wait3A_1598 = tpu.memref_slice %arg3[%dma_wait3A_1596, %dma_wait3A_1597] : memref<64x1000000xf32, #tpu.memory_space<hbm>> -> memref<16x128xf32, #tpu.memory_space<hbm>>
      %dma_wait3A_1599 = arith.constant 0 : i32
      %dma_wait3A_1600 = arith.constant 0 : i32
      %dma_wait3A_1601 = tpu.memref_slice %arg6[%dma_wait3A_1590, %dma_wait3A_1591, %dma_wait3A_1599, %dma_wait3A_1600] : memref<2x16x16x128xf32, #tpu.memory_space<vmem>> -> memref<1x1x16x128xf32, #tpu.memory_space<vmem>>
      %dma_wait3A_1602 = tpu.memref_squeeze %dma_wait3A_1601 : memref<1x1x16x128xf32, #tpu.memory_space<vmem>> -> memref<16x128xf32, #tpu.memory_space<vmem>>
      %dma_wait3A_1603 = arith.constant 0 : i32
      %dma_wait3A_1604 = arith.constant 0 : i32
      %dma_wait3A_1605 = tpu.memref_slice %arg3[%dma_wait3A_1603, %dma_wait3A_1604] : memref<64x1000000xf32, #tpu.memory_space<hbm>> -> memref<16x128xf32, #tpu.memory_space<hbm>>
      tpu.wait_dma2 semaphore(%arg9 : memref<!tpu.dma_semaphore, #tpu.memory_space<semaphore_mem>>) src(%dma_wait3A_1605 : memref<16x128xf32, #tpu.memory_space<hbm>>) dst(%dma_wait3A_1602 : memref<16x128xf32, #tpu.memory_space<vmem>>)
      %dma_wait3A_1606 = arith.constant 1 : i32
      %dma_wait3A_1607 = arith.constant 0 : i32
      %dma_wait3A_1608 = arith.constant 0 : i32
      %dma_wait3A_1609 = arith.constant 0 : i32
      %dma_wait3A_1610 = tpu.memref_slice %arg6[%dma_wait3A_1606, %dma_wait3A_1607, %dma_wait3A_1608, %dma_wait3A_1609] : memref<2x16x16x128xf32, #tpu.memory_space<vmem>> -> memref<1x1x16x128xf32, #tpu.memory_space<vmem>>
      %dma_wait3A_1611 = tpu.memref_squeeze %dma_wait3A_1610 : memref<1x1x16x128xf32, #tpu.memory_space<vmem>> -> memref<16x128xf32, #tpu.memory_space<vmem>>
      %dma_wait3A_1612 = arith.constant 0 : i32
      %dma_wait3A_1613 = arith.constant 0 : i32
      %dma_wait3A_1614 = tpu.memref_slice %arg3[%dma_wait3A_1612, %dma_wait3A_1613] : memref<64x1000000xf32, #tpu.memory_space<hbm>> -> memref<16x128xf32, #tpu.memory_space<hbm>>
      %dma_wait3A_1615 = arith.constant 0 : i32
      %dma_wait3A_1616 = arith.constant 0 : i32
      %dma_wait3A_1617 = tpu.memref_slice %arg6[%dma_wait3A_1606, %dma_wait3A_1607, %dma_wait3A_1615, %dma_wait3A_1616] : memref<2x16x16x128xf32, #tpu.memory_space<vmem>> -> memref<1x1x16x128xf32, #tpu.memory_space<vmem>>
      %dma_wait3A_1618 = tpu.memref_squeeze %dma_wait3A_1617 : memref<1x1x16x128xf32, #tpu.memory_space<vmem>> -> memref<16x128xf32, #tpu.memory_space<vmem>>
      %dma_wait3A_1619 = arith.constant 0 : i32
      %dma_wait3A_1620 = arith.constant 0 : i32
      %dma_wait3A_1621 = tpu.memref_slice %arg3[%dma_wait3A_1619, %dma_wait3A_1620] : memref<64x1000000xf32, #tpu.memory_space<hbm>> -> memref<16x128xf32, #tpu.memory_space<hbm>>
      tpu.wait_dma2 semaphore(%arg9 : memref<!tpu.dma_semaphore, #tpu.memory_space<semaphore_mem>>) src(%dma_wait3A_1621 : memref<16x128xf32, #tpu.memory_space<hbm>>) dst(%dma_wait3A_1618 : memref<16x128xf32, #tpu.memory_space<vmem>>)
      %dma_wait3A_1622 = arith.constant 1 : i32
      %dma_wait3A_1623 = arith.constant 0 : i32
      %dma_wait3A_1624 = arith.constant 0 : i32
      %dma_wait3A_1625 = arith.constant 0 : i32
      %dma_wait3A_1626 = tpu.memref_slice %arg6[%dma_wait3A_1622, %dma_wait3A_1623, %dma_wait3A_1624, %dma_wait3A_1625] : memref<2x16x16x128xf32, #tpu.memory_space<vmem>> -> memref<1x1x16x128xf32, #tpu.memory_space<vmem>>
      %dma_wait3A_1627 = tpu.memref_squeeze %dma_wait3A_1626 : memref<1x1x16x128xf32, #tpu.memory_space<vmem>> -> memref<16x128xf32, #tpu.memory_space<vmem>>
      %dma_wait3A_1628 = arith.constant 0 : i32
      %dma_wait3A_1629 = arith.constant 0 : i32
      %dma_wait3A_1630 = tpu.memref_slice %arg3[%dma_wait3A_1628, %dma_wait3A_1629] : memref<64x1000000xf32, #tpu.memory_space<hbm>> -> memref<16x128xf32, #tpu.memory_space<hbm>>
      %dma_wait3A_1631 = arith.constant 0 : i32
      %dma_wait3A_1632 = arith.constant 0 : i32
      %dma_wait3A_1633 = tpu.memref_slice %arg6[%dma_wait3A_1622, %dma_wait3A_1623, %dma_wait3A_1631, %dma_wait3A_1632] : memref<2x16x16x128xf32, #tpu.memory_space<vmem>> -> memref<1x1x16x128xf32, #tpu.memory_space<vmem>>
      %dma_wait3A_1634 = tpu.memref_squeeze %dma_wait3A_1633 : memref<1x1x16x128xf32, #tpu.memory_space<vmem>> -> memref<16x128xf32, #tpu.memory_space<vmem>>
      %dma_wait3A_1635 = arith.constant 0 : i32
      %dma_wait3A_1636 = arith.constant 0 : i32
      %dma_wait3A_1637 = tpu.memref_slice %arg3[%dma_wait3A_1635, %dma_wait3A_1636] : memref<64x1000000xf32, #tpu.memory_space<hbm>> -> memref<16x128xf32, #tpu.memory_space<hbm>>
      tpu.wait_dma2 semaphore(%arg9 : memref<!tpu.dma_semaphore, #tpu.memory_space<semaphore_mem>>) src(%dma_wait3A_1637 : memref<16x128xf32, #tpu.memory_space<hbm>>) dst(%dma_wait3A_1634 : memref<16x128xf32, #tpu.memory_space<vmem>>)
      %dma_wait3A_1638 = arith.constant 1 : i32
      %dma_wait3A_1639 = arith.constant 0 : i32
      %dma_wait3A_1640 = arith.constant 0 : i32
      %dma_wait3A_1641 = arith.constant 0 : i32
      %dma_wait3A_1642 = tpu.memref_slice %arg6[%dma_wait3A_1638, %dma_wait3A_1639, %dma_wait3A_1640, %dma_wait3A_1641] : memref<2x16x16x128xf32, #tpu.memory_space<vmem>> -> memref<1x1x16x128xf32, #tpu.memory_space<vmem>>
      %dma_wait3A_1643 = tpu.memref_squeeze %dma_wait3A_1642 : memref<1x1x16x128xf32, #tpu.memory_space<vmem>> -> memref<16x128xf32, #tpu.memory_space<vmem>>
      %dma_wait3A_1644 = arith.constant 0 : i32
      %dma_wait3A_1645 = arith.constant 0 : i32
      %dma_wait3A_1646 = tpu.memref_slice %arg3[%dma_wait3A_1644, %dma_wait3A_1645] : memref<64x1000000xf32, #tpu.memory_space<hbm>> -> memref<16x128xf32, #tpu.memory_space<hbm>>
      %dma_wait3A_1647 = arith.constant 0 : i32
      %dma_wait3A_1648 = arith.constant 0 : i32
      %dma_wait3A_1649 = tpu.memref_slice %arg6[%dma_wait3A_1638, %dma_wait3A_1639, %dma_wait3A_1647, %dma_wait3A_1648] : memref<2x16x16x128xf32, #tpu.memory_space<vmem>> -> memref<1x1x16x128xf32, #tpu.memory_space<vmem>>
      %dma_wait3A_1650 = tpu.memref_squeeze %dma_wait3A_1649 : memref<1x1x16x128xf32, #tpu.memory_space<vmem>> -> memref<16x128xf32, #tpu.memory_space<vmem>>
      %dma_wait3A_1651 = arith.constant 0 : i32
      %dma_wait3A_1652 = arith.constant 0 : i32
      %dma_wait3A_1653 = tpu.memref_slice %arg3[%dma_wait3A_1651, %dma_wait3A_1652] : memref<64x1000000xf32, #tpu.memory_space<hbm>> -> memref<16x128xf32, #tpu.memory_space<hbm>>
      tpu.wait_dma2 semaphore(%arg9 : memref<!tpu.dma_semaphore, #tpu.memory_space<semaphore_mem>>) src(%dma_wait3A_1653 : memref<16x128xf32, #tpu.memory_space<hbm>>) dst(%dma_wait3A_1650 : memref<16x128xf32, #tpu.memory_space<vmem>>)
      %dma_wait3A_1654 = arith.constant 1 : i32
      %dma_wait3A_1655 = arith.constant 0 : i32
      %dma_wait3A_1656 = arith.constant 0 : i32
      %dma_wait3A_1657 = arith.constant 0 : i32
      %dma_wait3A_1658 = tpu.memref_slice %arg6[%dma_wait3A_1654, %dma_wait3A_1655, %dma_wait3A_1656, %dma_wait3A_1657] : memref<2x16x16x128xf32, #tpu.memory_space<vmem>> -> memref<1x1x16x128xf32, #tpu.memory_space<vmem>>
      %dma_wait3A_1659 = tpu.memref_squeeze %dma_wait3A_1658 : memref<1x1x16x128xf32, #tpu.memory_space<vmem>> -> memref<16x128xf32, #tpu.memory_space<vmem>>
      %dma_wait3A_1660 = arith.constant 0 : i32
      %dma_wait3A_1661 = arith.constant 0 : i32
      %dma_wait3A_1662 = tpu.memref_slice %arg3[%dma_wait3A_1660, %dma_wait3A_1661] : memref<64x1000000xf32, #tpu.memory_space<hbm>> -> memref<16x128xf32, #tpu.memory_space<hbm>>
      %dma_wait3A_1663 = arith.constant 0 : i32
      %dma_wait3A_1664 = arith.constant 0 : i32
      %dma_wait3A_1665 = tpu.memref_slice %arg6[%dma_wait3A_1654, %dma_wait3A_1655, %dma_wait3A_1663, %dma_wait3A_1664] : memref<2x16x16x128xf32, #tpu.memory_space<vmem>> -> memref<1x1x16x128xf32, #tpu.memory_space<vmem>>
      %dma_wait3A_1666 = tpu.memref_squeeze %dma_wait3A_1665 : memref<1x1x16x128xf32, #tpu.memory_space<vmem>> -> memref<16x128xf32, #tpu.memory_space<vmem>>
      %dma_wait3A_1667 = arith.constant 0 : i32
      %dma_wait3A_1668 = arith.constant 0 : i32
      %dma_wait3A_1669 = tpu.memref_slice %arg3[%dma_wait3A_1667, %dma_wait3A_1668] : memref<64x1000000xf32, #tpu.memory_space<hbm>> -> memref<16x128xf32, #tpu.memory_space<hbm>>
      tpu.wait_dma2 semaphore(%arg9 : memref<!tpu.dma_semaphore, #tpu.memory_space<semaphore_mem>>) src(%dma_wait3A_1669 : memref<16x128xf32, #tpu.memory_space<hbm>>) dst(%dma_wait3A_1666 : memref<16x128xf32, #tpu.memory_space<vmem>>)
      %dma_wait3A_1670 = arith.constant 1 : i32
      %dma_wait3A_1671 = arith.constant 0 : i32
      %dma_wait3A_1672 = arith.constant 0 : i32
      %dma_wait3A_1673 = arith.constant 0 : i32
      %dma_wait3A_1674 = tpu.memref_slice %arg6[%dma_wait3A_1670, %dma_wait3A_1671, %dma_wait3A_1672, %dma_wait3A_1673] : memref<2x16x16x128xf32, #tpu.memory_space<vmem>> -> memref<1x1x16x128xf32, #tpu.memory_space<vmem>>
      %dma_wait3A_1675 = tpu.memref_squeeze %dma_wait3A_1674 : memref<1x1x16x128xf32, #tpu.memory_space<vmem>> -> memref<16x128xf32, #tpu.memory_space<vmem>>
      %dma_wait3A_1676 = arith.constant 0 : i32
      %dma_wait3A_1677 = arith.constant 0 : i32
      %dma_wait3A_1678 = tpu.memref_slice %arg3[%dma_wait3A_1676, %dma_wait3A_1677] : memref<64x1000000xf32, #tpu.memory_space<hbm>> -> memref<16x128xf32, #tpu.memory_space<hbm>>
      %dma_wait3A_1679 = arith.constant 0 : i32
      %dma_wait3A_1680 = arith.constant 0 : i32
      %dma_wait3A_1681 = tpu.memref_slice %arg6[%dma_wait3A_1670, %dma_wait3A_1671, %dma_wait3A_1679, %dma_wait3A_1680] : memref<2x16x16x128xf32, #tpu.memory_space<vmem>> -> memref<1x1x16x128xf32, #tpu.memory_space<vmem>>
      %dma_wait3A_1682 = tpu.memref_squeeze %dma_wait3A_1681 : memref<1x1x16x128xf32, #tpu.memory_space<vmem>> -> memref<16x128xf32, #tpu.memory_space<vmem>>
      %dma_wait3A_1683 = arith.constant 0 : i32
      %dma_wait3A_1684 = arith.constant 0 : i32
      %dma_wait3A_1685 = tpu.memref_slice %arg3[%dma_wait3A_1683, %dma_wait3A_1684] : memref<64x1000000xf32, #tpu.memory_space<hbm>> -> memref<16x128xf32, #tpu.memory_space<hbm>>
      tpu.wait_dma2 semaphore(%arg9 : memref<!tpu.dma_semaphore, #tpu.memory_space<semaphore_mem>>) src(%dma_wait3A_1685 : memref<16x128xf32, #tpu.memory_space<hbm>>) dst(%dma_wait3A_1682 : memref<16x128xf32, #tpu.memory_space<vmem>>)
      %dma_wait3A_1686 = arith.constant 1 : i32
      %dma_wait3A_1687 = arith.constant 0 : i32
      %dma_wait3A_1688 = arith.constant 0 : i32
      %dma_wait3A_1689 = arith.constant 0 : i32
      %dma_wait3A_1690 = tpu.memref_slice %arg6[%dma_wait3A_1686, %dma_wait3A_1687, %dma_wait3A_1688, %dma_wait3A_1689] : memref<2x16x16x128xf32, #tpu.memory_space<vmem>> -> memref<1x1x16x128xf32, #tpu.memory_space<vmem>>
      %dma_wait3A_1691 = tpu.memref_squeeze %dma_wait3A_1690 : memref<1x1x16x128xf32, #tpu.memory_space<vmem>> -> memref<16x128xf32, #tpu.memory_space<vmem>>
      %dma_wait3A_1692 = arith.constant 0 : i32
      %dma_wait3A_1693 = arith.constant 0 : i32
      %dma_wait3A_1694 = tpu.memref_slice %arg3[%dma_wait3A_1692, %dma_wait3A_1693] : memref<64x1000000xf32, #tpu.memory_space<hbm>> -> memref<16x128xf32, #tpu.memory_space<hbm>>
      %dma_wait3A_1695 = arith.constant 0 : i32
      %dma_wait3A_1696 = arith.constant 0 : i32
      %dma_wait3A_1697 = tpu.memref_slice %arg6[%dma_wait3A_1686, %dma_wait3A_1687, %dma_wait3A_1695, %dma_wait3A_1696] : memref<2x16x16x128xf32, #tpu.memory_space<vmem>> -> memref<1x1x16x128xf32, #tpu.memory_space<vmem>>
      %dma_wait3A_1698 = tpu.memref_squeeze %dma_wait3A_1697 : memref<1x1x16x128xf32, #tpu.memory_space<vmem>> -> memref<16x128xf32, #tpu.memory_space<vmem>>
      %dma_wait3A_1699 = arith.constant 0 : i32
      %dma_wait3A_1700 = arith.constant 0 : i32
      %dma_wait3A_1701 = tpu.memref_slice %arg3[%dma_wait3A_1699, %dma_wait3A_1700] : memref<64x1000000xf32, #tpu.memory_space<hbm>> -> memref<16x128xf32, #tpu.memory_space<hbm>>
      tpu.wait_dma2 semaphore(%arg9 : memref<!tpu.dma_semaphore, #tpu.memory_space<semaphore_mem>>) src(%dma_wait3A_1701 : memref<16x128xf32, #tpu.memory_space<hbm>>) dst(%dma_wait3A_1698 : memref<16x128xf32, #tpu.memory_space<vmem>>)
      %dma_wait3A_1702 = arith.constant 1 : i32
      %dma_wait3A_1703 = arith.constant 0 : i32
      %dma_wait3A_1704 = arith.constant 0 : i32
      %dma_wait3A_1705 = arith.constant 0 : i32
      %dma_wait3A_1706 = tpu.memref_slice %arg6[%dma_wait3A_1702, %dma_wait3A_1703, %dma_wait3A_1704, %dma_wait3A_1705] : memref<2x16x16x128xf32, #tpu.memory_space<vmem>> -> memref<1x1x16x128xf32, #tpu.memory_space<vmem>>
      %dma_wait3A_1707 = tpu.memref_squeeze %dma_wait3A_1706 : memref<1x1x16x128xf32, #tpu.memory_space<vmem>> -> memref<16x128xf32, #tpu.memory_space<vmem>>
      %dma_wait3A_1708 = arith.constant 0 : i32
      %dma_wait3A_1709 = arith.constant 0 : i32
      %dma_wait3A_1710 = tpu.memref_slice %arg3[%dma_wait3A_1708, %dma_wait3A_1709] : memref<64x1000000xf32, #tpu.memory_space<hbm>> -> memref<16x128xf32, #tpu.memory_space<hbm>>
      %dma_wait3A_1711 = arith.constant 0 : i32
      %dma_wait3A_1712 = arith.constant 0 : i32
      %dma_wait3A_1713 = tpu.memref_slice %arg6[%dma_wait3A_1702, %dma_wait3A_1703, %dma_wait3A_1711, %dma_wait3A_1712] : memref<2x16x16x128xf32, #tpu.memory_space<vmem>> -> memref<1x1x16x128xf32, #tpu.memory_space<vmem>>
      %dma_wait3A_1714 = tpu.memref_squeeze %dma_wait3A_1713 : memref<1x1x16x128xf32, #tpu.memory_space<vmem>> -> memref<16x128xf32, #tpu.memory_space<vmem>>
      %dma_wait3A_1715 = arith.constant 0 : i32
      %dma_wait3A_1716 = arith.constant 0 : i32
      %dma_wait3A_1717 = tpu.memref_slice %arg3[%dma_wait3A_1715, %dma_wait3A_1716] : memref<64x1000000xf32, #tpu.memory_space<hbm>> -> memref<16x128xf32, #tpu.memory_space<hbm>>
      tpu.wait_dma2 semaphore(%arg9 : memref<!tpu.dma_semaphore, #tpu.memory_space<semaphore_mem>>) src(%dma_wait3A_1717 : memref<16x128xf32, #tpu.memory_space<hbm>>) dst(%dma_wait3A_1714 : memref<16x128xf32, #tpu.memory_space<vmem>>)
      %dma_wait3A_1718 = arith.constant 1 : i32
      %dma_wait3A_1719 = arith.constant 0 : i32
      %dma_wait3A_1720 = arith.constant 0 : i32
      %dma_wait3A_1721 = arith.constant 0 : i32
      %dma_wait3A_1722 = tpu.memref_slice %arg6[%dma_wait3A_1718, %dma_wait3A_1719, %dma_wait3A_1720, %dma_wait3A_1721] : memref<2x16x16x128xf32, #tpu.memory_space<vmem>> -> memref<1x1x16x128xf32, #tpu.memory_space<vmem>>
      %dma_wait3A_1723 = tpu.memref_squeeze %dma_wait3A_1722 : memref<1x1x16x128xf32, #tpu.memory_space<vmem>> -> memref<16x128xf32, #tpu.memory_space<vmem>>
      %dma_wait3A_1724 = arith.constant 0 : i32
      %dma_wait3A_1725 = arith.constant 0 : i32
      %dma_wait3A_1726 = tpu.memref_slice %arg3[%dma_wait3A_1724, %dma_wait3A_1725] : memref<64x1000000xf32, #tpu.memory_space<hbm>> -> memref<16x128xf32, #tpu.memory_space<hbm>>
      %dma_wait3A_1727 = arith.constant 0 : i32
      %dma_wait3A_1728 = arith.constant 0 : i32
      %dma_wait3A_1729 = tpu.memref_slice %arg6[%dma_wait3A_1718, %dma_wait3A_1719, %dma_wait3A_1727, %dma_wait3A_1728] : memref<2x16x16x128xf32, #tpu.memory_space<vmem>> -> memref<1x1x16x128xf32, #tpu.memory_space<vmem>>
      %dma_wait3A_1730 = tpu.memref_squeeze %dma_wait3A_1729 : memref<1x1x16x128xf32, #tpu.memory_space<vmem>> -> memref<16x128xf32, #tpu.memory_space<vmem>>
      %dma_wait3A_1731 = arith.constant 0 : i32
      %dma_wait3A_1732 = arith.constant 0 : i32
      %dma_wait3A_1733 = tpu.memref_slice %arg3[%dma_wait3A_1731, %dma_wait3A_1732] : memref<64x1000000xf32, #tpu.memory_space<hbm>> -> memref<16x128xf32, #tpu.memory_space<hbm>>
      tpu.wait_dma2 semaphore(%arg9 : memref<!tpu.dma_semaphore, #tpu.memory_space<semaphore_mem>>) src(%dma_wait3A_1733 : memref<16x128xf32, #tpu.memory_space<hbm>>) dst(%dma_wait3A_1730 : memref<16x128xf32, #tpu.memory_space<vmem>>)
      %dma_wait3A_1734 = arith.constant 1 : i32
      %dma_wait3A_1735 = arith.constant 0 : i32
      %dma_wait3A_1736 = arith.constant 0 : i32
      %dma_wait3A_1737 = arith.constant 0 : i32
      %dma_wait3A_1738 = tpu.memref_slice %arg6[%dma_wait3A_1734, %dma_wait3A_1735, %dma_wait3A_1736, %dma_wait3A_1737] : memref<2x16x16x128xf32, #tpu.memory_space<vmem>> -> memref<1x1x16x128xf32, #tpu.memory_space<vmem>>
      %dma_wait3A_1739 = tpu.memref_squeeze %dma_wait3A_1738 : memref<1x1x16x128xf32, #tpu.memory_space<vmem>> -> memref<16x128xf32, #tpu.memory_space<vmem>>
      %dma_wait3A_1740 = arith.constant 0 : i32
      %dma_wait3A_1741 = arith.constant 0 : i32
      %dma_wait3A_1742 = tpu.memref_slice %arg3[%dma_wait3A_1740, %dma_wait3A_1741] : memref<64x1000000xf32, #tpu.memory_space<hbm>> -> memref<16x128xf32, #tpu.memory_space<hbm>>
      %dma_wait3A_1743 = arith.constant 0 : i32
      %dma_wait3A_1744 = arith.constant 0 : i32
      %dma_wait3A_1745 = tpu.memref_slice %arg6[%dma_wait3A_1734, %dma_wait3A_1735, %dma_wait3A_1743, %dma_wait3A_1744] : memref<2x16x16x128xf32, #tpu.memory_space<vmem>> -> memref<1x1x16x128xf32, #tpu.memory_space<vmem>>
      %dma_wait3A_1746 = tpu.memref_squeeze %dma_wait3A_1745 : memref<1x1x16x128xf32, #tpu.memory_space<vmem>> -> memref<16x128xf32, #tpu.memory_space<vmem>>
      %dma_wait3A_1747 = arith.constant 0 : i32
      %dma_wait3A_1748 = arith.constant 0 : i32
      %dma_wait3A_1749 = tpu.memref_slice %arg3[%dma_wait3A_1747, %dma_wait3A_1748] : memref<64x1000000xf32, #tpu.memory_space<hbm>> -> memref<16x128xf32, #tpu.memory_space<hbm>>
      tpu.wait_dma2 semaphore(%arg9 : memref<!tpu.dma_semaphore, #tpu.memory_space<semaphore_mem>>) src(%dma_wait3A_1749 : memref<16x128xf32, #tpu.memory_space<hbm>>) dst(%dma_wait3A_1746 : memref<16x128xf32, #tpu.memory_space<vmem>>)
      %dma_wait3A_1750 = arith.constant 1 : i32
      %dma_wait3A_1751 = arith.constant 0 : i32
      %dma_wait3A_1752 = arith.constant 0 : i32
      %dma_wait3A_1753 = arith.constant 0 : i32
      %dma_wait3A_1754 = tpu.memref_slice %arg6[%dma_wait3A_1750, %dma_wait3A_1751, %dma_wait3A_1752, %dma_wait3A_1753] : memref<2x16x16x128xf32, #tpu.memory_space<vmem>> -> memref<1x1x16x128xf32, #tpu.memory_space<vmem>>
      %dma_wait3A_1755 = tpu.memref_squeeze %dma_wait3A_1754 : memref<1x1x16x128xf32, #tpu.memory_space<vmem>> -> memref<16x128xf32, #tpu.memory_space<vmem>>
      %dma_wait3A_1756 = arith.constant 0 : i32
      %dma_wait3A_1757 = arith.constant 0 : i32
      %dma_wait3A_1758 = tpu.memref_slice %arg3[%dma_wait3A_1756, %dma_wait3A_1757] : memref<64x1000000xf32, #tpu.memory_space<hbm>> -> memref<16x128xf32, #tpu.memory_space<hbm>>
      %dma_wait3A_1759 = arith.constant 0 : i32
      %dma_wait3A_1760 = arith.constant 0 : i32
      %dma_wait3A_1761 = tpu.memref_slice %arg6[%dma_wait3A_1750, %dma_wait3A_1751, %dma_wait3A_1759, %dma_wait3A_1760] : memref<2x16x16x128xf32, #tpu.memory_space<vmem>> -> memref<1x1x16x128xf32, #tpu.memory_space<vmem>>
      %dma_wait3A_1762 = tpu.memref_squeeze %dma_wait3A_1761 : memref<1x1x16x128xf32, #tpu.memory_space<vmem>> -> memref<16x128xf32, #tpu.memory_space<vmem>>
      %dma_wait3A_1763 = arith.constant 0 : i32
      %dma_wait3A_1764 = arith.constant 0 : i32
      %dma_wait3A_1765 = tpu.memref_slice %arg3[%dma_wait3A_1763, %dma_wait3A_1764] : memref<64x1000000xf32, #tpu.memory_space<hbm>> -> memref<16x128xf32, #tpu.memory_space<hbm>>
      tpu.wait_dma2 semaphore(%arg9 : memref<!tpu.dma_semaphore, #tpu.memory_space<semaphore_mem>>) src(%dma_wait3A_1765 : memref<16x128xf32, #tpu.memory_space<hbm>>) dst(%dma_wait3A_1762 : memref<16x128xf32, #tpu.memory_space<vmem>>)
      %dma_wait3A_1766 = arith.constant 1 : i32
      %dma_wait3A_1767 = arith.constant 0 : i32
      %dma_wait3A_1768 = arith.constant 0 : i32
      %dma_wait3A_1769 = arith.constant 0 : i32
      %dma_wait3A_1770 = tpu.memref_slice %arg6[%dma_wait3A_1766, %dma_wait3A_1767, %dma_wait3A_1768, %dma_wait3A_1769] : memref<2x16x16x128xf32, #tpu.memory_space<vmem>> -> memref<1x1x16x128xf32, #tpu.memory_space<vmem>>
      %dma_wait3A_1771 = tpu.memref_squeeze %dma_wait3A_1770 : memref<1x1x16x128xf32, #tpu.memory_space<vmem>> -> memref<16x128xf32, #tpu.memory_space<vmem>>
      %dma_wait3A_1772 = arith.constant 0 : i32
      %dma_wait3A_1773 = arith.constant 0 : i32
      %dma_wait3A_1774 = tpu.memref_slice %arg3[%dma_wait3A_1772, %dma_wait3A_1773] : memref<64x1000000xf32, #tpu.memory_space<hbm>> -> memref<16x128xf32, #tpu.memory_space<hbm>>
      %dma_wait3A_1775 = arith.constant 0 : i32
      %dma_wait3A_1776 = arith.constant 0 : i32
      %dma_wait3A_1777 = tpu.memref_slice %arg6[%dma_wait3A_1766, %dma_wait3A_1767, %dma_wait3A_1775, %dma_wait3A_1776] : memref<2x16x16x128xf32, #tpu.memory_space<vmem>> -> memref<1x1x16x128xf32, #tpu.memory_space<vmem>>
      %dma_wait3A_1778 = tpu.memref_squeeze %dma_wait3A_1777 : memref<1x1x16x128xf32, #tpu.memory_space<vmem>> -> memref<16x128xf32, #tpu.memory_space<vmem>>
      %dma_wait3A_1779 = arith.constant 0 : i32
      %dma_wait3A_1780 = arith.constant 0 : i32
      %dma_wait3A_1781 = tpu.memref_slice %arg3[%dma_wait3A_1779, %dma_wait3A_1780] : memref<64x1000000xf32, #tpu.memory_space<hbm>> -> memref<16x128xf32, #tpu.memory_space<hbm>>
      tpu.wait_dma2 semaphore(%arg9 : memref<!tpu.dma_semaphore, #tpu.memory_space<semaphore_mem>>) src(%dma_wait3A_1781 : memref<16x128xf32, #tpu.memory_space<hbm>>) dst(%dma_wait3A_1778 : memref<16x128xf32, #tpu.memory_space<vmem>>)
      %dma_wait3A_1782 = arith.constant 1 : i32
      %dma_wait3A_1783 = arith.constant 0 : i32
      %dma_wait3A_1784 = arith.constant 0 : i32
      %dma_wait3A_1785 = arith.constant 0 : i32
      %dma_wait3A_1786 = tpu.memref_slice %arg6[%dma_wait3A_1782, %dma_wait3A_1783, %dma_wait3A_1784, %dma_wait3A_1785] : memref<2x16x16x128xf32, #tpu.memory_space<vmem>> -> memref<1x1x16x128xf32, #tpu.memory_space<vmem>>
      %dma_wait3A_1787 = tpu.memref_squeeze %dma_wait3A_1786 : memref<1x1x16x128xf32, #tpu.memory_space<vmem>> -> memref<16x128xf32, #tpu.memory_space<vmem>>
      %dma_wait3A_1788 = arith.constant 0 : i32
      %dma_wait3A_1789 = arith.constant 0 : i32
      %dma_wait3A_1790 = tpu.memref_slice %arg3[%dma_wait3A_1788, %dma_wait3A_1789] : memref<64x1000000xf32, #tpu.memory_space<hbm>> -> memref<16x128xf32, #tpu.memory_space<hbm>>
      %dma_wait3A_1791 = arith.constant 0 : i32
      %dma_wait3A_1792 = arith.constant 0 : i32
      %dma_wait3A_1793 = tpu.memref_slice %arg6[%dma_wait3A_1782, %dma_wait3A_1783, %dma_wait3A_1791, %dma_wait3A_1792] : memref<2x16x16x128xf32, #tpu.memory_space<vmem>> -> memref<1x1x16x128xf32, #tpu.memory_space<vmem>>
      %dma_wait3A_1794 = tpu.memref_squeeze %dma_wait3A_1793 : memref<1x1x16x128xf32, #tpu.memory_space<vmem>> -> memref<16x128xf32, #tpu.memory_space<vmem>>
      %dma_wait3A_1795 = arith.constant 0 : i32
      %dma_wait3A_1796 = arith.constant 0 : i32
      %dma_wait3A_1797 = tpu.memref_slice %arg3[%dma_wait3A_1795, %dma_wait3A_1796] : memref<64x1000000xf32, #tpu.memory_space<hbm>> -> memref<16x128xf32, #tpu.memory_space<hbm>>
      tpu.wait_dma2 semaphore(%arg9 : memref<!tpu.dma_semaphore, #tpu.memory_space<semaphore_mem>>) src(%dma_wait3A_1797 : memref<16x128xf32, #tpu.memory_space<hbm>>) dst(%dma_wait3A_1794 : memref<16x128xf32, #tpu.memory_space<vmem>>)
      %broadcast_in_dim3A_1798 = arith.constant 0 : i32
      %broadcast_in_dim3A_1799 = vector.broadcast %broadcast_in_dim3A_1798 : i32 to vector<16xi32>
      %gather3A_1800 = arith.constant 1 : i32
      %gather3A_1801 = arith.constant 0 : i32
      %gather3A_1802 = arith.constant 0 : i32
      %gather3A_1803 = arith.constant 0 : i32
      %gather3A_1804 = tpu.memref_slice %arg6[%gather3A_1800, %gather3A_1801, %gather3A_1802, %gather3A_1803] : memref<2x16x16x128xf32, #tpu.memory_space<vmem>> -> memref<1x16x16x128xf32, #tpu.memory_space<vmem>>
      %gather3A_1805 = tpu.memref_squeeze %gather3A_1804 : memref<1x16x16x128xf32, #tpu.memory_space<vmem>> -> memref<16x16x128xf32, #tpu.memory_space<vmem>>
      %gather3A_1806 = tpu.vector_load_idx %gather3A_1805[%iota3A, %broadcast_in_dim3A_1799, %and3A_542] : memref<16x16x128xf32, #tpu.memory_space<vmem>>[vector<16xi32>, vector<16xi32>, vector<16xi32>], vector<16xf32>,
      %mul3A_1807 = arith.constant 16 : i32
      %mul3A_1808 = arith.muli %scan3A_536, %mul3A_1807 : i32
      %swap3A_1809 = arith.constant 16 : i32
      %swap3A_1810 = arith.index_cast %swap3A_1809 : i32 to index
      %swap3A_1811 = arith.index_cast %mul3A_1808 : i32 to index
      %swap3A_1812 = tpu.vector_load %arg7[%swap3A_1810, %swap3A_1811] {strides = array<i32>} : memref<64x512xf32, #tpu.memory_space<vmem>>, vector<16xf32>,
      tpu.vector_store %arg7[%swap3A_1810, %swap3A_1811], %gather3A_1806 {strides = array<i32>} : memref<64x512xf32, #tpu.memory_space<vmem>>, vector<16xf32>,
      %broadcast_in_dim3A_1813 = arith.constant 1 : i32
      %broadcast_in_dim3A_1814 = vector.broadcast %broadcast_in_dim3A_1813 : i32 to vector<16xi32>
      %gather3A_1815 = arith.constant 1 : i32
      %gather3A_1816 = arith.constant 0 : i32
      %gather3A_1817 = arith.constant 0 : i32
      %gather3A_1818 = arith.constant 0 : i32
      %gather3A_1819 = tpu.memref_slice %arg6[%gather3A_1815, %gather3A_1816, %gather3A_1817, %gather3A_1818] : memref<2x16x16x128xf32, #tpu.memory_space<vmem>> -> memref<1x16x16x128xf32, #tpu.memory_space<vmem>>
      %gather3A_1820 = tpu.memref_squeeze %gather3A_1819 : memref<1x16x16x128xf32, #tpu.memory_space<vmem>> -> memref<16x16x128xf32, #tpu.memory_space<vmem>>
      %gather3A_1821 = tpu.vector_load_idx %gather3A_1820[%iota3A, %broadcast_in_dim3A_1814, %and3A_542] : memref<16x16x128xf32, #tpu.memory_space<vmem>>[vector<16xi32>, vector<16xi32>, vector<16xi32>], vector<16xf32>,
      %mul3A_1822 = arith.constant 16 : i32
      %mul3A_1823 = arith.muli %scan3A_536, %mul3A_1822 : i32
      %swap3A_1824 = arith.constant 17 : i32
      %swap3A_1825 = arith.index_cast %swap3A_1824 : i32 to index
      %swap3A_1826 = arith.index_cast %mul3A_1823 : i32 to index
      %swap3A_1827 = tpu.vector_load %arg7[%swap3A_1825, %swap3A_1826] {strides = array<i32>} : memref<64x512xf32, #tpu.memory_space<vmem>>, vector<16xf32>,
      tpu.vector_store %arg7[%swap3A_1825, %swap3A_1826], %gather3A_1821 {strides = array<i32>} : memref<64x512xf32, #tpu.memory_space<vmem>>, vector<16xf32>,
      %broadcast_in_dim3A_1828 = arith.constant 2 : i32
      %broadcast_in_dim3A_1829 = vector.broadcast %broadcast_in_dim3A_1828 : i32 to vector<16xi32>
      %gather3A_1830 = arith.constant 1 : i32
      %gather3A_1831 = arith.constant 0 : i32
      %gather3A_1832 = arith.constant 0 : i32
      %gather3A_1833 = arith.constant 0 : i32
      %gather3A_1834 = tpu.memref_slice %arg6[%gather3A_1830, %gather3A_1831, %gather3A_1832, %gather3A_1833] : memref<2x16x16x128xf32, #tpu.memory_space<vmem>> -> memref<1x16x16x128xf32, #tpu.memory_space<vmem>>
      %gather3A_1835 = tpu.memref_squeeze %gather3A_1834 : memref<1x16x16x128xf32, #tpu.memory_space<vmem>> -> memref<16x16x128xf32, #tpu.memory_space<vmem>>
      %gather3A_1836 = tpu.vector_load_idx %gather3A_1835[%iota3A, %broadcast_in_dim3A_1829, %and3A_542] : memref<16x16x128xf32, #tpu.memory_space<vmem>>[vector<16xi32>, vector<16xi32>, vector<16xi32>], vector<16xf32>,
      %mul3A_1837 = arith.constant 16 : i32
      %mul3A_1838 = arith.muli %scan3A_536, %mul3A_1837 : i32
      %swap3A_1839 = arith.constant 18 : i32
      %swap3A_1840 = arith.index_cast %swap3A_1839 : i32 to index
      %swap3A_1841 = arith.index_cast %mul3A_1838 : i32 to index
      %swap3A_1842 = tpu.vector_load %arg7[%swap3A_1840, %swap3A_1841] {strides = array<i32>} : memref<64x512xf32, #tpu.memory_space<vmem>>, vector<16xf32>,
      tpu.vector_store %arg7[%swap3A_1840, %swap3A_1841], %gather3A_1836 {strides = array<i32>} : memref<64x512xf32, #tpu.memory_space<vmem>>, vector<16xf32>,
      %broadcast_in_dim3A_1843 = arith.constant 3 : i32
      %broadcast_in_dim3A_1844 = vector.broadcast %broadcast_in_dim3A_1843 : i32 to vector<16xi32>
      %gather3A_1845 = arith.constant 1 : i32
      %gather3A_1846 = arith.constant 0 : i32
      %gather3A_1847 = arith.constant 0 : i32
      %gather3A_1848 = arith.constant 0 : i32
      %gather3A_1849 = tpu.memref_slice %arg6[%gather3A_1845, %gather3A_1846, %gather3A_1847, %gather3A_1848] : memref<2x16x16x128xf32, #tpu.memory_space<vmem>> -> memref<1x16x16x128xf32, #tpu.memory_space<vmem>>
      %gather3A_1850 = tpu.memref_squeeze %gather3A_1849 : memref<1x16x16x128xf32, #tpu.memory_space<vmem>> -> memref<16x16x128xf32, #tpu.memory_space<vmem>>
      %gather3A_1851 = tpu.vector_load_idx %gather3A_1850[%iota3A, %broadcast_in_dim3A_1844, %and3A_542] : memref<16x16x128xf32, #tpu.memory_space<vmem>>[vector<16xi32>, vector<16xi32>, vector<16xi32>], vector<16xf32>,
      %mul3A_1852 = arith.constant 16 : i32
      %mul3A_1853 = arith.muli %scan3A_536, %mul3A_1852 : i32
      %swap3A_1854 = arith.constant 19 : i32
      %swap3A_1855 = arith.index_cast %swap3A_1854 : i32 to index
      %swap3A_1856 = arith.index_cast %mul3A_1853 : i32 to index
      %swap3A_1857 = tpu.vector_load %arg7[%swap3A_1855, %swap3A_1856] {strides = array<i32>} : memref<64x512xf32, #tpu.memory_space<vmem>>, vector<16xf32>,
      tpu.vector_store %arg7[%swap3A_1855, %swap3A_1856], %gather3A_1851 {strides = array<i32>} : memref<64x512xf32, #tpu.memory_space<vmem>>, vector<16xf32>,
      %broadcast_in_dim3A_1858 = arith.constant 4 : i32
      %broadcast_in_dim3A_1859 = vector.broadcast %broadcast_in_dim3A_1858 : i32 to vector<16xi32>
      %gather3A_1860 = arith.constant 1 : i32
      %gather3A_1861 = arith.constant 0 : i32
      %gather3A_1862 = arith.constant 0 : i32
      %gather3A_1863 = arith.constant 0 : i32
      %gather3A_1864 = tpu.memref_slice %arg6[%gather3A_1860, %gather3A_1861, %gather3A_1862, %gather3A_1863] : memref<2x16x16x128xf32, #tpu.memory_space<vmem>> -> memref<1x16x16x128xf32, #tpu.memory_space<vmem>>
      %gather3A_1865 = tpu.memref_squeeze %gather3A_1864 : memref<1x16x16x128xf32, #tpu.memory_space<vmem>> -> memref<16x16x128xf32, #tpu.memory_space<vmem>>
      %gather3A_1866 = tpu.vector_load_idx %gather3A_1865[%iota3A, %broadcast_in_dim3A_1859, %and3A_542] : memref<16x16x128xf32, #tpu.memory_space<vmem>>[vector<16xi32>, vector<16xi32>, vector<16xi32>], vector<16xf32>,
      %mul3A_1867 = arith.constant 16 : i32
      %mul3A_1868 = arith.muli %scan3A_536, %mul3A_1867 : i32
      %swap3A_1869 = arith.constant 20 : i32
      %swap3A_1870 = arith.index_cast %swap3A_1869 : i32 to index
      %swap3A_1871 = arith.index_cast %mul3A_1868 : i32 to index
      %swap3A_1872 = tpu.vector_load %arg7[%swap3A_1870, %swap3A_1871] {strides = array<i32>} : memref<64x512xf32, #tpu.memory_space<vmem>>, vector<16xf32>,
      tpu.vector_store %arg7[%swap3A_1870, %swap3A_1871], %gather3A_1866 {strides = array<i32>} : memref<64x512xf32, #tpu.memory_space<vmem>>, vector<16xf32>,
      %broadcast_in_dim3A_1873 = arith.constant 5 : i32
      %broadcast_in_dim3A_1874 = vector.broadcast %broadcast_in_dim3A_1873 : i32 to vector<16xi32>
      %gather3A_1875 = arith.constant 1 : i32
      %gather3A_1876 = arith.constant 0 : i32
      %gather3A_1877 = arith.constant 0 : i32
      %gather3A_1878 = arith.constant 0 : i32
      %gather3A_1879 = tpu.memref_slice %arg6[%gather3A_1875, %gather3A_1876, %gather3A_1877, %gather3A_1878] : memref<2x16x16x128xf32, #tpu.memory_space<vmem>> -> memref<1x16x16x128xf32, #tpu.memory_space<vmem>>
      %gather3A_1880 = tpu.memref_squeeze %gather3A_1879 : memref<1x16x16x128xf32, #tpu.memory_space<vmem>> -> memref<16x16x128xf32, #tpu.memory_space<vmem>>
      %gather3A_1881 = tpu.vector_load_idx %gather3A_1880[%iota3A, %broadcast_in_dim3A_1874, %and3A_542] : memref<16x16x128xf32, #tpu.memory_space<vmem>>[vector<16xi32>, vector<16xi32>, vector<16xi32>], vector<16xf32>,
      %mul3A_1882 = arith.constant 16 : i32
      %mul3A_1883 = arith.muli %scan3A_536, %mul3A_1882 : i32
      %swap3A_1884 = arith.constant 21 : i32
      %swap3A_1885 = arith.index_cast %swap3A_1884 : i32 to index
      %swap3A_1886 = arith.index_cast %mul3A_1883 : i32 to index
      %swap3A_1887 = tpu.vector_load %arg7[%swap3A_1885, %swap3A_1886] {strides = array<i32>} : memref<64x512xf32, #tpu.memory_space<vmem>>, vector<16xf32>,
      tpu.vector_store %arg7[%swap3A_1885, %swap3A_1886], %gather3A_1881 {strides = array<i32>} : memref<64x512xf32, #tpu.memory_space<vmem>>, vector<16xf32>,
      %broadcast_in_dim3A_1888 = arith.constant 6 : i32
      %broadcast_in_dim3A_1889 = vector.broadcast %broadcast_in_dim3A_1888 : i32 to vector<16xi32>
      %gather3A_1890 = arith.constant 1 : i32
      %gather3A_1891 = arith.constant 0 : i32
      %gather3A_1892 = arith.constant 0 : i32
      %gather3A_1893 = arith.constant 0 : i32
      %gather3A_1894 = tpu.memref_slice %arg6[%gather3A_1890, %gather3A_1891, %gather3A_1892, %gather3A_1893] : memref<2x16x16x128xf32, #tpu.memory_space<vmem>> -> memref<1x16x16x128xf32, #tpu.memory_space<vmem>>
      %gather3A_1895 = tpu.memref_squeeze %gather3A_1894 : memref<1x16x16x128xf32, #tpu.memory_space<vmem>> -> memref<16x16x128xf32, #tpu.memory_space<vmem>>
      %gather3A_1896 = tpu.vector_load_idx %gather3A_1895[%iota3A, %broadcast_in_dim3A_1889, %and3A_542] : memref<16x16x128xf32, #tpu.memory_space<vmem>>[vector<16xi32>, vector<16xi32>, vector<16xi32>], vector<16xf32>,
      %mul3A_1897 = arith.constant 16 : i32
      %mul3A_1898 = arith.muli %scan3A_536, %mul3A_1897 : i32
      %swap3A_1899 = arith.constant 22 : i32
      %swap3A_1900 = arith.index_cast %swap3A_1899 : i32 to index
      %swap3A_1901 = arith.index_cast %mul3A_1898 : i32 to index
      %swap3A_1902 = tpu.vector_load %arg7[%swap3A_1900, %swap3A_1901] {strides = array<i32>} : memref<64x512xf32, #tpu.memory_space<vmem>>, vector<16xf32>,
      tpu.vector_store %arg7[%swap3A_1900, %swap3A_1901], %gather3A_1896 {strides = array<i32>} : memref<64x512xf32, #tpu.memory_space<vmem>>, vector<16xf32>,
      %broadcast_in_dim3A_1903 = arith.constant 7 : i32
      %broadcast_in_dim3A_1904 = vector.broadcast %broadcast_in_dim3A_1903 : i32 to vector<16xi32>
      %gather3A_1905 = arith.constant 1 : i32
      %gather3A_1906 = arith.constant 0 : i32
      %gather3A_1907 = arith.constant 0 : i32
      %gather3A_1908 = arith.constant 0 : i32
      %gather3A_1909 = tpu.memref_slice %arg6[%gather3A_1905, %gather3A_1906, %gather3A_1907, %gather3A_1908] : memref<2x16x16x128xf32, #tpu.memory_space<vmem>> -> memref<1x16x16x128xf32, #tpu.memory_space<vmem>>
      %gather3A_1910 = tpu.memref_squeeze %gather3A_1909 : memref<1x16x16x128xf32, #tpu.memory_space<vmem>> -> memref<16x16x128xf32, #tpu.memory_space<vmem>>
      %gather3A_1911 = tpu.vector_load_idx %gather3A_1910[%iota3A, %broadcast_in_dim3A_1904, %and3A_542] : memref<16x16x128xf32, #tpu.memory_space<vmem>>[vector<16xi32>, vector<16xi32>, vector<16xi32>], vector<16xf32>,
      %mul3A_1912 = arith.constant 16 : i32
      %mul3A_1913 = arith.muli %scan3A_536, %mul3A_1912 : i32
      %swap3A_1914 = arith.constant 23 : i32
      %swap3A_1915 = arith.index_cast %swap3A_1914 : i32 to index
      %swap3A_1916 = arith.index_cast %mul3A_1913 : i32 to index
      %swap3A_1917 = tpu.vector_load %arg7[%swap3A_1915, %swap3A_1916] {strides = array<i32>} : memref<64x512xf32, #tpu.memory_space<vmem>>, vector<16xf32>,
      tpu.vector_store %arg7[%swap3A_1915, %swap3A_1916], %gather3A_1911 {strides = array<i32>} : memref<64x512xf32, #tpu.memory_space<vmem>>, vector<16xf32>,
      %broadcast_in_dim3A_1918 = arith.constant 8 : i32
      %broadcast_in_dim3A_1919 = vector.broadcast %broadcast_in_dim3A_1918 : i32 to vector<16xi32>
      %gather3A_1920 = arith.constant 1 : i32
      %gather3A_1921 = arith.constant 0 : i32
      %gather3A_1922 = arith.constant 0 : i32
      %gather3A_1923 = arith.constant 0 : i32
      %gather3A_1924 = tpu.memref_slice %arg6[%gather3A_1920, %gather3A_1921, %gather3A_1922, %gather3A_1923] : memref<2x16x16x128xf32, #tpu.memory_space<vmem>> -> memref<1x16x16x128xf32, #tpu.memory_space<vmem>>
      %gather3A_1925 = tpu.memref_squeeze %gather3A_1924 : memref<1x16x16x128xf32, #tpu.memory_space<vmem>> -> memref<16x16x128xf32, #tpu.memory_space<vmem>>
      %gather3A_1926 = tpu.vector_load_idx %gather3A_1925[%iota3A, %broadcast_in_dim3A_1919, %and3A_542] : memref<16x16x128xf32, #tpu.memory_space<vmem>>[vector<16xi32>, vector<16xi32>, vector<16xi32>], vector<16xf32>,
      %mul3A_1927 = arith.constant 16 : i32
      %mul3A_1928 = arith.muli %scan3A_536, %mul3A_1927 : i32
      %swap3A_1929 = arith.constant 24 : i32
      %swap3A_1930 = arith.index_cast %swap3A_1929 : i32 to index
      %swap3A_1931 = arith.index_cast %mul3A_1928 : i32 to index
      %swap3A_1932 = tpu.vector_load %arg7[%swap3A_1930, %swap3A_1931] {strides = array<i32>} : memref<64x512xf32, #tpu.memory_space<vmem>>, vector<16xf32>,
      tpu.vector_store %arg7[%swap3A_1930, %swap3A_1931], %gather3A_1926 {strides = array<i32>} : memref<64x512xf32, #tpu.memory_space<vmem>>, vector<16xf32>,
      %broadcast_in_dim3A_1933 = arith.constant 9 : i32
      %broadcast_in_dim3A_1934 = vector.broadcast %broadcast_in_dim3A_1933 : i32 to vector<16xi32>
      %gather3A_1935 = arith.constant 1 : i32
      %gather3A_1936 = arith.constant 0 : i32
      %gather3A_1937 = arith.constant 0 : i32
      %gather3A_1938 = arith.constant 0 : i32
      %gather3A_1939 = tpu.memref_slice %arg6[%gather3A_1935, %gather3A_1936, %gather3A_1937, %gather3A_1938] : memref<2x16x16x128xf32, #tpu.memory_space<vmem>> -> memref<1x16x16x128xf32, #tpu.memory_space<vmem>>
      %gather3A_1940 = tpu.memref_squeeze %gather3A_1939 : memref<1x16x16x128xf32, #tpu.memory_space<vmem>> -> memref<16x16x128xf32, #tpu.memory_space<vmem>>
      %gather3A_1941 = tpu.vector_load_idx %gather3A_1940[%iota3A, %broadcast_in_dim3A_1934, %and3A_542] : memref<16x16x128xf32, #tpu.memory_space<vmem>>[vector<16xi32>, vector<16xi32>, vector<16xi32>], vector<16xf32>,
      %mul3A_1942 = arith.constant 16 : i32
      %mul3A_1943 = arith.muli %scan3A_536, %mul3A_1942 : i32
      %swap3A_1944 = arith.constant 25 : i32
      %swap3A_1945 = arith.index_cast %swap3A_1944 : i32 to index
      %swap3A_1946 = arith.index_cast %mul3A_1943 : i32 to index
      %swap3A_1947 = tpu.vector_load %arg7[%swap3A_1945, %swap3A_1946] {strides = array<i32>} : memref<64x512xf32, #tpu.memory_space<vmem>>, vector<16xf32>,
      tpu.vector_store %arg7[%swap3A_1945, %swap3A_1946], %gather3A_1941 {strides = array<i32>} : memref<64x512xf32, #tpu.memory_space<vmem>>, vector<16xf32>,
      %broadcast_in_dim3A_1948 = arith.constant 10 : i32
      %broadcast_in_dim3A_1949 = vector.broadcast %broadcast_in_dim3A_1948 : i32 to vector<16xi32>
      %gather3A_1950 = arith.constant 1 : i32
      %gather3A_1951 = arith.constant 0 : i32
      %gather3A_1952 = arith.constant 0 : i32
      %gather3A_1953 = arith.constant 0 : i32
      %gather3A_1954 = tpu.memref_slice %arg6[%gather3A_1950, %gather3A_1951, %gather3A_1952, %gather3A_1953] : memref<2x16x16x128xf32, #tpu.memory_space<vmem>> -> memref<1x16x16x128xf32, #tpu.memory_space<vmem>>
      %gather3A_1955 = tpu.memref_squeeze %gather3A_1954 : memref<1x16x16x128xf32, #tpu.memory_space<vmem>> -> memref<16x16x128xf32, #tpu.memory_space<vmem>>
      %gather3A_1956 = tpu.vector_load_idx %gather3A_1955[%iota3A, %broadcast_in_dim3A_1949, %and3A_542] : memref<16x16x128xf32, #tpu.memory_space<vmem>>[vector<16xi32>, vector<16xi32>, vector<16xi32>], vector<16xf32>,
      %mul3A_1957 = arith.constant 16 : i32
      %mul3A_1958 = arith.muli %scan3A_536, %mul3A_1957 : i32
      %swap3A_1959 = arith.constant 26 : i32
      %swap3A_1960 = arith.index_cast %swap3A_1959 : i32 to index
      %swap3A_1961 = arith.index_cast %mul3A_1958 : i32 to index
      %swap3A_1962 = tpu.vector_load %arg7[%swap3A_1960, %swap3A_1961] {strides = array<i32>} : memref<64x512xf32, #tpu.memory_space<vmem>>, vector<16xf32>,
      tpu.vector_store %arg7[%swap3A_1960, %swap3A_1961], %gather3A_1956 {strides = array<i32>} : memref<64x512xf32, #tpu.memory_space<vmem>>, vector<16xf32>,
      %broadcast_in_dim3A_1963 = arith.constant 11 : i32
      %broadcast_in_dim3A_1964 = vector.broadcast %broadcast_in_dim3A_1963 : i32 to vector<16xi32>
      %gather3A_1965 = arith.constant 1 : i32
      %gather3A_1966 = arith.constant 0 : i32
      %gather3A_1967 = arith.constant 0 : i32
      %gather3A_1968 = arith.constant 0 : i32
      %gather3A_1969 = tpu.memref_slice %arg6[%gather3A_1965, %gather3A_1966, %gather3A_1967, %gather3A_1968] : memref<2x16x16x128xf32, #tpu.memory_space<vmem>> -> memref<1x16x16x128xf32, #tpu.memory_space<vmem>>
      %gather3A_1970 = tpu.memref_squeeze %gather3A_1969 : memref<1x16x16x128xf32, #tpu.memory_space<vmem>> -> memref<16x16x128xf32, #tpu.memory_space<vmem>>
      %gather3A_1971 = tpu.vector_load_idx %gather3A_1970[%iota3A, %broadcast_in_dim3A_1964, %and3A_542] : memref<16x16x128xf32, #tpu.memory_space<vmem>>[vector<16xi32>, vector<16xi32>, vector<16xi32>], vector<16xf32>,
      %mul3A_1972 = arith.constant 16 : i32
      %mul3A_1973 = arith.muli %scan3A_536, %mul3A_1972 : i32
      %swap3A_1974 = arith.constant 27 : i32
      %swap3A_1975 = arith.index_cast %swap3A_1974 : i32 to index
      %swap3A_1976 = arith.index_cast %mul3A_1973 : i32 to index
      %swap3A_1977 = tpu.vector_load %arg7[%swap3A_1975, %swap3A_1976] {strides = array<i32>} : memref<64x512xf32, #tpu.memory_space<vmem>>, vector<16xf32>,
      tpu.vector_store %arg7[%swap3A_1975, %swap3A_1976], %gather3A_1971 {strides = array<i32>} : memref<64x512xf32, #tpu.memory_space<vmem>>, vector<16xf32>,
      %broadcast_in_dim3A_1978 = arith.constant 12 : i32
      %broadcast_in_dim3A_1979 = vector.broadcast %broadcast_in_dim3A_1978 : i32 to vector<16xi32>
      %gather3A_1980 = arith.constant 1 : i32
      %gather3A_1981 = arith.constant 0 : i32
      %gather3A_1982 = arith.constant 0 : i32
      %gather3A_1983 = arith.constant 0 : i32
      %gather3A_1984 = tpu.memref_slice %arg6[%gather3A_1980, %gather3A_1981, %gather3A_1982, %gather3A_1983] : memref<2x16x16x128xf32, #tpu.memory_space<vmem>> -> memref<1x16x16x128xf32, #tpu.memory_space<vmem>>
      %gather3A_1985 = tpu.memref_squeeze %gather3A_1984 : memref<1x16x16x128xf32, #tpu.memory_space<vmem>> -> memref<16x16x128xf32, #tpu.memory_space<vmem>>
      %gather3A_1986 = tpu.vector_load_idx %gather3A_1985[%iota3A, %broadcast_in_dim3A_1979, %and3A_542] : memref<16x16x128xf32, #tpu.memory_space<vmem>>[vector<16xi32>, vector<16xi32>, vector<16xi32>], vector<16xf32>,
      %mul3A_1987 = arith.constant 16 : i32
      %mul3A_1988 = arith.muli %scan3A_536, %mul3A_1987 : i32
      %swap3A_1989 = arith.constant 28 : i32
      %swap3A_1990 = arith.index_cast %swap3A_1989 : i32 to index
      %swap3A_1991 = arith.index_cast %mul3A_1988 : i32 to index
      %swap3A_1992 = tpu.vector_load %arg7[%swap3A_1990, %swap3A_1991] {strides = array<i32>} : memref<64x512xf32, #tpu.memory_space<vmem>>, vector<16xf32>,
      tpu.vector_store %arg7[%swap3A_1990, %swap3A_1991], %gather3A_1986 {strides = array<i32>} : memref<64x512xf32, #tpu.memory_space<vmem>>, vector<16xf32>,
      %broadcast_in_dim3A_1993 = arith.constant 13 : i32
      %broadcast_in_dim3A_1994 = vector.broadcast %broadcast_in_dim3A_1993 : i32 to vector<16xi32>
      %gather3A_1995 = arith.constant 1 : i32
      %gather3A_1996 = arith.constant 0 : i32
      %gather3A_1997 = arith.constant 0 : i32
      %gather3A_1998 = arith.constant 0 : i32
      %gather3A_1999 = tpu.memref_slice %arg6[%gather3A_1995, %gather3A_1996, %gather3A_1997, %gather3A_1998] : memref<2x16x16x128xf32, #tpu.memory_space<vmem>> -> memref<1x16x16x128xf32, #tpu.memory_space<vmem>>
      %gather3A_2000 = tpu.memref_squeeze %gather3A_1999 : memref<1x16x16x128xf32, #tpu.memory_space<vmem>> -> memref<16x16x128xf32, #tpu.memory_space<vmem>>
      %gather3A_2001 = tpu.vector_load_idx %gather3A_2000[%iota3A, %broadcast_in_dim3A_1994, %and3A_542] : memref<16x16x128xf32, #tpu.memory_space<vmem>>[vector<16xi32>, vector<16xi32>, vector<16xi32>], vector<16xf32>,
      %mul3A_2002 = arith.constant 16 : i32
      %mul3A_2003 = arith.muli %scan3A_536, %mul3A_2002 : i32
      %swap3A_2004 = arith.constant 29 : i32
      %swap3A_2005 = arith.index_cast %swap3A_2004 : i32 to index
      %swap3A_2006 = arith.index_cast %mul3A_2003 : i32 to index
      %swap3A_2007 = tpu.vector_load %arg7[%swap3A_2005, %swap3A_2006] {strides = array<i32>} : memref<64x512xf32, #tpu.memory_space<vmem>>, vector<16xf32>,
      tpu.vector_store %arg7[%swap3A_2005, %swap3A_2006], %gather3A_2001 {strides = array<i32>} : memref<64x512xf32, #tpu.memory_space<vmem>>, vector<16xf32>,
      %broadcast_in_dim3A_2008 = arith.constant 14 : i32
      %broadcast_in_dim3A_2009 = vector.broadcast %broadcast_in_dim3A_2008 : i32 to vector<16xi32>
      %gather3A_2010 = arith.constant 1 : i32
      %gather3A_2011 = arith.constant 0 : i32
      %gather3A_2012 = arith.constant 0 : i32
      %gather3A_2013 = arith.constant 0 : i32
      %gather3A_2014 = tpu.memref_slice %arg6[%gather3A_2010, %gather3A_2011, %gather3A_2012, %gather3A_2013] : memref<2x16x16x128xf32, #tpu.memory_space<vmem>> -> memref<1x16x16x128xf32, #tpu.memory_space<vmem>>
      %gather3A_2015 = tpu.memref_squeeze %gather3A_2014 : memref<1x16x16x128xf32, #tpu.memory_space<vmem>> -> memref<16x16x128xf32, #tpu.memory_space<vmem>>
      %gather3A_2016 = tpu.vector_load_idx %gather3A_2015[%iota3A, %broadcast_in_dim3A_2009, %and3A_542] : memref<16x16x128xf32, #tpu.memory_space<vmem>>[vector<16xi32>, vector<16xi32>, vector<16xi32>], vector<16xf32>,
      %mul3A_2017 = arith.constant 16 : i32
      %mul3A_2018 = arith.muli %scan3A_536, %mul3A_2017 : i32
      %swap3A_2019 = arith.constant 30 : i32
      %swap3A_2020 = arith.index_cast %swap3A_2019 : i32 to index
      %swap3A_2021 = arith.index_cast %mul3A_2018 : i32 to index
      %swap3A_2022 = tpu.vector_load %arg7[%swap3A_2020, %swap3A_2021] {strides = array<i32>} : memref<64x512xf32, #tpu.memory_space<vmem>>, vector<16xf32>,
      tpu.vector_store %arg7[%swap3A_2020, %swap3A_2021], %gather3A_2016 {strides = array<i32>} : memref<64x512xf32, #tpu.memory_space<vmem>>, vector<16xf32>,
      %broadcast_in_dim3A_2023 = arith.constant 15 : i32
      %broadcast_in_dim3A_2024 = vector.broadcast %broadcast_in_dim3A_2023 : i32 to vector<16xi32>
      %gather3A_2025 = arith.constant 1 : i32
      %gather3A_2026 = arith.constant 0 : i32
      %gather3A_2027 = arith.constant 0 : i32
      %gather3A_2028 = arith.constant 0 : i32
      %gather3A_2029 = tpu.memref_slice %arg6[%gather3A_2025, %gather3A_2026, %gather3A_2027, %gather3A_2028] : memref<2x16x16x128xf32, #tpu.memory_space<vmem>> -> memref<1x16x16x128xf32, #tpu.memory_space<vmem>>
      %gather3A_2030 = tpu.memref_squeeze %gather3A_2029 : memref<1x16x16x128xf32, #tpu.memory_space<vmem>> -> memref<16x16x128xf32, #tpu.memory_space<vmem>>
      %gather3A_2031 = tpu.vector_load_idx %gather3A_2030[%iota3A, %broadcast_in_dim3A_2024, %and3A_542] : memref<16x16x128xf32, #tpu.memory_space<vmem>>[vector<16xi32>, vector<16xi32>, vector<16xi32>], vector<16xf32>,
      %mul3A_2032 = arith.constant 16 : i32
      %mul3A_2033 = arith.muli %scan3A_536, %mul3A_2032 : i32
      %swap3A_2034 = arith.constant 31 : i32
      %swap3A_2035 = arith.index_cast %swap3A_2034 : i32 to index
      %swap3A_2036 = arith.index_cast %mul3A_2033 : i32 to index
      %swap3A_2037 = tpu.vector_load %arg7[%swap3A_2035, %swap3A_2036] {strides = array<i32>} : memref<64x512xf32, #tpu.memory_space<vmem>>, vector<16xf32>,
      tpu.vector_store %arg7[%swap3A_2035, %swap3A_2036], %gather3A_2031 {strides = array<i32>} : memref<64x512xf32, #tpu.memory_space<vmem>>, vector<16xf32>,
      %dma_start3A_2038 = arith.constant 1 : i32
      %dma_start3A_2039 = arith.constant 0 : i32
      %dma_start3A_2040 = arith.constant 0 : i32
      %dma_start3A_2041 = arith.constant 0 : i32
      %dma_start3A_2042 = tpu.memref_slice %arg6[%dma_start3A_2038, %dma_start3A_2039, %dma_start3A_2040, %dma_start3A_2041] : memref<2x16x16x128xf32, #tpu.memory_space<vmem>> -> memref<1x1x16x128xf32, #tpu.memory_space<vmem>>
      %dma_start3A_2043 = tpu.memref_squeeze %dma_start3A_2042 : memref<1x1x16x128xf32, #tpu.memory_space<vmem>> -> memref<16x128xf32, #tpu.memory_space<vmem>>
      %dma_start3A_2044 = arith.constant 48 : i32
      %dma_start3A_2045 = tpu.memref_slice %arg3[%dma_start3A_2044, %multiple_of3A_555] : memref<64x1000000xf32, #tpu.memory_space<hbm>> -> memref<16x128xf32, #tpu.memory_space<hbm>>
      %dma_start3A_2046 = arith.constant 0 : i32
      %dma_start3A_2047 = arith.constant 0 : i32
      %dma_start3A_2048 = tpu.memref_slice %arg6[%dma_start3A_2038, %dma_start3A_2039, %dma_start3A_2046, %dma_start3A_2047] : memref<2x16x16x128xf32, #tpu.memory_space<vmem>> -> memref<1x1x16x128xf32, #tpu.memory_space<vmem>>
      %dma_start3A_2049 = tpu.memref_squeeze %dma_start3A_2048 : memref<1x1x16x128xf32, #tpu.memory_space<vmem>> -> memref<16x128xf32, #tpu.memory_space<vmem>>
      %dma_start3A_2050 = arith.constant 48 : i32
      %dma_start3A_2051 = tpu.memref_slice %arg3[%dma_start3A_2050, %multiple_of3A_555] : memref<64x1000000xf32, #tpu.memory_space<hbm>> -> memref<16x128xf32, #tpu.memory_space<hbm>>
      tpu.enqueue_dma source(%dma_start3A_2051 : memref<16x128xf32, #tpu.memory_space<hbm>>) target(%dma_start3A_2049 : memref<16x128xf32, #tpu.memory_space<vmem>>) target_semaphore(%arg9 : memref<!tpu.dma_semaphore, #tpu.memory_space<semaphore_mem>>)
      %dma_start3A_2052 = arith.constant 1 : i32
      %dma_start3A_2053 = arith.constant 1 : i32
      %dma_start3A_2054 = arith.constant 0 : i32
      %dma_start3A_2055 = arith.constant 0 : i32
      %dma_start3A_2056 = tpu.memref_slice %arg6[%dma_start3A_2052, %dma_start3A_2053, %dma_start3A_2054, %dma_start3A_2055] : memref<2x16x16x128xf32, #tpu.memory_space<vmem>> -> memref<1x1x16x128xf32, #tpu.memory_space<vmem>>
      %dma_start3A_2057 = tpu.memref_squeeze %dma_start3A_2056 : memref<1x1x16x128xf32, #tpu.memory_space<vmem>> -> memref<16x128xf32, #tpu.memory_space<vmem>>
      %dma_start3A_2058 = arith.constant 48 : i32
      %dma_start3A_2059 = tpu.memref_slice %arg3[%dma_start3A_2058, %multiple_of3A_558] : memref<64x1000000xf32, #tpu.memory_space<hbm>> -> memref<16x128xf32, #tpu.memory_space<hbm>>
      %dma_start3A_2060 = arith.constant 0 : i32
      %dma_start3A_2061 = arith.constant 0 : i32
      %dma_start3A_2062 = tpu.memref_slice %arg6[%dma_start3A_2052, %dma_start3A_2053, %dma_start3A_2060, %dma_start3A_2061] : memref<2x16x16x128xf32, #tpu.memory_space<vmem>> -> memref<1x1x16x128xf32, #tpu.memory_space<vmem>>
      %dma_start3A_2063 = tpu.memref_squeeze %dma_start3A_2062 : memref<1x1x16x128xf32, #tpu.memory_space<vmem>> -> memref<16x128xf32, #tpu.memory_space<vmem>>
      %dma_start3A_2064 = arith.constant 48 : i32
      %dma_start3A_2065 = tpu.memref_slice %arg3[%dma_start3A_2064, %multiple_of3A_558] : memref<64x1000000xf32, #tpu.memory_space<hbm>> -> memref<16x128xf32, #tpu.memory_space<hbm>>
      tpu.enqueue_dma source(%dma_start3A_2065 : memref<16x128xf32, #tpu.memory_space<hbm>>) target(%dma_start3A_2063 : memref<16x128xf32, #tpu.memory_space<vmem>>) target_semaphore(%arg9 : memref<!tpu.dma_semaphore, #tpu.memory_space<semaphore_mem>>)
      %dma_start3A_2066 = arith.constant 1 : i32
      %dma_start3A_2067 = arith.constant 2 : i32
      %dma_start3A_2068 = arith.constant 0 : i32
      %dma_start3A_2069 = arith.constant 0 : i32
      %dma_start3A_2070 = tpu.memref_slice %arg6[%dma_start3A_2066, %dma_start3A_2067, %dma_start3A_2068, %dma_start3A_2069] : memref<2x16x16x128xf32, #tpu.memory_space<vmem>> -> memref<1x1x16x128xf32, #tpu.memory_space<vmem>>
      %dma_start3A_2071 = tpu.memref_squeeze %dma_start3A_2070 : memref<1x1x16x128xf32, #tpu.memory_space<vmem>> -> memref<16x128xf32, #tpu.memory_space<vmem>>
      %dma_start3A_2072 = arith.constant 48 : i32
      %dma_start3A_2073 = tpu.memref_slice %arg3[%dma_start3A_2072, %multiple_of3A_561] : memref<64x1000000xf32, #tpu.memory_space<hbm>> -> memref<16x128xf32, #tpu.memory_space<hbm>>
      %dma_start3A_2074 = arith.constant 0 : i32
      %dma_start3A_2075 = arith.constant 0 : i32
      %dma_start3A_2076 = tpu.memref_slice %arg6[%dma_start3A_2066, %dma_start3A_2067, %dma_start3A_2074, %dma_start3A_2075] : memref<2x16x16x128xf32, #tpu.memory_space<vmem>> -> memref<1x1x16x128xf32, #tpu.memory_space<vmem>>
      %dma_start3A_2077 = tpu.memref_squeeze %dma_start3A_2076 : memref<1x1x16x128xf32, #tpu.memory_space<vmem>> -> memref<16x128xf32, #tpu.memory_space<vmem>>
      %dma_start3A_2078 = arith.constant 48 : i32
      %dma_start3A_2079 = tpu.memref_slice %arg3[%dma_start3A_2078, %multiple_of3A_561] : memref<64x1000000xf32, #tpu.memory_space<hbm>> -> memref<16x128xf32, #tpu.memory_space<hbm>>
      tpu.enqueue_dma source(%dma_start3A_2079 : memref<16x128xf32, #tpu.memory_space<hbm>>) target(%dma_start3A_2077 : memref<16x128xf32, #tpu.memory_space<vmem>>) target_semaphore(%arg9 : memref<!tpu.dma_semaphore, #tpu.memory_space<semaphore_mem>>)
      %dma_start3A_2080 = arith.constant 1 : i32
      %dma_start3A_2081 = arith.constant 3 : i32
      %dma_start3A_2082 = arith.constant 0 : i32
      %dma_start3A_2083 = arith.constant 0 : i32
      %dma_start3A_2084 = tpu.memref_slice %arg6[%dma_start3A_2080, %dma_start3A_2081, %dma_start3A_2082, %dma_start3A_2083] : memref<2x16x16x128xf32, #tpu.memory_space<vmem>> -> memref<1x1x16x128xf32, #tpu.memory_space<vmem>>
      %dma_start3A_2085 = tpu.memref_squeeze %dma_start3A_2084 : memref<1x1x16x128xf32, #tpu.memory_space<vmem>> -> memref<16x128xf32, #tpu.memory_space<vmem>>
      %dma_start3A_2086 = arith.constant 48 : i32
      %dma_start3A_2087 = tpu.memref_slice %arg3[%dma_start3A_2086, %multiple_of3A_564] : memref<64x1000000xf32, #tpu.memory_space<hbm>> -> memref<16x128xf32, #tpu.memory_space<hbm>>
      %dma_start3A_2088 = arith.constant 0 : i32
      %dma_start3A_2089 = arith.constant 0 : i32
      %dma_start3A_2090 = tpu.memref_slice %arg6[%dma_start3A_2080, %dma_start3A_2081, %dma_start3A_2088, %dma_start3A_2089] : memref<2x16x16x128xf32, #tpu.memory_space<vmem>> -> memref<1x1x16x128xf32, #tpu.memory_space<vmem>>
      %dma_start3A_2091 = tpu.memref_squeeze %dma_start3A_2090 : memref<1x1x16x128xf32, #tpu.memory_space<vmem>> -> memref<16x128xf32, #tpu.memory_space<vmem>>
      %dma_start3A_2092 = arith.constant 48 : i32
      %dma_start3A_2093 = tpu.memref_slice %arg3[%dma_start3A_2092, %multiple_of3A_564] : memref<64x1000000xf32, #tpu.memory_space<hbm>> -> memref<16x128xf32, #tpu.memory_space<hbm>>
      tpu.enqueue_dma source(%dma_start3A_2093 : memref<16x128xf32, #tpu.memory_space<hbm>>) target(%dma_start3A_2091 : memref<16x128xf32, #tpu.memory_space<vmem>>) target_semaphore(%arg9 : memref<!tpu.dma_semaphore, #tpu.memory_space<semaphore_mem>>)
      %dma_start3A_2094 = arith.constant 1 : i32
      %dma_start3A_2095 = arith.constant 4 : i32
      %dma_start3A_2096 = arith.constant 0 : i32
      %dma_start3A_2097 = arith.constant 0 : i32
      %dma_start3A_2098 = tpu.memref_slice %arg6[%dma_start3A_2094, %dma_start3A_2095, %dma_start3A_2096, %dma_start3A_2097] : memref<2x16x16x128xf32, #tpu.memory_space<vmem>> -> memref<1x1x16x128xf32, #tpu.memory_space<vmem>>
      %dma_start3A_2099 = tpu.memref_squeeze %dma_start3A_2098 : memref<1x1x16x128xf32, #tpu.memory_space<vmem>> -> memref<16x128xf32, #tpu.memory_space<vmem>>
      %dma_start3A_2100 = arith.constant 48 : i32
      %dma_start3A_2101 = tpu.memref_slice %arg3[%dma_start3A_2100, %multiple_of3A_567] : memref<64x1000000xf32, #tpu.memory_space<hbm>> -> memref<16x128xf32, #tpu.memory_space<hbm>>
      %dma_start3A_2102 = arith.constant 0 : i32
      %dma_start3A_2103 = arith.constant 0 : i32
      %dma_start3A_2104 = tpu.memref_slice %arg6[%dma_start3A_2094, %dma_start3A_2095, %dma_start3A_2102, %dma_start3A_2103] : memref<2x16x16x128xf32, #tpu.memory_space<vmem>> -> memref<1x1x16x128xf32, #tpu.memory_space<vmem>>
      %dma_start3A_2105 = tpu.memref_squeeze %dma_start3A_2104 : memref<1x1x16x128xf32, #tpu.memory_space<vmem>> -> memref<16x128xf32, #tpu.memory_space<vmem>>
      %dma_start3A_2106 = arith.constant 48 : i32
      %dma_start3A_2107 = tpu.memref_slice %arg3[%dma_start3A_2106, %multiple_of3A_567] : memref<64x1000000xf32, #tpu.memory_space<hbm>> -> memref<16x128xf32, #tpu.memory_space<hbm>>
      tpu.enqueue_dma source(%dma_start3A_2107 : memref<16x128xf32, #tpu.memory_space<hbm>>) target(%dma_start3A_2105 : memref<16x128xf32, #tpu.memory_space<vmem>>) target_semaphore(%arg9 : memref<!tpu.dma_semaphore, #tpu.memory_space<semaphore_mem>>)
      %dma_start3A_2108 = arith.constant 1 : i32
      %dma_start3A_2109 = arith.constant 5 : i32
      %dma_start3A_2110 = arith.constant 0 : i32
      %dma_start3A_2111 = arith.constant 0 : i32
      %dma_start3A_2112 = tpu.memref_slice %arg6[%dma_start3A_2108, %dma_start3A_2109, %dma_start3A_2110, %dma_start3A_2111] : memref<2x16x16x128xf32, #tpu.memory_space<vmem>> -> memref<1x1x16x128xf32, #tpu.memory_space<vmem>>
      %dma_start3A_2113 = tpu.memref_squeeze %dma_start3A_2112 : memref<1x1x16x128xf32, #tpu.memory_space<vmem>> -> memref<16x128xf32, #tpu.memory_space<vmem>>
      %dma_start3A_2114 = arith.constant 48 : i32
      %dma_start3A_2115 = tpu.memref_slice %arg3[%dma_start3A_2114, %multiple_of3A_570] : memref<64x1000000xf32, #tpu.memory_space<hbm>> -> memref<16x128xf32, #tpu.memory_space<hbm>>
      %dma_start3A_2116 = arith.constant 0 : i32
      %dma_start3A_2117 = arith.constant 0 : i32
      %dma_start3A_2118 = tpu.memref_slice %arg6[%dma_start3A_2108, %dma_start3A_2109, %dma_start3A_2116, %dma_start3A_2117] : memref<2x16x16x128xf32, #tpu.memory_space<vmem>> -> memref<1x1x16x128xf32, #tpu.memory_space<vmem>>
      %dma_start3A_2119 = tpu.memref_squeeze %dma_start3A_2118 : memref<1x1x16x128xf32, #tpu.memory_space<vmem>> -> memref<16x128xf32, #tpu.memory_space<vmem>>
      %dma_start3A_2120 = arith.constant 48 : i32
      %dma_start3A_2121 = tpu.memref_slice %arg3[%dma_start3A_2120, %multiple_of3A_570] : memref<64x1000000xf32, #tpu.memory_space<hbm>> -> memref<16x128xf32, #tpu.memory_space<hbm>>
      tpu.enqueue_dma source(%dma_start3A_2121 : memref<16x128xf32, #tpu.memory_space<hbm>>) target(%dma_start3A_2119 : memref<16x128xf32, #tpu.memory_space<vmem>>) target_semaphore(%arg9 : memref<!tpu.dma_semaphore, #tpu.memory_space<semaphore_mem>>)
      %dma_start3A_2122 = arith.constant 1 : i32
      %dma_start3A_2123 = arith.constant 6 : i32
      %dma_start3A_2124 = arith.constant 0 : i32
      %dma_start3A_2125 = arith.constant 0 : i32
      %dma_start3A_2126 = tpu.memref_slice %arg6[%dma_start3A_2122, %dma_start3A_2123, %dma_start3A_2124, %dma_start3A_2125] : memref<2x16x16x128xf32, #tpu.memory_space<vmem>> -> memref<1x1x16x128xf32, #tpu.memory_space<vmem>>
      %dma_start3A_2127 = tpu.memref_squeeze %dma_start3A_2126 : memref<1x1x16x128xf32, #tpu.memory_space<vmem>> -> memref<16x128xf32, #tpu.memory_space<vmem>>
      %dma_start3A_2128 = arith.constant 48 : i32
      %dma_start3A_2129 = tpu.memref_slice %arg3[%dma_start3A_2128, %multiple_of3A_573] : memref<64x1000000xf32, #tpu.memory_space<hbm>> -> memref<16x128xf32, #tpu.memory_space<hbm>>
      %dma_start3A_2130 = arith.constant 0 : i32
      %dma_start3A_2131 = arith.constant 0 : i32
      %dma_start3A_2132 = tpu.memref_slice %arg6[%dma_start3A_2122, %dma_start3A_2123, %dma_start3A_2130, %dma_start3A_2131] : memref<2x16x16x128xf32, #tpu.memory_space<vmem>> -> memref<1x1x16x128xf32, #tpu.memory_space<vmem>>
      %dma_start3A_2133 = tpu.memref_squeeze %dma_start3A_2132 : memref<1x1x16x128xf32, #tpu.memory_space<vmem>> -> memref<16x128xf32, #tpu.memory_space<vmem>>
      %dma_start3A_2134 = arith.constant 48 : i32
      %dma_start3A_2135 = tpu.memref_slice %arg3[%dma_start3A_2134, %multiple_of3A_573] : memref<64x1000000xf32, #tpu.memory_space<hbm>> -> memref<16x128xf32, #tpu.memory_space<hbm>>
      tpu.enqueue_dma source(%dma_start3A_2135 : memref<16x128xf32, #tpu.memory_space<hbm>>) target(%dma_start3A_2133 : memref<16x128xf32, #tpu.memory_space<vmem>>) target_semaphore(%arg9 : memref<!tpu.dma_semaphore, #tpu.memory_space<semaphore_mem>>)
      %dma_start3A_2136 = arith.constant 1 : i32
      %dma_start3A_2137 = arith.constant 7 : i32
      %dma_start3A_2138 = arith.constant 0 : i32
      %dma_start3A_2139 = arith.constant 0 : i32
      %dma_start3A_2140 = tpu.memref_slice %arg6[%dma_start3A_2136, %dma_start3A_2137, %dma_start3A_2138, %dma_start3A_2139] : memref<2x16x16x128xf32, #tpu.memory_space<vmem>> -> memref<1x1x16x128xf32, #tpu.memory_space<vmem>>
      %dma_start3A_2141 = tpu.memref_squeeze %dma_start3A_2140 : memref<1x1x16x128xf32, #tpu.memory_space<vmem>> -> memref<16x128xf32, #tpu.memory_space<vmem>>
      %dma_start3A_2142 = arith.constant 48 : i32
      %dma_start3A_2143 = tpu.memref_slice %arg3[%dma_start3A_2142, %multiple_of3A_576] : memref<64x1000000xf32, #tpu.memory_space<hbm>> -> memref<16x128xf32, #tpu.memory_space<hbm>>
      %dma_start3A_2144 = arith.constant 0 : i32
      %dma_start3A_2145 = arith.constant 0 : i32
      %dma_start3A_2146 = tpu.memref_slice %arg6[%dma_start3A_2136, %dma_start3A_2137, %dma_start3A_2144, %dma_start3A_2145] : memref<2x16x16x128xf32, #tpu.memory_space<vmem>> -> memref<1x1x16x128xf32, #tpu.memory_space<vmem>>
      %dma_start3A_2147 = tpu.memref_squeeze %dma_start3A_2146 : memref<1x1x16x128xf32, #tpu.memory_space<vmem>> -> memref<16x128xf32, #tpu.memory_space<vmem>>
      %dma_start3A_2148 = arith.constant 48 : i32
      %dma_start3A_2149 = tpu.memref_slice %arg3[%dma_start3A_2148, %multiple_of3A_576] : memref<64x1000000xf32, #tpu.memory_space<hbm>> -> memref<16x128xf32, #tpu.memory_space<hbm>>
      tpu.enqueue_dma source(%dma_start3A_2149 : memref<16x128xf32, #tpu.memory_space<hbm>>) target(%dma_start3A_2147 : memref<16x128xf32, #tpu.memory_space<vmem>>) target_semaphore(%arg9 : memref<!tpu.dma_semaphore, #tpu.memory_space<semaphore_mem>>)
      %dma_start3A_2150 = arith.constant 1 : i32
      %dma_start3A_2151 = arith.constant 8 : i32
      %dma_start3A_2152 = arith.constant 0 : i32
      %dma_start3A_2153 = arith.constant 0 : i32
      %dma_start3A_2154 = tpu.memref_slice %arg6[%dma_start3A_2150, %dma_start3A_2151, %dma_start3A_2152, %dma_start3A_2153] : memref<2x16x16x128xf32, #tpu.memory_space<vmem>> -> memref<1x1x16x128xf32, #tpu.memory_space<vmem>>
      %dma_start3A_2155 = tpu.memref_squeeze %dma_start3A_2154 : memref<1x1x16x128xf32, #tpu.memory_space<vmem>> -> memref<16x128xf32, #tpu.memory_space<vmem>>
      %dma_start3A_2156 = arith.constant 48 : i32
      %dma_start3A_2157 = tpu.memref_slice %arg3[%dma_start3A_2156, %multiple_of3A_579] : memref<64x1000000xf32, #tpu.memory_space<hbm>> -> memref<16x128xf32, #tpu.memory_space<hbm>>
      %dma_start3A_2158 = arith.constant 0 : i32
      %dma_start3A_2159 = arith.constant 0 : i32
      %dma_start3A_2160 = tpu.memref_slice %arg6[%dma_start3A_2150, %dma_start3A_2151, %dma_start3A_2158, %dma_start3A_2159] : memref<2x16x16x128xf32, #tpu.memory_space<vmem>> -> memref<1x1x16x128xf32, #tpu.memory_space<vmem>>
      %dma_start3A_2161 = tpu.memref_squeeze %dma_start3A_2160 : memref<1x1x16x128xf32, #tpu.memory_space<vmem>> -> memref<16x128xf32, #tpu.memory_space<vmem>>
      %dma_start3A_2162 = arith.constant 48 : i32
      %dma_start3A_2163 = tpu.memref_slice %arg3[%dma_start3A_2162, %multiple_of3A_579] : memref<64x1000000xf32, #tpu.memory_space<hbm>> -> memref<16x128xf32, #tpu.memory_space<hbm>>
      tpu.enqueue_dma source(%dma_start3A_2163 : memref<16x128xf32, #tpu.memory_space<hbm>>) target(%dma_start3A_2161 : memref<16x128xf32, #tpu.memory_space<vmem>>) target_semaphore(%arg9 : memref<!tpu.dma_semaphore, #tpu.memory_space<semaphore_mem>>)
      %dma_start3A_2164 = arith.constant 1 : i32
      %dma_start3A_2165 = arith.constant 9 : i32
      %dma_start3A_2166 = arith.constant 0 : i32
      %dma_start3A_2167 = arith.constant 0 : i32
      %dma_start3A_2168 = tpu.memref_slice %arg6[%dma_start3A_2164, %dma_start3A_2165, %dma_start3A_2166, %dma_start3A_2167] : memref<2x16x16x128xf32, #tpu.memory_space<vmem>> -> memref<1x1x16x128xf32, #tpu.memory_space<vmem>>
      %dma_start3A_2169 = tpu.memref_squeeze %dma_start3A_2168 : memref<1x1x16x128xf32, #tpu.memory_space<vmem>> -> memref<16x128xf32, #tpu.memory_space<vmem>>
      %dma_start3A_2170 = arith.constant 48 : i32
      %dma_start3A_2171 = tpu.memref_slice %arg3[%dma_start3A_2170, %multiple_of3A_582] : memref<64x1000000xf32, #tpu.memory_space<hbm>> -> memref<16x128xf32, #tpu.memory_space<hbm>>
      %dma_start3A_2172 = arith.constant 0 : i32
      %dma_start3A_2173 = arith.constant 0 : i32
      %dma_start3A_2174 = tpu.memref_slice %arg6[%dma_start3A_2164, %dma_start3A_2165, %dma_start3A_2172, %dma_start3A_2173] : memref<2x16x16x128xf32, #tpu.memory_space<vmem>> -> memref<1x1x16x128xf32, #tpu.memory_space<vmem>>
      %dma_start3A_2175 = tpu.memref_squeeze %dma_start3A_2174 : memref<1x1x16x128xf32, #tpu.memory_space<vmem>> -> memref<16x128xf32, #tpu.memory_space<vmem>>
      %dma_start3A_2176 = arith.constant 48 : i32
      %dma_start3A_2177 = tpu.memref_slice %arg3[%dma_start3A_2176, %multiple_of3A_582] : memref<64x1000000xf32, #tpu.memory_space<hbm>> -> memref<16x128xf32, #tpu.memory_space<hbm>>
      tpu.enqueue_dma source(%dma_start3A_2177 : memref<16x128xf32, #tpu.memory_space<hbm>>) target(%dma_start3A_2175 : memref<16x128xf32, #tpu.memory_space<vmem>>) target_semaphore(%arg9 : memref<!tpu.dma_semaphore, #tpu.memory_space<semaphore_mem>>)
      %dma_start3A_2178 = arith.constant 1 : i32
      %dma_start3A_2179 = arith.constant 10 : i32
      %dma_start3A_2180 = arith.constant 0 : i32
      %dma_start3A_2181 = arith.constant 0 : i32
      %dma_start3A_2182 = tpu.memref_slice %arg6[%dma_start3A_2178, %dma_start3A_2179, %dma_start3A_2180, %dma_start3A_2181] : memref<2x16x16x128xf32, #tpu.memory_space<vmem>> -> memref<1x1x16x128xf32, #tpu.memory_space<vmem>>
      %dma_start3A_2183 = tpu.memref_squeeze %dma_start3A_2182 : memref<1x1x16x128xf32, #tpu.memory_space<vmem>> -> memref<16x128xf32, #tpu.memory_space<vmem>>
      %dma_start3A_2184 = arith.constant 48 : i32
      %dma_start3A_2185 = tpu.memref_slice %arg3[%dma_start3A_2184, %multiple_of3A_585] : memref<64x1000000xf32, #tpu.memory_space<hbm>> -> memref<16x128xf32, #tpu.memory_space<hbm>>
      %dma_start3A_2186 = arith.constant 0 : i32
      %dma_start3A_2187 = arith.constant 0 : i32
      %dma_start3A_2188 = tpu.memref_slice %arg6[%dma_start3A_2178, %dma_start3A_2179, %dma_start3A_2186, %dma_start3A_2187] : memref<2x16x16x128xf32, #tpu.memory_space<vmem>> -> memref<1x1x16x128xf32, #tpu.memory_space<vmem>>
      %dma_start3A_2189 = tpu.memref_squeeze %dma_start3A_2188 : memref<1x1x16x128xf32, #tpu.memory_space<vmem>> -> memref<16x128xf32, #tpu.memory_space<vmem>>
      %dma_start3A_2190 = arith.constant 48 : i32
      %dma_start3A_2191 = tpu.memref_slice %arg3[%dma_start3A_2190, %multiple_of3A_585] : memref<64x1000000xf32, #tpu.memory_space<hbm>> -> memref<16x128xf32, #tpu.memory_space<hbm>>
      tpu.enqueue_dma source(%dma_start3A_2191 : memref<16x128xf32, #tpu.memory_space<hbm>>) target(%dma_start3A_2189 : memref<16x128xf32, #tpu.memory_space<vmem>>) target_semaphore(%arg9 : memref<!tpu.dma_semaphore, #tpu.memory_space<semaphore_mem>>)
      %dma_start3A_2192 = arith.constant 1 : i32
      %dma_start3A_2193 = arith.constant 11 : i32
      %dma_start3A_2194 = arith.constant 0 : i32
      %dma_start3A_2195 = arith.constant 0 : i32
      %dma_start3A_2196 = tpu.memref_slice %arg6[%dma_start3A_2192, %dma_start3A_2193, %dma_start3A_2194, %dma_start3A_2195] : memref<2x16x16x128xf32, #tpu.memory_space<vmem>> -> memref<1x1x16x128xf32, #tpu.memory_space<vmem>>
      %dma_start3A_2197 = tpu.memref_squeeze %dma_start3A_2196 : memref<1x1x16x128xf32, #tpu.memory_space<vmem>> -> memref<16x128xf32, #tpu.memory_space<vmem>>
      %dma_start3A_2198 = arith.constant 48 : i32
      %dma_start3A_2199 = tpu.memref_slice %arg3[%dma_start3A_2198, %multiple_of3A_588] : memref<64x1000000xf32, #tpu.memory_space<hbm>> -> memref<16x128xf32, #tpu.memory_space<hbm>>
      %dma_start3A_2200 = arith.constant 0 : i32
      %dma_start3A_2201 = arith.constant 0 : i32
      %dma_start3A_2202 = tpu.memref_slice %arg6[%dma_start3A_2192, %dma_start3A_2193, %dma_start3A_2200, %dma_start3A_2201] : memref<2x16x16x128xf32, #tpu.memory_space<vmem>> -> memref<1x1x16x128xf32, #tpu.memory_space<vmem>>
      %dma_start3A_2203 = tpu.memref_squeeze %dma_start3A_2202 : memref<1x1x16x128xf32, #tpu.memory_space<vmem>> -> memref<16x128xf32, #tpu.memory_space<vmem>>
      %dma_start3A_2204 = arith.constant 48 : i32
      %dma_start3A_2205 = tpu.memref_slice %arg3[%dma_start3A_2204, %multiple_of3A_588] : memref<64x1000000xf32, #tpu.memory_space<hbm>> -> memref<16x128xf32, #tpu.memory_space<hbm>>
      tpu.enqueue_dma source(%dma_start3A_2205 : memref<16x128xf32, #tpu.memory_space<hbm>>) target(%dma_start3A_2203 : memref<16x128xf32, #tpu.memory_space<vmem>>) target_semaphore(%arg9 : memref<!tpu.dma_semaphore, #tpu.memory_space<semaphore_mem>>)
      %dma_start3A_2206 = arith.constant 1 : i32
      %dma_start3A_2207 = arith.constant 12 : i32
      %dma_start3A_2208 = arith.constant 0 : i32
      %dma_start3A_2209 = arith.constant 0 : i32
      %dma_start3A_2210 = tpu.memref_slice %arg6[%dma_start3A_2206, %dma_start3A_2207, %dma_start3A_2208, %dma_start3A_2209] : memref<2x16x16x128xf32, #tpu.memory_space<vmem>> -> memref<1x1x16x128xf32, #tpu.memory_space<vmem>>
      %dma_start3A_2211 = tpu.memref_squeeze %dma_start3A_2210 : memref<1x1x16x128xf32, #tpu.memory_space<vmem>> -> memref<16x128xf32, #tpu.memory_space<vmem>>
      %dma_start3A_2212 = arith.constant 48 : i32
      %dma_start3A_2213 = tpu.memref_slice %arg3[%dma_start3A_2212, %multiple_of3A_591] : memref<64x1000000xf32, #tpu.memory_space<hbm>> -> memref<16x128xf32, #tpu.memory_space<hbm>>
      %dma_start3A_2214 = arith.constant 0 : i32
      %dma_start3A_2215 = arith.constant 0 : i32
      %dma_start3A_2216 = tpu.memref_slice %arg6[%dma_start3A_2206, %dma_start3A_2207, %dma_start3A_2214, %dma_start3A_2215] : memref<2x16x16x128xf32, #tpu.memory_space<vmem>> -> memref<1x1x16x128xf32, #tpu.memory_space<vmem>>
      %dma_start3A_2217 = tpu.memref_squeeze %dma_start3A_2216 : memref<1x1x16x128xf32, #tpu.memory_space<vmem>> -> memref<16x128xf32, #tpu.memory_space<vmem>>
      %dma_start3A_2218 = arith.constant 48 : i32
      %dma_start3A_2219 = tpu.memref_slice %arg3[%dma_start3A_2218, %multiple_of3A_591] : memref<64x1000000xf32, #tpu.memory_space<hbm>> -> memref<16x128xf32, #tpu.memory_space<hbm>>
      tpu.enqueue_dma source(%dma_start3A_2219 : memref<16x128xf32, #tpu.memory_space<hbm>>) target(%dma_start3A_2217 : memref<16x128xf32, #tpu.memory_space<vmem>>) target_semaphore(%arg9 : memref<!tpu.dma_semaphore, #tpu.memory_space<semaphore_mem>>)
      %dma_start3A_2220 = arith.constant 1 : i32
      %dma_start3A_2221 = arith.constant 13 : i32
      %dma_start3A_2222 = arith.constant 0 : i32
      %dma_start3A_2223 = arith.constant 0 : i32
      %dma_start3A_2224 = tpu.memref_slice %arg6[%dma_start3A_2220, %dma_start3A_2221, %dma_start3A_2222, %dma_start3A_2223] : memref<2x16x16x128xf32, #tpu.memory_space<vmem>> -> memref<1x1x16x128xf32, #tpu.memory_space<vmem>>
      %dma_start3A_2225 = tpu.memref_squeeze %dma_start3A_2224 : memref<1x1x16x128xf32, #tpu.memory_space<vmem>> -> memref<16x128xf32, #tpu.memory_space<vmem>>
      %dma_start3A_2226 = arith.constant 48 : i32
      %dma_start3A_2227 = tpu.memref_slice %arg3[%dma_start3A_2226, %multiple_of3A_594] : memref<64x1000000xf32, #tpu.memory_space<hbm>> -> memref<16x128xf32, #tpu.memory_space<hbm>>
      %dma_start3A_2228 = arith.constant 0 : i32
      %dma_start3A_2229 = arith.constant 0 : i32
      %dma_start3A_2230 = tpu.memref_slice %arg6[%dma_start3A_2220, %dma_start3A_2221, %dma_start3A_2228, %dma_start3A_2229] : memref<2x16x16x128xf32, #tpu.memory_space<vmem>> -> memref<1x1x16x128xf32, #tpu.memory_space<vmem>>
      %dma_start3A_2231 = tpu.memref_squeeze %dma_start3A_2230 : memref<1x1x16x128xf32, #tpu.memory_space<vmem>> -> memref<16x128xf32, #tpu.memory_space<vmem>>
      %dma_start3A_2232 = arith.constant 48 : i32
      %dma_start3A_2233 = tpu.memref_slice %arg3[%dma_start3A_2232, %multiple_of3A_594] : memref<64x1000000xf32, #tpu.memory_space<hbm>> -> memref<16x128xf32, #tpu.memory_space<hbm>>
      tpu.enqueue_dma source(%dma_start3A_2233 : memref<16x128xf32, #tpu.memory_space<hbm>>) target(%dma_start3A_2231 : memref<16x128xf32, #tpu.memory_space<vmem>>) target_semaphore(%arg9 : memref<!tpu.dma_semaphore, #tpu.memory_space<semaphore_mem>>)
      %dma_start3A_2234 = arith.constant 1 : i32
      %dma_start3A_2235 = arith.constant 14 : i32
      %dma_start3A_2236 = arith.constant 0 : i32
      %dma_start3A_2237 = arith.constant 0 : i32
      %dma_start3A_2238 = tpu.memref_slice %arg6[%dma_start3A_2234, %dma_start3A_2235, %dma_start3A_2236, %dma_start3A_2237] : memref<2x16x16x128xf32, #tpu.memory_space<vmem>> -> memref<1x1x16x128xf32, #tpu.memory_space<vmem>>
      %dma_start3A_2239 = tpu.memref_squeeze %dma_start3A_2238 : memref<1x1x16x128xf32, #tpu.memory_space<vmem>> -> memref<16x128xf32, #tpu.memory_space<vmem>>
      %dma_start3A_2240 = arith.constant 48 : i32
      %dma_start3A_2241 = tpu.memref_slice %arg3[%dma_start3A_2240, %multiple_of3A_597] : memref<64x1000000xf32, #tpu.memory_space<hbm>> -> memref<16x128xf32, #tpu.memory_space<hbm>>
      %dma_start3A_2242 = arith.constant 0 : i32
      %dma_start3A_2243 = arith.constant 0 : i32
      %dma_start3A_2244 = tpu.memref_slice %arg6[%dma_start3A_2234, %dma_start3A_2235, %dma_start3A_2242, %dma_start3A_2243] : memref<2x16x16x128xf32, #tpu.memory_space<vmem>> -> memref<1x1x16x128xf32, #tpu.memory_space<vmem>>
      %dma_start3A_2245 = tpu.memref_squeeze %dma_start3A_2244 : memref<1x1x16x128xf32, #tpu.memory_space<vmem>> -> memref<16x128xf32, #tpu.memory_space<vmem>>
      %dma_start3A_2246 = arith.constant 48 : i32
      %dma_start3A_2247 = tpu.memref_slice %arg3[%dma_start3A_2246, %multiple_of3A_597] : memref<64x1000000xf32, #tpu.memory_space<hbm>> -> memref<16x128xf32, #tpu.memory_space<hbm>>
      tpu.enqueue_dma source(%dma_start3A_2247 : memref<16x128xf32, #tpu.memory_space<hbm>>) target(%dma_start3A_2245 : memref<16x128xf32, #tpu.memory_space<vmem>>) target_semaphore(%arg9 : memref<!tpu.dma_semaphore, #tpu.memory_space<semaphore_mem>>)
      %dma_start3A_2248 = arith.constant 1 : i32
      %dma_start3A_2249 = arith.constant 15 : i32
      %dma_start3A_2250 = arith.constant 0 : i32
      %dma_start3A_2251 = arith.constant 0 : i32
      %dma_start3A_2252 = tpu.memref_slice %arg6[%dma_start3A_2248, %dma_start3A_2249, %dma_start3A_2250, %dma_start3A_2251] : memref<2x16x16x128xf32, #tpu.memory_space<vmem>> -> memref<1x1x16x128xf32, #tpu.memory_space<vmem>>
      %dma_start3A_2253 = tpu.memref_squeeze %dma_start3A_2252 : memref<1x1x16x128xf32, #tpu.memory_space<vmem>> -> memref<16x128xf32, #tpu.memory_space<vmem>>
      %dma_start3A_2254 = arith.constant 48 : i32
      %dma_start3A_2255 = tpu.memref_slice %arg3[%dma_start3A_2254, %multiple_of3A_600] : memref<64x1000000xf32, #tpu.memory_space<hbm>> -> memref<16x128xf32, #tpu.memory_space<hbm>>
      %dma_start3A_2256 = arith.constant 0 : i32
      %dma_start3A_2257 = arith.constant 0 : i32
      %dma_start3A_2258 = tpu.memref_slice %arg6[%dma_start3A_2248, %dma_start3A_2249, %dma_start3A_2256, %dma_start3A_2257] : memref<2x16x16x128xf32, #tpu.memory_space<vmem>> -> memref<1x1x16x128xf32, #tpu.memory_space<vmem>>
      %dma_start3A_2259 = tpu.memref_squeeze %dma_start3A_2258 : memref<1x1x16x128xf32, #tpu.memory_space<vmem>> -> memref<16x128xf32, #tpu.memory_space<vmem>>
      %dma_start3A_2260 = arith.constant 48 : i32
      %dma_start3A_2261 = tpu.memref_slice %arg3[%dma_start3A_2260, %multiple_of3A_600] : memref<64x1000000xf32, #tpu.memory_space<hbm>> -> memref<16x128xf32, #tpu.memory_space<hbm>>
      tpu.enqueue_dma source(%dma_start3A_2261 : memref<16x128xf32, #tpu.memory_space<hbm>>) target(%dma_start3A_2259 : memref<16x128xf32, #tpu.memory_space<vmem>>) target_semaphore(%arg9 : memref<!tpu.dma_semaphore, #tpu.memory_space<semaphore_mem>>)
      %dma_wait3A_2262 = arith.constant 0 : i32
      %dma_wait3A_2263 = arith.constant 0 : i32
      %dma_wait3A_2264 = arith.constant 0 : i32
      %dma_wait3A_2265 = arith.constant 0 : i32
      %dma_wait3A_2266 = tpu.memref_slice %arg6[%dma_wait3A_2262, %dma_wait3A_2263, %dma_wait3A_2264, %dma_wait3A_2265] : memref<2x16x16x128xf32, #tpu.memory_space<vmem>> -> memref<1x1x16x128xf32, #tpu.memory_space<vmem>>
      %dma_wait3A_2267 = tpu.memref_squeeze %dma_wait3A_2266 : memref<1x1x16x128xf32, #tpu.memory_space<vmem>> -> memref<16x128xf32, #tpu.memory_space<vmem>>
      %dma_wait3A_2268 = arith.constant 0 : i32
      %dma_wait3A_2269 = arith.constant 0 : i32
      %dma_wait3A_2270 = tpu.memref_slice %arg3[%dma_wait3A_2268, %dma_wait3A_2269] : memref<64x1000000xf32, #tpu.memory_space<hbm>> -> memref<16x128xf32, #tpu.memory_space<hbm>>
      %dma_wait3A_2271 = arith.constant 0 : i32
      %dma_wait3A_2272 = arith.constant 0 : i32
      %dma_wait3A_2273 = tpu.memref_slice %arg6[%dma_wait3A_2262, %dma_wait3A_2263, %dma_wait3A_2271, %dma_wait3A_2272] : memref<2x16x16x128xf32, #tpu.memory_space<vmem>> -> memref<1x1x16x128xf32, #tpu.memory_space<vmem>>
      %dma_wait3A_2274 = tpu.memref_squeeze %dma_wait3A_2273 : memref<1x1x16x128xf32, #tpu.memory_space<vmem>> -> memref<16x128xf32, #tpu.memory_space<vmem>>
      %dma_wait3A_2275 = arith.constant 0 : i32
      %dma_wait3A_2276 = arith.constant 0 : i32
      %dma_wait3A_2277 = tpu.memref_slice %arg3[%dma_wait3A_2275, %dma_wait3A_2276] : memref<64x1000000xf32, #tpu.memory_space<hbm>> -> memref<16x128xf32, #tpu.memory_space<hbm>>
      tpu.wait_dma2 semaphore(%arg8 : memref<!tpu.dma_semaphore, #tpu.memory_space<semaphore_mem>>) src(%dma_wait3A_2277 : memref<16x128xf32, #tpu.memory_space<hbm>>) dst(%dma_wait3A_2274 : memref<16x128xf32, #tpu.memory_space<vmem>>)
      %dma_wait3A_2278 = arith.constant 0 : i32
      %dma_wait3A_2279 = arith.constant 0 : i32
      %dma_wait3A_2280 = arith.constant 0 : i32
      %dma_wait3A_2281 = arith.constant 0 : i32
      %dma_wait3A_2282 = tpu.memref_slice %arg6[%dma_wait3A_2278, %dma_wait3A_2279, %dma_wait3A_2280, %dma_wait3A_2281] : memref<2x16x16x128xf32, #tpu.memory_space<vmem>> -> memref<1x1x16x128xf32, #tpu.memory_space<vmem>>
      %dma_wait3A_2283 = tpu.memref_squeeze %dma_wait3A_2282 : memref<1x1x16x128xf32, #tpu.memory_space<vmem>> -> memref<16x128xf32, #tpu.memory_space<vmem>>
      %dma_wait3A_2284 = arith.constant 0 : i32
      %dma_wait3A_2285 = arith.constant 0 : i32
      %dma_wait3A_2286 = tpu.memref_slice %arg3[%dma_wait3A_2284, %dma_wait3A_2285] : memref<64x1000000xf32, #tpu.memory_space<hbm>> -> memref<16x128xf32, #tpu.memory_space<hbm>>
      %dma_wait3A_2287 = arith.constant 0 : i32
      %dma_wait3A_2288 = arith.constant 0 : i32
      %dma_wait3A_2289 = tpu.memref_slice %arg6[%dma_wait3A_2278, %dma_wait3A_2279, %dma_wait3A_2287, %dma_wait3A_2288] : memref<2x16x16x128xf32, #tpu.memory_space<vmem>> -> memref<1x1x16x128xf32, #tpu.memory_space<vmem>>
      %dma_wait3A_2290 = tpu.memref_squeeze %dma_wait3A_2289 : memref<1x1x16x128xf32, #tpu.memory_space<vmem>> -> memref<16x128xf32, #tpu.memory_space<vmem>>
      %dma_wait3A_2291 = arith.constant 0 : i32
      %dma_wait3A_2292 = arith.constant 0 : i32
      %dma_wait3A_2293 = tpu.memref_slice %arg3[%dma_wait3A_2291, %dma_wait3A_2292] : memref<64x1000000xf32, #tpu.memory_space<hbm>> -> memref<16x128xf32, #tpu.memory_space<hbm>>
      tpu.wait_dma2 semaphore(%arg8 : memref<!tpu.dma_semaphore, #tpu.memory_space<semaphore_mem>>) src(%dma_wait3A_2293 : memref<16x128xf32, #tpu.memory_space<hbm>>) dst(%dma_wait3A_2290 : memref<16x128xf32, #tpu.memory_space<vmem>>)
      %dma_wait3A_2294 = arith.constant 0 : i32
      %dma_wait3A_2295 = arith.constant 0 : i32
      %dma_wait3A_2296 = arith.constant 0 : i32
      %dma_wait3A_2297 = arith.constant 0 : i32
      %dma_wait3A_2298 = tpu.memref_slice %arg6[%dma_wait3A_2294, %dma_wait3A_2295, %dma_wait3A_2296, %dma_wait3A_2297] : memref<2x16x16x128xf32, #tpu.memory_space<vmem>> -> memref<1x1x16x128xf32, #tpu.memory_space<vmem>>
      %dma_wait3A_2299 = tpu.memref_squeeze %dma_wait3A_2298 : memref<1x1x16x128xf32, #tpu.memory_space<vmem>> -> memref<16x128xf32, #tpu.memory_space<vmem>>
      %dma_wait3A_2300 = arith.constant 0 : i32
      %dma_wait3A_2301 = arith.constant 0 : i32
      %dma_wait3A_2302 = tpu.memref_slice %arg3[%dma_wait3A_2300, %dma_wait3A_2301] : memref<64x1000000xf32, #tpu.memory_space<hbm>> -> memref<16x128xf32, #tpu.memory_space<hbm>>
      %dma_wait3A_2303 = arith.constant 0 : i32
      %dma_wait3A_2304 = arith.constant 0 : i32
      %dma_wait3A_2305 = tpu.memref_slice %arg6[%dma_wait3A_2294, %dma_wait3A_2295, %dma_wait3A_2303, %dma_wait3A_2304] : memref<2x16x16x128xf32, #tpu.memory_space<vmem>> -> memref<1x1x16x128xf32, #tpu.memory_space<vmem>>
      %dma_wait3A_2306 = tpu.memref_squeeze %dma_wait3A_2305 : memref<1x1x16x128xf32, #tpu.memory_space<vmem>> -> memref<16x128xf32, #tpu.memory_space<vmem>>
      %dma_wait3A_2307 = arith.constant 0 : i32
      %dma_wait3A_2308 = arith.constant 0 : i32
      %dma_wait3A_2309 = tpu.memref_slice %arg3[%dma_wait3A_2307, %dma_wait3A_2308] : memref<64x1000000xf32, #tpu.memory_space<hbm>> -> memref<16x128xf32, #tpu.memory_space<hbm>>
      tpu.wait_dma2 semaphore(%arg8 : memref<!tpu.dma_semaphore, #tpu.memory_space<semaphore_mem>>) src(%dma_wait3A_2309 : memref<16x128xf32, #tpu.memory_space<hbm>>) dst(%dma_wait3A_2306 : memref<16x128xf32, #tpu.memory_space<vmem>>)
      %dma_wait3A_2310 = arith.constant 0 : i32
      %dma_wait3A_2311 = arith.constant 0 : i32
      %dma_wait3A_2312 = arith.constant 0 : i32
      %dma_wait3A_2313 = arith.constant 0 : i32
      %dma_wait3A_2314 = tpu.memref_slice %arg6[%dma_wait3A_2310, %dma_wait3A_2311, %dma_wait3A_2312, %dma_wait3A_2313] : memref<2x16x16x128xf32, #tpu.memory_space<vmem>> -> memref<1x1x16x128xf32, #tpu.memory_space<vmem>>
      %dma_wait3A_2315 = tpu.memref_squeeze %dma_wait3A_2314 : memref<1x1x16x128xf32, #tpu.memory_space<vmem>> -> memref<16x128xf32, #tpu.memory_space<vmem>>
      %dma_wait3A_2316 = arith.constant 0 : i32
      %dma_wait3A_2317 = arith.constant 0 : i32
      %dma_wait3A_2318 = tpu.memref_slice %arg3[%dma_wait3A_2316, %dma_wait3A_2317] : memref<64x1000000xf32, #tpu.memory_space<hbm>> -> memref<16x128xf32, #tpu.memory_space<hbm>>
      %dma_wait3A_2319 = arith.constant 0 : i32
      %dma_wait3A_2320 = arith.constant 0 : i32
      %dma_wait3A_2321 = tpu.memref_slice %arg6[%dma_wait3A_2310, %dma_wait3A_2311, %dma_wait3A_2319, %dma_wait3A_2320] : memref<2x16x16x128xf32, #tpu.memory_space<vmem>> -> memref<1x1x16x128xf32, #tpu.memory_space<vmem>>
      %dma_wait3A_2322 = tpu.memref_squeeze %dma_wait3A_2321 : memref<1x1x16x128xf32, #tpu.memory_space<vmem>> -> memref<16x128xf32, #tpu.memory_space<vmem>>
      %dma_wait3A_2323 = arith.constant 0 : i32
      %dma_wait3A_2324 = arith.constant 0 : i32
      %dma_wait3A_2325 = tpu.memref_slice %arg3[%dma_wait3A_2323, %dma_wait3A_2324] : memref<64x1000000xf32, #tpu.memory_space<hbm>> -> memref<16x128xf32, #tpu.memory_space<hbm>>
      tpu.wait_dma2 semaphore(%arg8 : memref<!tpu.dma_semaphore, #tpu.memory_space<semaphore_mem>>) src(%dma_wait3A_2325 : memref<16x128xf32, #tpu.memory_space<hbm>>) dst(%dma_wait3A_2322 : memref<16x128xf32, #tpu.memory_space<vmem>>)
      %dma_wait3A_2326 = arith.constant 0 : i32
      %dma_wait3A_2327 = arith.constant 0 : i32
      %dma_wait3A_2328 = arith.constant 0 : i32
      %dma_wait3A_2329 = arith.constant 0 : i32
      %dma_wait3A_2330 = tpu.memref_slice %arg6[%dma_wait3A_2326, %dma_wait3A_2327, %dma_wait3A_2328, %dma_wait3A_2329] : memref<2x16x16x128xf32, #tpu.memory_space<vmem>> -> memref<1x1x16x128xf32, #tpu.memory_space<vmem>>
      %dma_wait3A_2331 = tpu.memref_squeeze %dma_wait3A_2330 : memref<1x1x16x128xf32, #tpu.memory_space<vmem>> -> memref<16x128xf32, #tpu.memory_space<vmem>>
      %dma_wait3A_2332 = arith.constant 0 : i32
      %dma_wait3A_2333 = arith.constant 0 : i32
      %dma_wait3A_2334 = tpu.memref_slice %arg3[%dma_wait3A_2332, %dma_wait3A_2333] : memref<64x1000000xf32, #tpu.memory_space<hbm>> -> memref<16x128xf32, #tpu.memory_space<hbm>>
      %dma_wait3A_2335 = arith.constant 0 : i32
      %dma_wait3A_2336 = arith.constant 0 : i32
      %dma_wait3A_2337 = tpu.memref_slice %arg6[%dma_wait3A_2326, %dma_wait3A_2327, %dma_wait3A_2335, %dma_wait3A_2336] : memref<2x16x16x128xf32, #tpu.memory_space<vmem>> -> memref<1x1x16x128xf32, #tpu.memory_space<vmem>>
      %dma_wait3A_2338 = tpu.memref_squeeze %dma_wait3A_2337 : memref<1x1x16x128xf32, #tpu.memory_space<vmem>> -> memref<16x128xf32, #tpu.memory_space<vmem>>
      %dma_wait3A_2339 = arith.constant 0 : i32
      %dma_wait3A_2340 = arith.constant 0 : i32
      %dma_wait3A_2341 = tpu.memref_slice %arg3[%dma_wait3A_2339, %dma_wait3A_2340] : memref<64x1000000xf32, #tpu.memory_space<hbm>> -> memref<16x128xf32, #tpu.memory_space<hbm>>
      tpu.wait_dma2 semaphore(%arg8 : memref<!tpu.dma_semaphore, #tpu.memory_space<semaphore_mem>>) src(%dma_wait3A_2341 : memref<16x128xf32, #tpu.memory_space<hbm>>) dst(%dma_wait3A_2338 : memref<16x128xf32, #tpu.memory_space<vmem>>)
      %dma_wait3A_2342 = arith.constant 0 : i32
      %dma_wait3A_2343 = arith.constant 0 : i32
      %dma_wait3A_2344 = arith.constant 0 : i32
      %dma_wait3A_2345 = arith.constant 0 : i32
      %dma_wait3A_2346 = tpu.memref_slice %arg6[%dma_wait3A_2342, %dma_wait3A_2343, %dma_wait3A_2344, %dma_wait3A_2345] : memref<2x16x16x128xf32, #tpu.memory_space<vmem>> -> memref<1x1x16x128xf32, #tpu.memory_space<vmem>>
      %dma_wait3A_2347 = tpu.memref_squeeze %dma_wait3A_2346 : memref<1x1x16x128xf32, #tpu.memory_space<vmem>> -> memref<16x128xf32, #tpu.memory_space<vmem>>
      %dma_wait3A_2348 = arith.constant 0 : i32
      %dma_wait3A_2349 = arith.constant 0 : i32
      %dma_wait3A_2350 = tpu.memref_slice %arg3[%dma_wait3A_2348, %dma_wait3A_2349] : memref<64x1000000xf32, #tpu.memory_space<hbm>> -> memref<16x128xf32, #tpu.memory_space<hbm>>
      %dma_wait3A_2351 = arith.constant 0 : i32
      %dma_wait3A_2352 = arith.constant 0 : i32
      %dma_wait3A_2353 = tpu.memref_slice %arg6[%dma_wait3A_2342, %dma_wait3A_2343, %dma_wait3A_2351, %dma_wait3A_2352] : memref<2x16x16x128xf32, #tpu.memory_space<vmem>> -> memref<1x1x16x128xf32, #tpu.memory_space<vmem>>
      %dma_wait3A_2354 = tpu.memref_squeeze %dma_wait3A_2353 : memref<1x1x16x128xf32, #tpu.memory_space<vmem>> -> memref<16x128xf32, #tpu.memory_space<vmem>>
      %dma_wait3A_2355 = arith.constant 0 : i32
      %dma_wait3A_2356 = arith.constant 0 : i32
      %dma_wait3A_2357 = tpu.memref_slice %arg3[%dma_wait3A_2355, %dma_wait3A_2356] : memref<64x1000000xf32, #tpu.memory_space<hbm>> -> memref<16x128xf32, #tpu.memory_space<hbm>>
      tpu.wait_dma2 semaphore(%arg8 : memref<!tpu.dma_semaphore, #tpu.memory_space<semaphore_mem>>) src(%dma_wait3A_2357 : memref<16x128xf32, #tpu.memory_space<hbm>>) dst(%dma_wait3A_2354 : memref<16x128xf32, #tpu.memory_space<vmem>>)
      %dma_wait3A_2358 = arith.constant 0 : i32
      %dma_wait3A_2359 = arith.constant 0 : i32
      %dma_wait3A_2360 = arith.constant 0 : i32
      %dma_wait3A_2361 = arith.constant 0 : i32
      %dma_wait3A_2362 = tpu.memref_slice %arg6[%dma_wait3A_2358, %dma_wait3A_2359, %dma_wait3A_2360, %dma_wait3A_2361] : memref<2x16x16x128xf32, #tpu.memory_space<vmem>> -> memref<1x1x16x128xf32, #tpu.memory_space<vmem>>
      %dma_wait3A_2363 = tpu.memref_squeeze %dma_wait3A_2362 : memref<1x1x16x128xf32, #tpu.memory_space<vmem>> -> memref<16x128xf32, #tpu.memory_space<vmem>>
      %dma_wait3A_2364 = arith.constant 0 : i32
      %dma_wait3A_2365 = arith.constant 0 : i32
      %dma_wait3A_2366 = tpu.memref_slice %arg3[%dma_wait3A_2364, %dma_wait3A_2365] : memref<64x1000000xf32, #tpu.memory_space<hbm>> -> memref<16x128xf32, #tpu.memory_space<hbm>>
      %dma_wait3A_2367 = arith.constant 0 : i32
      %dma_wait3A_2368 = arith.constant 0 : i32
      %dma_wait3A_2369 = tpu.memref_slice %arg6[%dma_wait3A_2358, %dma_wait3A_2359, %dma_wait3A_2367, %dma_wait3A_2368] : memref<2x16x16x128xf32, #tpu.memory_space<vmem>> -> memref<1x1x16x128xf32, #tpu.memory_space<vmem>>
      %dma_wait3A_2370 = tpu.memref_squeeze %dma_wait3A_2369 : memref<1x1x16x128xf32, #tpu.memory_space<vmem>> -> memref<16x128xf32, #tpu.memory_space<vmem>>
      %dma_wait3A_2371 = arith.constant 0 : i32
      %dma_wait3A_2372 = arith.constant 0 : i32
      %dma_wait3A_2373 = tpu.memref_slice %arg3[%dma_wait3A_2371, %dma_wait3A_2372] : memref<64x1000000xf32, #tpu.memory_space<hbm>> -> memref<16x128xf32, #tpu.memory_space<hbm>>
      tpu.wait_dma2 semaphore(%arg8 : memref<!tpu.dma_semaphore, #tpu.memory_space<semaphore_mem>>) src(%dma_wait3A_2373 : memref<16x128xf32, #tpu.memory_space<hbm>>) dst(%dma_wait3A_2370 : memref<16x128xf32, #tpu.memory_space<vmem>>)
      %dma_wait3A_2374 = arith.constant 0 : i32
      %dma_wait3A_2375 = arith.constant 0 : i32
      %dma_wait3A_2376 = arith.constant 0 : i32
      %dma_wait3A_2377 = arith.constant 0 : i32
      %dma_wait3A_2378 = tpu.memref_slice %arg6[%dma_wait3A_2374, %dma_wait3A_2375, %dma_wait3A_2376, %dma_wait3A_2377] : memref<2x16x16x128xf32, #tpu.memory_space<vmem>> -> memref<1x1x16x128xf32, #tpu.memory_space<vmem>>
      %dma_wait3A_2379 = tpu.memref_squeeze %dma_wait3A_2378 : memref<1x1x16x128xf32, #tpu.memory_space<vmem>> -> memref<16x128xf32, #tpu.memory_space<vmem>>
      %dma_wait3A_2380 = arith.constant 0 : i32
      %dma_wait3A_2381 = arith.constant 0 : i32
      %dma_wait3A_2382 = tpu.memref_slice %arg3[%dma_wait3A_2380, %dma_wait3A_2381] : memref<64x1000000xf32, #tpu.memory_space<hbm>> -> memref<16x128xf32, #tpu.memory_space<hbm>>
      %dma_wait3A_2383 = arith.constant 0 : i32
      %dma_wait3A_2384 = arith.constant 0 : i32
      %dma_wait3A_2385 = tpu.memref_slice %arg6[%dma_wait3A_2374, %dma_wait3A_2375, %dma_wait3A_2383, %dma_wait3A_2384] : memref<2x16x16x128xf32, #tpu.memory_space<vmem>> -> memref<1x1x16x128xf32, #tpu.memory_space<vmem>>
      %dma_wait3A_2386 = tpu.memref_squeeze %dma_wait3A_2385 : memref<1x1x16x128xf32, #tpu.memory_space<vmem>> -> memref<16x128xf32, #tpu.memory_space<vmem>>
      %dma_wait3A_2387 = arith.constant 0 : i32
      %dma_wait3A_2388 = arith.constant 0 : i32
      %dma_wait3A_2389 = tpu.memref_slice %arg3[%dma_wait3A_2387, %dma_wait3A_2388] : memref<64x1000000xf32, #tpu.memory_space<hbm>> -> memref<16x128xf32, #tpu.memory_space<hbm>>
      tpu.wait_dma2 semaphore(%arg8 : memref<!tpu.dma_semaphore, #tpu.memory_space<semaphore_mem>>) src(%dma_wait3A_2389 : memref<16x128xf32, #tpu.memory_space<hbm>>) dst(%dma_wait3A_2386 : memref<16x128xf32, #tpu.memory_space<vmem>>)
      %dma_wait3A_2390 = arith.constant 0 : i32
      %dma_wait3A_2391 = arith.constant 0 : i32
      %dma_wait3A_2392 = arith.constant 0 : i32
      %dma_wait3A_2393 = arith.constant 0 : i32
      %dma_wait3A_2394 = tpu.memref_slice %arg6[%dma_wait3A_2390, %dma_wait3A_2391, %dma_wait3A_2392, %dma_wait3A_2393] : memref<2x16x16x128xf32, #tpu.memory_space<vmem>> -> memref<1x1x16x128xf32, #tpu.memory_space<vmem>>
      %dma_wait3A_2395 = tpu.memref_squeeze %dma_wait3A_2394 : memref<1x1x16x128xf32, #tpu.memory_space<vmem>> -> memref<16x128xf32, #tpu.memory_space<vmem>>
      %dma_wait3A_2396 = arith.constant 0 : i32
      %dma_wait3A_2397 = arith.constant 0 : i32
      %dma_wait3A_2398 = tpu.memref_slice %arg3[%dma_wait3A_2396, %dma_wait3A_2397] : memref<64x1000000xf32, #tpu.memory_space<hbm>> -> memref<16x128xf32, #tpu.memory_space<hbm>>
      %dma_wait3A_2399 = arith.constant 0 : i32
      %dma_wait3A_2400 = arith.constant 0 : i32
      %dma_wait3A_2401 = tpu.memref_slice %arg6[%dma_wait3A_2390, %dma_wait3A_2391, %dma_wait3A_2399, %dma_wait3A_2400] : memref<2x16x16x128xf32, #tpu.memory_space<vmem>> -> memref<1x1x16x128xf32, #tpu.memory_space<vmem>>
      %dma_wait3A_2402 = tpu.memref_squeeze %dma_wait3A_2401 : memref<1x1x16x128xf32, #tpu.memory_space<vmem>> -> memref<16x128xf32, #tpu.memory_space<vmem>>
      %dma_wait3A_2403 = arith.constant 0 : i32
      %dma_wait3A_2404 = arith.constant 0 : i32
      %dma_wait3A_2405 = tpu.memref_slice %arg3[%dma_wait3A_2403, %dma_wait3A_2404] : memref<64x1000000xf32, #tpu.memory_space<hbm>> -> memref<16x128xf32, #tpu.memory_space<hbm>>
      tpu.wait_dma2 semaphore(%arg8 : memref<!tpu.dma_semaphore, #tpu.memory_space<semaphore_mem>>) src(%dma_wait3A_2405 : memref<16x128xf32, #tpu.memory_space<hbm>>) dst(%dma_wait3A_2402 : memref<16x128xf32, #tpu.memory_space<vmem>>)
      %dma_wait3A_2406 = arith.constant 0 : i32
      %dma_wait3A_2407 = arith.constant 0 : i32
      %dma_wait3A_2408 = arith.constant 0 : i32
      %dma_wait3A_2409 = arith.constant 0 : i32
      %dma_wait3A_2410 = tpu.memref_slice %arg6[%dma_wait3A_2406, %dma_wait3A_2407, %dma_wait3A_2408, %dma_wait3A_2409] : memref<2x16x16x128xf32, #tpu.memory_space<vmem>> -> memref<1x1x16x128xf32, #tpu.memory_space<vmem>>
      %dma_wait3A_2411 = tpu.memref_squeeze %dma_wait3A_2410 : memref<1x1x16x128xf32, #tpu.memory_space<vmem>> -> memref<16x128xf32, #tpu.memory_space<vmem>>
      %dma_wait3A_2412 = arith.constant 0 : i32
      %dma_wait3A_2413 = arith.constant 0 : i32
      %dma_wait3A_2414 = tpu.memref_slice %arg3[%dma_wait3A_2412, %dma_wait3A_2413] : memref<64x1000000xf32, #tpu.memory_space<hbm>> -> memref<16x128xf32, #tpu.memory_space<hbm>>
      %dma_wait3A_2415 = arith.constant 0 : i32
      %dma_wait3A_2416 = arith.constant 0 : i32
      %dma_wait3A_2417 = tpu.memref_slice %arg6[%dma_wait3A_2406, %dma_wait3A_2407, %dma_wait3A_2415, %dma_wait3A_2416] : memref<2x16x16x128xf32, #tpu.memory_space<vmem>> -> memref<1x1x16x128xf32, #tpu.memory_space<vmem>>
      %dma_wait3A_2418 = tpu.memref_squeeze %dma_wait3A_2417 : memref<1x1x16x128xf32, #tpu.memory_space<vmem>> -> memref<16x128xf32, #tpu.memory_space<vmem>>
      %dma_wait3A_2419 = arith.constant 0 : i32
      %dma_wait3A_2420 = arith.constant 0 : i32
      %dma_wait3A_2421 = tpu.memref_slice %arg3[%dma_wait3A_2419, %dma_wait3A_2420] : memref<64x1000000xf32, #tpu.memory_space<hbm>> -> memref<16x128xf32, #tpu.memory_space<hbm>>
      tpu.wait_dma2 semaphore(%arg8 : memref<!tpu.dma_semaphore, #tpu.memory_space<semaphore_mem>>) src(%dma_wait3A_2421 : memref<16x128xf32, #tpu.memory_space<hbm>>) dst(%dma_wait3A_2418 : memref<16x128xf32, #tpu.memory_space<vmem>>)
      %dma_wait3A_2422 = arith.constant 0 : i32
      %dma_wait3A_2423 = arith.constant 0 : i32
      %dma_wait3A_2424 = arith.constant 0 : i32
      %dma_wait3A_2425 = arith.constant 0 : i32
      %dma_wait3A_2426 = tpu.memref_slice %arg6[%dma_wait3A_2422, %dma_wait3A_2423, %dma_wait3A_2424, %dma_wait3A_2425] : memref<2x16x16x128xf32, #tpu.memory_space<vmem>> -> memref<1x1x16x128xf32, #tpu.memory_space<vmem>>
      %dma_wait3A_2427 = tpu.memref_squeeze %dma_wait3A_2426 : memref<1x1x16x128xf32, #tpu.memory_space<vmem>> -> memref<16x128xf32, #tpu.memory_space<vmem>>
      %dma_wait3A_2428 = arith.constant 0 : i32
      %dma_wait3A_2429 = arith.constant 0 : i32
      %dma_wait3A_2430 = tpu.memref_slice %arg3[%dma_wait3A_2428, %dma_wait3A_2429] : memref<64x1000000xf32, #tpu.memory_space<hbm>> -> memref<16x128xf32, #tpu.memory_space<hbm>>
      %dma_wait3A_2431 = arith.constant 0 : i32
      %dma_wait3A_2432 = arith.constant 0 : i32
      %dma_wait3A_2433 = tpu.memref_slice %arg6[%dma_wait3A_2422, %dma_wait3A_2423, %dma_wait3A_2431, %dma_wait3A_2432] : memref<2x16x16x128xf32, #tpu.memory_space<vmem>> -> memref<1x1x16x128xf32, #tpu.memory_space<vmem>>
      %dma_wait3A_2434 = tpu.memref_squeeze %dma_wait3A_2433 : memref<1x1x16x128xf32, #tpu.memory_space<vmem>> -> memref<16x128xf32, #tpu.memory_space<vmem>>
      %dma_wait3A_2435 = arith.constant 0 : i32
      %dma_wait3A_2436 = arith.constant 0 : i32
      %dma_wait3A_2437 = tpu.memref_slice %arg3[%dma_wait3A_2435, %dma_wait3A_2436] : memref<64x1000000xf32, #tpu.memory_space<hbm>> -> memref<16x128xf32, #tpu.memory_space<hbm>>
      tpu.wait_dma2 semaphore(%arg8 : memref<!tpu.dma_semaphore, #tpu.memory_space<semaphore_mem>>) src(%dma_wait3A_2437 : memref<16x128xf32, #tpu.memory_space<hbm>>) dst(%dma_wait3A_2434 : memref<16x128xf32, #tpu.memory_space<vmem>>)
      %dma_wait3A_2438 = arith.constant 0 : i32
      %dma_wait3A_2439 = arith.constant 0 : i32
      %dma_wait3A_2440 = arith.constant 0 : i32
      %dma_wait3A_2441 = arith.constant 0 : i32
      %dma_wait3A_2442 = tpu.memref_slice %arg6[%dma_wait3A_2438, %dma_wait3A_2439, %dma_wait3A_2440, %dma_wait3A_2441] : memref<2x16x16x128xf32, #tpu.memory_space<vmem>> -> memref<1x1x16x128xf32, #tpu.memory_space<vmem>>
      %dma_wait3A_2443 = tpu.memref_squeeze %dma_wait3A_2442 : memref<1x1x16x128xf32, #tpu.memory_space<vmem>> -> memref<16x128xf32, #tpu.memory_space<vmem>>
      %dma_wait3A_2444 = arith.constant 0 : i32
      %dma_wait3A_2445 = arith.constant 0 : i32
      %dma_wait3A_2446 = tpu.memref_slice %arg3[%dma_wait3A_2444, %dma_wait3A_2445] : memref<64x1000000xf32, #tpu.memory_space<hbm>> -> memref<16x128xf32, #tpu.memory_space<hbm>>
      %dma_wait3A_2447 = arith.constant 0 : i32
      %dma_wait3A_2448 = arith.constant 0 : i32
      %dma_wait3A_2449 = tpu.memref_slice %arg6[%dma_wait3A_2438, %dma_wait3A_2439, %dma_wait3A_2447, %dma_wait3A_2448] : memref<2x16x16x128xf32, #tpu.memory_space<vmem>> -> memref<1x1x16x128xf32, #tpu.memory_space<vmem>>
      %dma_wait3A_2450 = tpu.memref_squeeze %dma_wait3A_2449 : memref<1x1x16x128xf32, #tpu.memory_space<vmem>> -> memref<16x128xf32, #tpu.memory_space<vmem>>
      %dma_wait3A_2451 = arith.constant 0 : i32
      %dma_wait3A_2452 = arith.constant 0 : i32
      %dma_wait3A_2453 = tpu.memref_slice %arg3[%dma_wait3A_2451, %dma_wait3A_2452] : memref<64x1000000xf32, #tpu.memory_space<hbm>> -> memref<16x128xf32, #tpu.memory_space<hbm>>
      tpu.wait_dma2 semaphore(%arg8 : memref<!tpu.dma_semaphore, #tpu.memory_space<semaphore_mem>>) src(%dma_wait3A_2453 : memref<16x128xf32, #tpu.memory_space<hbm>>) dst(%dma_wait3A_2450 : memref<16x128xf32, #tpu.memory_space<vmem>>)
      %dma_wait3A_2454 = arith.constant 0 : i32
      %dma_wait3A_2455 = arith.constant 0 : i32
      %dma_wait3A_2456 = arith.constant 0 : i32
      %dma_wait3A_2457 = arith.constant 0 : i32
      %dma_wait3A_2458 = tpu.memref_slice %arg6[%dma_wait3A_2454, %dma_wait3A_2455, %dma_wait3A_2456, %dma_wait3A_2457] : memref<2x16x16x128xf32, #tpu.memory_space<vmem>> -> memref<1x1x16x128xf32, #tpu.memory_space<vmem>>
      %dma_wait3A_2459 = tpu.memref_squeeze %dma_wait3A_2458 : memref<1x1x16x128xf32, #tpu.memory_space<vmem>> -> memref<16x128xf32, #tpu.memory_space<vmem>>
      %dma_wait3A_2460 = arith.constant 0 : i32
      %dma_wait3A_2461 = arith.constant 0 : i32
      %dma_wait3A_2462 = tpu.memref_slice %arg3[%dma_wait3A_2460, %dma_wait3A_2461] : memref<64x1000000xf32, #tpu.memory_space<hbm>> -> memref<16x128xf32, #tpu.memory_space<hbm>>
      %dma_wait3A_2463 = arith.constant 0 : i32
      %dma_wait3A_2464 = arith.constant 0 : i32
      %dma_wait3A_2465 = tpu.memref_slice %arg6[%dma_wait3A_2454, %dma_wait3A_2455, %dma_wait3A_2463, %dma_wait3A_2464] : memref<2x16x16x128xf32, #tpu.memory_space<vmem>> -> memref<1x1x16x128xf32, #tpu.memory_space<vmem>>
      %dma_wait3A_2466 = tpu.memref_squeeze %dma_wait3A_2465 : memref<1x1x16x128xf32, #tpu.memory_space<vmem>> -> memref<16x128xf32, #tpu.memory_space<vmem>>
      %dma_wait3A_2467 = arith.constant 0 : i32
      %dma_wait3A_2468 = arith.constant 0 : i32
      %dma_wait3A_2469 = tpu.memref_slice %arg3[%dma_wait3A_2467, %dma_wait3A_2468] : memref<64x1000000xf32, #tpu.memory_space<hbm>> -> memref<16x128xf32, #tpu.memory_space<hbm>>
      tpu.wait_dma2 semaphore(%arg8 : memref<!tpu.dma_semaphore, #tpu.memory_space<semaphore_mem>>) src(%dma_wait3A_2469 : memref<16x128xf32, #tpu.memory_space<hbm>>) dst(%dma_wait3A_2466 : memref<16x128xf32, #tpu.memory_space<vmem>>)
      %dma_wait3A_2470 = arith.constant 0 : i32
      %dma_wait3A_2471 = arith.constant 0 : i32
      %dma_wait3A_2472 = arith.constant 0 : i32
      %dma_wait3A_2473 = arith.constant 0 : i32
      %dma_wait3A_2474 = tpu.memref_slice %arg6[%dma_wait3A_2470, %dma_wait3A_2471, %dma_wait3A_2472, %dma_wait3A_2473] : memref<2x16x16x128xf32, #tpu.memory_space<vmem>> -> memref<1x1x16x128xf32, #tpu.memory_space<vmem>>
      %dma_wait3A_2475 = tpu.memref_squeeze %dma_wait3A_2474 : memref<1x1x16x128xf32, #tpu.memory_space<vmem>> -> memref<16x128xf32, #tpu.memory_space<vmem>>
      %dma_wait3A_2476 = arith.constant 0 : i32
      %dma_wait3A_2477 = arith.constant 0 : i32
      %dma_wait3A_2478 = tpu.memref_slice %arg3[%dma_wait3A_2476, %dma_wait3A_2477] : memref<64x1000000xf32, #tpu.memory_space<hbm>> -> memref<16x128xf32, #tpu.memory_space<hbm>>
      %dma_wait3A_2479 = arith.constant 0 : i32
      %dma_wait3A_2480 = arith.constant 0 : i32
      %dma_wait3A_2481 = tpu.memref_slice %arg6[%dma_wait3A_2470, %dma_wait3A_2471, %dma_wait3A_2479, %dma_wait3A_2480] : memref<2x16x16x128xf32, #tpu.memory_space<vmem>> -> memref<1x1x16x128xf32, #tpu.memory_space<vmem>>
      %dma_wait3A_2482 = tpu.memref_squeeze %dma_wait3A_2481 : memref<1x1x16x128xf32, #tpu.memory_space<vmem>> -> memref<16x128xf32, #tpu.memory_space<vmem>>
      %dma_wait3A_2483 = arith.constant 0 : i32
      %dma_wait3A_2484 = arith.constant 0 : i32
      %dma_wait3A_2485 = tpu.memref_slice %arg3[%dma_wait3A_2483, %dma_wait3A_2484] : memref<64x1000000xf32, #tpu.memory_space<hbm>> -> memref<16x128xf32, #tpu.memory_space<hbm>>
      tpu.wait_dma2 semaphore(%arg8 : memref<!tpu.dma_semaphore, #tpu.memory_space<semaphore_mem>>) src(%dma_wait3A_2485 : memref<16x128xf32, #tpu.memory_space<hbm>>) dst(%dma_wait3A_2482 : memref<16x128xf32, #tpu.memory_space<vmem>>)
      %dma_wait3A_2486 = arith.constant 0 : i32
      %dma_wait3A_2487 = arith.constant 0 : i32
      %dma_wait3A_2488 = arith.constant 0 : i32
      %dma_wait3A_2489 = arith.constant 0 : i32
      %dma_wait3A_2490 = tpu.memref_slice %arg6[%dma_wait3A_2486, %dma_wait3A_2487, %dma_wait3A_2488, %dma_wait3A_2489] : memref<2x16x16x128xf32, #tpu.memory_space<vmem>> -> memref<1x1x16x128xf32, #tpu.memory_space<vmem>>
      %dma_wait3A_2491 = tpu.memref_squeeze %dma_wait3A_2490 : memref<1x1x16x128xf32, #tpu.memory_space<vmem>> -> memref<16x128xf32, #tpu.memory_space<vmem>>
      %dma_wait3A_2492 = arith.constant 0 : i32
      %dma_wait3A_2493 = arith.constant 0 : i32
      %dma_wait3A_2494 = tpu.memref_slice %arg3[%dma_wait3A_2492, %dma_wait3A_2493] : memref<64x1000000xf32, #tpu.memory_space<hbm>> -> memref<16x128xf32, #tpu.memory_space<hbm>>
      %dma_wait3A_2495 = arith.constant 0 : i32
      %dma_wait3A_2496 = arith.constant 0 : i32
      %dma_wait3A_2497 = tpu.memref_slice %arg6[%dma_wait3A_2486, %dma_wait3A_2487, %dma_wait3A_2495, %dma_wait3A_2496] : memref<2x16x16x128xf32, #tpu.memory_space<vmem>> -> memref<1x1x16x128xf32, #tpu.memory_space<vmem>>
      %dma_wait3A_2498 = tpu.memref_squeeze %dma_wait3A_2497 : memref<1x1x16x128xf32, #tpu.memory_space<vmem>> -> memref<16x128xf32, #tpu.memory_space<vmem>>
      %dma_wait3A_2499 = arith.constant 0 : i32
      %dma_wait3A_2500 = arith.constant 0 : i32
      %dma_wait3A_2501 = tpu.memref_slice %arg3[%dma_wait3A_2499, %dma_wait3A_2500] : memref<64x1000000xf32, #tpu.memory_space<hbm>> -> memref<16x128xf32, #tpu.memory_space<hbm>>
      tpu.wait_dma2 semaphore(%arg8 : memref<!tpu.dma_semaphore, #tpu.memory_space<semaphore_mem>>) src(%dma_wait3A_2501 : memref<16x128xf32, #tpu.memory_space<hbm>>) dst(%dma_wait3A_2498 : memref<16x128xf32, #tpu.memory_space<vmem>>)
      %dma_wait3A_2502 = arith.constant 0 : i32
      %dma_wait3A_2503 = arith.constant 0 : i32
      %dma_wait3A_2504 = arith.constant 0 : i32
      %dma_wait3A_2505 = arith.constant 0 : i32
      %dma_wait3A_2506 = tpu.memref_slice %arg6[%dma_wait3A_2502, %dma_wait3A_2503, %dma_wait3A_2504, %dma_wait3A_2505] : memref<2x16x16x128xf32, #tpu.memory_space<vmem>> -> memref<1x1x16x128xf32, #tpu.memory_space<vmem>>
      %dma_wait3A_2507 = tpu.memref_squeeze %dma_wait3A_2506 : memref<1x1x16x128xf32, #tpu.memory_space<vmem>> -> memref<16x128xf32, #tpu.memory_space<vmem>>
      %dma_wait3A_2508 = arith.constant 0 : i32
      %dma_wait3A_2509 = arith.constant 0 : i32
      %dma_wait3A_2510 = tpu.memref_slice %arg3[%dma_wait3A_2508, %dma_wait3A_2509] : memref<64x1000000xf32, #tpu.memory_space<hbm>> -> memref<16x128xf32, #tpu.memory_space<hbm>>
      %dma_wait3A_2511 = arith.constant 0 : i32
      %dma_wait3A_2512 = arith.constant 0 : i32
      %dma_wait3A_2513 = tpu.memref_slice %arg6[%dma_wait3A_2502, %dma_wait3A_2503, %dma_wait3A_2511, %dma_wait3A_2512] : memref<2x16x16x128xf32, #tpu.memory_space<vmem>> -> memref<1x1x16x128xf32, #tpu.memory_space<vmem>>
      %dma_wait3A_2514 = tpu.memref_squeeze %dma_wait3A_2513 : memref<1x1x16x128xf32, #tpu.memory_space<vmem>> -> memref<16x128xf32, #tpu.memory_space<vmem>>
      %dma_wait3A_2515 = arith.constant 0 : i32
      %dma_wait3A_2516 = arith.constant 0 : i32
      %dma_wait3A_2517 = tpu.memref_slice %arg3[%dma_wait3A_2515, %dma_wait3A_2516] : memref<64x1000000xf32, #tpu.memory_space<hbm>> -> memref<16x128xf32, #tpu.memory_space<hbm>>
      tpu.wait_dma2 semaphore(%arg8 : memref<!tpu.dma_semaphore, #tpu.memory_space<semaphore_mem>>) src(%dma_wait3A_2517 : memref<16x128xf32, #tpu.memory_space<hbm>>) dst(%dma_wait3A_2514 : memref<16x128xf32, #tpu.memory_space<vmem>>)
      %broadcast_in_dim3A_2518 = arith.constant 0 : i32
      %broadcast_in_dim3A_2519 = vector.broadcast %broadcast_in_dim3A_2518 : i32 to vector<16xi32>
      %gather3A_2520 = arith.constant 0 : i32
      %gather3A_2521 = arith.constant 0 : i32
      %gather3A_2522 = arith.constant 0 : i32
      %gather3A_2523 = arith.constant 0 : i32
      %gather3A_2524 = tpu.memref_slice %arg6[%gather3A_2520, %gather3A_2521, %gather3A_2522, %gather3A_2523] : memref<2x16x16x128xf32, #tpu.memory_space<vmem>> -> memref<1x16x16x128xf32, #tpu.memory_space<vmem>>
      %gather3A_2525 = tpu.memref_squeeze %gather3A_2524 : memref<1x16x16x128xf32, #tpu.memory_space<vmem>> -> memref<16x16x128xf32, #tpu.memory_space<vmem>>
      %gather3A_2526 = tpu.vector_load_idx %gather3A_2525[%iota3A, %broadcast_in_dim3A_2519, %and3A_542] : memref<16x16x128xf32, #tpu.memory_space<vmem>>[vector<16xi32>, vector<16xi32>, vector<16xi32>], vector<16xf32>,
      %mul3A_2527 = arith.constant 16 : i32
      %mul3A_2528 = arith.muli %scan3A_536, %mul3A_2527 : i32
      %swap3A_2529 = arith.constant 32 : i32
      %swap3A_2530 = arith.index_cast %swap3A_2529 : i32 to index
      %swap3A_2531 = arith.index_cast %mul3A_2528 : i32 to index
      %swap3A_2532 = tpu.vector_load %arg7[%swap3A_2530, %swap3A_2531] {strides = array<i32>} : memref<64x512xf32, #tpu.memory_space<vmem>>, vector<16xf32>,
      tpu.vector_store %arg7[%swap3A_2530, %swap3A_2531], %gather3A_2526 {strides = array<i32>} : memref<64x512xf32, #tpu.memory_space<vmem>>, vector<16xf32>,
      %broadcast_in_dim3A_2533 = arith.constant 1 : i32
      %broadcast_in_dim3A_2534 = vector.broadcast %broadcast_in_dim3A_2533 : i32 to vector<16xi32>
      %gather3A_2535 = arith.constant 0 : i32
      %gather3A_2536 = arith.constant 0 : i32
      %gather3A_2537 = arith.constant 0 : i32
      %gather3A_2538 = arith.constant 0 : i32
      %gather3A_2539 = tpu.memref_slice %arg6[%gather3A_2535, %gather3A_2536, %gather3A_2537, %gather3A_2538] : memref<2x16x16x128xf32, #tpu.memory_space<vmem>> -> memref<1x16x16x128xf32, #tpu.memory_space<vmem>>
      %gather3A_2540 = tpu.memref_squeeze %gather3A_2539 : memref<1x16x16x128xf32, #tpu.memory_space<vmem>> -> memref<16x16x128xf32, #tpu.memory_space<vmem>>
      %gather3A_2541 = tpu.vector_load_idx %gather3A_2540[%iota3A, %broadcast_in_dim3A_2534, %and3A_542] : memref<16x16x128xf32, #tpu.memory_space<vmem>>[vector<16xi32>, vector<16xi32>, vector<16xi32>], vector<16xf32>,
      %mul3A_2542 = arith.constant 16 : i32
      %mul3A_2543 = arith.muli %scan3A_536, %mul3A_2542 : i32
      %swap3A_2544 = arith.constant 33 : i32
      %swap3A_2545 = arith.index_cast %swap3A_2544 : i32 to index
      %swap3A_2546 = arith.index_cast %mul3A_2543 : i32 to index
      %swap3A_2547 = tpu.vector_load %arg7[%swap3A_2545, %swap3A_2546] {strides = array<i32>} : memref<64x512xf32, #tpu.memory_space<vmem>>, vector<16xf32>,
      tpu.vector_store %arg7[%swap3A_2545, %swap3A_2546], %gather3A_2541 {strides = array<i32>} : memref<64x512xf32, #tpu.memory_space<vmem>>, vector<16xf32>,
      %broadcast_in_dim3A_2548 = arith.constant 2 : i32
      %broadcast_in_dim3A_2549 = vector.broadcast %broadcast_in_dim3A_2548 : i32 to vector<16xi32>
      %gather3A_2550 = arith.constant 0 : i32
      %gather3A_2551 = arith.constant 0 : i32
      %gather3A_2552 = arith.constant 0 : i32
      %gather3A_2553 = arith.constant 0 : i32
      %gather3A_2554 = tpu.memref_slice %arg6[%gather3A_2550, %gather3A_2551, %gather3A_2552, %gather3A_2553] : memref<2x16x16x128xf32, #tpu.memory_space<vmem>> -> memref<1x16x16x128xf32, #tpu.memory_space<vmem>>
      %gather3A_2555 = tpu.memref_squeeze %gather3A_2554 : memref<1x16x16x128xf32, #tpu.memory_space<vmem>> -> memref<16x16x128xf32, #tpu.memory_space<vmem>>
      %gather3A_2556 = tpu.vector_load_idx %gather3A_2555[%iota3A, %broadcast_in_dim3A_2549, %and3A_542] : memref<16x16x128xf32, #tpu.memory_space<vmem>>[vector<16xi32>, vector<16xi32>, vector<16xi32>], vector<16xf32>,
      %mul3A_2557 = arith.constant 16 : i32
      %mul3A_2558 = arith.muli %scan3A_536, %mul3A_2557 : i32
      %swap3A_2559 = arith.constant 34 : i32
      %swap3A_2560 = arith.index_cast %swap3A_2559 : i32 to index
      %swap3A_2561 = arith.index_cast %mul3A_2558 : i32 to index
      %swap3A_2562 = tpu.vector_load %arg7[%swap3A_2560, %swap3A_2561] {strides = array<i32>} : memref<64x512xf32, #tpu.memory_space<vmem>>, vector<16xf32>,
      tpu.vector_store %arg7[%swap3A_2560, %swap3A_2561], %gather3A_2556 {strides = array<i32>} : memref<64x512xf32, #tpu.memory_space<vmem>>, vector<16xf32>,
      %broadcast_in_dim3A_2563 = arith.constant 3 : i32
      %broadcast_in_dim3A_2564 = vector.broadcast %broadcast_in_dim3A_2563 : i32 to vector<16xi32>
      %gather3A_2565 = arith.constant 0 : i32
      %gather3A_2566 = arith.constant 0 : i32
      %gather3A_2567 = arith.constant 0 : i32
      %gather3A_2568 = arith.constant 0 : i32
      %gather3A_2569 = tpu.memref_slice %arg6[%gather3A_2565, %gather3A_2566, %gather3A_2567, %gather3A_2568] : memref<2x16x16x128xf32, #tpu.memory_space<vmem>> -> memref<1x16x16x128xf32, #tpu.memory_space<vmem>>
      %gather3A_2570 = tpu.memref_squeeze %gather3A_2569 : memref<1x16x16x128xf32, #tpu.memory_space<vmem>> -> memref<16x16x128xf32, #tpu.memory_space<vmem>>
      %gather3A_2571 = tpu.vector_load_idx %gather3A_2570[%iota3A, %broadcast_in_dim3A_2564, %and3A_542] : memref<16x16x128xf32, #tpu.memory_space<vmem>>[vector<16xi32>, vector<16xi32>, vector<16xi32>], vector<16xf32>,
      %mul3A_2572 = arith.constant 16 : i32
      %mul3A_2573 = arith.muli %scan3A_536, %mul3A_2572 : i32
      %swap3A_2574 = arith.constant 35 : i32
      %swap3A_2575 = arith.index_cast %swap3A_2574 : i32 to index
      %swap3A_2576 = arith.index_cast %mul3A_2573 : i32 to index
      %swap3A_2577 = tpu.vector_load %arg7[%swap3A_2575, %swap3A_2576] {strides = array<i32>} : memref<64x512xf32, #tpu.memory_space<vmem>>, vector<16xf32>,
      tpu.vector_store %arg7[%swap3A_2575, %swap3A_2576], %gather3A_2571 {strides = array<i32>} : memref<64x512xf32, #tpu.memory_space<vmem>>, vector<16xf32>,
      %broadcast_in_dim3A_2578 = arith.constant 4 : i32
      %broadcast_in_dim3A_2579 = vector.broadcast %broadcast_in_dim3A_2578 : i32 to vector<16xi32>
      %gather3A_2580 = arith.constant 0 : i32
      %gather3A_2581 = arith.constant 0 : i32
      %gather3A_2582 = arith.constant 0 : i32
      %gather3A_2583 = arith.constant 0 : i32
      %gather3A_2584 = tpu.memref_slice %arg6[%gather3A_2580, %gather3A_2581, %gather3A_2582, %gather3A_2583] : memref<2x16x16x128xf32, #tpu.memory_space<vmem>> -> memref<1x16x16x128xf32, #tpu.memory_space<vmem>>
      %gather3A_2585 = tpu.memref_squeeze %gather3A_2584 : memref<1x16x16x128xf32, #tpu.memory_space<vmem>> -> memref<16x16x128xf32, #tpu.memory_space<vmem>>
      %gather3A_2586 = tpu.vector_load_idx %gather3A_2585[%iota3A, %broadcast_in_dim3A_2579, %and3A_542] : memref<16x16x128xf32, #tpu.memory_space<vmem>>[vector<16xi32>, vector<16xi32>, vector<16xi32>], vector<16xf32>,
      %mul3A_2587 = arith.constant 16 : i32
      %mul3A_2588 = arith.muli %scan3A_536, %mul3A_2587 : i32
      %swap3A_2589 = arith.constant 36 : i32
      %swap3A_2590 = arith.index_cast %swap3A_2589 : i32 to index
      %swap3A_2591 = arith.index_cast %mul3A_2588 : i32 to index
      %swap3A_2592 = tpu.vector_load %arg7[%swap3A_2590, %swap3A_2591] {strides = array<i32>} : memref<64x512xf32, #tpu.memory_space<vmem>>, vector<16xf32>,
      tpu.vector_store %arg7[%swap3A_2590, %swap3A_2591], %gather3A_2586 {strides = array<i32>} : memref<64x512xf32, #tpu.memory_space<vmem>>, vector<16xf32>,
      %broadcast_in_dim3A_2593 = arith.constant 5 : i32
      %broadcast_in_dim3A_2594 = vector.broadcast %broadcast_in_dim3A_2593 : i32 to vector<16xi32>
      %gather3A_2595 = arith.constant 0 : i32
      %gather3A_2596 = arith.constant 0 : i32
      %gather3A_2597 = arith.constant 0 : i32
      %gather3A_2598 = arith.constant 0 : i32
      %gather3A_2599 = tpu.memref_slice %arg6[%gather3A_2595, %gather3A_2596, %gather3A_2597, %gather3A_2598] : memref<2x16x16x128xf32, #tpu.memory_space<vmem>> -> memref<1x16x16x128xf32, #tpu.memory_space<vmem>>
      %gather3A_2600 = tpu.memref_squeeze %gather3A_2599 : memref<1x16x16x128xf32, #tpu.memory_space<vmem>> -> memref<16x16x128xf32, #tpu.memory_space<vmem>>
      %gather3A_2601 = tpu.vector_load_idx %gather3A_2600[%iota3A, %broadcast_in_dim3A_2594, %and3A_542] : memref<16x16x128xf32, #tpu.memory_space<vmem>>[vector<16xi32>, vector<16xi32>, vector<16xi32>], vector<16xf32>,
      %mul3A_2602 = arith.constant 16 : i32
      %mul3A_2603 = arith.muli %scan3A_536, %mul3A_2602 : i32
      %swap3A_2604 = arith.constant 37 : i32
      %swap3A_2605 = arith.index_cast %swap3A_2604 : i32 to index
      %swap3A_2606 = arith.index_cast %mul3A_2603 : i32 to index
      %swap3A_2607 = tpu.vector_load %arg7[%swap3A_2605, %swap3A_2606] {strides = array<i32>} : memref<64x512xf32, #tpu.memory_space<vmem>>, vector<16xf32>,
      tpu.vector_store %arg7[%swap3A_2605, %swap3A_2606], %gather3A_2601 {strides = array<i32>} : memref<64x512xf32, #tpu.memory_space<vmem>>, vector<16xf32>,
      %broadcast_in_dim3A_2608 = arith.constant 6 : i32
      %broadcast_in_dim3A_2609 = vector.broadcast %broadcast_in_dim3A_2608 : i32 to vector<16xi32>
      %gather3A_2610 = arith.constant 0 : i32
      %gather3A_2611 = arith.constant 0 : i32
      %gather3A_2612 = arith.constant 0 : i32
      %gather3A_2613 = arith.constant 0 : i32
      %gather3A_2614 = tpu.memref_slice %arg6[%gather3A_2610, %gather3A_2611, %gather3A_2612, %gather3A_2613] : memref<2x16x16x128xf32, #tpu.memory_space<vmem>> -> memref<1x16x16x128xf32, #tpu.memory_space<vmem>>
      %gather3A_2615 = tpu.memref_squeeze %gather3A_2614 : memref<1x16x16x128xf32, #tpu.memory_space<vmem>> -> memref<16x16x128xf32, #tpu.memory_space<vmem>>
      %gather3A_2616 = tpu.vector_load_idx %gather3A_2615[%iota3A, %broadcast_in_dim3A_2609, %and3A_542] : memref<16x16x128xf32, #tpu.memory_space<vmem>>[vector<16xi32>, vector<16xi32>, vector<16xi32>], vector<16xf32>,
      %mul3A_2617 = arith.constant 16 : i32
      %mul3A_2618 = arith.muli %scan3A_536, %mul3A_2617 : i32
      %swap3A_2619 = arith.constant 38 : i32
      %swap3A_2620 = arith.index_cast %swap3A_2619 : i32 to index
      %swap3A_2621 = arith.index_cast %mul3A_2618 : i32 to index
      %swap3A_2622 = tpu.vector_load %arg7[%swap3A_2620, %swap3A_2621] {strides = array<i32>} : memref<64x512xf32, #tpu.memory_space<vmem>>, vector<16xf32>,
      tpu.vector_store %arg7[%swap3A_2620, %swap3A_2621], %gather3A_2616 {strides = array<i32>} : memref<64x512xf32, #tpu.memory_space<vmem>>, vector<16xf32>,
      %broadcast_in_dim3A_2623 = arith.constant 7 : i32
      %broadcast_in_dim3A_2624 = vector.broadcast %broadcast_in_dim3A_2623 : i32 to vector<16xi32>
      %gather3A_2625 = arith.constant 0 : i32
      %gather3A_2626 = arith.constant 0 : i32
      %gather3A_2627 = arith.constant 0 : i32
      %gather3A_2628 = arith.constant 0 : i32
      %gather3A_2629 = tpu.memref_slice %arg6[%gather3A_2625, %gather3A_2626, %gather3A_2627, %gather3A_2628] : memref<2x16x16x128xf32, #tpu.memory_space<vmem>> -> memref<1x16x16x128xf32, #tpu.memory_space<vmem>>
      %gather3A_2630 = tpu.memref_squeeze %gather3A_2629 : memref<1x16x16x128xf32, #tpu.memory_space<vmem>> -> memref<16x16x128xf32, #tpu.memory_space<vmem>>
      %gather3A_2631 = tpu.vector_load_idx %gather3A_2630[%iota3A, %broadcast_in_dim3A_2624, %and3A_542] : memref<16x16x128xf32, #tpu.memory_space<vmem>>[vector<16xi32>, vector<16xi32>, vector<16xi32>], vector<16xf32>,
      %mul3A_2632 = arith.constant 16 : i32
      %mul3A_2633 = arith.muli %scan3A_536, %mul3A_2632 : i32
      %swap3A_2634 = arith.constant 39 : i32
      %swap3A_2635 = arith.index_cast %swap3A_2634 : i32 to index
      %swap3A_2636 = arith.index_cast %mul3A_2633 : i32 to index
      %swap3A_2637 = tpu.vector_load %arg7[%swap3A_2635, %swap3A_2636] {strides = array<i32>} : memref<64x512xf32, #tpu.memory_space<vmem>>, vector<16xf32>,
      tpu.vector_store %arg7[%swap3A_2635, %swap3A_2636], %gather3A_2631 {strides = array<i32>} : memref<64x512xf32, #tpu.memory_space<vmem>>, vector<16xf32>,
      %broadcast_in_dim3A_2638 = arith.constant 8 : i32
      %broadcast_in_dim3A_2639 = vector.broadcast %broadcast_in_dim3A_2638 : i32 to vector<16xi32>
      %gather3A_2640 = arith.constant 0 : i32
      %gather3A_2641 = arith.constant 0 : i32
      %gather3A_2642 = arith.constant 0 : i32
      %gather3A_2643 = arith.constant 0 : i32
      %gather3A_2644 = tpu.memref_slice %arg6[%gather3A_2640, %gather3A_2641, %gather3A_2642, %gather3A_2643] : memref<2x16x16x128xf32, #tpu.memory_space<vmem>> -> memref<1x16x16x128xf32, #tpu.memory_space<vmem>>
      %gather3A_2645 = tpu.memref_squeeze %gather3A_2644 : memref<1x16x16x128xf32, #tpu.memory_space<vmem>> -> memref<16x16x128xf32, #tpu.memory_space<vmem>>
      %gather3A_2646 = tpu.vector_load_idx %gather3A_2645[%iota3A, %broadcast_in_dim3A_2639, %and3A_542] : memref<16x16x128xf32, #tpu.memory_space<vmem>>[vector<16xi32>, vector<16xi32>, vector<16xi32>], vector<16xf32>,
      %mul3A_2647 = arith.constant 16 : i32
      %mul3A_2648 = arith.muli %scan3A_536, %mul3A_2647 : i32
      %swap3A_2649 = arith.constant 40 : i32
      %swap3A_2650 = arith.index_cast %swap3A_2649 : i32 to index
      %swap3A_2651 = arith.index_cast %mul3A_2648 : i32 to index
      %swap3A_2652 = tpu.vector_load %arg7[%swap3A_2650, %swap3A_2651] {strides = array<i32>} : memref<64x512xf32, #tpu.memory_space<vmem>>, vector<16xf32>,
      tpu.vector_store %arg7[%swap3A_2650, %swap3A_2651], %gather3A_2646 {strides = array<i32>} : memref<64x512xf32, #tpu.memory_space<vmem>>, vector<16xf32>,
      %broadcast_in_dim3A_2653 = arith.constant 9 : i32
      %broadcast_in_dim3A_2654 = vector.broadcast %broadcast_in_dim3A_2653 : i32 to vector<16xi32>
      %gather3A_2655 = arith.constant 0 : i32
      %gather3A_2656 = arith.constant 0 : i32
      %gather3A_2657 = arith.constant 0 : i32
      %gather3A_2658 = arith.constant 0 : i32
      %gather3A_2659 = tpu.memref_slice %arg6[%gather3A_2655, %gather3A_2656, %gather3A_2657, %gather3A_2658] : memref<2x16x16x128xf32, #tpu.memory_space<vmem>> -> memref<1x16x16x128xf32, #tpu.memory_space<vmem>>
      %gather3A_2660 = tpu.memref_squeeze %gather3A_2659 : memref<1x16x16x128xf32, #tpu.memory_space<vmem>> -> memref<16x16x128xf32, #tpu.memory_space<vmem>>
      %gather3A_2661 = tpu.vector_load_idx %gather3A_2660[%iota3A, %broadcast_in_dim3A_2654, %and3A_542] : memref<16x16x128xf32, #tpu.memory_space<vmem>>[vector<16xi32>, vector<16xi32>, vector<16xi32>], vector<16xf32>,
      %mul3A_2662 = arith.constant 16 : i32
      %mul3A_2663 = arith.muli %scan3A_536, %mul3A_2662 : i32
      %swap3A_2664 = arith.constant 41 : i32
      %swap3A_2665 = arith.index_cast %swap3A_2664 : i32 to index
      %swap3A_2666 = arith.index_cast %mul3A_2663 : i32 to index
      %swap3A_2667 = tpu.vector_load %arg7[%swap3A_2665, %swap3A_2666] {strides = array<i32>} : memref<64x512xf32, #tpu.memory_space<vmem>>, vector<16xf32>,
      tpu.vector_store %arg7[%swap3A_2665, %swap3A_2666], %gather3A_2661 {strides = array<i32>} : memref<64x512xf32, #tpu.memory_space<vmem>>, vector<16xf32>,
      %broadcast_in_dim3A_2668 = arith.constant 10 : i32
      %broadcast_in_dim3A_2669 = vector.broadcast %broadcast_in_dim3A_2668 : i32 to vector<16xi32>
      %gather3A_2670 = arith.constant 0 : i32
      %gather3A_2671 = arith.constant 0 : i32
      %gather3A_2672 = arith.constant 0 : i32
      %gather3A_2673 = arith.constant 0 : i32
      %gather3A_2674 = tpu.memref_slice %arg6[%gather3A_2670, %gather3A_2671, %gather3A_2672, %gather3A_2673] : memref<2x16x16x128xf32, #tpu.memory_space<vmem>> -> memref<1x16x16x128xf32, #tpu.memory_space<vmem>>
      %gather3A_2675 = tpu.memref_squeeze %gather3A_2674 : memref<1x16x16x128xf32, #tpu.memory_space<vmem>> -> memref<16x16x128xf32, #tpu.memory_space<vmem>>
      %gather3A_2676 = tpu.vector_load_idx %gather3A_2675[%iota3A, %broadcast_in_dim3A_2669, %and3A_542] : memref<16x16x128xf32, #tpu.memory_space<vmem>>[vector<16xi32>, vector<16xi32>, vector<16xi32>], vector<16xf32>,
      %mul3A_2677 = arith.constant 16 : i32
      %mul3A_2678 = arith.muli %scan3A_536, %mul3A_2677 : i32
      %swap3A_2679 = arith.constant 42 : i32
      %swap3A_2680 = arith.index_cast %swap3A_2679 : i32 to index
      %swap3A_2681 = arith.index_cast %mul3A_2678 : i32 to index
      %swap3A_2682 = tpu.vector_load %arg7[%swap3A_2680, %swap3A_2681] {strides = array<i32>} : memref<64x512xf32, #tpu.memory_space<vmem>>, vector<16xf32>,
      tpu.vector_store %arg7[%swap3A_2680, %swap3A_2681], %gather3A_2676 {strides = array<i32>} : memref<64x512xf32, #tpu.memory_space<vmem>>, vector<16xf32>,
      %broadcast_in_dim3A_2683 = arith.constant 11 : i32
      %broadcast_in_dim3A_2684 = vector.broadcast %broadcast_in_dim3A_2683 : i32 to vector<16xi32>
      %gather3A_2685 = arith.constant 0 : i32
      %gather3A_2686 = arith.constant 0 : i32
      %gather3A_2687 = arith.constant 0 : i32
      %gather3A_2688 = arith.constant 0 : i32
      %gather3A_2689 = tpu.memref_slice %arg6[%gather3A_2685, %gather3A_2686, %gather3A_2687, %gather3A_2688] : memref<2x16x16x128xf32, #tpu.memory_space<vmem>> -> memref<1x16x16x128xf32, #tpu.memory_space<vmem>>
      %gather3A_2690 = tpu.memref_squeeze %gather3A_2689 : memref<1x16x16x128xf32, #tpu.memory_space<vmem>> -> memref<16x16x128xf32, #tpu.memory_space<vmem>>
      %gather3A_2691 = tpu.vector_load_idx %gather3A_2690[%iota3A, %broadcast_in_dim3A_2684, %and3A_542] : memref<16x16x128xf32, #tpu.memory_space<vmem>>[vector<16xi32>, vector<16xi32>, vector<16xi32>], vector<16xf32>,
      %mul3A_2692 = arith.constant 16 : i32
      %mul3A_2693 = arith.muli %scan3A_536, %mul3A_2692 : i32
      %swap3A_2694 = arith.constant 43 : i32
      %swap3A_2695 = arith.index_cast %swap3A_2694 : i32 to index
      %swap3A_2696 = arith.index_cast %mul3A_2693 : i32 to index
      %swap3A_2697 = tpu.vector_load %arg7[%swap3A_2695, %swap3A_2696] {strides = array<i32>} : memref<64x512xf32, #tpu.memory_space<vmem>>, vector<16xf32>,
      tpu.vector_store %arg7[%swap3A_2695, %swap3A_2696], %gather3A_2691 {strides = array<i32>} : memref<64x512xf32, #tpu.memory_space<vmem>>, vector<16xf32>,
      %broadcast_in_dim3A_2698 = arith.constant 12 : i32
      %broadcast_in_dim3A_2699 = vector.broadcast %broadcast_in_dim3A_2698 : i32 to vector<16xi32>
      %gather3A_2700 = arith.constant 0 : i32
      %gather3A_2701 = arith.constant 0 : i32
      %gather3A_2702 = arith.constant 0 : i32
      %gather3A_2703 = arith.constant 0 : i32
      %gather3A_2704 = tpu.memref_slice %arg6[%gather3A_2700, %gather3A_2701, %gather3A_2702, %gather3A_2703] : memref<2x16x16x128xf32, #tpu.memory_space<vmem>> -> memref<1x16x16x128xf32, #tpu.memory_space<vmem>>
      %gather3A_2705 = tpu.memref_squeeze %gather3A_2704 : memref<1x16x16x128xf32, #tpu.memory_space<vmem>> -> memref<16x16x128xf32, #tpu.memory_space<vmem>>
      %gather3A_2706 = tpu.vector_load_idx %gather3A_2705[%iota3A, %broadcast_in_dim3A_2699, %and3A_542] : memref<16x16x128xf32, #tpu.memory_space<vmem>>[vector<16xi32>, vector<16xi32>, vector<16xi32>], vector<16xf32>,
      %mul3A_2707 = arith.constant 16 : i32
      %mul3A_2708 = arith.muli %scan3A_536, %mul3A_2707 : i32
      %swap3A_2709 = arith.constant 44 : i32
      %swap3A_2710 = arith.index_cast %swap3A_2709 : i32 to index
      %swap3A_2711 = arith.index_cast %mul3A_2708 : i32 to index
      %swap3A_2712 = tpu.vector_load %arg7[%swap3A_2710, %swap3A_2711] {strides = array<i32>} : memref<64x512xf32, #tpu.memory_space<vmem>>, vector<16xf32>,
      tpu.vector_store %arg7[%swap3A_2710, %swap3A_2711], %gather3A_2706 {strides = array<i32>} : memref<64x512xf32, #tpu.memory_space<vmem>>, vector<16xf32>,
      %broadcast_in_dim3A_2713 = arith.constant 13 : i32
      %broadcast_in_dim3A_2714 = vector.broadcast %broadcast_in_dim3A_2713 : i32 to vector<16xi32>
      %gather3A_2715 = arith.constant 0 : i32
      %gather3A_2716 = arith.constant 0 : i32
      %gather3A_2717 = arith.constant 0 : i32
      %gather3A_2718 = arith.constant 0 : i32
      %gather3A_2719 = tpu.memref_slice %arg6[%gather3A_2715, %gather3A_2716, %gather3A_2717, %gather3A_2718] : memref<2x16x16x128xf32, #tpu.memory_space<vmem>> -> memref<1x16x16x128xf32, #tpu.memory_space<vmem>>
      %gather3A_2720 = tpu.memref_squeeze %gather3A_2719 : memref<1x16x16x128xf32, #tpu.memory_space<vmem>> -> memref<16x16x128xf32, #tpu.memory_space<vmem>>
      %gather3A_2721 = tpu.vector_load_idx %gather3A_2720[%iota3A, %broadcast_in_dim3A_2714, %and3A_542] : memref<16x16x128xf32, #tpu.memory_space<vmem>>[vector<16xi32>, vector<16xi32>, vector<16xi32>], vector<16xf32>,
      %mul3A_2722 = arith.constant 16 : i32
      %mul3A_2723 = arith.muli %scan3A_536, %mul3A_2722 : i32
      %swap3A_2724 = arith.constant 45 : i32
      %swap3A_2725 = arith.index_cast %swap3A_2724 : i32 to index
      %swap3A_2726 = arith.index_cast %mul3A_2723 : i32 to index
      %swap3A_2727 = tpu.vector_load %arg7[%swap3A_2725, %swap3A_2726] {strides = array<i32>} : memref<64x512xf32, #tpu.memory_space<vmem>>, vector<16xf32>,
      tpu.vector_store %arg7[%swap3A_2725, %swap3A_2726], %gather3A_2721 {strides = array<i32>} : memref<64x512xf32, #tpu.memory_space<vmem>>, vector<16xf32>,
      %broadcast_in_dim3A_2728 = arith.constant 14 : i32
      %broadcast_in_dim3A_2729 = vector.broadcast %broadcast_in_dim3A_2728 : i32 to vector<16xi32>
      %gather3A_2730 = arith.constant 0 : i32
      %gather3A_2731 = arith.constant 0 : i32
      %gather3A_2732 = arith.constant 0 : i32
      %gather3A_2733 = arith.constant 0 : i32
      %gather3A_2734 = tpu.memref_slice %arg6[%gather3A_2730, %gather3A_2731, %gather3A_2732, %gather3A_2733] : memref<2x16x16x128xf32, #tpu.memory_space<vmem>> -> memref<1x16x16x128xf32, #tpu.memory_space<vmem>>
      %gather3A_2735 = tpu.memref_squeeze %gather3A_2734 : memref<1x16x16x128xf32, #tpu.memory_space<vmem>> -> memref<16x16x128xf32, #tpu.memory_space<vmem>>
      %gather3A_2736 = tpu.vector_load_idx %gather3A_2735[%iota3A, %broadcast_in_dim3A_2729, %and3A_542] : memref<16x16x128xf32, #tpu.memory_space<vmem>>[vector<16xi32>, vector<16xi32>, vector<16xi32>], vector<16xf32>,
      %mul3A_2737 = arith.constant 16 : i32
      %mul3A_2738 = arith.muli %scan3A_536, %mul3A_2737 : i32
      %swap3A_2739 = arith.constant 46 : i32
      %swap3A_2740 = arith.index_cast %swap3A_2739 : i32 to index
      %swap3A_2741 = arith.index_cast %mul3A_2738 : i32 to index
      %swap3A_2742 = tpu.vector_load %arg7[%swap3A_2740, %swap3A_2741] {strides = array<i32>} : memref<64x512xf32, #tpu.memory_space<vmem>>, vector<16xf32>,
      tpu.vector_store %arg7[%swap3A_2740, %swap3A_2741], %gather3A_2736 {strides = array<i32>} : memref<64x512xf32, #tpu.memory_space<vmem>>, vector<16xf32>,
      %broadcast_in_dim3A_2743 = arith.constant 15 : i32
      %broadcast_in_dim3A_2744 = vector.broadcast %broadcast_in_dim3A_2743 : i32 to vector<16xi32>
      %gather3A_2745 = arith.constant 0 : i32
      %gather3A_2746 = arith.constant 0 : i32
      %gather3A_2747 = arith.constant 0 : i32
      %gather3A_2748 = arith.constant 0 : i32
      %gather3A_2749 = tpu.memref_slice %arg6[%gather3A_2745, %gather3A_2746, %gather3A_2747, %gather3A_2748] : memref<2x16x16x128xf32, #tpu.memory_space<vmem>> -> memref<1x16x16x128xf32, #tpu.memory_space<vmem>>
      %gather3A_2750 = tpu.memref_squeeze %gather3A_2749 : memref<1x16x16x128xf32, #tpu.memory_space<vmem>> -> memref<16x16x128xf32, #tpu.memory_space<vmem>>
      %gather3A_2751 = tpu.vector_load_idx %gather3A_2750[%iota3A, %broadcast_in_dim3A_2744, %and3A_542] : memref<16x16x128xf32, #tpu.memory_space<vmem>>[vector<16xi32>, vector<16xi32>, vector<16xi32>], vector<16xf32>,
      %mul3A_2752 = arith.constant 16 : i32
      %mul3A_2753 = arith.muli %scan3A_536, %mul3A_2752 : i32
      %swap3A_2754 = arith.constant 47 : i32
      %swap3A_2755 = arith.index_cast %swap3A_2754 : i32 to index
      %swap3A_2756 = arith.index_cast %mul3A_2753 : i32 to index
      %swap3A_2757 = tpu.vector_load %arg7[%swap3A_2755, %swap3A_2756] {strides = array<i32>} : memref<64x512xf32, #tpu.memory_space<vmem>>, vector<16xf32>,
      tpu.vector_store %arg7[%swap3A_2755, %swap3A_2756], %gather3A_2751 {strides = array<i32>} : memref<64x512xf32, #tpu.memory_space<vmem>>, vector<16xf32>,
      %add3A_2758 = arith.constant 1 : i32
      %add3A_2759 = arith.addi %scan3A_536, %add3A_2758 : i32
      %min3A = arith.constant 31 : i32
      %min3A_2760 = arith.minsi %add3A_2759, %min3A : i32
      %mul3A_2761 = arith.constant 16 : i32
      %mul3A_2762 = arith.muli %min3A_2760, %mul3A_2761 : i32
      %get3A_2763 = arith.index_cast %mul3A_2762 : i32 to index
      %get3A_2764 = tpu.vector_load %arg5[%get3A_2763] {strides = array<i32>} : memref<512xi32, #tpu.memory_space<vmem>>, vector<16xi32>,
      %shift_right_logical3A_2765 = arith.constant 7 : i32
      %shift_right_logical3A_2766 = vector.broadcast %shift_right_logical3A_2765 : i32 to vector<16xi32>
      %shift_right_logical3A_2767 = arith.shrui %get3A_2764, %shift_right_logical3A_2766 : vector<16xi32>
      %shift_left3A_2768 = arith.constant 7 : i32
      %shift_left3A_2769 = vector.broadcast %shift_left3A_2768 : i32 to vector<16xi32>
      %shift_left3A_2770 = arith.shli %shift_right_logical3A_2767, %shift_left3A_2769 : vector<16xi32>
      %slice3A_2771 = vector.extract_strided_slice %shift_left3A_2770 {offsets = [0], sizes = [1], strides = [1]} : vector<16xi32> to vector<1xi32>
      %squeeze3A_2772 = vector.extract %slice3A_2771[0] : i32 from vector<1xi32>
      %multiple_of3A_2773 = tpu.assume_multiple %squeeze3A_2772, 128 : i32
      %slice3A_2774 = vector.extract_strided_slice %shift_left3A_2770 {offsets = [1], sizes = [1], strides = [1]} : vector<16xi32> to vector<1xi32>
      %squeeze3A_2775 = vector.extract %slice3A_2774[0] : i32 from vector<1xi32>
      %multiple_of3A_2776 = tpu.assume_multiple %squeeze3A_2775, 128 : i32
      %slice3A_2777 = vector.extract_strided_slice %shift_left3A_2770 {offsets = [2], sizes = [1], strides = [1]} : vector<16xi32> to vector<1xi32>
      %squeeze3A_2778 = vector.extract %slice3A_2777[0] : i32 from vector<1xi32>
      %multiple_of3A_2779 = tpu.assume_multiple %squeeze3A_2778, 128 : i32
      %slice3A_2780 = vector.extract_strided_slice %shift_left3A_2770 {offsets = [3], sizes = [1], strides = [1]} : vector<16xi32> to vector<1xi32>
      %squeeze3A_2781 = vector.extract %slice3A_2780[0] : i32 from vector<1xi32>
      %multiple_of3A_2782 = tpu.assume_multiple %squeeze3A_2781, 128 : i32
      %slice3A_2783 = vector.extract_strided_slice %shift_left3A_2770 {offsets = [4], sizes = [1], strides = [1]} : vector<16xi32> to vector<1xi32>
      %squeeze3A_2784 = vector.extract %slice3A_2783[0] : i32 from vector<1xi32>
      %multiple_of3A_2785 = tpu.assume_multiple %squeeze3A_2784, 128 : i32
      %slice3A_2786 = vector.extract_strided_slice %shift_left3A_2770 {offsets = [5], sizes = [1], strides = [1]} : vector<16xi32> to vector<1xi32>
      %squeeze3A_2787 = vector.extract %slice3A_2786[0] : i32 from vector<1xi32>
      %multiple_of3A_2788 = tpu.assume_multiple %squeeze3A_2787, 128 : i32
      %slice3A_2789 = vector.extract_strided_slice %shift_left3A_2770 {offsets = [6], sizes = [1], strides = [1]} : vector<16xi32> to vector<1xi32>
      %squeeze3A_2790 = vector.extract %slice3A_2789[0] : i32 from vector<1xi32>
      %multiple_of3A_2791 = tpu.assume_multiple %squeeze3A_2790, 128 : i32
      %slice3A_2792 = vector.extract_strided_slice %shift_left3A_2770 {offsets = [7], sizes = [1], strides = [1]} : vector<16xi32> to vector<1xi32>
      %squeeze3A_2793 = vector.extract %slice3A_2792[0] : i32 from vector<1xi32>
      %multiple_of3A_2794 = tpu.assume_multiple %squeeze3A_2793, 128 : i32
      %slice3A_2795 = vector.extract_strided_slice %shift_left3A_2770 {offsets = [8], sizes = [1], strides = [1]} : vector<16xi32> to vector<1xi32>
      %squeeze3A_2796 = vector.extract %slice3A_2795[0] : i32 from vector<1xi32>
      %multiple_of3A_2797 = tpu.assume_multiple %squeeze3A_2796, 128 : i32
      %slice3A_2798 = vector.extract_strided_slice %shift_left3A_2770 {offsets = [9], sizes = [1], strides = [1]} : vector<16xi32> to vector<1xi32>
      %squeeze3A_2799 = vector.extract %slice3A_2798[0] : i32 from vector<1xi32>
      %multiple_of3A_2800 = tpu.assume_multiple %squeeze3A_2799, 128 : i32
      %slice3A_2801 = vector.extract_strided_slice %shift_left3A_2770 {offsets = [10], sizes = [1], strides = [1]} : vector<16xi32> to vector<1xi32>
      %squeeze3A_2802 = vector.extract %slice3A_2801[0] : i32 from vector<1xi32>
      %multiple_of3A_2803 = tpu.assume_multiple %squeeze3A_2802, 128 : i32
      %slice3A_2804 = vector.extract_strided_slice %shift_left3A_2770 {offsets = [11], sizes = [1], strides = [1]} : vector<16xi32> to vector<1xi32>
      %squeeze3A_2805 = vector.extract %slice3A_2804[0] : i32 from vector<1xi32>
      %multiple_of3A_2806 = tpu.assume_multiple %squeeze3A_2805, 128 : i32
      %slice3A_2807 = vector.extract_strided_slice %shift_left3A_2770 {offsets = [12], sizes = [1], strides = [1]} : vector<16xi32> to vector<1xi32>
      %squeeze3A_2808 = vector.extract %slice3A_2807[0] : i32 from vector<1xi32>
      %multiple_of3A_2809 = tpu.assume_multiple %squeeze3A_2808, 128 : i32
      %slice3A_2810 = vector.extract_strided_slice %shift_left3A_2770 {offsets = [13], sizes = [1], strides = [1]} : vector<16xi32> to vector<1xi32>
      %squeeze3A_2811 = vector.extract %slice3A_2810[0] : i32 from vector<1xi32>
      %multiple_of3A_2812 = tpu.assume_multiple %squeeze3A_2811, 128 : i32
      %slice3A_2813 = vector.extract_strided_slice %shift_left3A_2770 {offsets = [14], sizes = [1], strides = [1]} : vector<16xi32> to vector<1xi32>
      %squeeze3A_2814 = vector.extract %slice3A_2813[0] : i32 from vector<1xi32>
      %multiple_of3A_2815 = tpu.assume_multiple %squeeze3A_2814, 128 : i32
      %slice3A_2816 = vector.extract_strided_slice %shift_left3A_2770 {offsets = [15], sizes = [1], strides = [1]} : vector<16xi32> to vector<1xi32>
      %squeeze3A_2817 = vector.extract %slice3A_2816[0] : i32 from vector<1xi32>
      %multiple_of3A_2818 = tpu.assume_multiple %squeeze3A_2817, 128 : i32
      %dma_start3A_2819 = arith.constant 0 : i32
      %dma_start3A_2820 = arith.constant 0 : i32
      %dma_start3A_2821 = arith.constant 0 : i32
      %dma_start3A_2822 = arith.constant 0 : i32
      %dma_start3A_2823 = tpu.memref_slice %arg6[%dma_start3A_2819, %dma_start3A_2820, %dma_start3A_2821, %dma_start3A_2822] : memref<2x16x16x128xf32, #tpu.memory_space<vmem>> -> memref<1x1x16x128xf32, #tpu.memory_space<vmem>>
      %dma_start3A_2824 = tpu.memref_squeeze %dma_start3A_2823 : memref<1x1x16x128xf32, #tpu.memory_space<vmem>> -> memref<16x128xf32, #tpu.memory_space<vmem>>
      %dma_start3A_2825 = arith.constant 0 : i32
      %dma_start3A_2826 = tpu.memref_slice %arg3[%dma_start3A_2825, %multiple_of3A_2773] : memref<64x1000000xf32, #tpu.memory_space<hbm>> -> memref<16x128xf32, #tpu.memory_space<hbm>>
      %dma_start3A_2827 = arith.constant 0 : i32
      %dma_start3A_2828 = arith.constant 0 : i32
      %dma_start3A_2829 = tpu.memref_slice %arg6[%dma_start3A_2819, %dma_start3A_2820, %dma_start3A_2827, %dma_start3A_2828] : memref<2x16x16x128xf32, #tpu.memory_space<vmem>> -> memref<1x1x16x128xf32, #tpu.memory_space<vmem>>
      %dma_start3A_2830 = tpu.memref_squeeze %dma_start3A_2829 : memref<1x1x16x128xf32, #tpu.memory_space<vmem>> -> memref<16x128xf32, #tpu.memory_space<vmem>>
      %dma_start3A_2831 = arith.constant 0 : i32
      %dma_start3A_2832 = tpu.memref_slice %arg3[%dma_start3A_2831, %multiple_of3A_2773] : memref<64x1000000xf32, #tpu.memory_space<hbm>> -> memref<16x128xf32, #tpu.memory_space<hbm>>
      tpu.enqueue_dma source(%dma_start3A_2832 : memref<16x128xf32, #tpu.memory_space<hbm>>) target(%dma_start3A_2830 : memref<16x128xf32, #tpu.memory_space<vmem>>) target_semaphore(%arg8 : memref<!tpu.dma_semaphore, #tpu.memory_space<semaphore_mem>>)
      %dma_start3A_2833 = arith.constant 0 : i32
      %dma_start3A_2834 = arith.constant 1 : i32
      %dma_start3A_2835 = arith.constant 0 : i32
      %dma_start3A_2836 = arith.constant 0 : i32
      %dma_start3A_2837 = tpu.memref_slice %arg6[%dma_start3A_2833, %dma_start3A_2834, %dma_start3A_2835, %dma_start3A_2836] : memref<2x16x16x128xf32, #tpu.memory_space<vmem>> -> memref<1x1x16x128xf32, #tpu.memory_space<vmem>>
      %dma_start3A_2838 = tpu.memref_squeeze %dma_start3A_2837 : memref<1x1x16x128xf32, #tpu.memory_space<vmem>> -> memref<16x128xf32, #tpu.memory_space<vmem>>
      %dma_start3A_2839 = arith.constant 0 : i32
      %dma_start3A_2840 = tpu.memref_slice %arg3[%dma_start3A_2839, %multiple_of3A_2776] : memref<64x1000000xf32, #tpu.memory_space<hbm>> -> memref<16x128xf32, #tpu.memory_space<hbm>>
      %dma_start3A_2841 = arith.constant 0 : i32
      %dma_start3A_2842 = arith.constant 0 : i32
      %dma_start3A_2843 = tpu.memref_slice %arg6[%dma_start3A_2833, %dma_start3A_2834, %dma_start3A_2841, %dma_start3A_2842] : memref<2x16x16x128xf32, #tpu.memory_space<vmem>> -> memref<1x1x16x128xf32, #tpu.memory_space<vmem>>
      %dma_start3A_2844 = tpu.memref_squeeze %dma_start3A_2843 : memref<1x1x16x128xf32, #tpu.memory_space<vmem>> -> memref<16x128xf32, #tpu.memory_space<vmem>>
      %dma_start3A_2845 = arith.constant 0 : i32
      %dma_start3A_2846 = tpu.memref_slice %arg3[%dma_start3A_2845, %multiple_of3A_2776] : memref<64x1000000xf32, #tpu.memory_space<hbm>> -> memref<16x128xf32, #tpu.memory_space<hbm>>
      tpu.enqueue_dma source(%dma_start3A_2846 : memref<16x128xf32, #tpu.memory_space<hbm>>) target(%dma_start3A_2844 : memref<16x128xf32, #tpu.memory_space<vmem>>) target_semaphore(%arg8 : memref<!tpu.dma_semaphore, #tpu.memory_space<semaphore_mem>>)
      %dma_start3A_2847 = arith.constant 0 : i32
      %dma_start3A_2848 = arith.constant 2 : i32
      %dma_start3A_2849 = arith.constant 0 : i32
      %dma_start3A_2850 = arith.constant 0 : i32
      %dma_start3A_2851 = tpu.memref_slice %arg6[%dma_start3A_2847, %dma_start3A_2848, %dma_start3A_2849, %dma_start3A_2850] : memref<2x16x16x128xf32, #tpu.memory_space<vmem>> -> memref<1x1x16x128xf32, #tpu.memory_space<vmem>>
      %dma_start3A_2852 = tpu.memref_squeeze %dma_start3A_2851 : memref<1x1x16x128xf32, #tpu.memory_space<vmem>> -> memref<16x128xf32, #tpu.memory_space<vmem>>
      %dma_start3A_2853 = arith.constant 0 : i32
      %dma_start3A_2854 = tpu.memref_slice %arg3[%dma_start3A_2853, %multiple_of3A_2779] : memref<64x1000000xf32, #tpu.memory_space<hbm>> -> memref<16x128xf32, #tpu.memory_space<hbm>>
      %dma_start3A_2855 = arith.constant 0 : i32
      %dma_start3A_2856 = arith.constant 0 : i32
      %dma_start3A_2857 = tpu.memref_slice %arg6[%dma_start3A_2847, %dma_start3A_2848, %dma_start3A_2855, %dma_start3A_2856] : memref<2x16x16x128xf32, #tpu.memory_space<vmem>> -> memref<1x1x16x128xf32, #tpu.memory_space<vmem>>
      %dma_start3A_2858 = tpu.memref_squeeze %dma_start3A_2857 : memref<1x1x16x128xf32, #tpu.memory_space<vmem>> -> memref<16x128xf32, #tpu.memory_space<vmem>>
      %dma_start3A_2859 = arith.constant 0 : i32
      %dma_start3A_2860 = tpu.memref_slice %arg3[%dma_start3A_2859, %multiple_of3A_2779] : memref<64x1000000xf32, #tpu.memory_space<hbm>> -> memref<16x128xf32, #tpu.memory_space<hbm>>
      tpu.enqueue_dma source(%dma_start3A_2860 : memref<16x128xf32, #tpu.memory_space<hbm>>) target(%dma_start3A_2858 : memref<16x128xf32, #tpu.memory_space<vmem>>) target_semaphore(%arg8 : memref<!tpu.dma_semaphore, #tpu.memory_space<semaphore_mem>>)
      %dma_start3A_2861 = arith.constant 0 : i32
      %dma_start3A_2862 = arith.constant 3 : i32
      %dma_start3A_2863 = arith.constant 0 : i32
      %dma_start3A_2864 = arith.constant 0 : i32
      %dma_start3A_2865 = tpu.memref_slice %arg6[%dma_start3A_2861, %dma_start3A_2862, %dma_start3A_2863, %dma_start3A_2864] : memref<2x16x16x128xf32, #tpu.memory_space<vmem>> -> memref<1x1x16x128xf32, #tpu.memory_space<vmem>>
      %dma_start3A_2866 = tpu.memref_squeeze %dma_start3A_2865 : memref<1x1x16x128xf32, #tpu.memory_space<vmem>> -> memref<16x128xf32, #tpu.memory_space<vmem>>
      %dma_start3A_2867 = arith.constant 0 : i32
      %dma_start3A_2868 = tpu.memref_slice %arg3[%dma_start3A_2867, %multiple_of3A_2782] : memref<64x1000000xf32, #tpu.memory_space<hbm>> -> memref<16x128xf32, #tpu.memory_space<hbm>>
      %dma_start3A_2869 = arith.constant 0 : i32
      %dma_start3A_2870 = arith.constant 0 : i32
      %dma_start3A_2871 = tpu.memref_slice %arg6[%dma_start3A_2861, %dma_start3A_2862, %dma_start3A_2869, %dma_start3A_2870] : memref<2x16x16x128xf32, #tpu.memory_space<vmem>> -> memref<1x1x16x128xf32, #tpu.memory_space<vmem>>
      %dma_start3A_2872 = tpu.memref_squeeze %dma_start3A_2871 : memref<1x1x16x128xf32, #tpu.memory_space<vmem>> -> memref<16x128xf32, #tpu.memory_space<vmem>>
      %dma_start3A_2873 = arith.constant 0 : i32
      %dma_start3A_2874 = tpu.memref_slice %arg3[%dma_start3A_2873, %multiple_of3A_2782] : memref<64x1000000xf32, #tpu.memory_space<hbm>> -> memref<16x128xf32, #tpu.memory_space<hbm>>
      tpu.enqueue_dma source(%dma_start3A_2874 : memref<16x128xf32, #tpu.memory_space<hbm>>) target(%dma_start3A_2872 : memref<16x128xf32, #tpu.memory_space<vmem>>) target_semaphore(%arg8 : memref<!tpu.dma_semaphore, #tpu.memory_space<semaphore_mem>>)
      %dma_start3A_2875 = arith.constant 0 : i32
      %dma_start3A_2876 = arith.constant 4 : i32
      %dma_start3A_2877 = arith.constant 0 : i32
      %dma_start3A_2878 = arith.constant 0 : i32
      %dma_start3A_2879 = tpu.memref_slice %arg6[%dma_start3A_2875, %dma_start3A_2876, %dma_start3A_2877, %dma_start3A_2878] : memref<2x16x16x128xf32, #tpu.memory_space<vmem>> -> memref<1x1x16x128xf32, #tpu.memory_space<vmem>>
      %dma_start3A_2880 = tpu.memref_squeeze %dma_start3A_2879 : memref<1x1x16x128xf32, #tpu.memory_space<vmem>> -> memref<16x128xf32, #tpu.memory_space<vmem>>
      %dma_start3A_2881 = arith.constant 0 : i32
      %dma_start3A_2882 = tpu.memref_slice %arg3[%dma_start3A_2881, %multiple_of3A_2785] : memref<64x1000000xf32, #tpu.memory_space<hbm>> -> memref<16x128xf32, #tpu.memory_space<hbm>>
      %dma_start3A_2883 = arith.constant 0 : i32
      %dma_start3A_2884 = arith.constant 0 : i32
      %dma_start3A_2885 = tpu.memref_slice %arg6[%dma_start3A_2875, %dma_start3A_2876, %dma_start3A_2883, %dma_start3A_2884] : memref<2x16x16x128xf32, #tpu.memory_space<vmem>> -> memref<1x1x16x128xf32, #tpu.memory_space<vmem>>
      %dma_start3A_2886 = tpu.memref_squeeze %dma_start3A_2885 : memref<1x1x16x128xf32, #tpu.memory_space<vmem>> -> memref<16x128xf32, #tpu.memory_space<vmem>>
      %dma_start3A_2887 = arith.constant 0 : i32
      %dma_start3A_2888 = tpu.memref_slice %arg3[%dma_start3A_2887, %multiple_of3A_2785] : memref<64x1000000xf32, #tpu.memory_space<hbm>> -> memref<16x128xf32, #tpu.memory_space<hbm>>
      tpu.enqueue_dma source(%dma_start3A_2888 : memref<16x128xf32, #tpu.memory_space<hbm>>) target(%dma_start3A_2886 : memref<16x128xf32, #tpu.memory_space<vmem>>) target_semaphore(%arg8 : memref<!tpu.dma_semaphore, #tpu.memory_space<semaphore_mem>>)
      %dma_start3A_2889 = arith.constant 0 : i32
      %dma_start3A_2890 = arith.constant 5 : i32
      %dma_start3A_2891 = arith.constant 0 : i32
      %dma_start3A_2892 = arith.constant 0 : i32
      %dma_start3A_2893 = tpu.memref_slice %arg6[%dma_start3A_2889, %dma_start3A_2890, %dma_start3A_2891, %dma_start3A_2892] : memref<2x16x16x128xf32, #tpu.memory_space<vmem>> -> memref<1x1x16x128xf32, #tpu.memory_space<vmem>>
      %dma_start3A_2894 = tpu.memref_squeeze %dma_start3A_2893 : memref<1x1x16x128xf32, #tpu.memory_space<vmem>> -> memref<16x128xf32, #tpu.memory_space<vmem>>
      %dma_start3A_2895 = arith.constant 0 : i32
      %dma_start3A_2896 = tpu.memref_slice %arg3[%dma_start3A_2895, %multiple_of3A_2788] : memref<64x1000000xf32, #tpu.memory_space<hbm>> -> memref<16x128xf32, #tpu.memory_space<hbm>>
      %dma_start3A_2897 = arith.constant 0 : i32
      %dma_start3A_2898 = arith.constant 0 : i32
      %dma_start3A_2899 = tpu.memref_slice %arg6[%dma_start3A_2889, %dma_start3A_2890, %dma_start3A_2897, %dma_start3A_2898] : memref<2x16x16x128xf32, #tpu.memory_space<vmem>> -> memref<1x1x16x128xf32, #tpu.memory_space<vmem>>
      %dma_start3A_2900 = tpu.memref_squeeze %dma_start3A_2899 : memref<1x1x16x128xf32, #tpu.memory_space<vmem>> -> memref<16x128xf32, #tpu.memory_space<vmem>>
      %dma_start3A_2901 = arith.constant 0 : i32
      %dma_start3A_2902 = tpu.memref_slice %arg3[%dma_start3A_2901, %multiple_of3A_2788] : memref<64x1000000xf32, #tpu.memory_space<hbm>> -> memref<16x128xf32, #tpu.memory_space<hbm>>
      tpu.enqueue_dma source(%dma_start3A_2902 : memref<16x128xf32, #tpu.memory_space<hbm>>) target(%dma_start3A_2900 : memref<16x128xf32, #tpu.memory_space<vmem>>) target_semaphore(%arg8 : memref<!tpu.dma_semaphore, #tpu.memory_space<semaphore_mem>>)
      %dma_start3A_2903 = arith.constant 0 : i32
      %dma_start3A_2904 = arith.constant 6 : i32
      %dma_start3A_2905 = arith.constant 0 : i32
      %dma_start3A_2906 = arith.constant 0 : i32
      %dma_start3A_2907 = tpu.memref_slice %arg6[%dma_start3A_2903, %dma_start3A_2904, %dma_start3A_2905, %dma_start3A_2906] : memref<2x16x16x128xf32, #tpu.memory_space<vmem>> -> memref<1x1x16x128xf32, #tpu.memory_space<vmem>>
      %dma_start3A_2908 = tpu.memref_squeeze %dma_start3A_2907 : memref<1x1x16x128xf32, #tpu.memory_space<vmem>> -> memref<16x128xf32, #tpu.memory_space<vmem>>
      %dma_start3A_2909 = arith.constant 0 : i32
      %dma_start3A_2910 = tpu.memref_slice %arg3[%dma_start3A_2909, %multiple_of3A_2791] : memref<64x1000000xf32, #tpu.memory_space<hbm>> -> memref<16x128xf32, #tpu.memory_space<hbm>>
      %dma_start3A_2911 = arith.constant 0 : i32
      %dma_start3A_2912 = arith.constant 0 : i32
      %dma_start3A_2913 = tpu.memref_slice %arg6[%dma_start3A_2903, %dma_start3A_2904, %dma_start3A_2911, %dma_start3A_2912] : memref<2x16x16x128xf32, #tpu.memory_space<vmem>> -> memref<1x1x16x128xf32, #tpu.memory_space<vmem>>
      %dma_start3A_2914 = tpu.memref_squeeze %dma_start3A_2913 : memref<1x1x16x128xf32, #tpu.memory_space<vmem>> -> memref<16x128xf32, #tpu.memory_space<vmem>>
      %dma_start3A_2915 = arith.constant 0 : i32
      %dma_start3A_2916 = tpu.memref_slice %arg3[%dma_start3A_2915, %multiple_of3A_2791] : memref<64x1000000xf32, #tpu.memory_space<hbm>> -> memref<16x128xf32, #tpu.memory_space<hbm>>
      tpu.enqueue_dma source(%dma_start3A_2916 : memref<16x128xf32, #tpu.memory_space<hbm>>) target(%dma_start3A_2914 : memref<16x128xf32, #tpu.memory_space<vmem>>) target_semaphore(%arg8 : memref<!tpu.dma_semaphore, #tpu.memory_space<semaphore_mem>>)
      %dma_start3A_2917 = arith.constant 0 : i32
      %dma_start3A_2918 = arith.constant 7 : i32
      %dma_start3A_2919 = arith.constant 0 : i32
      %dma_start3A_2920 = arith.constant 0 : i32
      %dma_start3A_2921 = tpu.memref_slice %arg6[%dma_start3A_2917, %dma_start3A_2918, %dma_start3A_2919, %dma_start3A_2920] : memref<2x16x16x128xf32, #tpu.memory_space<vmem>> -> memref<1x1x16x128xf32, #tpu.memory_space<vmem>>
      %dma_start3A_2922 = tpu.memref_squeeze %dma_start3A_2921 : memref<1x1x16x128xf32, #tpu.memory_space<vmem>> -> memref<16x128xf32, #tpu.memory_space<vmem>>
      %dma_start3A_2923 = arith.constant 0 : i32
      %dma_start3A_2924 = tpu.memref_slice %arg3[%dma_start3A_2923, %multiple_of3A_2794] : memref<64x1000000xf32, #tpu.memory_space<hbm>> -> memref<16x128xf32, #tpu.memory_space<hbm>>
      %dma_start3A_2925 = arith.constant 0 : i32
      %dma_start3A_2926 = arith.constant 0 : i32
      %dma_start3A_2927 = tpu.memref_slice %arg6[%dma_start3A_2917, %dma_start3A_2918, %dma_start3A_2925, %dma_start3A_2926] : memref<2x16x16x128xf32, #tpu.memory_space<vmem>> -> memref<1x1x16x128xf32, #tpu.memory_space<vmem>>
      %dma_start3A_2928 = tpu.memref_squeeze %dma_start3A_2927 : memref<1x1x16x128xf32, #tpu.memory_space<vmem>> -> memref<16x128xf32, #tpu.memory_space<vmem>>
      %dma_start3A_2929 = arith.constant 0 : i32
      %dma_start3A_2930 = tpu.memref_slice %arg3[%dma_start3A_2929, %multiple_of3A_2794] : memref<64x1000000xf32, #tpu.memory_space<hbm>> -> memref<16x128xf32, #tpu.memory_space<hbm>>
      tpu.enqueue_dma source(%dma_start3A_2930 : memref<16x128xf32, #tpu.memory_space<hbm>>) target(%dma_start3A_2928 : memref<16x128xf32, #tpu.memory_space<vmem>>) target_semaphore(%arg8 : memref<!tpu.dma_semaphore, #tpu.memory_space<semaphore_mem>>)
      %dma_start3A_2931 = arith.constant 0 : i32
      %dma_start3A_2932 = arith.constant 8 : i32
      %dma_start3A_2933 = arith.constant 0 : i32
      %dma_start3A_2934 = arith.constant 0 : i32
      %dma_start3A_2935 = tpu.memref_slice %arg6[%dma_start3A_2931, %dma_start3A_2932, %dma_start3A_2933, %dma_start3A_2934] : memref<2x16x16x128xf32, #tpu.memory_space<vmem>> -> memref<1x1x16x128xf32, #tpu.memory_space<vmem>>
      %dma_start3A_2936 = tpu.memref_squeeze %dma_start3A_2935 : memref<1x1x16x128xf32, #tpu.memory_space<vmem>> -> memref<16x128xf32, #tpu.memory_space<vmem>>
      %dma_start3A_2937 = arith.constant 0 : i32
      %dma_start3A_2938 = tpu.memref_slice %arg3[%dma_start3A_2937, %multiple_of3A_2797] : memref<64x1000000xf32, #tpu.memory_space<hbm>> -> memref<16x128xf32, #tpu.memory_space<hbm>>
      %dma_start3A_2939 = arith.constant 0 : i32
      %dma_start3A_2940 = arith.constant 0 : i32
      %dma_start3A_2941 = tpu.memref_slice %arg6[%dma_start3A_2931, %dma_start3A_2932, %dma_start3A_2939, %dma_start3A_2940] : memref<2x16x16x128xf32, #tpu.memory_space<vmem>> -> memref<1x1x16x128xf32, #tpu.memory_space<vmem>>
      %dma_start3A_2942 = tpu.memref_squeeze %dma_start3A_2941 : memref<1x1x16x128xf32, #tpu.memory_space<vmem>> -> memref<16x128xf32, #tpu.memory_space<vmem>>
      %dma_start3A_2943 = arith.constant 0 : i32
      %dma_start3A_2944 = tpu.memref_slice %arg3[%dma_start3A_2943, %multiple_of3A_2797] : memref<64x1000000xf32, #tpu.memory_space<hbm>> -> memref<16x128xf32, #tpu.memory_space<hbm>>
      tpu.enqueue_dma source(%dma_start3A_2944 : memref<16x128xf32, #tpu.memory_space<hbm>>) target(%dma_start3A_2942 : memref<16x128xf32, #tpu.memory_space<vmem>>) target_semaphore(%arg8 : memref<!tpu.dma_semaphore, #tpu.memory_space<semaphore_mem>>)
      %dma_start3A_2945 = arith.constant 0 : i32
      %dma_start3A_2946 = arith.constant 9 : i32
      %dma_start3A_2947 = arith.constant 0 : i32
      %dma_start3A_2948 = arith.constant 0 : i32
      %dma_start3A_2949 = tpu.memref_slice %arg6[%dma_start3A_2945, %dma_start3A_2946, %dma_start3A_2947, %dma_start3A_2948] : memref<2x16x16x128xf32, #tpu.memory_space<vmem>> -> memref<1x1x16x128xf32, #tpu.memory_space<vmem>>
      %dma_start3A_2950 = tpu.memref_squeeze %dma_start3A_2949 : memref<1x1x16x128xf32, #tpu.memory_space<vmem>> -> memref<16x128xf32, #tpu.memory_space<vmem>>
      %dma_start3A_2951 = arith.constant 0 : i32
      %dma_start3A_2952 = tpu.memref_slice %arg3[%dma_start3A_2951, %multiple_of3A_2800] : memref<64x1000000xf32, #tpu.memory_space<hbm>> -> memref<16x128xf32, #tpu.memory_space<hbm>>
      %dma_start3A_2953 = arith.constant 0 : i32
      %dma_start3A_2954 = arith.constant 0 : i32
      %dma_start3A_2955 = tpu.memref_slice %arg6[%dma_start3A_2945, %dma_start3A_2946, %dma_start3A_2953, %dma_start3A_2954] : memref<2x16x16x128xf32, #tpu.memory_space<vmem>> -> memref<1x1x16x128xf32, #tpu.memory_space<vmem>>
      %dma_start3A_2956 = tpu.memref_squeeze %dma_start3A_2955 : memref<1x1x16x128xf32, #tpu.memory_space<vmem>> -> memref<16x128xf32, #tpu.memory_space<vmem>>
      %dma_start3A_2957 = arith.constant 0 : i32
      %dma_start3A_2958 = tpu.memref_slice %arg3[%dma_start3A_2957, %multiple_of3A_2800] : memref<64x1000000xf32, #tpu.memory_space<hbm>> -> memref<16x128xf32, #tpu.memory_space<hbm>>
      tpu.enqueue_dma source(%dma_start3A_2958 : memref<16x128xf32, #tpu.memory_space<hbm>>) target(%dma_start3A_2956 : memref<16x128xf32, #tpu.memory_space<vmem>>) target_semaphore(%arg8 : memref<!tpu.dma_semaphore, #tpu.memory_space<semaphore_mem>>)
      %dma_start3A_2959 = arith.constant 0 : i32
      %dma_start3A_2960 = arith.constant 10 : i32
      %dma_start3A_2961 = arith.constant 0 : i32
      %dma_start3A_2962 = arith.constant 0 : i32
      %dma_start3A_2963 = tpu.memref_slice %arg6[%dma_start3A_2959, %dma_start3A_2960, %dma_start3A_2961, %dma_start3A_2962] : memref<2x16x16x128xf32, #tpu.memory_space<vmem>> -> memref<1x1x16x128xf32, #tpu.memory_space<vmem>>
      %dma_start3A_2964 = tpu.memref_squeeze %dma_start3A_2963 : memref<1x1x16x128xf32, #tpu.memory_space<vmem>> -> memref<16x128xf32, #tpu.memory_space<vmem>>
      %dma_start3A_2965 = arith.constant 0 : i32
      %dma_start3A_2966 = tpu.memref_slice %arg3[%dma_start3A_2965, %multiple_of3A_2803] : memref<64x1000000xf32, #tpu.memory_space<hbm>> -> memref<16x128xf32, #tpu.memory_space<hbm>>
      %dma_start3A_2967 = arith.constant 0 : i32
      %dma_start3A_2968 = arith.constant 0 : i32
      %dma_start3A_2969 = tpu.memref_slice %arg6[%dma_start3A_2959, %dma_start3A_2960, %dma_start3A_2967, %dma_start3A_2968] : memref<2x16x16x128xf32, #tpu.memory_space<vmem>> -> memref<1x1x16x128xf32, #tpu.memory_space<vmem>>
      %dma_start3A_2970 = tpu.memref_squeeze %dma_start3A_2969 : memref<1x1x16x128xf32, #tpu.memory_space<vmem>> -> memref<16x128xf32, #tpu.memory_space<vmem>>
      %dma_start3A_2971 = arith.constant 0 : i32
      %dma_start3A_2972 = tpu.memref_slice %arg3[%dma_start3A_2971, %multiple_of3A_2803] : memref<64x1000000xf32, #tpu.memory_space<hbm>> -> memref<16x128xf32, #tpu.memory_space<hbm>>
      tpu.enqueue_dma source(%dma_start3A_2972 : memref<16x128xf32, #tpu.memory_space<hbm>>) target(%dma_start3A_2970 : memref<16x128xf32, #tpu.memory_space<vmem>>) target_semaphore(%arg8 : memref<!tpu.dma_semaphore, #tpu.memory_space<semaphore_mem>>)
      %dma_start3A_2973 = arith.constant 0 : i32
      %dma_start3A_2974 = arith.constant 11 : i32
      %dma_start3A_2975 = arith.constant 0 : i32
      %dma_start3A_2976 = arith.constant 0 : i32
      %dma_start3A_2977 = tpu.memref_slice %arg6[%dma_start3A_2973, %dma_start3A_2974, %dma_start3A_2975, %dma_start3A_2976] : memref<2x16x16x128xf32, #tpu.memory_space<vmem>> -> memref<1x1x16x128xf32, #tpu.memory_space<vmem>>
      %dma_start3A_2978 = tpu.memref_squeeze %dma_start3A_2977 : memref<1x1x16x128xf32, #tpu.memory_space<vmem>> -> memref<16x128xf32, #tpu.memory_space<vmem>>
      %dma_start3A_2979 = arith.constant 0 : i32
      %dma_start3A_2980 = tpu.memref_slice %arg3[%dma_start3A_2979, %multiple_of3A_2806] : memref<64x1000000xf32, #tpu.memory_space<hbm>> -> memref<16x128xf32, #tpu.memory_space<hbm>>
      %dma_start3A_2981 = arith.constant 0 : i32
      %dma_start3A_2982 = arith.constant 0 : i32
      %dma_start3A_2983 = tpu.memref_slice %arg6[%dma_start3A_2973, %dma_start3A_2974, %dma_start3A_2981, %dma_start3A_2982] : memref<2x16x16x128xf32, #tpu.memory_space<vmem>> -> memref<1x1x16x128xf32, #tpu.memory_space<vmem>>
      %dma_start3A_2984 = tpu.memref_squeeze %dma_start3A_2983 : memref<1x1x16x128xf32, #tpu.memory_space<vmem>> -> memref<16x128xf32, #tpu.memory_space<vmem>>
      %dma_start3A_2985 = arith.constant 0 : i32
      %dma_start3A_2986 = tpu.memref_slice %arg3[%dma_start3A_2985, %multiple_of3A_2806] : memref<64x1000000xf32, #tpu.memory_space<hbm>> -> memref<16x128xf32, #tpu.memory_space<hbm>>
      tpu.enqueue_dma source(%dma_start3A_2986 : memref<16x128xf32, #tpu.memory_space<hbm>>) target(%dma_start3A_2984 : memref<16x128xf32, #tpu.memory_space<vmem>>) target_semaphore(%arg8 : memref<!tpu.dma_semaphore, #tpu.memory_space<semaphore_mem>>)
      %dma_start3A_2987 = arith.constant 0 : i32
      %dma_start3A_2988 = arith.constant 12 : i32
      %dma_start3A_2989 = arith.constant 0 : i32
      %dma_start3A_2990 = arith.constant 0 : i32
      %dma_start3A_2991 = tpu.memref_slice %arg6[%dma_start3A_2987, %dma_start3A_2988, %dma_start3A_2989, %dma_start3A_2990] : memref<2x16x16x128xf32, #tpu.memory_space<vmem>> -> memref<1x1x16x128xf32, #tpu.memory_space<vmem>>
      %dma_start3A_2992 = tpu.memref_squeeze %dma_start3A_2991 : memref<1x1x16x128xf32, #tpu.memory_space<vmem>> -> memref<16x128xf32, #tpu.memory_space<vmem>>
      %dma_start3A_2993 = arith.constant 0 : i32
      %dma_start3A_2994 = tpu.memref_slice %arg3[%dma_start3A_2993, %multiple_of3A_2809] : memref<64x1000000xf32, #tpu.memory_space<hbm>> -> memref<16x128xf32, #tpu.memory_space<hbm>>
      %dma_start3A_2995 = arith.constant 0 : i32
      %dma_start3A_2996 = arith.constant 0 : i32
      %dma_start3A_2997 = tpu.memref_slice %arg6[%dma_start3A_2987, %dma_start3A_2988, %dma_start3A_2995, %dma_start3A_2996] : memref<2x16x16x128xf32, #tpu.memory_space<vmem>> -> memref<1x1x16x128xf32, #tpu.memory_space<vmem>>
      %dma_start3A_2998 = tpu.memref_squeeze %dma_start3A_2997 : memref<1x1x16x128xf32, #tpu.memory_space<vmem>> -> memref<16x128xf32, #tpu.memory_space<vmem>>
      %dma_start3A_2999 = arith.constant 0 : i32
      %dma_start3A_3000 = tpu.memref_slice %arg3[%dma_start3A_2999, %multiple_of3A_2809] : memref<64x1000000xf32, #tpu.memory_space<hbm>> -> memref<16x128xf32, #tpu.memory_space<hbm>>
      tpu.enqueue_dma source(%dma_start3A_3000 : memref<16x128xf32, #tpu.memory_space<hbm>>) target(%dma_start3A_2998 : memref<16x128xf32, #tpu.memory_space<vmem>>) target_semaphore(%arg8 : memref<!tpu.dma_semaphore, #tpu.memory_space<semaphore_mem>>)
      %dma_start3A_3001 = arith.constant 0 : i32
      %dma_start3A_3002 = arith.constant 13 : i32
      %dma_start3A_3003 = arith.constant 0 : i32
      %dma_start3A_3004 = arith.constant 0 : i32
      %dma_start3A_3005 = tpu.memref_slice %arg6[%dma_start3A_3001, %dma_start3A_3002, %dma_start3A_3003, %dma_start3A_3004] : memref<2x16x16x128xf32, #tpu.memory_space<vmem>> -> memref<1x1x16x128xf32, #tpu.memory_space<vmem>>
      %dma_start3A_3006 = tpu.memref_squeeze %dma_start3A_3005 : memref<1x1x16x128xf32, #tpu.memory_space<vmem>> -> memref<16x128xf32, #tpu.memory_space<vmem>>
      %dma_start3A_3007 = arith.constant 0 : i32
      %dma_start3A_3008 = tpu.memref_slice %arg3[%dma_start3A_3007, %multiple_of3A_2812] : memref<64x1000000xf32, #tpu.memory_space<hbm>> -> memref<16x128xf32, #tpu.memory_space<hbm>>
      %dma_start3A_3009 = arith.constant 0 : i32
      %dma_start3A_3010 = arith.constant 0 : i32
      %dma_start3A_3011 = tpu.memref_slice %arg6[%dma_start3A_3001, %dma_start3A_3002, %dma_start3A_3009, %dma_start3A_3010] : memref<2x16x16x128xf32, #tpu.memory_space<vmem>> -> memref<1x1x16x128xf32, #tpu.memory_space<vmem>>
      %dma_start3A_3012 = tpu.memref_squeeze %dma_start3A_3011 : memref<1x1x16x128xf32, #tpu.memory_space<vmem>> -> memref<16x128xf32, #tpu.memory_space<vmem>>
      %dma_start3A_3013 = arith.constant 0 : i32
      %dma_start3A_3014 = tpu.memref_slice %arg3[%dma_start3A_3013, %multiple_of3A_2812] : memref<64x1000000xf32, #tpu.memory_space<hbm>> -> memref<16x128xf32, #tpu.memory_space<hbm>>
      tpu.enqueue_dma source(%dma_start3A_3014 : memref<16x128xf32, #tpu.memory_space<hbm>>) target(%dma_start3A_3012 : memref<16x128xf32, #tpu.memory_space<vmem>>) target_semaphore(%arg8 : memref<!tpu.dma_semaphore, #tpu.memory_space<semaphore_mem>>)
      %dma_start3A_3015 = arith.constant 0 : i32
      %dma_start3A_3016 = arith.constant 14 : i32
      %dma_start3A_3017 = arith.constant 0 : i32
      %dma_start3A_3018 = arith.constant 0 : i32
      %dma_start3A_3019 = tpu.memref_slice %arg6[%dma_start3A_3015, %dma_start3A_3016, %dma_start3A_3017, %dma_start3A_3018] : memref<2x16x16x128xf32, #tpu.memory_space<vmem>> -> memref<1x1x16x128xf32, #tpu.memory_space<vmem>>
      %dma_start3A_3020 = tpu.memref_squeeze %dma_start3A_3019 : memref<1x1x16x128xf32, #tpu.memory_space<vmem>> -> memref<16x128xf32, #tpu.memory_space<vmem>>
      %dma_start3A_3021 = arith.constant 0 : i32
      %dma_start3A_3022 = tpu.memref_slice %arg3[%dma_start3A_3021, %multiple_of3A_2815] : memref<64x1000000xf32, #tpu.memory_space<hbm>> -> memref<16x128xf32, #tpu.memory_space<hbm>>
      %dma_start3A_3023 = arith.constant 0 : i32
      %dma_start3A_3024 = arith.constant 0 : i32
      %dma_start3A_3025 = tpu.memref_slice %arg6[%dma_start3A_3015, %dma_start3A_3016, %dma_start3A_3023, %dma_start3A_3024] : memref<2x16x16x128xf32, #tpu.memory_space<vmem>> -> memref<1x1x16x128xf32, #tpu.memory_space<vmem>>
      %dma_start3A_3026 = tpu.memref_squeeze %dma_start3A_3025 : memref<1x1x16x128xf32, #tpu.memory_space<vmem>> -> memref<16x128xf32, #tpu.memory_space<vmem>>
      %dma_start3A_3027 = arith.constant 0 : i32
      %dma_start3A_3028 = tpu.memref_slice %arg3[%dma_start3A_3027, %multiple_of3A_2815] : memref<64x1000000xf32, #tpu.memory_space<hbm>> -> memref<16x128xf32, #tpu.memory_space<hbm>>
      tpu.enqueue_dma source(%dma_start3A_3028 : memref<16x128xf32, #tpu.memory_space<hbm>>) target(%dma_start3A_3026 : memref<16x128xf32, #tpu.memory_space<vmem>>) target_semaphore(%arg8 : memref<!tpu.dma_semaphore, #tpu.memory_space<semaphore_mem>>)
      %dma_start3A_3029 = arith.constant 0 : i32
      %dma_start3A_3030 = arith.constant 15 : i32
      %dma_start3A_3031 = arith.constant 0 : i32
      %dma_start3A_3032 = arith.constant 0 : i32
      %dma_start3A_3033 = tpu.memref_slice %arg6[%dma_start3A_3029, %dma_start3A_3030, %dma_start3A_3031, %dma_start3A_3032] : memref<2x16x16x128xf32, #tpu.memory_space<vmem>> -> memref<1x1x16x128xf32, #tpu.memory_space<vmem>>
      %dma_start3A_3034 = tpu.memref_squeeze %dma_start3A_3033 : memref<1x1x16x128xf32, #tpu.memory_space<vmem>> -> memref<16x128xf32, #tpu.memory_space<vmem>>
      %dma_start3A_3035 = arith.constant 0 : i32
      %dma_start3A_3036 = tpu.memref_slice %arg3[%dma_start3A_3035, %multiple_of3A_2818] : memref<64x1000000xf32, #tpu.memory_space<hbm>> -> memref<16x128xf32, #tpu.memory_space<hbm>>
      %dma_start3A_3037 = arith.constant 0 : i32
      %dma_start3A_3038 = arith.constant 0 : i32
      %dma_start3A_3039 = tpu.memref_slice %arg6[%dma_start3A_3029, %dma_start3A_3030, %dma_start3A_3037, %dma_start3A_3038] : memref<2x16x16x128xf32, #tpu.memory_space<vmem>> -> memref<1x1x16x128xf32, #tpu.memory_space<vmem>>
      %dma_start3A_3040 = tpu.memref_squeeze %dma_start3A_3039 : memref<1x1x16x128xf32, #tpu.memory_space<vmem>> -> memref<16x128xf32, #tpu.memory_space<vmem>>
      %dma_start3A_3041 = arith.constant 0 : i32
      %dma_start3A_3042 = tpu.memref_slice %arg3[%dma_start3A_3041, %multiple_of3A_2818] : memref<64x1000000xf32, #tpu.memory_space<hbm>> -> memref<16x128xf32, #tpu.memory_space<hbm>>
      tpu.enqueue_dma source(%dma_start3A_3042 : memref<16x128xf32, #tpu.memory_space<hbm>>) target(%dma_start3A_3040 : memref<16x128xf32, #tpu.memory_space<vmem>>) target_semaphore(%arg8 : memref<!tpu.dma_semaphore, #tpu.memory_space<semaphore_mem>>)
      %dma_wait3A_3043 = arith.constant 1 : i32
      %dma_wait3A_3044 = arith.constant 0 : i32
      %dma_wait3A_3045 = arith.constant 0 : i32
      %dma_wait3A_3046 = arith.constant 0 : i32
      %dma_wait3A_3047 = tpu.memref_slice %arg6[%dma_wait3A_3043, %dma_wait3A_3044, %dma_wait3A_3045, %dma_wait3A_3046] : memref<2x16x16x128xf32, #tpu.memory_space<vmem>> -> memref<1x1x16x128xf32, #tpu.memory_space<vmem>>
      %dma_wait3A_3048 = tpu.memref_squeeze %dma_wait3A_3047 : memref<1x1x16x128xf32, #tpu.memory_space<vmem>> -> memref<16x128xf32, #tpu.memory_space<vmem>>
      %dma_wait3A_3049 = arith.constant 0 : i32
      %dma_wait3A_3050 = arith.constant 0 : i32
      %dma_wait3A_3051 = tpu.memref_slice %arg3[%dma_wait3A_3049, %dma_wait3A_3050] : memref<64x1000000xf32, #tpu.memory_space<hbm>> -> memref<16x128xf32, #tpu.memory_space<hbm>>
      %dma_wait3A_3052 = arith.constant 0 : i32
      %dma_wait3A_3053 = arith.constant 0 : i32
      %dma_wait3A_3054 = tpu.memref_slice %arg6[%dma_wait3A_3043, %dma_wait3A_3044, %dma_wait3A_3052, %dma_wait3A_3053] : memref<2x16x16x128xf32, #tpu.memory_space<vmem>> -> memref<1x1x16x128xf32, #tpu.memory_space<vmem>>
      %dma_wait3A_3055 = tpu.memref_squeeze %dma_wait3A_3054 : memref<1x1x16x128xf32, #tpu.memory_space<vmem>> -> memref<16x128xf32, #tpu.memory_space<vmem>>
      %dma_wait3A_3056 = arith.constant 0 : i32
      %dma_wait3A_3057 = arith.constant 0 : i32
      %dma_wait3A_3058 = tpu.memref_slice %arg3[%dma_wait3A_3056, %dma_wait3A_3057] : memref<64x1000000xf32, #tpu.memory_space<hbm>> -> memref<16x128xf32, #tpu.memory_space<hbm>>
      tpu.wait_dma2 semaphore(%arg9 : memref<!tpu.dma_semaphore, #tpu.memory_space<semaphore_mem>>) src(%dma_wait3A_3058 : memref<16x128xf32, #tpu.memory_space<hbm>>) dst(%dma_wait3A_3055 : memref<16x128xf32, #tpu.memory_space<vmem>>)
      %dma_wait3A_3059 = arith.constant 1 : i32
      %dma_wait3A_3060 = arith.constant 0 : i32
      %dma_wait3A_3061 = arith.constant 0 : i32
      %dma_wait3A_3062 = arith.constant 0 : i32
      %dma_wait3A_3063 = tpu.memref_slice %arg6[%dma_wait3A_3059, %dma_wait3A_3060, %dma_wait3A_3061, %dma_wait3A_3062] : memref<2x16x16x128xf32, #tpu.memory_space<vmem>> -> memref<1x1x16x128xf32, #tpu.memory_space<vmem>>
      %dma_wait3A_3064 = tpu.memref_squeeze %dma_wait3A_3063 : memref<1x1x16x128xf32, #tpu.memory_space<vmem>> -> memref<16x128xf32, #tpu.memory_space<vmem>>
      %dma_wait3A_3065 = arith.constant 0 : i32
      %dma_wait3A_3066 = arith.constant 0 : i32
      %dma_wait3A_3067 = tpu.memref_slice %arg3[%dma_wait3A_3065, %dma_wait3A_3066] : memref<64x1000000xf32, #tpu.memory_space<hbm>> -> memref<16x128xf32, #tpu.memory_space<hbm>>
      %dma_wait3A_3068 = arith.constant 0 : i32
      %dma_wait3A_3069 = arith.constant 0 : i32
      %dma_wait3A_3070 = tpu.memref_slice %arg6[%dma_wait3A_3059, %dma_wait3A_3060, %dma_wait3A_3068, %dma_wait3A_3069] : memref<2x16x16x128xf32, #tpu.memory_space<vmem>> -> memref<1x1x16x128xf32, #tpu.memory_space<vmem>>
      %dma_wait3A_3071 = tpu.memref_squeeze %dma_wait3A_3070 : memref<1x1x16x128xf32, #tpu.memory_space<vmem>> -> memref<16x128xf32, #tpu.memory_space<vmem>>
      %dma_wait3A_3072 = arith.constant 0 : i32
      %dma_wait3A_3073 = arith.constant 0 : i32
      %dma_wait3A_3074 = tpu.memref_slice %arg3[%dma_wait3A_3072, %dma_wait3A_3073] : memref<64x1000000xf32, #tpu.memory_space<hbm>> -> memref<16x128xf32, #tpu.memory_space<hbm>>
      tpu.wait_dma2 semaphore(%arg9 : memref<!tpu.dma_semaphore, #tpu.memory_space<semaphore_mem>>) src(%dma_wait3A_3074 : memref<16x128xf32, #tpu.memory_space<hbm>>) dst(%dma_wait3A_3071 : memref<16x128xf32, #tpu.memory_space<vmem>>)
      %dma_wait3A_3075 = arith.constant 1 : i32
      %dma_wait3A_3076 = arith.constant 0 : i32
      %dma_wait3A_3077 = arith.constant 0 : i32
      %dma_wait3A_3078 = arith.constant 0 : i32
      %dma_wait3A_3079 = tpu.memref_slice %arg6[%dma_wait3A_3075, %dma_wait3A_3076, %dma_wait3A_3077, %dma_wait3A_3078] : memref<2x16x16x128xf32, #tpu.memory_space<vmem>> -> memref<1x1x16x128xf32, #tpu.memory_space<vmem>>
      %dma_wait3A_3080 = tpu.memref_squeeze %dma_wait3A_3079 : memref<1x1x16x128xf32, #tpu.memory_space<vmem>> -> memref<16x128xf32, #tpu.memory_space<vmem>>
      %dma_wait3A_3081 = arith.constant 0 : i32
      %dma_wait3A_3082 = arith.constant 0 : i32
      %dma_wait3A_3083 = tpu.memref_slice %arg3[%dma_wait3A_3081, %dma_wait3A_3082] : memref<64x1000000xf32, #tpu.memory_space<hbm>> -> memref<16x128xf32, #tpu.memory_space<hbm>>
      %dma_wait3A_3084 = arith.constant 0 : i32
      %dma_wait3A_3085 = arith.constant 0 : i32
      %dma_wait3A_3086 = tpu.memref_slice %arg6[%dma_wait3A_3075, %dma_wait3A_3076, %dma_wait3A_3084, %dma_wait3A_3085] : memref<2x16x16x128xf32, #tpu.memory_space<vmem>> -> memref<1x1x16x128xf32, #tpu.memory_space<vmem>>
      %dma_wait3A_3087 = tpu.memref_squeeze %dma_wait3A_3086 : memref<1x1x16x128xf32, #tpu.memory_space<vmem>> -> memref<16x128xf32, #tpu.memory_space<vmem>>
      %dma_wait3A_3088 = arith.constant 0 : i32
      %dma_wait3A_3089 = arith.constant 0 : i32
      %dma_wait3A_3090 = tpu.memref_slice %arg3[%dma_wait3A_3088, %dma_wait3A_3089] : memref<64x1000000xf32, #tpu.memory_space<hbm>> -> memref<16x128xf32, #tpu.memory_space<hbm>>
      tpu.wait_dma2 semaphore(%arg9 : memref<!tpu.dma_semaphore, #tpu.memory_space<semaphore_mem>>) src(%dma_wait3A_3090 : memref<16x128xf32, #tpu.memory_space<hbm>>) dst(%dma_wait3A_3087 : memref<16x128xf32, #tpu.memory_space<vmem>>)
      %dma_wait3A_3091 = arith.constant 1 : i32
      %dma_wait3A_3092 = arith.constant 0 : i32
      %dma_wait3A_3093 = arith.constant 0 : i32
      %dma_wait3A_3094 = arith.constant 0 : i32
      %dma_wait3A_3095 = tpu.memref_slice %arg6[%dma_wait3A_3091, %dma_wait3A_3092, %dma_wait3A_3093, %dma_wait3A_3094] : memref<2x16x16x128xf32, #tpu.memory_space<vmem>> -> memref<1x1x16x128xf32, #tpu.memory_space<vmem>>
      %dma_wait3A_3096 = tpu.memref_squeeze %dma_wait3A_3095 : memref<1x1x16x128xf32, #tpu.memory_space<vmem>> -> memref<16x128xf32, #tpu.memory_space<vmem>>
      %dma_wait3A_3097 = arith.constant 0 : i32
      %dma_wait3A_3098 = arith.constant 0 : i32
      %dma_wait3A_3099 = tpu.memref_slice %arg3[%dma_wait3A_3097, %dma_wait3A_3098] : memref<64x1000000xf32, #tpu.memory_space<hbm>> -> memref<16x128xf32, #tpu.memory_space<hbm>>
      %dma_wait3A_3100 = arith.constant 0 : i32
      %dma_wait3A_3101 = arith.constant 0 : i32
      %dma_wait3A_3102 = tpu.memref_slice %arg6[%dma_wait3A_3091, %dma_wait3A_3092, %dma_wait3A_3100, %dma_wait3A_3101] : memref<2x16x16x128xf32, #tpu.memory_space<vmem>> -> memref<1x1x16x128xf32, #tpu.memory_space<vmem>>
      %dma_wait3A_3103 = tpu.memref_squeeze %dma_wait3A_3102 : memref<1x1x16x128xf32, #tpu.memory_space<vmem>> -> memref<16x128xf32, #tpu.memory_space<vmem>>
      %dma_wait3A_3104 = arith.constant 0 : i32
      %dma_wait3A_3105 = arith.constant 0 : i32
      %dma_wait3A_3106 = tpu.memref_slice %arg3[%dma_wait3A_3104, %dma_wait3A_3105] : memref<64x1000000xf32, #tpu.memory_space<hbm>> -> memref<16x128xf32, #tpu.memory_space<hbm>>
      tpu.wait_dma2 semaphore(%arg9 : memref<!tpu.dma_semaphore, #tpu.memory_space<semaphore_mem>>) src(%dma_wait3A_3106 : memref<16x128xf32, #tpu.memory_space<hbm>>) dst(%dma_wait3A_3103 : memref<16x128xf32, #tpu.memory_space<vmem>>)
      %dma_wait3A_3107 = arith.constant 1 : i32
      %dma_wait3A_3108 = arith.constant 0 : i32
      %dma_wait3A_3109 = arith.constant 0 : i32
      %dma_wait3A_3110 = arith.constant 0 : i32
      %dma_wait3A_3111 = tpu.memref_slice %arg6[%dma_wait3A_3107, %dma_wait3A_3108, %dma_wait3A_3109, %dma_wait3A_3110] : memref<2x16x16x128xf32, #tpu.memory_space<vmem>> -> memref<1x1x16x128xf32, #tpu.memory_space<vmem>>
      %dma_wait3A_3112 = tpu.memref_squeeze %dma_wait3A_3111 : memref<1x1x16x128xf32, #tpu.memory_space<vmem>> -> memref<16x128xf32, #tpu.memory_space<vmem>>
      %dma_wait3A_3113 = arith.constant 0 : i32
      %dma_wait3A_3114 = arith.constant 0 : i32
      %dma_wait3A_3115 = tpu.memref_slice %arg3[%dma_wait3A_3113, %dma_wait3A_3114] : memref<64x1000000xf32, #tpu.memory_space<hbm>> -> memref<16x128xf32, #tpu.memory_space<hbm>>
      %dma_wait3A_3116 = arith.constant 0 : i32
      %dma_wait3A_3117 = arith.constant 0 : i32
      %dma_wait3A_3118 = tpu.memref_slice %arg6[%dma_wait3A_3107, %dma_wait3A_3108, %dma_wait3A_3116, %dma_wait3A_3117] : memref<2x16x16x128xf32, #tpu.memory_space<vmem>> -> memref<1x1x16x128xf32, #tpu.memory_space<vmem>>
      %dma_wait3A_3119 = tpu.memref_squeeze %dma_wait3A_3118 : memref<1x1x16x128xf32, #tpu.memory_space<vmem>> -> memref<16x128xf32, #tpu.memory_space<vmem>>
      %dma_wait3A_3120 = arith.constant 0 : i32
      %dma_wait3A_3121 = arith.constant 0 : i32
      %dma_wait3A_3122 = tpu.memref_slice %arg3[%dma_wait3A_3120, %dma_wait3A_3121] : memref<64x1000000xf32, #tpu.memory_space<hbm>> -> memref<16x128xf32, #tpu.memory_space<hbm>>
      tpu.wait_dma2 semaphore(%arg9 : memref<!tpu.dma_semaphore, #tpu.memory_space<semaphore_mem>>) src(%dma_wait3A_3122 : memref<16x128xf32, #tpu.memory_space<hbm>>) dst(%dma_wait3A_3119 : memref<16x128xf32, #tpu.memory_space<vmem>>)
      %dma_wait3A_3123 = arith.constant 1 : i32
      %dma_wait3A_3124 = arith.constant 0 : i32
      %dma_wait3A_3125 = arith.constant 0 : i32
      %dma_wait3A_3126 = arith.constant 0 : i32
      %dma_wait3A_3127 = tpu.memref_slice %arg6[%dma_wait3A_3123, %dma_wait3A_3124, %dma_wait3A_3125, %dma_wait3A_3126] : memref<2x16x16x128xf32, #tpu.memory_space<vmem>> -> memref<1x1x16x128xf32, #tpu.memory_space<vmem>>
      %dma_wait3A_3128 = tpu.memref_squeeze %dma_wait3A_3127 : memref<1x1x16x128xf32, #tpu.memory_space<vmem>> -> memref<16x128xf32, #tpu.memory_space<vmem>>
      %dma_wait3A_3129 = arith.constant 0 : i32
      %dma_wait3A_3130 = arith.constant 0 : i32
      %dma_wait3A_3131 = tpu.memref_slice %arg3[%dma_wait3A_3129, %dma_wait3A_3130] : memref<64x1000000xf32, #tpu.memory_space<hbm>> -> memref<16x128xf32, #tpu.memory_space<hbm>>
      %dma_wait3A_3132 = arith.constant 0 : i32
      %dma_wait3A_3133 = arith.constant 0 : i32
      %dma_wait3A_3134 = tpu.memref_slice %arg6[%dma_wait3A_3123, %dma_wait3A_3124, %dma_wait3A_3132, %dma_wait3A_3133] : memref<2x16x16x128xf32, #tpu.memory_space<vmem>> -> memref<1x1x16x128xf32, #tpu.memory_space<vmem>>
      %dma_wait3A_3135 = tpu.memref_squeeze %dma_wait3A_3134 : memref<1x1x16x128xf32, #tpu.memory_space<vmem>> -> memref<16x128xf32, #tpu.memory_space<vmem>>
      %dma_wait3A_3136 = arith.constant 0 : i32
      %dma_wait3A_3137 = arith.constant 0 : i32
      %dma_wait3A_3138 = tpu.memref_slice %arg3[%dma_wait3A_3136, %dma_wait3A_3137] : memref<64x1000000xf32, #tpu.memory_space<hbm>> -> memref<16x128xf32, #tpu.memory_space<hbm>>
      tpu.wait_dma2 semaphore(%arg9 : memref<!tpu.dma_semaphore, #tpu.memory_space<semaphore_mem>>) src(%dma_wait3A_3138 : memref<16x128xf32, #tpu.memory_space<hbm>>) dst(%dma_wait3A_3135 : memref<16x128xf32, #tpu.memory_space<vmem>>)
      %dma_wait3A_3139 = arith.constant 1 : i32
      %dma_wait3A_3140 = arith.constant 0 : i32
      %dma_wait3A_3141 = arith.constant 0 : i32
      %dma_wait3A_3142 = arith.constant 0 : i32
      %dma_wait3A_3143 = tpu.memref_slice %arg6[%dma_wait3A_3139, %dma_wait3A_3140, %dma_wait3A_3141, %dma_wait3A_3142] : memref<2x16x16x128xf32, #tpu.memory_space<vmem>> -> memref<1x1x16x128xf32, #tpu.memory_space<vmem>>
      %dma_wait3A_3144 = tpu.memref_squeeze %dma_wait3A_3143 : memref<1x1x16x128xf32, #tpu.memory_space<vmem>> -> memref<16x128xf32, #tpu.memory_space<vmem>>
      %dma_wait3A_3145 = arith.constant 0 : i32
      %dma_wait3A_3146 = arith.constant 0 : i32
      %dma_wait3A_3147 = tpu.memref_slice %arg3[%dma_wait3A_3145, %dma_wait3A_3146] : memref<64x1000000xf32, #tpu.memory_space<hbm>> -> memref<16x128xf32, #tpu.memory_space<hbm>>
      %dma_wait3A_3148 = arith.constant 0 : i32
      %dma_wait3A_3149 = arith.constant 0 : i32
      %dma_wait3A_3150 = tpu.memref_slice %arg6[%dma_wait3A_3139, %dma_wait3A_3140, %dma_wait3A_3148, %dma_wait3A_3149] : memref<2x16x16x128xf32, #tpu.memory_space<vmem>> -> memref<1x1x16x128xf32, #tpu.memory_space<vmem>>
      %dma_wait3A_3151 = tpu.memref_squeeze %dma_wait3A_3150 : memref<1x1x16x128xf32, #tpu.memory_space<vmem>> -> memref<16x128xf32, #tpu.memory_space<vmem>>
      %dma_wait3A_3152 = arith.constant 0 : i32
      %dma_wait3A_3153 = arith.constant 0 : i32
      %dma_wait3A_3154 = tpu.memref_slice %arg3[%dma_wait3A_3152, %dma_wait3A_3153] : memref<64x1000000xf32, #tpu.memory_space<hbm>> -> memref<16x128xf32, #tpu.memory_space<hbm>>
      tpu.wait_dma2 semaphore(%arg9 : memref<!tpu.dma_semaphore, #tpu.memory_space<semaphore_mem>>) src(%dma_wait3A_3154 : memref<16x128xf32, #tpu.memory_space<hbm>>) dst(%dma_wait3A_3151 : memref<16x128xf32, #tpu.memory_space<vmem>>)
      %dma_wait3A_3155 = arith.constant 1 : i32
      %dma_wait3A_3156 = arith.constant 0 : i32
      %dma_wait3A_3157 = arith.constant 0 : i32
      %dma_wait3A_3158 = arith.constant 0 : i32
      %dma_wait3A_3159 = tpu.memref_slice %arg6[%dma_wait3A_3155, %dma_wait3A_3156, %dma_wait3A_3157, %dma_wait3A_3158] : memref<2x16x16x128xf32, #tpu.memory_space<vmem>> -> memref<1x1x16x128xf32, #tpu.memory_space<vmem>>
      %dma_wait3A_3160 = tpu.memref_squeeze %dma_wait3A_3159 : memref<1x1x16x128xf32, #tpu.memory_space<vmem>> -> memref<16x128xf32, #tpu.memory_space<vmem>>
      %dma_wait3A_3161 = arith.constant 0 : i32
      %dma_wait3A_3162 = arith.constant 0 : i32
      %dma_wait3A_3163 = tpu.memref_slice %arg3[%dma_wait3A_3161, %dma_wait3A_3162] : memref<64x1000000xf32, #tpu.memory_space<hbm>> -> memref<16x128xf32, #tpu.memory_space<hbm>>
      %dma_wait3A_3164 = arith.constant 0 : i32
      %dma_wait3A_3165 = arith.constant 0 : i32
      %dma_wait3A_3166 = tpu.memref_slice %arg6[%dma_wait3A_3155, %dma_wait3A_3156, %dma_wait3A_3164, %dma_wait3A_3165] : memref<2x16x16x128xf32, #tpu.memory_space<vmem>> -> memref<1x1x16x128xf32, #tpu.memory_space<vmem>>
      %dma_wait3A_3167 = tpu.memref_squeeze %dma_wait3A_3166 : memref<1x1x16x128xf32, #tpu.memory_space<vmem>> -> memref<16x128xf32, #tpu.memory_space<vmem>>
      %dma_wait3A_3168 = arith.constant 0 : i32
      %dma_wait3A_3169 = arith.constant 0 : i32
      %dma_wait3A_3170 = tpu.memref_slice %arg3[%dma_wait3A_3168, %dma_wait3A_3169] : memref<64x1000000xf32, #tpu.memory_space<hbm>> -> memref<16x128xf32, #tpu.memory_space<hbm>>
      tpu.wait_dma2 semaphore(%arg9 : memref<!tpu.dma_semaphore, #tpu.memory_space<semaphore_mem>>) src(%dma_wait3A_3170 : memref<16x128xf32, #tpu.memory_space<hbm>>) dst(%dma_wait3A_3167 : memref<16x128xf32, #tpu.memory_space<vmem>>)
      %dma_wait3A_3171 = arith.constant 1 : i32
      %dma_wait3A_3172 = arith.constant 0 : i32
      %dma_wait3A_3173 = arith.constant 0 : i32
      %dma_wait3A_3174 = arith.constant 0 : i32
      %dma_wait3A_3175 = tpu.memref_slice %arg6[%dma_wait3A_3171, %dma_wait3A_3172, %dma_wait3A_3173, %dma_wait3A_3174] : memref<2x16x16x128xf32, #tpu.memory_space<vmem>> -> memref<1x1x16x128xf32, #tpu.memory_space<vmem>>
      %dma_wait3A_3176 = tpu.memref_squeeze %dma_wait3A_3175 : memref<1x1x16x128xf32, #tpu.memory_space<vmem>> -> memref<16x128xf32, #tpu.memory_space<vmem>>
      %dma_wait3A_3177 = arith.constant 0 : i32
      %dma_wait3A_3178 = arith.constant 0 : i32
      %dma_wait3A_3179 = tpu.memref_slice %arg3[%dma_wait3A_3177, %dma_wait3A_3178] : memref<64x1000000xf32, #tpu.memory_space<hbm>> -> memref<16x128xf32, #tpu.memory_space<hbm>>
      %dma_wait3A_3180 = arith.constant 0 : i32
      %dma_wait3A_3181 = arith.constant 0 : i32
      %dma_wait3A_3182 = tpu.memref_slice %arg6[%dma_wait3A_3171, %dma_wait3A_3172, %dma_wait3A_3180, %dma_wait3A_3181] : memref<2x16x16x128xf32, #tpu.memory_space<vmem>> -> memref<1x1x16x128xf32, #tpu.memory_space<vmem>>
      %dma_wait3A_3183 = tpu.memref_squeeze %dma_wait3A_3182 : memref<1x1x16x128xf32, #tpu.memory_space<vmem>> -> memref<16x128xf32, #tpu.memory_space<vmem>>
      %dma_wait3A_3184 = arith.constant 0 : i32
      %dma_wait3A_3185 = arith.constant 0 : i32
      %dma_wait3A_3186 = tpu.memref_slice %arg3[%dma_wait3A_3184, %dma_wait3A_3185] : memref<64x1000000xf32, #tpu.memory_space<hbm>> -> memref<16x128xf32, #tpu.memory_space<hbm>>
      tpu.wait_dma2 semaphore(%arg9 : memref<!tpu.dma_semaphore, #tpu.memory_space<semaphore_mem>>) src(%dma_wait3A_3186 : memref<16x128xf32, #tpu.memory_space<hbm>>) dst(%dma_wait3A_3183 : memref<16x128xf32, #tpu.memory_space<vmem>>)
      %dma_wait3A_3187 = arith.constant 1 : i32
      %dma_wait3A_3188 = arith.constant 0 : i32
      %dma_wait3A_3189 = arith.constant 0 : i32
      %dma_wait3A_3190 = arith.constant 0 : i32
      %dma_wait3A_3191 = tpu.memref_slice %arg6[%dma_wait3A_3187, %dma_wait3A_3188, %dma_wait3A_3189, %dma_wait3A_3190] : memref<2x16x16x128xf32, #tpu.memory_space<vmem>> -> memref<1x1x16x128xf32, #tpu.memory_space<vmem>>
      %dma_wait3A_3192 = tpu.memref_squeeze %dma_wait3A_3191 : memref<1x1x16x128xf32, #tpu.memory_space<vmem>> -> memref<16x128xf32, #tpu.memory_space<vmem>>
      %dma_wait3A_3193 = arith.constant 0 : i32
      %dma_wait3A_3194 = arith.constant 0 : i32
      %dma_wait3A_3195 = tpu.memref_slice %arg3[%dma_wait3A_3193, %dma_wait3A_3194] : memref<64x1000000xf32, #tpu.memory_space<hbm>> -> memref<16x128xf32, #tpu.memory_space<hbm>>
      %dma_wait3A_3196 = arith.constant 0 : i32
      %dma_wait3A_3197 = arith.constant 0 : i32
      %dma_wait3A_3198 = tpu.memref_slice %arg6[%dma_wait3A_3187, %dma_wait3A_3188, %dma_wait3A_3196, %dma_wait3A_3197] : memref<2x16x16x128xf32, #tpu.memory_space<vmem>> -> memref<1x1x16x128xf32, #tpu.memory_space<vmem>>
      %dma_wait3A_3199 = tpu.memref_squeeze %dma_wait3A_3198 : memref<1x1x16x128xf32, #tpu.memory_space<vmem>> -> memref<16x128xf32, #tpu.memory_space<vmem>>
      %dma_wait3A_3200 = arith.constant 0 : i32
      %dma_wait3A_3201 = arith.constant 0 : i32
      %dma_wait3A_3202 = tpu.memref_slice %arg3[%dma_wait3A_3200, %dma_wait3A_3201] : memref<64x1000000xf32, #tpu.memory_space<hbm>> -> memref<16x128xf32, #tpu.memory_space<hbm>>
      tpu.wait_dma2 semaphore(%arg9 : memref<!tpu.dma_semaphore, #tpu.memory_space<semaphore_mem>>) src(%dma_wait3A_3202 : memref<16x128xf32, #tpu.memory_space<hbm>>) dst(%dma_wait3A_3199 : memref<16x128xf32, #tpu.memory_space<vmem>>)
      %dma_wait3A_3203 = arith.constant 1 : i32
      %dma_wait3A_3204 = arith.constant 0 : i32
      %dma_wait3A_3205 = arith.constant 0 : i32
      %dma_wait3A_3206 = arith.constant 0 : i32
      %dma_wait3A_3207 = tpu.memref_slice %arg6[%dma_wait3A_3203, %dma_wait3A_3204, %dma_wait3A_3205, %dma_wait3A_3206] : memref<2x16x16x128xf32, #tpu.memory_space<vmem>> -> memref<1x1x16x128xf32, #tpu.memory_space<vmem>>
      %dma_wait3A_3208 = tpu.memref_squeeze %dma_wait3A_3207 : memref<1x1x16x128xf32, #tpu.memory_space<vmem>> -> memref<16x128xf32, #tpu.memory_space<vmem>>
      %dma_wait3A_3209 = arith.constant 0 : i32
      %dma_wait3A_3210 = arith.constant 0 : i32
      %dma_wait3A_3211 = tpu.memref_slice %arg3[%dma_wait3A_3209, %dma_wait3A_3210] : memref<64x1000000xf32, #tpu.memory_space<hbm>> -> memref<16x128xf32, #tpu.memory_space<hbm>>
      %dma_wait3A_3212 = arith.constant 0 : i32
      %dma_wait3A_3213 = arith.constant 0 : i32
      %dma_wait3A_3214 = tpu.memref_slice %arg6[%dma_wait3A_3203, %dma_wait3A_3204, %dma_wait3A_3212, %dma_wait3A_3213] : memref<2x16x16x128xf32, #tpu.memory_space<vmem>> -> memref<1x1x16x128xf32, #tpu.memory_space<vmem>>
      %dma_wait3A_3215 = tpu.memref_squeeze %dma_wait3A_3214 : memref<1x1x16x128xf32, #tpu.memory_space<vmem>> -> memref<16x128xf32, #tpu.memory_space<vmem>>
      %dma_wait3A_3216 = arith.constant 0 : i32
      %dma_wait3A_3217 = arith.constant 0 : i32
      %dma_wait3A_3218 = tpu.memref_slice %arg3[%dma_wait3A_3216, %dma_wait3A_3217] : memref<64x1000000xf32, #tpu.memory_space<hbm>> -> memref<16x128xf32, #tpu.memory_space<hbm>>
      tpu.wait_dma2 semaphore(%arg9 : memref<!tpu.dma_semaphore, #tpu.memory_space<semaphore_mem>>) src(%dma_wait3A_3218 : memref<16x128xf32, #tpu.memory_space<hbm>>) dst(%dma_wait3A_3215 : memref<16x128xf32, #tpu.memory_space<vmem>>)
      %dma_wait3A_3219 = arith.constant 1 : i32
      %dma_wait3A_3220 = arith.constant 0 : i32
      %dma_wait3A_3221 = arith.constant 0 : i32
      %dma_wait3A_3222 = arith.constant 0 : i32
      %dma_wait3A_3223 = tpu.memref_slice %arg6[%dma_wait3A_3219, %dma_wait3A_3220, %dma_wait3A_3221, %dma_wait3A_3222] : memref<2x16x16x128xf32, #tpu.memory_space<vmem>> -> memref<1x1x16x128xf32, #tpu.memory_space<vmem>>
      %dma_wait3A_3224 = tpu.memref_squeeze %dma_wait3A_3223 : memref<1x1x16x128xf32, #tpu.memory_space<vmem>> -> memref<16x128xf32, #tpu.memory_space<vmem>>
      %dma_wait3A_3225 = arith.constant 0 : i32
      %dma_wait3A_3226 = arith.constant 0 : i32
      %dma_wait3A_3227 = tpu.memref_slice %arg3[%dma_wait3A_3225, %dma_wait3A_3226] : memref<64x1000000xf32, #tpu.memory_space<hbm>> -> memref<16x128xf32, #tpu.memory_space<hbm>>
      %dma_wait3A_3228 = arith.constant 0 : i32
      %dma_wait3A_3229 = arith.constant 0 : i32
      %dma_wait3A_3230 = tpu.memref_slice %arg6[%dma_wait3A_3219, %dma_wait3A_3220, %dma_wait3A_3228, %dma_wait3A_3229] : memref<2x16x16x128xf32, #tpu.memory_space<vmem>> -> memref<1x1x16x128xf32, #tpu.memory_space<vmem>>
      %dma_wait3A_3231 = tpu.memref_squeeze %dma_wait3A_3230 : memref<1x1x16x128xf32, #tpu.memory_space<vmem>> -> memref<16x128xf32, #tpu.memory_space<vmem>>
      %dma_wait3A_3232 = arith.constant 0 : i32
      %dma_wait3A_3233 = arith.constant 0 : i32
      %dma_wait3A_3234 = tpu.memref_slice %arg3[%dma_wait3A_3232, %dma_wait3A_3233] : memref<64x1000000xf32, #tpu.memory_space<hbm>> -> memref<16x128xf32, #tpu.memory_space<hbm>>
      tpu.wait_dma2 semaphore(%arg9 : memref<!tpu.dma_semaphore, #tpu.memory_space<semaphore_mem>>) src(%dma_wait3A_3234 : memref<16x128xf32, #tpu.memory_space<hbm>>) dst(%dma_wait3A_3231 : memref<16x128xf32, #tpu.memory_space<vmem>>)
      %dma_wait3A_3235 = arith.constant 1 : i32
      %dma_wait3A_3236 = arith.constant 0 : i32
      %dma_wait3A_3237 = arith.constant 0 : i32
      %dma_wait3A_3238 = arith.constant 0 : i32
      %dma_wait3A_3239 = tpu.memref_slice %arg6[%dma_wait3A_3235, %dma_wait3A_3236, %dma_wait3A_3237, %dma_wait3A_3238] : memref<2x16x16x128xf32, #tpu.memory_space<vmem>> -> memref<1x1x16x128xf32, #tpu.memory_space<vmem>>
      %dma_wait3A_3240 = tpu.memref_squeeze %dma_wait3A_3239 : memref<1x1x16x128xf32, #tpu.memory_space<vmem>> -> memref<16x128xf32, #tpu.memory_space<vmem>>
      %dma_wait3A_3241 = arith.constant 0 : i32
      %dma_wait3A_3242 = arith.constant 0 : i32
      %dma_wait3A_3243 = tpu.memref_slice %arg3[%dma_wait3A_3241, %dma_wait3A_3242] : memref<64x1000000xf32, #tpu.memory_space<hbm>> -> memref<16x128xf32, #tpu.memory_space<hbm>>
      %dma_wait3A_3244 = arith.constant 0 : i32
      %dma_wait3A_3245 = arith.constant 0 : i32
      %dma_wait3A_3246 = tpu.memref_slice %arg6[%dma_wait3A_3235, %dma_wait3A_3236, %dma_wait3A_3244, %dma_wait3A_3245] : memref<2x16x16x128xf32, #tpu.memory_space<vmem>> -> memref<1x1x16x128xf32, #tpu.memory_space<vmem>>
      %dma_wait3A_3247 = tpu.memref_squeeze %dma_wait3A_3246 : memref<1x1x16x128xf32, #tpu.memory_space<vmem>> -> memref<16x128xf32, #tpu.memory_space<vmem>>
      %dma_wait3A_3248 = arith.constant 0 : i32
      %dma_wait3A_3249 = arith.constant 0 : i32
      %dma_wait3A_3250 = tpu.memref_slice %arg3[%dma_wait3A_3248, %dma_wait3A_3249] : memref<64x1000000xf32, #tpu.memory_space<hbm>> -> memref<16x128xf32, #tpu.memory_space<hbm>>
      tpu.wait_dma2 semaphore(%arg9 : memref<!tpu.dma_semaphore, #tpu.memory_space<semaphore_mem>>) src(%dma_wait3A_3250 : memref<16x128xf32, #tpu.memory_space<hbm>>) dst(%dma_wait3A_3247 : memref<16x128xf32, #tpu.memory_space<vmem>>)
      %dma_wait3A_3251 = arith.constant 1 : i32
      %dma_wait3A_3252 = arith.constant 0 : i32
      %dma_wait3A_3253 = arith.constant 0 : i32
      %dma_wait3A_3254 = arith.constant 0 : i32
      %dma_wait3A_3255 = tpu.memref_slice %arg6[%dma_wait3A_3251, %dma_wait3A_3252, %dma_wait3A_3253, %dma_wait3A_3254] : memref<2x16x16x128xf32, #tpu.memory_space<vmem>> -> memref<1x1x16x128xf32, #tpu.memory_space<vmem>>
      %dma_wait3A_3256 = tpu.memref_squeeze %dma_wait3A_3255 : memref<1x1x16x128xf32, #tpu.memory_space<vmem>> -> memref<16x128xf32, #tpu.memory_space<vmem>>
      %dma_wait3A_3257 = arith.constant 0 : i32
      %dma_wait3A_3258 = arith.constant 0 : i32
      %dma_wait3A_3259 = tpu.memref_slice %arg3[%dma_wait3A_3257, %dma_wait3A_3258] : memref<64x1000000xf32, #tpu.memory_space<hbm>> -> memref<16x128xf32, #tpu.memory_space<hbm>>
      %dma_wait3A_3260 = arith.constant 0 : i32
      %dma_wait3A_3261 = arith.constant 0 : i32
      %dma_wait3A_3262 = tpu.memref_slice %arg6[%dma_wait3A_3251, %dma_wait3A_3252, %dma_wait3A_3260, %dma_wait3A_3261] : memref<2x16x16x128xf32, #tpu.memory_space<vmem>> -> memref<1x1x16x128xf32, #tpu.memory_space<vmem>>
      %dma_wait3A_3263 = tpu.memref_squeeze %dma_wait3A_3262 : memref<1x1x16x128xf32, #tpu.memory_space<vmem>> -> memref<16x128xf32, #tpu.memory_space<vmem>>
      %dma_wait3A_3264 = arith.constant 0 : i32
      %dma_wait3A_3265 = arith.constant 0 : i32
      %dma_wait3A_3266 = tpu.memref_slice %arg3[%dma_wait3A_3264, %dma_wait3A_3265] : memref<64x1000000xf32, #tpu.memory_space<hbm>> -> memref<16x128xf32, #tpu.memory_space<hbm>>
      tpu.wait_dma2 semaphore(%arg9 : memref<!tpu.dma_semaphore, #tpu.memory_space<semaphore_mem>>) src(%dma_wait3A_3266 : memref<16x128xf32, #tpu.memory_space<hbm>>) dst(%dma_wait3A_3263 : memref<16x128xf32, #tpu.memory_space<vmem>>)
      %dma_wait3A_3267 = arith.constant 1 : i32
      %dma_wait3A_3268 = arith.constant 0 : i32
      %dma_wait3A_3269 = arith.constant 0 : i32
      %dma_wait3A_3270 = arith.constant 0 : i32
      %dma_wait3A_3271 = tpu.memref_slice %arg6[%dma_wait3A_3267, %dma_wait3A_3268, %dma_wait3A_3269, %dma_wait3A_3270] : memref<2x16x16x128xf32, #tpu.memory_space<vmem>> -> memref<1x1x16x128xf32, #tpu.memory_space<vmem>>
      %dma_wait3A_3272 = tpu.memref_squeeze %dma_wait3A_3271 : memref<1x1x16x128xf32, #tpu.memory_space<vmem>> -> memref<16x128xf32, #tpu.memory_space<vmem>>
      %dma_wait3A_3273 = arith.constant 0 : i32
      %dma_wait3A_3274 = arith.constant 0 : i32
      %dma_wait3A_3275 = tpu.memref_slice %arg3[%dma_wait3A_3273, %dma_wait3A_3274] : memref<64x1000000xf32, #tpu.memory_space<hbm>> -> memref<16x128xf32, #tpu.memory_space<hbm>>
      %dma_wait3A_3276 = arith.constant 0 : i32
      %dma_wait3A_3277 = arith.constant 0 : i32
      %dma_wait3A_3278 = tpu.memref_slice %arg6[%dma_wait3A_3267, %dma_wait3A_3268, %dma_wait3A_3276, %dma_wait3A_3277] : memref<2x16x16x128xf32, #tpu.memory_space<vmem>> -> memref<1x1x16x128xf32, #tpu.memory_space<vmem>>
      %dma_wait3A_3279 = tpu.memref_squeeze %dma_wait3A_3278 : memref<1x1x16x128xf32, #tpu.memory_space<vmem>> -> memref<16x128xf32, #tpu.memory_space<vmem>>
      %dma_wait3A_3280 = arith.constant 0 : i32
      %dma_wait3A_3281 = arith.constant 0 : i32
      %dma_wait3A_3282 = tpu.memref_slice %arg3[%dma_wait3A_3280, %dma_wait3A_3281] : memref<64x1000000xf32, #tpu.memory_space<hbm>> -> memref<16x128xf32, #tpu.memory_space<hbm>>
      tpu.wait_dma2 semaphore(%arg9 : memref<!tpu.dma_semaphore, #tpu.memory_space<semaphore_mem>>) src(%dma_wait3A_3282 : memref<16x128xf32, #tpu.memory_space<hbm>>) dst(%dma_wait3A_3279 : memref<16x128xf32, #tpu.memory_space<vmem>>)
      %dma_wait3A_3283 = arith.constant 1 : i32
      %dma_wait3A_3284 = arith.constant 0 : i32
      %dma_wait3A_3285 = arith.constant 0 : i32
      %dma_wait3A_3286 = arith.constant 0 : i32
      %dma_wait3A_3287 = tpu.memref_slice %arg6[%dma_wait3A_3283, %dma_wait3A_3284, %dma_wait3A_3285, %dma_wait3A_3286] : memref<2x16x16x128xf32, #tpu.memory_space<vmem>> -> memref<1x1x16x128xf32, #tpu.memory_space<vmem>>
      %dma_wait3A_3288 = tpu.memref_squeeze %dma_wait3A_3287 : memref<1x1x16x128xf32, #tpu.memory_space<vmem>> -> memref<16x128xf32, #tpu.memory_space<vmem>>
      %dma_wait3A_3289 = arith.constant 0 : i32
      %dma_wait3A_3290 = arith.constant 0 : i32
      %dma_wait3A_3291 = tpu.memref_slice %arg3[%dma_wait3A_3289, %dma_wait3A_3290] : memref<64x1000000xf32, #tpu.memory_space<hbm>> -> memref<16x128xf32, #tpu.memory_space<hbm>>
      %dma_wait3A_3292 = arith.constant 0 : i32
      %dma_wait3A_3293 = arith.constant 0 : i32
      %dma_wait3A_3294 = tpu.memref_slice %arg6[%dma_wait3A_3283, %dma_wait3A_3284, %dma_wait3A_3292, %dma_wait3A_3293] : memref<2x16x16x128xf32, #tpu.memory_space<vmem>> -> memref<1x1x16x128xf32, #tpu.memory_space<vmem>>
      %dma_wait3A_3295 = tpu.memref_squeeze %dma_wait3A_3294 : memref<1x1x16x128xf32, #tpu.memory_space<vmem>> -> memref<16x128xf32, #tpu.memory_space<vmem>>
      %dma_wait3A_3296 = arith.constant 0 : i32
      %dma_wait3A_3297 = arith.constant 0 : i32
      %dma_wait3A_3298 = tpu.memref_slice %arg3[%dma_wait3A_3296, %dma_wait3A_3297] : memref<64x1000000xf32, #tpu.memory_space<hbm>> -> memref<16x128xf32, #tpu.memory_space<hbm>>
      tpu.wait_dma2 semaphore(%arg9 : memref<!tpu.dma_semaphore, #tpu.memory_space<semaphore_mem>>) src(%dma_wait3A_3298 : memref<16x128xf32, #tpu.memory_space<hbm>>) dst(%dma_wait3A_3295 : memref<16x128xf32, #tpu.memory_space<vmem>>)
      %broadcast_in_dim3A_3299 = arith.constant 0 : i32
      %broadcast_in_dim3A_3300 = vector.broadcast %broadcast_in_dim3A_3299 : i32 to vector<16xi32>
      %gather3A_3301 = arith.constant 1 : i32
      %gather3A_3302 = arith.constant 0 : i32
      %gather3A_3303 = arith.constant 0 : i32
      %gather3A_3304 = arith.constant 0 : i32
      %gather3A_3305 = tpu.memref_slice %arg6[%gather3A_3301, %gather3A_3302, %gather3A_3303, %gather3A_3304] : memref<2x16x16x128xf32, #tpu.memory_space<vmem>> -> memref<1x16x16x128xf32, #tpu.memory_space<vmem>>
      %gather3A_3306 = tpu.memref_squeeze %gather3A_3305 : memref<1x16x16x128xf32, #tpu.memory_space<vmem>> -> memref<16x16x128xf32, #tpu.memory_space<vmem>>
      %gather3A_3307 = tpu.vector_load_idx %gather3A_3306[%iota3A, %broadcast_in_dim3A_3300, %and3A_542] : memref<16x16x128xf32, #tpu.memory_space<vmem>>[vector<16xi32>, vector<16xi32>, vector<16xi32>], vector<16xf32>,
      %mul3A_3308 = arith.constant 16 : i32
      %mul3A_3309 = arith.muli %scan3A_536, %mul3A_3308 : i32
      %swap3A_3310 = arith.constant 48 : i32
      %swap3A_3311 = arith.index_cast %swap3A_3310 : i32 to index
      %swap3A_3312 = arith.index_cast %mul3A_3309 : i32 to index
      %swap3A_3313 = tpu.vector_load %arg7[%swap3A_3311, %swap3A_3312] {strides = array<i32>} : memref<64x512xf32, #tpu.memory_space<vmem>>, vector<16xf32>,
      tpu.vector_store %arg7[%swap3A_3311, %swap3A_3312], %gather3A_3307 {strides = array<i32>} : memref<64x512xf32, #tpu.memory_space<vmem>>, vector<16xf32>,
      %broadcast_in_dim3A_3314 = arith.constant 1 : i32
      %broadcast_in_dim3A_3315 = vector.broadcast %broadcast_in_dim3A_3314 : i32 to vector<16xi32>
      %gather3A_3316 = arith.constant 1 : i32
      %gather3A_3317 = arith.constant 0 : i32
      %gather3A_3318 = arith.constant 0 : i32
      %gather3A_3319 = arith.constant 0 : i32
      %gather3A_3320 = tpu.memref_slice %arg6[%gather3A_3316, %gather3A_3317, %gather3A_3318, %gather3A_3319] : memref<2x16x16x128xf32, #tpu.memory_space<vmem>> -> memref<1x16x16x128xf32, #tpu.memory_space<vmem>>
      %gather3A_3321 = tpu.memref_squeeze %gather3A_3320 : memref<1x16x16x128xf32, #tpu.memory_space<vmem>> -> memref<16x16x128xf32, #tpu.memory_space<vmem>>
      %gather3A_3322 = tpu.vector_load_idx %gather3A_3321[%iota3A, %broadcast_in_dim3A_3315, %and3A_542] : memref<16x16x128xf32, #tpu.memory_space<vmem>>[vector<16xi32>, vector<16xi32>, vector<16xi32>], vector<16xf32>,
      %mul3A_3323 = arith.constant 16 : i32
      %mul3A_3324 = arith.muli %scan3A_536, %mul3A_3323 : i32
      %swap3A_3325 = arith.constant 49 : i32
      %swap3A_3326 = arith.index_cast %swap3A_3325 : i32 to index
      %swap3A_3327 = arith.index_cast %mul3A_3324 : i32 to index
      %swap3A_3328 = tpu.vector_load %arg7[%swap3A_3326, %swap3A_3327] {strides = array<i32>} : memref<64x512xf32, #tpu.memory_space<vmem>>, vector<16xf32>,
      tpu.vector_store %arg7[%swap3A_3326, %swap3A_3327], %gather3A_3322 {strides = array<i32>} : memref<64x512xf32, #tpu.memory_space<vmem>>, vector<16xf32>,
      %broadcast_in_dim3A_3329 = arith.constant 2 : i32
      %broadcast_in_dim3A_3330 = vector.broadcast %broadcast_in_dim3A_3329 : i32 to vector<16xi32>
      %gather3A_3331 = arith.constant 1 : i32
      %gather3A_3332 = arith.constant 0 : i32
      %gather3A_3333 = arith.constant 0 : i32
      %gather3A_3334 = arith.constant 0 : i32
      %gather3A_3335 = tpu.memref_slice %arg6[%gather3A_3331, %gather3A_3332, %gather3A_3333, %gather3A_3334] : memref<2x16x16x128xf32, #tpu.memory_space<vmem>> -> memref<1x16x16x128xf32, #tpu.memory_space<vmem>>
      %gather3A_3336 = tpu.memref_squeeze %gather3A_3335 : memref<1x16x16x128xf32, #tpu.memory_space<vmem>> -> memref<16x16x128xf32, #tpu.memory_space<vmem>>
      %gather3A_3337 = tpu.vector_load_idx %gather3A_3336[%iota3A, %broadcast_in_dim3A_3330, %and3A_542] : memref<16x16x128xf32, #tpu.memory_space<vmem>>[vector<16xi32>, vector<16xi32>, vector<16xi32>], vector<16xf32>,
      %mul3A_3338 = arith.constant 16 : i32
      %mul3A_3339 = arith.muli %scan3A_536, %mul3A_3338 : i32
      %swap3A_3340 = arith.constant 50 : i32
      %swap3A_3341 = arith.index_cast %swap3A_3340 : i32 to index
      %swap3A_3342 = arith.index_cast %mul3A_3339 : i32 to index
      %swap3A_3343 = tpu.vector_load %arg7[%swap3A_3341, %swap3A_3342] {strides = array<i32>} : memref<64x512xf32, #tpu.memory_space<vmem>>, vector<16xf32>,
      tpu.vector_store %arg7[%swap3A_3341, %swap3A_3342], %gather3A_3337 {strides = array<i32>} : memref<64x512xf32, #tpu.memory_space<vmem>>, vector<16xf32>,
      %broadcast_in_dim3A_3344 = arith.constant 3 : i32
      %broadcast_in_dim3A_3345 = vector.broadcast %broadcast_in_dim3A_3344 : i32 to vector<16xi32>
      %gather3A_3346 = arith.constant 1 : i32
      %gather3A_3347 = arith.constant 0 : i32
      %gather3A_3348 = arith.constant 0 : i32
      %gather3A_3349 = arith.constant 0 : i32
      %gather3A_3350 = tpu.memref_slice %arg6[%gather3A_3346, %gather3A_3347, %gather3A_3348, %gather3A_3349] : memref<2x16x16x128xf32, #tpu.memory_space<vmem>> -> memref<1x16x16x128xf32, #tpu.memory_space<vmem>>
      %gather3A_3351 = tpu.memref_squeeze %gather3A_3350 : memref<1x16x16x128xf32, #tpu.memory_space<vmem>> -> memref<16x16x128xf32, #tpu.memory_space<vmem>>
      %gather3A_3352 = tpu.vector_load_idx %gather3A_3351[%iota3A, %broadcast_in_dim3A_3345, %and3A_542] : memref<16x16x128xf32, #tpu.memory_space<vmem>>[vector<16xi32>, vector<16xi32>, vector<16xi32>], vector<16xf32>,
      %mul3A_3353 = arith.constant 16 : i32
      %mul3A_3354 = arith.muli %scan3A_536, %mul3A_3353 : i32
      %swap3A_3355 = arith.constant 51 : i32
      %swap3A_3356 = arith.index_cast %swap3A_3355 : i32 to index
      %swap3A_3357 = arith.index_cast %mul3A_3354 : i32 to index
      %swap3A_3358 = tpu.vector_load %arg7[%swap3A_3356, %swap3A_3357] {strides = array<i32>} : memref<64x512xf32, #tpu.memory_space<vmem>>, vector<16xf32>,
      tpu.vector_store %arg7[%swap3A_3356, %swap3A_3357], %gather3A_3352 {strides = array<i32>} : memref<64x512xf32, #tpu.memory_space<vmem>>, vector<16xf32>,
      %broadcast_in_dim3A_3359 = arith.constant 4 : i32
      %broadcast_in_dim3A_3360 = vector.broadcast %broadcast_in_dim3A_3359 : i32 to vector<16xi32>
      %gather3A_3361 = arith.constant 1 : i32
      %gather3A_3362 = arith.constant 0 : i32
      %gather3A_3363 = arith.constant 0 : i32
      %gather3A_3364 = arith.constant 0 : i32
      %gather3A_3365 = tpu.memref_slice %arg6[%gather3A_3361, %gather3A_3362, %gather3A_3363, %gather3A_3364] : memref<2x16x16x128xf32, #tpu.memory_space<vmem>> -> memref<1x16x16x128xf32, #tpu.memory_space<vmem>>
      %gather3A_3366 = tpu.memref_squeeze %gather3A_3365 : memref<1x16x16x128xf32, #tpu.memory_space<vmem>> -> memref<16x16x128xf32, #tpu.memory_space<vmem>>
      %gather3A_3367 = tpu.vector_load_idx %gather3A_3366[%iota3A, %broadcast_in_dim3A_3360, %and3A_542] : memref<16x16x128xf32, #tpu.memory_space<vmem>>[vector<16xi32>, vector<16xi32>, vector<16xi32>], vector<16xf32>,
      %mul3A_3368 = arith.constant 16 : i32
      %mul3A_3369 = arith.muli %scan3A_536, %mul3A_3368 : i32
      %swap3A_3370 = arith.constant 52 : i32
      %swap3A_3371 = arith.index_cast %swap3A_3370 : i32 to index
      %swap3A_3372 = arith.index_cast %mul3A_3369 : i32 to index
      %swap3A_3373 = tpu.vector_load %arg7[%swap3A_3371, %swap3A_3372] {strides = array<i32>} : memref<64x512xf32, #tpu.memory_space<vmem>>, vector<16xf32>,
      tpu.vector_store %arg7[%swap3A_3371, %swap3A_3372], %gather3A_3367 {strides = array<i32>} : memref<64x512xf32, #tpu.memory_space<vmem>>, vector<16xf32>,
      %broadcast_in_dim3A_3374 = arith.constant 5 : i32
      %broadcast_in_dim3A_3375 = vector.broadcast %broadcast_in_dim3A_3374 : i32 to vector<16xi32>
      %gather3A_3376 = arith.constant 1 : i32
      %gather3A_3377 = arith.constant 0 : i32
      %gather3A_3378 = arith.constant 0 : i32
      %gather3A_3379 = arith.constant 0 : i32
      %gather3A_3380 = tpu.memref_slice %arg6[%gather3A_3376, %gather3A_3377, %gather3A_3378, %gather3A_3379] : memref<2x16x16x128xf32, #tpu.memory_space<vmem>> -> memref<1x16x16x128xf32, #tpu.memory_space<vmem>>
      %gather3A_3381 = tpu.memref_squeeze %gather3A_3380 : memref<1x16x16x128xf32, #tpu.memory_space<vmem>> -> memref<16x16x128xf32, #tpu.memory_space<vmem>>
      %gather3A_3382 = tpu.vector_load_idx %gather3A_3381[%iota3A, %broadcast_in_dim3A_3375, %and3A_542] : memref<16x16x128xf32, #tpu.memory_space<vmem>>[vector<16xi32>, vector<16xi32>, vector<16xi32>], vector<16xf32>,
      %mul3A_3383 = arith.constant 16 : i32
      %mul3A_3384 = arith.muli %scan3A_536, %mul3A_3383 : i32
      %swap3A_3385 = arith.constant 53 : i32
      %swap3A_3386 = arith.index_cast %swap3A_3385 : i32 to index
      %swap3A_3387 = arith.index_cast %mul3A_3384 : i32 to index
      %swap3A_3388 = tpu.vector_load %arg7[%swap3A_3386, %swap3A_3387] {strides = array<i32>} : memref<64x512xf32, #tpu.memory_space<vmem>>, vector<16xf32>,
      tpu.vector_store %arg7[%swap3A_3386, %swap3A_3387], %gather3A_3382 {strides = array<i32>} : memref<64x512xf32, #tpu.memory_space<vmem>>, vector<16xf32>,
      %broadcast_in_dim3A_3389 = arith.constant 6 : i32
      %broadcast_in_dim3A_3390 = vector.broadcast %broadcast_in_dim3A_3389 : i32 to vector<16xi32>
      %gather3A_3391 = arith.constant 1 : i32
      %gather3A_3392 = arith.constant 0 : i32
      %gather3A_3393 = arith.constant 0 : i32
      %gather3A_3394 = arith.constant 0 : i32
      %gather3A_3395 = tpu.memref_slice %arg6[%gather3A_3391, %gather3A_3392, %gather3A_3393, %gather3A_3394] : memref<2x16x16x128xf32, #tpu.memory_space<vmem>> -> memref<1x16x16x128xf32, #tpu.memory_space<vmem>>
      %gather3A_3396 = tpu.memref_squeeze %gather3A_3395 : memref<1x16x16x128xf32, #tpu.memory_space<vmem>> -> memref<16x16x128xf32, #tpu.memory_space<vmem>>
      %gather3A_3397 = tpu.vector_load_idx %gather3A_3396[%iota3A, %broadcast_in_dim3A_3390, %and3A_542] : memref<16x16x128xf32, #tpu.memory_space<vmem>>[vector<16xi32>, vector<16xi32>, vector<16xi32>], vector<16xf32>,
      %mul3A_3398 = arith.constant 16 : i32
      %mul3A_3399 = arith.muli %scan3A_536, %mul3A_3398 : i32
      %swap3A_3400 = arith.constant 54 : i32
      %swap3A_3401 = arith.index_cast %swap3A_3400 : i32 to index
      %swap3A_3402 = arith.index_cast %mul3A_3399 : i32 to index
      %swap3A_3403 = tpu.vector_load %arg7[%swap3A_3401, %swap3A_3402] {strides = array<i32>} : memref<64x512xf32, #tpu.memory_space<vmem>>, vector<16xf32>,
      tpu.vector_store %arg7[%swap3A_3401, %swap3A_3402], %gather3A_3397 {strides = array<i32>} : memref<64x512xf32, #tpu.memory_space<vmem>>, vector<16xf32>,
      %broadcast_in_dim3A_3404 = arith.constant 7 : i32
      %broadcast_in_dim3A_3405 = vector.broadcast %broadcast_in_dim3A_3404 : i32 to vector<16xi32>
      %gather3A_3406 = arith.constant 1 : i32
      %gather3A_3407 = arith.constant 0 : i32
      %gather3A_3408 = arith.constant 0 : i32
      %gather3A_3409 = arith.constant 0 : i32
      %gather3A_3410 = tpu.memref_slice %arg6[%gather3A_3406, %gather3A_3407, %gather3A_3408, %gather3A_3409] : memref<2x16x16x128xf32, #tpu.memory_space<vmem>> -> memref<1x16x16x128xf32, #tpu.memory_space<vmem>>
      %gather3A_3411 = tpu.memref_squeeze %gather3A_3410 : memref<1x16x16x128xf32, #tpu.memory_space<vmem>> -> memref<16x16x128xf32, #tpu.memory_space<vmem>>
      %gather3A_3412 = tpu.vector_load_idx %gather3A_3411[%iota3A, %broadcast_in_dim3A_3405, %and3A_542] : memref<16x16x128xf32, #tpu.memory_space<vmem>>[vector<16xi32>, vector<16xi32>, vector<16xi32>], vector<16xf32>,
      %mul3A_3413 = arith.constant 16 : i32
      %mul3A_3414 = arith.muli %scan3A_536, %mul3A_3413 : i32
      %swap3A_3415 = arith.constant 55 : i32
      %swap3A_3416 = arith.index_cast %swap3A_3415 : i32 to index
      %swap3A_3417 = arith.index_cast %mul3A_3414 : i32 to index
      %swap3A_3418 = tpu.vector_load %arg7[%swap3A_3416, %swap3A_3417] {strides = array<i32>} : memref<64x512xf32, #tpu.memory_space<vmem>>, vector<16xf32>,
      tpu.vector_store %arg7[%swap3A_3416, %swap3A_3417], %gather3A_3412 {strides = array<i32>} : memref<64x512xf32, #tpu.memory_space<vmem>>, vector<16xf32>,
      %broadcast_in_dim3A_3419 = arith.constant 8 : i32
      %broadcast_in_dim3A_3420 = vector.broadcast %broadcast_in_dim3A_3419 : i32 to vector<16xi32>
      %gather3A_3421 = arith.constant 1 : i32
      %gather3A_3422 = arith.constant 0 : i32
      %gather3A_3423 = arith.constant 0 : i32
      %gather3A_3424 = arith.constant 0 : i32
      %gather3A_3425 = tpu.memref_slice %arg6[%gather3A_3421, %gather3A_3422, %gather3A_3423, %gather3A_3424] : memref<2x16x16x128xf32, #tpu.memory_space<vmem>> -> memref<1x16x16x128xf32, #tpu.memory_space<vmem>>
      %gather3A_3426 = tpu.memref_squeeze %gather3A_3425 : memref<1x16x16x128xf32, #tpu.memory_space<vmem>> -> memref<16x16x128xf32, #tpu.memory_space<vmem>>
      %gather3A_3427 = tpu.vector_load_idx %gather3A_3426[%iota3A, %broadcast_in_dim3A_3420, %and3A_542] : memref<16x16x128xf32, #tpu.memory_space<vmem>>[vector<16xi32>, vector<16xi32>, vector<16xi32>], vector<16xf32>,
      %mul3A_3428 = arith.constant 16 : i32
      %mul3A_3429 = arith.muli %scan3A_536, %mul3A_3428 : i32
      %swap3A_3430 = arith.constant 56 : i32
      %swap3A_3431 = arith.index_cast %swap3A_3430 : i32 to index
      %swap3A_3432 = arith.index_cast %mul3A_3429 : i32 to index
      %swap3A_3433 = tpu.vector_load %arg7[%swap3A_3431, %swap3A_3432] {strides = array<i32>} : memref<64x512xf32, #tpu.memory_space<vmem>>, vector<16xf32>,
      tpu.vector_store %arg7[%swap3A_3431, %swap3A_3432], %gather3A_3427 {strides = array<i32>} : memref<64x512xf32, #tpu.memory_space<vmem>>, vector<16xf32>,
      %broadcast_in_dim3A_3434 = arith.constant 9 : i32
      %broadcast_in_dim3A_3435 = vector.broadcast %broadcast_in_dim3A_3434 : i32 to vector<16xi32>
      %gather3A_3436 = arith.constant 1 : i32
      %gather3A_3437 = arith.constant 0 : i32
      %gather3A_3438 = arith.constant 0 : i32
      %gather3A_3439 = arith.constant 0 : i32
      %gather3A_3440 = tpu.memref_slice %arg6[%gather3A_3436, %gather3A_3437, %gather3A_3438, %gather3A_3439] : memref<2x16x16x128xf32, #tpu.memory_space<vmem>> -> memref<1x16x16x128xf32, #tpu.memory_space<vmem>>
      %gather3A_3441 = tpu.memref_squeeze %gather3A_3440 : memref<1x16x16x128xf32, #tpu.memory_space<vmem>> -> memref<16x16x128xf32, #tpu.memory_space<vmem>>
      %gather3A_3442 = tpu.vector_load_idx %gather3A_3441[%iota3A, %broadcast_in_dim3A_3435, %and3A_542] : memref<16x16x128xf32, #tpu.memory_space<vmem>>[vector<16xi32>, vector<16xi32>, vector<16xi32>], vector<16xf32>,
      %mul3A_3443 = arith.constant 16 : i32
      %mul3A_3444 = arith.muli %scan3A_536, %mul3A_3443 : i32
      %swap3A_3445 = arith.constant 57 : i32
      %swap3A_3446 = arith.index_cast %swap3A_3445 : i32 to index
      %swap3A_3447 = arith.index_cast %mul3A_3444 : i32 to index
      %swap3A_3448 = tpu.vector_load %arg7[%swap3A_3446, %swap3A_3447] {strides = array<i32>} : memref<64x512xf32, #tpu.memory_space<vmem>>, vector<16xf32>,
      tpu.vector_store %arg7[%swap3A_3446, %swap3A_3447], %gather3A_3442 {strides = array<i32>} : memref<64x512xf32, #tpu.memory_space<vmem>>, vector<16xf32>,
      %broadcast_in_dim3A_3449 = arith.constant 10 : i32
      %broadcast_in_dim3A_3450 = vector.broadcast %broadcast_in_dim3A_3449 : i32 to vector<16xi32>
      %gather3A_3451 = arith.constant 1 : i32
      %gather3A_3452 = arith.constant 0 : i32
      %gather3A_3453 = arith.constant 0 : i32
      %gather3A_3454 = arith.constant 0 : i32
      %gather3A_3455 = tpu.memref_slice %arg6[%gather3A_3451, %gather3A_3452, %gather3A_3453, %gather3A_3454] : memref<2x16x16x128xf32, #tpu.memory_space<vmem>> -> memref<1x16x16x128xf32, #tpu.memory_space<vmem>>
      %gather3A_3456 = tpu.memref_squeeze %gather3A_3455 : memref<1x16x16x128xf32, #tpu.memory_space<vmem>> -> memref<16x16x128xf32, #tpu.memory_space<vmem>>
      %gather3A_3457 = tpu.vector_load_idx %gather3A_3456[%iota3A, %broadcast_in_dim3A_3450, %and3A_542] : memref<16x16x128xf32, #tpu.memory_space<vmem>>[vector<16xi32>, vector<16xi32>, vector<16xi32>], vector<16xf32>,
      %mul3A_3458 = arith.constant 16 : i32
      %mul3A_3459 = arith.muli %scan3A_536, %mul3A_3458 : i32
      %swap3A_3460 = arith.constant 58 : i32
      %swap3A_3461 = arith.index_cast %swap3A_3460 : i32 to index
      %swap3A_3462 = arith.index_cast %mul3A_3459 : i32 to index
      %swap3A_3463 = tpu.vector_load %arg7[%swap3A_3461, %swap3A_3462] {strides = array<i32>} : memref<64x512xf32, #tpu.memory_space<vmem>>, vector<16xf32>,
      tpu.vector_store %arg7[%swap3A_3461, %swap3A_3462], %gather3A_3457 {strides = array<i32>} : memref<64x512xf32, #tpu.memory_space<vmem>>, vector<16xf32>,
      %broadcast_in_dim3A_3464 = arith.constant 11 : i32
      %broadcast_in_dim3A_3465 = vector.broadcast %broadcast_in_dim3A_3464 : i32 to vector<16xi32>
      %gather3A_3466 = arith.constant 1 : i32
      %gather3A_3467 = arith.constant 0 : i32
      %gather3A_3468 = arith.constant 0 : i32
      %gather3A_3469 = arith.constant 0 : i32
      %gather3A_3470 = tpu.memref_slice %arg6[%gather3A_3466, %gather3A_3467, %gather3A_3468, %gather3A_3469] : memref<2x16x16x128xf32, #tpu.memory_space<vmem>> -> memref<1x16x16x128xf32, #tpu.memory_space<vmem>>
      %gather3A_3471 = tpu.memref_squeeze %gather3A_3470 : memref<1x16x16x128xf32, #tpu.memory_space<vmem>> -> memref<16x16x128xf32, #tpu.memory_space<vmem>>
      %gather3A_3472 = tpu.vector_load_idx %gather3A_3471[%iota3A, %broadcast_in_dim3A_3465, %and3A_542] : memref<16x16x128xf32, #tpu.memory_space<vmem>>[vector<16xi32>, vector<16xi32>, vector<16xi32>], vector<16xf32>,
      %mul3A_3473 = arith.constant 16 : i32
      %mul3A_3474 = arith.muli %scan3A_536, %mul3A_3473 : i32
      %swap3A_3475 = arith.constant 59 : i32
      %swap3A_3476 = arith.index_cast %swap3A_3475 : i32 to index
      %swap3A_3477 = arith.index_cast %mul3A_3474 : i32 to index
      %swap3A_3478 = tpu.vector_load %arg7[%swap3A_3476, %swap3A_3477] {strides = array<i32>} : memref<64x512xf32, #tpu.memory_space<vmem>>, vector<16xf32>,
      tpu.vector_store %arg7[%swap3A_3476, %swap3A_3477], %gather3A_3472 {strides = array<i32>} : memref<64x512xf32, #tpu.memory_space<vmem>>, vector<16xf32>,
      %broadcast_in_dim3A_3479 = arith.constant 12 : i32
      %broadcast_in_dim3A_3480 = vector.broadcast %broadcast_in_dim3A_3479 : i32 to vector<16xi32>
      %gather3A_3481 = arith.constant 1 : i32
      %gather3A_3482 = arith.constant 0 : i32
      %gather3A_3483 = arith.constant 0 : i32
      %gather3A_3484 = arith.constant 0 : i32
      %gather3A_3485 = tpu.memref_slice %arg6[%gather3A_3481, %gather3A_3482, %gather3A_3483, %gather3A_3484] : memref<2x16x16x128xf32, #tpu.memory_space<vmem>> -> memref<1x16x16x128xf32, #tpu.memory_space<vmem>>
      %gather3A_3486 = tpu.memref_squeeze %gather3A_3485 : memref<1x16x16x128xf32, #tpu.memory_space<vmem>> -> memref<16x16x128xf32, #tpu.memory_space<vmem>>
      %gather3A_3487 = tpu.vector_load_idx %gather3A_3486[%iota3A, %broadcast_in_dim3A_3480, %and3A_542] : memref<16x16x128xf32, #tpu.memory_space<vmem>>[vector<16xi32>, vector<16xi32>, vector<16xi32>], vector<16xf32>,
      %mul3A_3488 = arith.constant 16 : i32
      %mul3A_3489 = arith.muli %scan3A_536, %mul3A_3488 : i32
      %swap3A_3490 = arith.constant 60 : i32
      %swap3A_3491 = arith.index_cast %swap3A_3490 : i32 to index
      %swap3A_3492 = arith.index_cast %mul3A_3489 : i32 to index
      %swap3A_3493 = tpu.vector_load %arg7[%swap3A_3491, %swap3A_3492] {strides = array<i32>} : memref<64x512xf32, #tpu.memory_space<vmem>>, vector<16xf32>,
      tpu.vector_store %arg7[%swap3A_3491, %swap3A_3492], %gather3A_3487 {strides = array<i32>} : memref<64x512xf32, #tpu.memory_space<vmem>>, vector<16xf32>,
      %broadcast_in_dim3A_3494 = arith.constant 13 : i32
      %broadcast_in_dim3A_3495 = vector.broadcast %broadcast_in_dim3A_3494 : i32 to vector<16xi32>
      %gather3A_3496 = arith.constant 1 : i32
      %gather3A_3497 = arith.constant 0 : i32
      %gather3A_3498 = arith.constant 0 : i32
      %gather3A_3499 = arith.constant 0 : i32
      %gather3A_3500 = tpu.memref_slice %arg6[%gather3A_3496, %gather3A_3497, %gather3A_3498, %gather3A_3499] : memref<2x16x16x128xf32, #tpu.memory_space<vmem>> -> memref<1x16x16x128xf32, #tpu.memory_space<vmem>>
      %gather3A_3501 = tpu.memref_squeeze %gather3A_3500 : memref<1x16x16x128xf32, #tpu.memory_space<vmem>> -> memref<16x16x128xf32, #tpu.memory_space<vmem>>
      %gather3A_3502 = tpu.vector_load_idx %gather3A_3501[%iota3A, %broadcast_in_dim3A_3495, %and3A_542] : memref<16x16x128xf32, #tpu.memory_space<vmem>>[vector<16xi32>, vector<16xi32>, vector<16xi32>], vector<16xf32>,
      %mul3A_3503 = arith.constant 16 : i32
      %mul3A_3504 = arith.muli %scan3A_536, %mul3A_3503 : i32
      %swap3A_3505 = arith.constant 61 : i32
      %swap3A_3506 = arith.index_cast %swap3A_3505 : i32 to index
      %swap3A_3507 = arith.index_cast %mul3A_3504 : i32 to index
      %swap3A_3508 = tpu.vector_load %arg7[%swap3A_3506, %swap3A_3507] {strides = array<i32>} : memref<64x512xf32, #tpu.memory_space<vmem>>, vector<16xf32>,
      tpu.vector_store %arg7[%swap3A_3506, %swap3A_3507], %gather3A_3502 {strides = array<i32>} : memref<64x512xf32, #tpu.memory_space<vmem>>, vector<16xf32>,
      %broadcast_in_dim3A_3509 = arith.constant 14 : i32
      %broadcast_in_dim3A_3510 = vector.broadcast %broadcast_in_dim3A_3509 : i32 to vector<16xi32>
      %gather3A_3511 = arith.constant 1 : i32
      %gather3A_3512 = arith.constant 0 : i32
      %gather3A_3513 = arith.constant 0 : i32
      %gather3A_3514 = arith.constant 0 : i32
      %gather3A_3515 = tpu.memref_slice %arg6[%gather3A_3511, %gather3A_3512, %gather3A_3513, %gather3A_3514] : memref<2x16x16x128xf32, #tpu.memory_space<vmem>> -> memref<1x16x16x128xf32, #tpu.memory_space<vmem>>
      %gather3A_3516 = tpu.memref_squeeze %gather3A_3515 : memref<1x16x16x128xf32, #tpu.memory_space<vmem>> -> memref<16x16x128xf32, #tpu.memory_space<vmem>>
      %gather3A_3517 = tpu.vector_load_idx %gather3A_3516[%iota3A, %broadcast_in_dim3A_3510, %and3A_542] : memref<16x16x128xf32, #tpu.memory_space<vmem>>[vector<16xi32>, vector<16xi32>, vector<16xi32>], vector<16xf32>,
      %mul3A_3518 = arith.constant 16 : i32
      %mul3A_3519 = arith.muli %scan3A_536, %mul3A_3518 : i32
      %swap3A_3520 = arith.constant 62 : i32
      %swap3A_3521 = arith.index_cast %swap3A_3520 : i32 to index
      %swap3A_3522 = arith.index_cast %mul3A_3519 : i32 to index
      %swap3A_3523 = tpu.vector_load %arg7[%swap3A_3521, %swap3A_3522] {strides = array<i32>} : memref<64x512xf32, #tpu.memory_space<vmem>>, vector<16xf32>,
      tpu.vector_store %arg7[%swap3A_3521, %swap3A_3522], %gather3A_3517 {strides = array<i32>} : memref<64x512xf32, #tpu.memory_space<vmem>>, vector<16xf32>,
      %broadcast_in_dim3A_3524 = arith.constant 15 : i32
      %broadcast_in_dim3A_3525 = vector.broadcast %broadcast_in_dim3A_3524 : i32 to vector<16xi32>
      %gather3A_3526 = arith.constant 1 : i32
      %gather3A_3527 = arith.constant 0 : i32
      %gather3A_3528 = arith.constant 0 : i32
      %gather3A_3529 = arith.constant 0 : i32
      %gather3A_3530 = tpu.memref_slice %arg6[%gather3A_3526, %gather3A_3527, %gather3A_3528, %gather3A_3529] : memref<2x16x16x128xf32, #tpu.memory_space<vmem>> -> memref<1x16x16x128xf32, #tpu.memory_space<vmem>>
      %gather3A_3531 = tpu.memref_squeeze %gather3A_3530 : memref<1x16x16x128xf32, #tpu.memory_space<vmem>> -> memref<16x16x128xf32, #tpu.memory_space<vmem>>
      %gather3A_3532 = tpu.vector_load_idx %gather3A_3531[%iota3A, %broadcast_in_dim3A_3525, %and3A_542] : memref<16x16x128xf32, #tpu.memory_space<vmem>>[vector<16xi32>, vector<16xi32>, vector<16xi32>], vector<16xf32>,
      %mul3A_3533 = arith.constant 16 : i32
      %mul3A_3534 = arith.muli %scan3A_536, %mul3A_3533 : i32
      %swap3A_3535 = arith.constant 63 : i32
      %swap3A_3536 = arith.index_cast %swap3A_3535 : i32 to index
      %swap3A_3537 = arith.index_cast %mul3A_3534 : i32 to index
      %swap3A_3538 = tpu.vector_load %arg7[%swap3A_3536, %swap3A_3537] {strides = array<i32>} : memref<64x512xf32, #tpu.memory_space<vmem>>, vector<16xf32>,
      tpu.vector_store %arg7[%swap3A_3536, %swap3A_3537], %gather3A_3532 {strides = array<i32>} : memref<64x512xf32, #tpu.memory_space<vmem>>, vector<16xf32>,
    }
    %scan3A_280 = arith.constant 32 : i32
    %dma_wait3A = arith.constant 0 : i32
    %dma_wait3A_281 = arith.constant 0 : i32
    %dma_wait3A_282 = arith.constant 0 : i32
    %dma_wait3A_283 = arith.constant 0 : i32
    %dma_wait3A_284 = tpu.memref_slice %arg6[%dma_wait3A, %dma_wait3A_281, %dma_wait3A_282, %dma_wait3A_283] : memref<2x16x16x128xf32, #tpu.memory_space<vmem>> -> memref<1x1x16x128xf32, #tpu.memory_space<vmem>>
    %dma_wait3A_285 = tpu.memref_squeeze %dma_wait3A_284 : memref<1x1x16x128xf32, #tpu.memory_space<vmem>> -> memref<16x128xf32, #tpu.memory_space<vmem>>
    %dma_wait3A_286 = arith.constant 0 : i32
    %dma_wait3A_287 = arith.constant 0 : i32
    %dma_wait3A_288 = tpu.memref_slice %arg3[%dma_wait3A_286, %dma_wait3A_287] : memref<64x1000000xf32, #tpu.memory_space<hbm>> -> memref<16x128xf32, #tpu.memory_space<hbm>>
    %dma_wait3A_289 = arith.constant 0 : i32
    %dma_wait3A_290 = arith.constant 0 : i32
    %dma_wait3A_291 = tpu.memref_slice %arg6[%dma_wait3A, %dma_wait3A_281, %dma_wait3A_289, %dma_wait3A_290] : memref<2x16x16x128xf32, #tpu.memory_space<vmem>> -> memref<1x1x16x128xf32, #tpu.memory_space<vmem>>
    %dma_wait3A_292 = tpu.memref_squeeze %dma_wait3A_291 : memref<1x1x16x128xf32, #tpu.memory_space<vmem>> -> memref<16x128xf32, #tpu.memory_space<vmem>>
    %dma_wait3A_293 = arith.constant 0 : i32
    %dma_wait3A_294 = arith.constant 0 : i32
    %dma_wait3A_295 = tpu.memref_slice %arg3[%dma_wait3A_293, %dma_wait3A_294] : memref<64x1000000xf32, #tpu.memory_space<hbm>> -> memref<16x128xf32, #tpu.memory_space<hbm>>
    tpu.wait_dma2 semaphore(%arg8 : memref<!tpu.dma_semaphore, #tpu.memory_space<semaphore_mem>>) src(%dma_wait3A_295 : memref<16x128xf32, #tpu.memory_space<hbm>>) dst(%dma_wait3A_292 : memref<16x128xf32, #tpu.memory_space<vmem>>)
    %dma_wait3A_296 = arith.constant 0 : i32
    %dma_wait3A_297 = arith.constant 0 : i32
    %dma_wait3A_298 = arith.constant 0 : i32
    %dma_wait3A_299 = arith.constant 0 : i32
    %dma_wait3A_300 = tpu.memref_slice %arg6[%dma_wait3A_296, %dma_wait3A_297, %dma_wait3A_298, %dma_wait3A_299] : memref<2x16x16x128xf32, #tpu.memory_space<vmem>> -> memref<1x1x16x128xf32, #tpu.memory_space<vmem>>
    %dma_wait3A_301 = tpu.memref_squeeze %dma_wait3A_300 : memref<1x1x16x128xf32, #tpu.memory_space<vmem>> -> memref<16x128xf32, #tpu.memory_space<vmem>>
    %dma_wait3A_302 = arith.constant 0 : i32
    %dma_wait3A_303 = arith.constant 0 : i32
    %dma_wait3A_304 = tpu.memref_slice %arg3[%dma_wait3A_302, %dma_wait3A_303] : memref<64x1000000xf32, #tpu.memory_space<hbm>> -> memref<16x128xf32, #tpu.memory_space<hbm>>
    %dma_wait3A_305 = arith.constant 0 : i32
    %dma_wait3A_306 = arith.constant 0 : i32
    %dma_wait3A_307 = tpu.memref_slice %arg6[%dma_wait3A_296, %dma_wait3A_297, %dma_wait3A_305, %dma_wait3A_306] : memref<2x16x16x128xf32, #tpu.memory_space<vmem>> -> memref<1x1x16x128xf32, #tpu.memory_space<vmem>>
    %dma_wait3A_308 = tpu.memref_squeeze %dma_wait3A_307 : memref<1x1x16x128xf32, #tpu.memory_space<vmem>> -> memref<16x128xf32, #tpu.memory_space<vmem>>
    %dma_wait3A_309 = arith.constant 0 : i32
    %dma_wait3A_310 = arith.constant 0 : i32
    %dma_wait3A_311 = tpu.memref_slice %arg3[%dma_wait3A_309, %dma_wait3A_310] : memref<64x1000000xf32, #tpu.memory_space<hbm>> -> memref<16x128xf32, #tpu.memory_space<hbm>>
    tpu.wait_dma2 semaphore(%arg8 : memref<!tpu.dma_semaphore, #tpu.memory_space<semaphore_mem>>) src(%dma_wait3A_311 : memref<16x128xf32, #tpu.memory_space<hbm>>) dst(%dma_wait3A_308 : memref<16x128xf32, #tpu.memory_space<vmem>>)
    %dma_wait3A_312 = arith.constant 0 : i32
    %dma_wait3A_313 = arith.constant 0 : i32
    %dma_wait3A_314 = arith.constant 0 : i32
    %dma_wait3A_315 = arith.constant 0 : i32
    %dma_wait3A_316 = tpu.memref_slice %arg6[%dma_wait3A_312, %dma_wait3A_313, %dma_wait3A_314, %dma_wait3A_315] : memref<2x16x16x128xf32, #tpu.memory_space<vmem>> -> memref<1x1x16x128xf32, #tpu.memory_space<vmem>>
    %dma_wait3A_317 = tpu.memref_squeeze %dma_wait3A_316 : memref<1x1x16x128xf32, #tpu.memory_space<vmem>> -> memref<16x128xf32, #tpu.memory_space<vmem>>
    %dma_wait3A_318 = arith.constant 0 : i32
    %dma_wait3A_319 = arith.constant 0 : i32
    %dma_wait3A_320 = tpu.memref_slice %arg3[%dma_wait3A_318, %dma_wait3A_319] : memref<64x1000000xf32, #tpu.memory_space<hbm>> -> memref<16x128xf32, #tpu.memory_space<hbm>>
    %dma_wait3A_321 = arith.constant 0 : i32
    %dma_wait3A_322 = arith.constant 0 : i32
    %dma_wait3A_323 = tpu.memref_slice %arg6[%dma_wait3A_312, %dma_wait3A_313, %dma_wait3A_321, %dma_wait3A_322] : memref<2x16x16x128xf32, #tpu.memory_space<vmem>> -> memref<1x1x16x128xf32, #tpu.memory_space<vmem>>
    %dma_wait3A_324 = tpu.memref_squeeze %dma_wait3A_323 : memref<1x1x16x128xf32, #tpu.memory_space<vmem>> -> memref<16x128xf32, #tpu.memory_space<vmem>>
    %dma_wait3A_325 = arith.constant 0 : i32
    %dma_wait3A_326 = arith.constant 0 : i32
    %dma_wait3A_327 = tpu.memref_slice %arg3[%dma_wait3A_325, %dma_wait3A_326] : memref<64x1000000xf32, #tpu.memory_space<hbm>> -> memref<16x128xf32, #tpu.memory_space<hbm>>
    tpu.wait_dma2 semaphore(%arg8 : memref<!tpu.dma_semaphore, #tpu.memory_space<semaphore_mem>>) src(%dma_wait3A_327 : memref<16x128xf32, #tpu.memory_space<hbm>>) dst(%dma_wait3A_324 : memref<16x128xf32, #tpu.memory_space<vmem>>)
    %dma_wait3A_328 = arith.constant 0 : i32
    %dma_wait3A_329 = arith.constant 0 : i32
    %dma_wait3A_330 = arith.constant 0 : i32
    %dma_wait3A_331 = arith.constant 0 : i32
    %dma_wait3A_332 = tpu.memref_slice %arg6[%dma_wait3A_328, %dma_wait3A_329, %dma_wait3A_330, %dma_wait3A_331] : memref<2x16x16x128xf32, #tpu.memory_space<vmem>> -> memref<1x1x16x128xf32, #tpu.memory_space<vmem>>
    %dma_wait3A_333 = tpu.memref_squeeze %dma_wait3A_332 : memref<1x1x16x128xf32, #tpu.memory_space<vmem>> -> memref<16x128xf32, #tpu.memory_space<vmem>>
    %dma_wait3A_334 = arith.constant 0 : i32
    %dma_wait3A_335 = arith.constant 0 : i32
    %dma_wait3A_336 = tpu.memref_slice %arg3[%dma_wait3A_334, %dma_wait3A_335] : memref<64x1000000xf32, #tpu.memory_space<hbm>> -> memref<16x128xf32, #tpu.memory_space<hbm>>
    %dma_wait3A_337 = arith.constant 0 : i32
    %dma_wait3A_338 = arith.constant 0 : i32
    %dma_wait3A_339 = tpu.memref_slice %arg6[%dma_wait3A_328, %dma_wait3A_329, %dma_wait3A_337, %dma_wait3A_338] : memref<2x16x16x128xf32, #tpu.memory_space<vmem>> -> memref<1x1x16x128xf32, #tpu.memory_space<vmem>>
    %dma_wait3A_340 = tpu.memref_squeeze %dma_wait3A_339 : memref<1x1x16x128xf32, #tpu.memory_space<vmem>> -> memref<16x128xf32, #tpu.memory_space<vmem>>
    %dma_wait3A_341 = arith.constant 0 : i32
    %dma_wait3A_342 = arith.constant 0 : i32
    %dma_wait3A_343 = tpu.memref_slice %arg3[%dma_wait3A_341, %dma_wait3A_342] : memref<64x1000000xf32, #tpu.memory_space<hbm>> -> memref<16x128xf32, #tpu.memory_space<hbm>>
    tpu.wait_dma2 semaphore(%arg8 : memref<!tpu.dma_semaphore, #tpu.memory_space<semaphore_mem>>) src(%dma_wait3A_343 : memref<16x128xf32, #tpu.memory_space<hbm>>) dst(%dma_wait3A_340 : memref<16x128xf32, #tpu.memory_space<vmem>>)
    %dma_wait3A_344 = arith.constant 0 : i32
    %dma_wait3A_345 = arith.constant 0 : i32
    %dma_wait3A_346 = arith.constant 0 : i32
    %dma_wait3A_347 = arith.constant 0 : i32
    %dma_wait3A_348 = tpu.memref_slice %arg6[%dma_wait3A_344, %dma_wait3A_345, %dma_wait3A_346, %dma_wait3A_347] : memref<2x16x16x128xf32, #tpu.memory_space<vmem>> -> memref<1x1x16x128xf32, #tpu.memory_space<vmem>>
    %dma_wait3A_349 = tpu.memref_squeeze %dma_wait3A_348 : memref<1x1x16x128xf32, #tpu.memory_space<vmem>> -> memref<16x128xf32, #tpu.memory_space<vmem>>
    %dma_wait3A_350 = arith.constant 0 : i32
    %dma_wait3A_351 = arith.constant 0 : i32
    %dma_wait3A_352 = tpu.memref_slice %arg3[%dma_wait3A_350, %dma_wait3A_351] : memref<64x1000000xf32, #tpu.memory_space<hbm>> -> memref<16x128xf32, #tpu.memory_space<hbm>>
    %dma_wait3A_353 = arith.constant 0 : i32
    %dma_wait3A_354 = arith.constant 0 : i32
    %dma_wait3A_355 = tpu.memref_slice %arg6[%dma_wait3A_344, %dma_wait3A_345, %dma_wait3A_353, %dma_wait3A_354] : memref<2x16x16x128xf32, #tpu.memory_space<vmem>> -> memref<1x1x16x128xf32, #tpu.memory_space<vmem>>
    %dma_wait3A_356 = tpu.memref_squeeze %dma_wait3A_355 : memref<1x1x16x128xf32, #tpu.memory_space<vmem>> -> memref<16x128xf32, #tpu.memory_space<vmem>>
    %dma_wait3A_357 = arith.constant 0 : i32
    %dma_wait3A_358 = arith.constant 0 : i32
    %dma_wait3A_359 = tpu.memref_slice %arg3[%dma_wait3A_357, %dma_wait3A_358] : memref<64x1000000xf32, #tpu.memory_space<hbm>> -> memref<16x128xf32, #tpu.memory_space<hbm>>
    tpu.wait_dma2 semaphore(%arg8 : memref<!tpu.dma_semaphore, #tpu.memory_space<semaphore_mem>>) src(%dma_wait3A_359 : memref<16x128xf32, #tpu.memory_space<hbm>>) dst(%dma_wait3A_356 : memref<16x128xf32, #tpu.memory_space<vmem>>)
    %dma_wait3A_360 = arith.constant 0 : i32
    %dma_wait3A_361 = arith.constant 0 : i32
    %dma_wait3A_362 = arith.constant 0 : i32
    %dma_wait3A_363 = arith.constant 0 : i32
    %dma_wait3A_364 = tpu.memref_slice %arg6[%dma_wait3A_360, %dma_wait3A_361, %dma_wait3A_362, %dma_wait3A_363] : memref<2x16x16x128xf32, #tpu.memory_space<vmem>> -> memref<1x1x16x128xf32, #tpu.memory_space<vmem>>
    %dma_wait3A_365 = tpu.memref_squeeze %dma_wait3A_364 : memref<1x1x16x128xf32, #tpu.memory_space<vmem>> -> memref<16x128xf32, #tpu.memory_space<vmem>>
    %dma_wait3A_366 = arith.constant 0 : i32
    %dma_wait3A_367 = arith.constant 0 : i32
    %dma_wait3A_368 = tpu.memref_slice %arg3[%dma_wait3A_366, %dma_wait3A_367] : memref<64x1000000xf32, #tpu.memory_space<hbm>> -> memref<16x128xf32, #tpu.memory_space<hbm>>
    %dma_wait3A_369 = arith.constant 0 : i32
    %dma_wait3A_370 = arith.constant 0 : i32
    %dma_wait3A_371 = tpu.memref_slice %arg6[%dma_wait3A_360, %dma_wait3A_361, %dma_wait3A_369, %dma_wait3A_370] : memref<2x16x16x128xf32, #tpu.memory_space<vmem>> -> memref<1x1x16x128xf32, #tpu.memory_space<vmem>>
    %dma_wait3A_372 = tpu.memref_squeeze %dma_wait3A_371 : memref<1x1x16x128xf32, #tpu.memory_space<vmem>> -> memref<16x128xf32, #tpu.memory_space<vmem>>
    %dma_wait3A_373 = arith.constant 0 : i32
    %dma_wait3A_374 = arith.constant 0 : i32
    %dma_wait3A_375 = tpu.memref_slice %arg3[%dma_wait3A_373, %dma_wait3A_374] : memref<64x1000000xf32, #tpu.memory_space<hbm>> -> memref<16x128xf32, #tpu.memory_space<hbm>>
    tpu.wait_dma2 semaphore(%arg8 : memref<!tpu.dma_semaphore, #tpu.memory_space<semaphore_mem>>) src(%dma_wait3A_375 : memref<16x128xf32, #tpu.memory_space<hbm>>) dst(%dma_wait3A_372 : memref<16x128xf32, #tpu.memory_space<vmem>>)
    %dma_wait3A_376 = arith.constant 0 : i32
    %dma_wait3A_377 = arith.constant 0 : i32
    %dma_wait3A_378 = arith.constant 0 : i32
    %dma_wait3A_379 = arith.constant 0 : i32
    %dma_wait3A_380 = tpu.memref_slice %arg6[%dma_wait3A_376, %dma_wait3A_377, %dma_wait3A_378, %dma_wait3A_379] : memref<2x16x16x128xf32, #tpu.memory_space<vmem>> -> memref<1x1x16x128xf32, #tpu.memory_space<vmem>>
    %dma_wait3A_381 = tpu.memref_squeeze %dma_wait3A_380 : memref<1x1x16x128xf32, #tpu.memory_space<vmem>> -> memref<16x128xf32, #tpu.memory_space<vmem>>
    %dma_wait3A_382 = arith.constant 0 : i32
    %dma_wait3A_383 = arith.constant 0 : i32
    %dma_wait3A_384 = tpu.memref_slice %arg3[%dma_wait3A_382, %dma_wait3A_383] : memref<64x1000000xf32, #tpu.memory_space<hbm>> -> memref<16x128xf32, #tpu.memory_space<hbm>>
    %dma_wait3A_385 = arith.constant 0 : i32
    %dma_wait3A_386 = arith.constant 0 : i32
    %dma_wait3A_387 = tpu.memref_slice %arg6[%dma_wait3A_376, %dma_wait3A_377, %dma_wait3A_385, %dma_wait3A_386] : memref<2x16x16x128xf32, #tpu.memory_space<vmem>> -> memref<1x1x16x128xf32, #tpu.memory_space<vmem>>
    %dma_wait3A_388 = tpu.memref_squeeze %dma_wait3A_387 : memref<1x1x16x128xf32, #tpu.memory_space<vmem>> -> memref<16x128xf32, #tpu.memory_space<vmem>>
    %dma_wait3A_389 = arith.constant 0 : i32
    %dma_wait3A_390 = arith.constant 0 : i32
    %dma_wait3A_391 = tpu.memref_slice %arg3[%dma_wait3A_389, %dma_wait3A_390] : memref<64x1000000xf32, #tpu.memory_space<hbm>> -> memref<16x128xf32, #tpu.memory_space<hbm>>
    tpu.wait_dma2 semaphore(%arg8 : memref<!tpu.dma_semaphore, #tpu.memory_space<semaphore_mem>>) src(%dma_wait3A_391 : memref<16x128xf32, #tpu.memory_space<hbm>>) dst(%dma_wait3A_388 : memref<16x128xf32, #tpu.memory_space<vmem>>)
    %dma_wait3A_392 = arith.constant 0 : i32
    %dma_wait3A_393 = arith.constant 0 : i32
    %dma_wait3A_394 = arith.constant 0 : i32
    %dma_wait3A_395 = arith.constant 0 : i32
    %dma_wait3A_396 = tpu.memref_slice %arg6[%dma_wait3A_392, %dma_wait3A_393, %dma_wait3A_394, %dma_wait3A_395] : memref<2x16x16x128xf32, #tpu.memory_space<vmem>> -> memref<1x1x16x128xf32, #tpu.memory_space<vmem>>
    %dma_wait3A_397 = tpu.memref_squeeze %dma_wait3A_396 : memref<1x1x16x128xf32, #tpu.memory_space<vmem>> -> memref<16x128xf32, #tpu.memory_space<vmem>>
    %dma_wait3A_398 = arith.constant 0 : i32
    %dma_wait3A_399 = arith.constant 0 : i32
    %dma_wait3A_400 = tpu.memref_slice %arg3[%dma_wait3A_398, %dma_wait3A_399] : memref<64x1000000xf32, #tpu.memory_space<hbm>> -> memref<16x128xf32, #tpu.memory_space<hbm>>
    %dma_wait3A_401 = arith.constant 0 : i32
    %dma_wait3A_402 = arith.constant 0 : i32
    %dma_wait3A_403 = tpu.memref_slice %arg6[%dma_wait3A_392, %dma_wait3A_393, %dma_wait3A_401, %dma_wait3A_402] : memref<2x16x16x128xf32, #tpu.memory_space<vmem>> -> memref<1x1x16x128xf32, #tpu.memory_space<vmem>>
    %dma_wait3A_404 = tpu.memref_squeeze %dma_wait3A_403 : memref<1x1x16x128xf32, #tpu.memory_space<vmem>> -> memref<16x128xf32, #tpu.memory_space<vmem>>
    %dma_wait3A_405 = arith.constant 0 : i32
    %dma_wait3A_406 = arith.constant 0 : i32
    %dma_wait3A_407 = tpu.memref_slice %arg3[%dma_wait3A_405, %dma_wait3A_406] : memref<64x1000000xf32, #tpu.memory_space<hbm>> -> memref<16x128xf32, #tpu.memory_space<hbm>>
    tpu.wait_dma2 semaphore(%arg8 : memref<!tpu.dma_semaphore, #tpu.memory_space<semaphore_mem>>) src(%dma_wait3A_407 : memref<16x128xf32, #tpu.memory_space<hbm>>) dst(%dma_wait3A_404 : memref<16x128xf32, #tpu.memory_space<vmem>>)
    %dma_wait3A_408 = arith.constant 0 : i32
    %dma_wait3A_409 = arith.constant 0 : i32
    %dma_wait3A_410 = arith.constant 0 : i32
    %dma_wait3A_411 = arith.constant 0 : i32
    %dma_wait3A_412 = tpu.memref_slice %arg6[%dma_wait3A_408, %dma_wait3A_409, %dma_wait3A_410, %dma_wait3A_411] : memref<2x16x16x128xf32, #tpu.memory_space<vmem>> -> memref<1x1x16x128xf32, #tpu.memory_space<vmem>>
    %dma_wait3A_413 = tpu.memref_squeeze %dma_wait3A_412 : memref<1x1x16x128xf32, #tpu.memory_space<vmem>> -> memref<16x128xf32, #tpu.memory_space<vmem>>
    %dma_wait3A_414 = arith.constant 0 : i32
    %dma_wait3A_415 = arith.constant 0 : i32
    %dma_wait3A_416 = tpu.memref_slice %arg3[%dma_wait3A_414, %dma_wait3A_415] : memref<64x1000000xf32, #tpu.memory_space<hbm>> -> memref<16x128xf32, #tpu.memory_space<hbm>>
    %dma_wait3A_417 = arith.constant 0 : i32
    %dma_wait3A_418 = arith.constant 0 : i32
    %dma_wait3A_419 = tpu.memref_slice %arg6[%dma_wait3A_408, %dma_wait3A_409, %dma_wait3A_417, %dma_wait3A_418] : memref<2x16x16x128xf32, #tpu.memory_space<vmem>> -> memref<1x1x16x128xf32, #tpu.memory_space<vmem>>
    %dma_wait3A_420 = tpu.memref_squeeze %dma_wait3A_419 : memref<1x1x16x128xf32, #tpu.memory_space<vmem>> -> memref<16x128xf32, #tpu.memory_space<vmem>>
    %dma_wait3A_421 = arith.constant 0 : i32
    %dma_wait3A_422 = arith.constant 0 : i32
    %dma_wait3A_423 = tpu.memref_slice %arg3[%dma_wait3A_421, %dma_wait3A_422] : memref<64x1000000xf32, #tpu.memory_space<hbm>> -> memref<16x128xf32, #tpu.memory_space<hbm>>
    tpu.wait_dma2 semaphore(%arg8 : memref<!tpu.dma_semaphore, #tpu.memory_space<semaphore_mem>>) src(%dma_wait3A_423 : memref<16x128xf32, #tpu.memory_space<hbm>>) dst(%dma_wait3A_420 : memref<16x128xf32, #tpu.memory_space<vmem>>)
    %dma_wait3A_424 = arith.constant 0 : i32
    %dma_wait3A_425 = arith.constant 0 : i32
    %dma_wait3A_426 = arith.constant 0 : i32
    %dma_wait3A_427 = arith.constant 0 : i32
    %dma_wait3A_428 = tpu.memref_slice %arg6[%dma_wait3A_424, %dma_wait3A_425, %dma_wait3A_426, %dma_wait3A_427] : memref<2x16x16x128xf32, #tpu.memory_space<vmem>> -> memref<1x1x16x128xf32, #tpu.memory_space<vmem>>
    %dma_wait3A_429 = tpu.memref_squeeze %dma_wait3A_428 : memref<1x1x16x128xf32, #tpu.memory_space<vmem>> -> memref<16x128xf32, #tpu.memory_space<vmem>>
    %dma_wait3A_430 = arith.constant 0 : i32
    %dma_wait3A_431 = arith.constant 0 : i32
    %dma_wait3A_432 = tpu.memref_slice %arg3[%dma_wait3A_430, %dma_wait3A_431] : memref<64x1000000xf32, #tpu.memory_space<hbm>> -> memref<16x128xf32, #tpu.memory_space<hbm>>
    %dma_wait3A_433 = arith.constant 0 : i32
    %dma_wait3A_434 = arith.constant 0 : i32
    %dma_wait3A_435 = tpu.memref_slice %arg6[%dma_wait3A_424, %dma_wait3A_425, %dma_wait3A_433, %dma_wait3A_434] : memref<2x16x16x128xf32, #tpu.memory_space<vmem>> -> memref<1x1x16x128xf32, #tpu.memory_space<vmem>>
    %dma_wait3A_436 = tpu.memref_squeeze %dma_wait3A_435 : memref<1x1x16x128xf32, #tpu.memory_space<vmem>> -> memref<16x128xf32, #tpu.memory_space<vmem>>
    %dma_wait3A_437 = arith.constant 0 : i32
    %dma_wait3A_438 = arith.constant 0 : i32
    %dma_wait3A_439 = tpu.memref_slice %arg3[%dma_wait3A_437, %dma_wait3A_438] : memref<64x1000000xf32, #tpu.memory_space<hbm>> -> memref<16x128xf32, #tpu.memory_space<hbm>>
    tpu.wait_dma2 semaphore(%arg8 : memref<!tpu.dma_semaphore, #tpu.memory_space<semaphore_mem>>) src(%dma_wait3A_439 : memref<16x128xf32, #tpu.memory_space<hbm>>) dst(%dma_wait3A_436 : memref<16x128xf32, #tpu.memory_space<vmem>>)
    %dma_wait3A_440 = arith.constant 0 : i32
    %dma_wait3A_441 = arith.constant 0 : i32
    %dma_wait3A_442 = arith.constant 0 : i32
    %dma_wait3A_443 = arith.constant 0 : i32
    %dma_wait3A_444 = tpu.memref_slice %arg6[%dma_wait3A_440, %dma_wait3A_441, %dma_wait3A_442, %dma_wait3A_443] : memref<2x16x16x128xf32, #tpu.memory_space<vmem>> -> memref<1x1x16x128xf32, #tpu.memory_space<vmem>>
    %dma_wait3A_445 = tpu.memref_squeeze %dma_wait3A_444 : memref<1x1x16x128xf32, #tpu.memory_space<vmem>> -> memref<16x128xf32, #tpu.memory_space<vmem>>
    %dma_wait3A_446 = arith.constant 0 : i32
    %dma_wait3A_447 = arith.constant 0 : i32
    %dma_wait3A_448 = tpu.memref_slice %arg3[%dma_wait3A_446, %dma_wait3A_447] : memref<64x1000000xf32, #tpu.memory_space<hbm>> -> memref<16x128xf32, #tpu.memory_space<hbm>>
    %dma_wait3A_449 = arith.constant 0 : i32
    %dma_wait3A_450 = arith.constant 0 : i32
    %dma_wait3A_451 = tpu.memref_slice %arg6[%dma_wait3A_440, %dma_wait3A_441, %dma_wait3A_449, %dma_wait3A_450] : memref<2x16x16x128xf32, #tpu.memory_space<vmem>> -> memref<1x1x16x128xf32, #tpu.memory_space<vmem>>
    %dma_wait3A_452 = tpu.memref_squeeze %dma_wait3A_451 : memref<1x1x16x128xf32, #tpu.memory_space<vmem>> -> memref<16x128xf32, #tpu.memory_space<vmem>>
    %dma_wait3A_453 = arith.constant 0 : i32
    %dma_wait3A_454 = arith.constant 0 : i32
    %dma_wait3A_455 = tpu.memref_slice %arg3[%dma_wait3A_453, %dma_wait3A_454] : memref<64x1000000xf32, #tpu.memory_space<hbm>> -> memref<16x128xf32, #tpu.memory_space<hbm>>
    tpu.wait_dma2 semaphore(%arg8 : memref<!tpu.dma_semaphore, #tpu.memory_space<semaphore_mem>>) src(%dma_wait3A_455 : memref<16x128xf32, #tpu.memory_space<hbm>>) dst(%dma_wait3A_452 : memref<16x128xf32, #tpu.memory_space<vmem>>)
    %dma_wait3A_456 = arith.constant 0 : i32
    %dma_wait3A_457 = arith.constant 0 : i32
    %dma_wait3A_458 = arith.constant 0 : i32
    %dma_wait3A_459 = arith.constant 0 : i32
    %dma_wait3A_460 = tpu.memref_slice %arg6[%dma_wait3A_456, %dma_wait3A_457, %dma_wait3A_458, %dma_wait3A_459] : memref<2x16x16x128xf32, #tpu.memory_space<vmem>> -> memref<1x1x16x128xf32, #tpu.memory_space<vmem>>
    %dma_wait3A_461 = tpu.memref_squeeze %dma_wait3A_460 : memref<1x1x16x128xf32, #tpu.memory_space<vmem>> -> memref<16x128xf32, #tpu.memory_space<vmem>>
    %dma_wait3A_462 = arith.constant 0 : i32
    %dma_wait3A_463 = arith.constant 0 : i32
    %dma_wait3A_464 = tpu.memref_slice %arg3[%dma_wait3A_462, %dma_wait3A_463] : memref<64x1000000xf32, #tpu.memory_space<hbm>> -> memref<16x128xf32, #tpu.memory_space<hbm>>
    %dma_wait3A_465 = arith.constant 0 : i32
    %dma_wait3A_466 = arith.constant 0 : i32
    %dma_wait3A_467 = tpu.memref_slice %arg6[%dma_wait3A_456, %dma_wait3A_457, %dma_wait3A_465, %dma_wait3A_466] : memref<2x16x16x128xf32, #tpu.memory_space<vmem>> -> memref<1x1x16x128xf32, #tpu.memory_space<vmem>>
    %dma_wait3A_468 = tpu.memref_squeeze %dma_wait3A_467 : memref<1x1x16x128xf32, #tpu.memory_space<vmem>> -> memref<16x128xf32, #tpu.memory_space<vmem>>
    %dma_wait3A_469 = arith.constant 0 : i32
    %dma_wait3A_470 = arith.constant 0 : i32
    %dma_wait3A_471 = tpu.memref_slice %arg3[%dma_wait3A_469, %dma_wait3A_470] : memref<64x1000000xf32, #tpu.memory_space<hbm>> -> memref<16x128xf32, #tpu.memory_space<hbm>>
    tpu.wait_dma2 semaphore(%arg8 : memref<!tpu.dma_semaphore, #tpu.memory_space<semaphore_mem>>) src(%dma_wait3A_471 : memref<16x128xf32, #tpu.memory_space<hbm>>) dst(%dma_wait3A_468 : memref<16x128xf32, #tpu.memory_space<vmem>>)
    %dma_wait3A_472 = arith.constant 0 : i32
    %dma_wait3A_473 = arith.constant 0 : i32
    %dma_wait3A_474 = arith.constant 0 : i32
    %dma_wait3A_475 = arith.constant 0 : i32
    %dma_wait3A_476 = tpu.memref_slice %arg6[%dma_wait3A_472, %dma_wait3A_473, %dma_wait3A_474, %dma_wait3A_475] : memref<2x16x16x128xf32, #tpu.memory_space<vmem>> -> memref<1x1x16x128xf32, #tpu.memory_space<vmem>>
    %dma_wait3A_477 = tpu.memref_squeeze %dma_wait3A_476 : memref<1x1x16x128xf32, #tpu.memory_space<vmem>> -> memref<16x128xf32, #tpu.memory_space<vmem>>
    %dma_wait3A_478 = arith.constant 0 : i32
    %dma_wait3A_479 = arith.constant 0 : i32
    %dma_wait3A_480 = tpu.memref_slice %arg3[%dma_wait3A_478, %dma_wait3A_479] : memref<64x1000000xf32, #tpu.memory_space<hbm>> -> memref<16x128xf32, #tpu.memory_space<hbm>>
    %dma_wait3A_481 = arith.constant 0 : i32
    %dma_wait3A_482 = arith.constant 0 : i32
    %dma_wait3A_483 = tpu.memref_slice %arg6[%dma_wait3A_472, %dma_wait3A_473, %dma_wait3A_481, %dma_wait3A_482] : memref<2x16x16x128xf32, #tpu.memory_space<vmem>> -> memref<1x1x16x128xf32, #tpu.memory_space<vmem>>
    %dma_wait3A_484 = tpu.memref_squeeze %dma_wait3A_483 : memref<1x1x16x128xf32, #tpu.memory_space<vmem>> -> memref<16x128xf32, #tpu.memory_space<vmem>>
    %dma_wait3A_485 = arith.constant 0 : i32
    %dma_wait3A_486 = arith.constant 0 : i32
    %dma_wait3A_487 = tpu.memref_slice %arg3[%dma_wait3A_485, %dma_wait3A_486] : memref<64x1000000xf32, #tpu.memory_space<hbm>> -> memref<16x128xf32, #tpu.memory_space<hbm>>
    tpu.wait_dma2 semaphore(%arg8 : memref<!tpu.dma_semaphore, #tpu.memory_space<semaphore_mem>>) src(%dma_wait3A_487 : memref<16x128xf32, #tpu.memory_space<hbm>>) dst(%dma_wait3A_484 : memref<16x128xf32, #tpu.memory_space<vmem>>)
    %dma_wait3A_488 = arith.constant 0 : i32
    %dma_wait3A_489 = arith.constant 0 : i32
    %dma_wait3A_490 = arith.constant 0 : i32
    %dma_wait3A_491 = arith.constant 0 : i32
    %dma_wait3A_492 = tpu.memref_slice %arg6[%dma_wait3A_488, %dma_wait3A_489, %dma_wait3A_490, %dma_wait3A_491] : memref<2x16x16x128xf32, #tpu.memory_space<vmem>> -> memref<1x1x16x128xf32, #tpu.memory_space<vmem>>
    %dma_wait3A_493 = tpu.memref_squeeze %dma_wait3A_492 : memref<1x1x16x128xf32, #tpu.memory_space<vmem>> -> memref<16x128xf32, #tpu.memory_space<vmem>>
    %dma_wait3A_494 = arith.constant 0 : i32
    %dma_wait3A_495 = arith.constant 0 : i32
    %dma_wait3A_496 = tpu.memref_slice %arg3[%dma_wait3A_494, %dma_wait3A_495] : memref<64x1000000xf32, #tpu.memory_space<hbm>> -> memref<16x128xf32, #tpu.memory_space<hbm>>
    %dma_wait3A_497 = arith.constant 0 : i32
    %dma_wait3A_498 = arith.constant 0 : i32
    %dma_wait3A_499 = tpu.memref_slice %arg6[%dma_wait3A_488, %dma_wait3A_489, %dma_wait3A_497, %dma_wait3A_498] : memref<2x16x16x128xf32, #tpu.memory_space<vmem>> -> memref<1x1x16x128xf32, #tpu.memory_space<vmem>>
    %dma_wait3A_500 = tpu.memref_squeeze %dma_wait3A_499 : memref<1x1x16x128xf32, #tpu.memory_space<vmem>> -> memref<16x128xf32, #tpu.memory_space<vmem>>
    %dma_wait3A_501 = arith.constant 0 : i32
    %dma_wait3A_502 = arith.constant 0 : i32
    %dma_wait3A_503 = tpu.memref_slice %arg3[%dma_wait3A_501, %dma_wait3A_502] : memref<64x1000000xf32, #tpu.memory_space<hbm>> -> memref<16x128xf32, #tpu.memory_space<hbm>>
    tpu.wait_dma2 semaphore(%arg8 : memref<!tpu.dma_semaphore, #tpu.memory_space<semaphore_mem>>) src(%dma_wait3A_503 : memref<16x128xf32, #tpu.memory_space<hbm>>) dst(%dma_wait3A_500 : memref<16x128xf32, #tpu.memory_space<vmem>>)
    %dma_wait3A_504 = arith.constant 0 : i32
    %dma_wait3A_505 = arith.constant 0 : i32
    %dma_wait3A_506 = arith.constant 0 : i32
    %dma_wait3A_507 = arith.constant 0 : i32
    %dma_wait3A_508 = tpu.memref_slice %arg6[%dma_wait3A_504, %dma_wait3A_505, %dma_wait3A_506, %dma_wait3A_507] : memref<2x16x16x128xf32, #tpu.memory_space<vmem>> -> memref<1x1x16x128xf32, #tpu.memory_space<vmem>>
    %dma_wait3A_509 = tpu.memref_squeeze %dma_wait3A_508 : memref<1x1x16x128xf32, #tpu.memory_space<vmem>> -> memref<16x128xf32, #tpu.memory_space<vmem>>
    %dma_wait3A_510 = arith.constant 0 : i32
    %dma_wait3A_511 = arith.constant 0 : i32
    %dma_wait3A_512 = tpu.memref_slice %arg3[%dma_wait3A_510, %dma_wait3A_511] : memref<64x1000000xf32, #tpu.memory_space<hbm>> -> memref<16x128xf32, #tpu.memory_space<hbm>>
    %dma_wait3A_513 = arith.constant 0 : i32
    %dma_wait3A_514 = arith.constant 0 : i32
    %dma_wait3A_515 = tpu.memref_slice %arg6[%dma_wait3A_504, %dma_wait3A_505, %dma_wait3A_513, %dma_wait3A_514] : memref<2x16x16x128xf32, #tpu.memory_space<vmem>> -> memref<1x1x16x128xf32, #tpu.memory_space<vmem>>
    %dma_wait3A_516 = tpu.memref_squeeze %dma_wait3A_515 : memref<1x1x16x128xf32, #tpu.memory_space<vmem>> -> memref<16x128xf32, #tpu.memory_space<vmem>>
    %dma_wait3A_517 = arith.constant 0 : i32
    %dma_wait3A_518 = arith.constant 0 : i32
    %dma_wait3A_519 = tpu.memref_slice %arg3[%dma_wait3A_517, %dma_wait3A_518] : memref<64x1000000xf32, #tpu.memory_space<hbm>> -> memref<16x128xf32, #tpu.memory_space<hbm>>
    tpu.wait_dma2 semaphore(%arg8 : memref<!tpu.dma_semaphore, #tpu.memory_space<semaphore_mem>>) src(%dma_wait3A_519 : memref<16x128xf32, #tpu.memory_space<hbm>>) dst(%dma_wait3A_516 : memref<16x128xf32, #tpu.memory_space<vmem>>)
    %dma_wait3A_520 = arith.constant 0 : i32
    %dma_wait3A_521 = arith.constant 0 : i32
    %dma_wait3A_522 = arith.constant 0 : i32
    %dma_wait3A_523 = arith.constant 0 : i32
    %dma_wait3A_524 = tpu.memref_slice %arg6[%dma_wait3A_520, %dma_wait3A_521, %dma_wait3A_522, %dma_wait3A_523] : memref<2x16x16x128xf32, #tpu.memory_space<vmem>> -> memref<1x1x16x128xf32, #tpu.memory_space<vmem>>
    %dma_wait3A_525 = tpu.memref_squeeze %dma_wait3A_524 : memref<1x1x16x128xf32, #tpu.memory_space<vmem>> -> memref<16x128xf32, #tpu.memory_space<vmem>>
    %dma_wait3A_526 = arith.constant 0 : i32
    %dma_wait3A_527 = arith.constant 0 : i32
    %dma_wait3A_528 = tpu.memref_slice %arg3[%dma_wait3A_526, %dma_wait3A_527] : memref<64x1000000xf32, #tpu.memory_space<hbm>> -> memref<16x128xf32, #tpu.memory_space<hbm>>
    %dma_wait3A_529 = arith.constant 0 : i32
    %dma_wait3A_530 = arith.constant 0 : i32
    %dma_wait3A_531 = tpu.memref_slice %arg6[%dma_wait3A_520, %dma_wait3A_521, %dma_wait3A_529, %dma_wait3A_530] : memref<2x16x16x128xf32, #tpu.memory_space<vmem>> -> memref<1x1x16x128xf32, #tpu.memory_space<vmem>>
    %dma_wait3A_532 = tpu.memref_squeeze %dma_wait3A_531 : memref<1x1x16x128xf32, #tpu.memory_space<vmem>> -> memref<16x128xf32, #tpu.memory_space<vmem>>
    %dma_wait3A_533 = arith.constant 0 : i32
    %dma_wait3A_534 = arith.constant 0 : i32
    %dma_wait3A_535 = tpu.memref_slice %arg3[%dma_wait3A_533, %dma_wait3A_534] : memref<64x1000000xf32, #tpu.memory_space<hbm>> -> memref<16x128xf32, #tpu.memory_space<hbm>>
    tpu.wait_dma2 semaphore(%arg8 : memref<!tpu.dma_semaphore, #tpu.memory_space<semaphore_mem>>) src(%dma_wait3A_535 : memref<16x128xf32, #tpu.memory_space<hbm>>) dst(%dma_wait3A_532 : memref<16x128xf32, #tpu.memory_space<vmem>>)
    "tpu.region"() ({
      %run_scoped3A = tpu.sem_alloc : memref<!tpu.dma_semaphore, #tpu.memory_space<semaphore_mem>>
      %dma_start3A_536 = arith.constant 0 : i32
      %dma_start3A_537 = tpu.memref_slice %arg4[%dma_start3A_536, %mul3A_2] : memref<64x16384xf32, #tpu.memory_space<hbm>> -> memref<64x512xf32, #tpu.memory_space<hbm>>
      %dma_start3A_538 = arith.constant 0 : i32
      %dma_start3A_539 = tpu.memref_slice %arg4[%dma_start3A_538, %mul3A_2] : memref<64x16384xf32, #tpu.memory_space<hbm>> -> memref<64x512xf32, #tpu.memory_space<hbm>>
      tpu.enqueue_dma source(%arg7 : memref<64x512xf32, #tpu.memory_space<vmem>>) target(%dma_start3A_539 : memref<64x512xf32, #tpu.memory_space<hbm>>) target_semaphore(%run_scoped3A : memref<!tpu.dma_semaphore, #tpu.memory_space<semaphore_mem>>)
      %dma_wait3A_540 = arith.constant 0 : i32
      %dma_wait3A_541 = tpu.memref_slice %arg4[%dma_wait3A_540, %mul3A_2] : memref<64x16384xf32, #tpu.memory_space<hbm>> -> memref<64x512xf32, #tpu.memory_space<hbm>>
      %dma_wait3A_542 = arith.constant 0 : i32
      %dma_wait3A_543 = tpu.memref_slice %arg4[%dma_wait3A_542, %mul3A_2] : memref<64x16384xf32, #tpu.memory_space<hbm>> -> memref<64x512xf32, #tpu.memory_space<hbm>>
      tpu.wait_dma2 semaphore(%run_scoped3A : memref<!tpu.dma_semaphore, #tpu.memory_space<semaphore_mem>>) src(%arg7 : memref<64x512xf32, #tpu.memory_space<vmem>>) dst(%dma_wait3A_543 : memref<64x512xf32, #tpu.memory_space<hbm>>)
      tpu.yield
    }) : () -> ()
    return
  }
}

</mosaic_0001>

<sc_bundles>
// kernel: kernel.3.cloned.1.call-start
scs
__scs_entry_jumppad:
0x0: {  	(pc) =	sbr.rel $0x88, $3  }
0x1: {  	(tag) =	ssettag $0x0;
	lr =	simm.s32 $0x1  }
0x2: {  	[smem:$0x3F9F] =	sst lr;
	_ =	strace $0xD0000000  }
0x3: {  	_ = 	snop  }
0x4: {  	_ = 	snop  }
0x5: {  	_ = 	snop  }
0x6: {  	_ = 	snop  }
0x7: {  	_ = 	snop  }
__scs_overlays_trampoline_lowered:
0x8: {  	[smem:$0x3FAE] =	sst s0  }
0x9: {  	[smem:$0x3FAF] =	sst s1  }
0xa: {  	[smem:$0x3FB0] =	sst s2  }
0xb: {  	[smem:$0x3FB1] =	sst s3  }
0xc: {  	[smem:$0x3FB2] =	sst s4  }
0xd: {  	[smem:$0x3FB3] =	sst s5  }
0xe: {  	[smem:$0x3FB4] =	sst s6  }
0xf: {  	[smem:$0x3FB5] =	sst s7  }
0x10: {  	[smem:$0x3FB6] =	sst s8  }
0x11: {  	[smem:$0x3FB7] =	sst s9;
	s0 =	simm.s32 @!p0 $0x0  }
0x12: {  	s1 =	sld [smem:$0x3F9D];
	s0 =	simm.s32 @p0 $0x1  }
0x13: {  	[smem:$0x3FB8] =	sst s0;
	s0 =	simm.s32 @!p1 $0x0  }
0x14: {  	s2 =	sld [smem:$0x3F9C];
	s0 =	simm.s32 @p1 $0x1  }
0x15: {  	[smem:$0x3FB9] =	sst s0;
	s0 =	simm.s32 @!p2 $0x0  }
0x16: {  	s3 =	sld [smem:$0x3FDB];
	s0 =	simm.s32 @p2 $0x1  }
0x17: {  	s4 =	simm.s32 $0x1BF5;
	[smem:$0x3FBB] =	sst s0  }
0x18: {  	s0 =	sld [smem:$0x3F9E];
	_ =	swait.ge [sflag:s4], $0x0  }
0x19: {  	s7 =	sld [smem:$0x3F9F]  }
0x1a: {  	s8 =	sadd.s32 $0xFFFFE003, lr  }
0x1b: {  	s9 =	sadd.s32 $0xFFFFFEF7, lr;
	s5 =	simm.s32 $0xFFFFFFFF;
	p2 =	slt.u32 s8, $0xFFFFF086  }
0x1c: {  	p1 =	slt.u32 s9, $0xF7A;
	s5 =	simm.s32 @!p2 $0x0  }
0x1d: {  	s5 =	simm.s32 @p1 $0x1;
	p0 =	seq.s32 s7, s2  }
0x1e: {  	s7 =	smul.u32 @!p0 $0xF7A, s2;
	p2 =	seq.s32 @!p0 s5, $0x0  }
0x1f: {  	s9 =	smul.u32 $0xF7A, s1;
	s8 =	simm.s32 @!p0 $0x1BF5;
	p2 =	por !p2, p0  }
0x20: {  	[sflag:s8] =	ssyncset.s32 @!p0 $0xFFFFF086;
	s6 =	sadd.s32 @!p0 s3, s7;
	s7 =	simm.s32 @!p0 $0x108  }
0x21: {  	s3 =	sadd.s32 s3, s9;
	s6 =	sadd.s32 @!p0 $0x88, s6;
	s7 =	simm.s32 @p2 $0x1082  }
0x22: {  	[simem:s7], [sflag:s8] =	dma.local @!p0 [hbm:s6], $0xF7A  }
0x23: {  	s9 =	sor.u32 $0xD0000000, s2;
	s6 =	simm.s32 $0x108;
	_ =	swait.ge @!p0 [sflag:s8], $0x0  }
0x24: {  	s3 =	sadd.s32 $0x88, s3;
	s6 =	simm.s32 @!p1 $0x1082;
	[sflag:s4] =	ssyncset.s32 $0xFFFFF086  }
0x25: {  	[simem:s6], [sflag:s4] =	dma.local [hbm:s3], $0xF7A  }
0x26: {  	[smem:$0x3F9F] =	sst s1;
	(tag) =	ssettag s2;
	_ =	strace s9  }
0x27: {  	s1 =	sld [smem:$0x3FAF]  }
0x28: {  	s2 =	sld [smem:$0x3FB0]  }
0x29: {  	s4 =	sld [smem:$0x3FB2]  }
0x2a: {  	p0 =	seq.s32 s5, $0x0;
	s5 =	sld [smem:$0x3FB3]  }
0x2b: {  	s6 =	sld [smem:$0x3FB4]  }
0x2c: {  	s7 =	sld [smem:$0x3FB5]  }
0x2d: {  	s3 =	simm.s32 $0x108;
	s8 =	sld [smem:$0x3FB6]  }
0x2e: {  	s3 =	simm.s32 @!p0 $0x1082;
	s9 =	sld [smem:$0x3FB7]  }
0x2f: {  	lr =	sadd.s32 s0, s3;
	s0 =	sld [smem:$0x3FAE]  }
0x30: {  	s3 =	sld [smem:$0x3FB1]  }
0x31: {  	[smem:$0x3FBA] =	sst s10  }
0x32: {  	s10 =	sld [smem:$0x3FB8];
	_ =	sdelay $0x3  }
0x33: {  	p0 =	seq.s32 s10, $0x1;
	s10 =	sld [smem:$0x3FBA];
	_ =	sdelay $0x3  }
0x34: {  	[smem:$0x3FBA] =	sst s10  }
0x35: {  	s10 =	sld [smem:$0x3FB9];
	_ =	sdelay $0x3  }
0x36: {  	p1 =	seq.s32 s10, $0x1;
	s10 =	sld [smem:$0x3FBA];
	_ =	sdelay $0x3  }
0x37: {  	[smem:$0x3FBA] =	sst s10  }
0x38: {  	s10 =	sld [smem:$0x3FBB]  }
0x39: {  	_ = 	snop;
	(pc) =	sbr.ind lr, $3  }
0x3a: {  	_ = 	snop  }
0x3b: {  	_ = 	snop  }
0x3c: {  	p2 =	seq.s32 s10, $0x1;
	s10 =	sld [smem:$0x3FBA]  }
0x3d: {  	_ =	shalt  }
0x3e: {  	_ =	shalt  }
0x3f: {  	_ =	shalt  }
0x40: {  	_ =	shalt  }
0x41: {  	_ =	shalt  }
0x42: {  	_ =	shalt  }
0x43: {  	_ =	shalt  }
0x44: {  	_ =	shalt  }
0x45: {  	_ =	shalt  }
0x46: {  	_ =	shalt  }
0x47: {  	_ =	shalt  }
0x48: {  	_ =	shalt  }
0x49: {  	_ =	shalt  }
0x4a: {  	_ =	shalt  }
0x4b: {  	_ =	shalt  }
0x4c: {  	_ =	shalt  }
0x4d: {  	_ =	shalt  }
0x4e: {  	_ =	shalt  }
0x4f: {  	_ =	shalt  }
0x50: {  	_ =	shalt  }
0x51: {  	_ =	shalt  }
0x52: {  	_ =	shalt  }
0x53: {  	_ =	shalt  }
0x54: {  	_ =	shalt  }
0x55: {  	_ =	shalt  }
0x56: {  	_ =	shalt  }
0x57: {  	_ =	shalt  }
0x58: {  	_ =	shalt  }
0x59: {  	_ =	shalt  }
0x5a: {  	_ =	shalt  }
0x5b: {  	_ =	shalt  }
0x5c: {  	_ =	shalt  }
0x5d: {  	_ =	shalt  }
0x5e: {  	_ =	shalt  }
0x5f: {  	_ =	shalt  }
0x60: {  	_ =	shalt  }
0x61: {  	_ =	shalt  }
0x62: {  	_ =	shalt  }
0x63: {  	_ =	shalt  }
0x64: {  	_ =	shalt  }
0x65: {  	_ =	shalt  }
0x66: {  	_ =	shalt  }
0x67: {  	_ =	shalt  }
0x68: {  	_ =	shalt  }
0x69: {  	_ =	shalt  }
0x6a: {  	_ =	shalt  }
0x6b: {  	_ =	shalt  }
0x6c: {  	_ =	shalt  }
0x6d: {  	_ =	shalt  }
0x6e: {  	_ =	shalt  }
0x6f: {  	_ =	shalt  }
0x70: {  	_ =	shalt  }
0x71: {  	_ =	shalt  }
0x72: {  	_ =	shalt  }
0x73: {  	_ =	shalt  }
0x74: {  	_ =	shalt  }
0x75: {  	_ =	shalt  }
0x76: {  	_ =	shalt  }
0x77: {  	_ =	shalt  }
0x78: {  	_ =	shalt  }
0x79: {  	_ =	shalt  }
0x7a: {  	_ =	shalt  }
0x7b: {  	_ =	shalt  }
0x7c: {  	_ =	shalt  }
0x7d: {  	_ =	shalt  }
0x7e: {  	_ =	shalt  }
0x7f: {  	_ =	shalt  }
0x80: {  	_ =	shalt  }
0x81: {  	_ =	shalt  }
0x82: {  	_ =	shalt  }
0x83: {  	_ =	shalt  }
0x84: {  	_ =	shalt  }
0x85: {  	_ =	shalt  }
0x86: {  	_ =	shalt  }
0x87: {  	_ =	shalt  }
.Lfunc_end0:
.L_simem_size_0:
called_computation_lowered:
.L_overlay_start_0:
0x88: {  	s2 =	sld [smem:$0x3FD9]  }
0x89: {  	s3 =	sld [smem:$0x3FFE];
	_ =	sdelay $0x1  }
0x8a: {  	s1 =	srdreg.scid  }
0x8b: {  	s0 =	sand.u32 $0x1, s1  }
0x8c: {  	s18 =	sshll.u32 s0, $0xA;
	s2 =	sadd.s32 s3, s2  }
0x8d: {  	s2 =	sadd.s32 s2, s18  }
0x8e: {  	[smem:$0x3FC6] =	sst s2  }
0x8f: {  	_ = 	snop  }
0x90: {  	s2 =	sld [smem:$0x3FC9]  }
0x91: {  	s19 =	sld [smem:$0x3FC8]  }
0x92: {  	s4 =	sld [smem:$0x3FD0];
	(tm) =	ssettm $0x1  }
0x93: {  	s5 =	sld [smem:$0x3FFB];
	_ =	sdelay $0x3  }
0x94: {  	_ =	strace s5  }
0x95: {  	s5 =	sld [smem:$0x3FFC];
	_ =	sdelay $0x3  }
0x96: {  	_ =	strace s5  }
0x97: {  	s5 =	sld [smem:$0x3FFD];
	_ =	sdelay $0x3  }
0x98: {  	_ =	strace s5  }
0x99: {  	_ =	strace $0x8FFFFFFF  }
0x9a: {  	s20 =	sld [smem:$0x3FDB];
	_ =	sdelay $0x1  }
0x9b: {  	s6 =	simm.s32 $_scs_section_size  }
0x9c: {  	s7 =	simm.s32 $_size__tile_overlayer_lowered;
	s8 =	simm.s32 $_tile_overlayer_lowered  }
0x9d: {  	s23 =	simm.s32 $0x1BFF;
	s22 =	sshll.u32 s8, $0x1;
	s5 =	sadd.s32 s6, s20  }
0x9e: {  	s9 =	simm.s32 $0x0;
	s21 =	sshll.u32 s7, $0x1;
	s7 =	sadd.s32 s22, s5  }
0x9f: {  	[timem:s9], [sflag:s23] =	dma.local [hbm:s7], s21  }
0xa0: {  	_ =	swait.ge [sflag:s23], s21  }
0xa1: {  	s6 =	ssub.s32 $0x0, s21;
	[sflag:s23] =	ssyncset.done $0x0  }
0xa2: {  	[sflag:s23] =	ssyncadd.s32 s6;
	_ =	sdelay $0x1  }
0xa3: {  	s24 =	simm.s32 $0x1B8B  }
0xa4: {  	_ =	swait.ge [sflag:s24], $0x1  }
0xa5: {  	[sflag:s24] =	ssyncset.done $0x0  }
0xa6: {  	s25 =	simm.s32 $0x1B8E;
	[sflag:s24] =	ssyncadd.s32 $0xFFFFFFFF  }
0xa7: {  	s26 =	simm.s32 $execute0_lowered;
	[smem:$0x3FD2] =	sst s25  }
0xa8: {  	s6 =	sshll.u32 s26, $0x1;
	_ =	strace $0x80000046;
	[dreg:$0x1] =	wrdreg $0xFFFFFFFF  }
0xa9: {  	s28 =	simm.s32 $_size_execute0_lowered;
	s5 =	sadd.s32 s5, s6;
	[dreg:$0x0] =	wrdreg $0x0  }
0xaa: {  	s6 =	sshll.u32 s28, $0x1;
	[dreg:$0x2] =	wrdreg s5  }
0xab: {  	[dreg:$0x3] =	wrdreg s6  }
0xac: {  	[dreg:$0x4] =	wrdreg $0xC0  }
0xad: {  	_ =	task [dreg:s9], $0x5FFFF  }
0xae: {  	[dreg:$0x1] =	wrdreg $0xFFFFFFFF  }
0xaf: {  	[dreg:$0x0] =	wrdreg $0x60  }
0xb0: {  	[dreg:$0x2] =	wrdreg s2  }
0xb1: {  	[dreg:$0x3] =	wrdreg s19  }
0xb2: {  	[dreg:$0x4] =	wrdreg s4  }
0xb3: {  	[dreg:$0x5] =	wrdreg $0x9  }
0xb4: {  	_ =	task.clear_ibuf [dreg:s9], $0x6FFFF;
	_ =	strace $0x90000046  }
0xb5: {  	s29 =	simm.s32 $0x9;
	_ =	strace $0x80000048  }
0xb6: {  	_ =	swait.ge [sflag:s29], $0x1  }
0xb7: {  	[sflag:s29] =	ssyncadd.s32 $0xFFFFFFFF  }
0xb8: {  	_ =	strace $0x90000048  }
0xb9: {  	_ =	sfence  }
0xba: {  	s30 =	sld [smem:$0x0];
	_ =	sdelay $0x2  }
0xbb: {  	s31 =	sshll.u32 s1, $0xD;
	s1 =	sshrl.u32 s1, $0x2  }
0xbc: {  	s3 =	sand.u32 $0x4000, s31;
	s1 =	sadd.s32 s1, s30  }
0xbd: {  	s0 =	sor.u32 s3, s0;
	s1 =	sshll.u32 s1, $0x11  }
0xbe: {  	s0 =	sor.u32 s1, s0  }
0xbf: {  	s0 =	sadd.s32 $0x8F2B, s0  }
0xc0: {  	[sflag:s0] =	ssyncadd.remote.s32 $0x1  }
0xc1: {  	_ =	sfence.sel $0xFFFF  }
0xc2: {  	[dreg:$0x0] =	wrdreg $0xFFFFFFFF;
	(pc) =	sbr.abs _section_cstart, $3  }
0xc3: {  	[dreg:$0x1] =	wrdreg $0xFFFFFFFF  }
0xc4: {  	_ =	task.clear_ibuf [dreg:s9], $0x2FFFF;
	_ =	strace $0x9FFFFFFF  }
0xc5: {  	(tm) =	ssettm $0x7FFFFFFF  }
tec
execute0_lowered:
.L_overlay_start_1:
0x0: {  	(tag) =	ssettag $0x1  }
0x1: {  	s0 =	rddreg [dreg:$0x0]  }
0x2: {  	s8 =	rddreg [dreg:$0x1]  }
0x3: {  	s1 =	rddreg [dreg:$0x2]  }
0x4: {  	s2 =	srdreg.scid;
	s3 =	stileid.u32;
	s5 =	simm.s32 $0x0  }
0x5: {  	s11 =	simm.s32 $0x400;
	s12 =	simm.s32 $0x7A1400;
	s13 =	simm.s32 $0x200  }
0x6: {  	s9 =	simm.s32 $0x1A00;
	s10 =	simm.s32 $0x2200;
	s14 =	simm.s32 $0x2A00  }
0x7: {  	s15 =	simm.s32 $0x3200;
	s16 =	simm.s32 $0x3A00;
	s17 =	simm.s32 $0x4200  }
0x8: {  	s18 =	simm.s32 $0x4A00;
	s19 =	simm.s32 $0x5200;
	s21 =	simm.s32 $0x5A00  }
0x9: {  	s22 =	simm.s32 $0x6200;
	s30 =	simm.s32 $0x8200;
	s28 =	simm.s32 $0xA200  }
0xa: {  	s29 =	simm.s32 $0xAA00;
	s20 =	simm.s32 $0x1;
	s31 =	simm.s32 $0x2  }
0xb: {  	s3 =	sshll.u32 s3, $0xA;
	[smem:$0x7FF] =	sst s5;
	s5 =	sadd.s32 $0x1E8500, s8  }
0xc: {  	v0 =	vlaneseq.u32;
	s2 =	sand.u32 $0x1, s2;
	s6 =	sadd.s32 $0x3D0A00, s8;
	s7 =	sadd.s32 $0x5B8F00, s8  }
0xd: {  	v0 =	vmul.u32 $0x800, v0;
	s4 =	sshll.u32 s2, $0x9;
	s2 =	ssub.s32 $0x2, s2;
	_ =	strace $0x80000047  }
0xe: {  	s3 =	sor.u32 s4, s3;
	s23 =	sshrl.u32 s2, $0x1;
	s4 =	simm.s32 $0x1200  }
0xf: {  	v1 =	vor.u32 $0x80, v0;
	v2 =	vor.u32 $0x100, v0;
	v3 =	vor.u32 $0x180, v0;
	s24 =	sshrl.u32 s3, $0x3;
	s2 =	ssub.s32 s2, s23;
	s25 =	sadd.s32 s1, s3  }
0x10: {  	v4 =	vor.u32 $0x200, v0;
	v5 =	vor.u32 $0x280, v0;
	v6 =	vor.u32 $0x300, v0;
	s3 =	simm.s32 $0xA00;
	s23 =	simm.s32 $0x6A00;
	s1 =	simm.s32 $0x0  }
0x11: {  	v7 =	vor.u32 $0x380, v0;
	v8 =	vor.u32 $0x400, v0;
	v9 =	vor.u32 $0x480, v0;
	s0 =	sadd.s32 s0, s24;
	[dreg:$0x5] =	wrdreg s25;
	s26 =	smax.u32 s2, $0x1  }
0x12: {  	v10 =	vor.u32 $0x500, v0;
	v11 =	vor.u32 $0x580, v0;
	v12 =	vor.u32 $0x600, v0;
	s2 =	simm.s32 $0x3;
	s24 =	simm.s32 $0x7200;
	[dreg:$0x4] =	wrdreg s0  }
0x13: {  	v13 =	vor.u32 $0x680, v0;
	v14 =	vor.u32 $0x700, v0;
	v15 =	vor.u32 $0x780, v0;
	s25 =	simm.s32 $0x7A00;
	[dreg:$0x6] =	wrdreg s26;
	s26 =	simm.s32 $0x9A00  }
.LBB2_1:
0x14: {  	[dreg:$0x7] =	wrdreg s1  }
0x15: {  	s0 =	simm.s32 $0x0;
	s1 =	rddreg [dreg:$0x4]  }
0x16: {  	[tilespmem:s0], [sflag:$0x3] =	stream.linear.gather [hbm4b:s1+s0], $0x200, $0x38;
	[tilespmem:$0x18200] =	vst v63  }
0x17: {  	_ =	swait.ge [sflag:s2], $0x200  }
0x18: {  	[sflag:s2] =	ssyncset.done $0x0  }
0x19: {  	[sflag:s2] =	ssyncadd.s32 $0xFFFFFE00  }
0x1a: {  	v16 =	vld [tilespmem:$0x0];
	_ =	sdelay $0x4  }
0x1b: {  	v16 =	vand.u32 $0xFFFFFF80, v16  }
0x1c: {  	v16 =	vadd.s32 s8, v16  }
0x1d: {  	(v2sf) =	vpush v16, $0x0;
	_ =	sdelay $0x1  }
0x1e: {  	(v2sf) =	vpush v16, $0x1;
	_ =	sdelay $0x1  }
0x1f: {  	(v2sf) =	vpush v16, $0x2;
	_ =	sdelay $0x1  }
0x20: {  	(v2sf) =	vpush v16, $0x3;
	_ =	sdelay $0x1  }
0x21: {  	(v2sf) =	vpush v16, $0x4;
	_ =	sdelay $0x1  }
0x22: {  	(v2sf) =	vpush v16, $0x5;
	_ =	sdelay $0x1  }
0x23: {  	(v2sf) =	vpush v16, $0x6;
	_ =	sdelay $0x1  }
0x24: {  	(v2sf) =	vpush v16, $0x7  }
0x25: {  	s1 =	spop (v2sf)  }
0x26: {  	(v2sf) =	vpush v16, $0x8;
	[tilespmem:s13], [sflag:$0x1] =	stream.strided.gather [hbm4b:s1+s11], $0x800, s12, s11, $0x38;
	[tilespmem:$0x18200] =	vst v63  }
0x27: {  	s2 =	spop (v2sf)  }
0x28: {  	(v2sf) =	vpush v16, $0x9;
	[tilespmem:s3], [sflag:$0x1] =	stream.strided.gather [hbm4b:s2+s11], $0x800, s12, s11, $0x38;
	[tilespmem:$0x18200] =	vst v63  }
0x29: {  	s3 =	spop (v2sf)  }
0x2a: {  	(v2sf) =	vpush v16, $0xA;
	[tilespmem:s4], [sflag:$0x1] =	stream.strided.gather [hbm4b:s3+s11], $0x800, s12, s11, $0x38;
	[tilespmem:$0x18200] =	vst v63  }
0x2b: {  	s8 =	spop (v2sf)  }
0x2c: {  	(v2sf) =	vpush v16, $0xB;
	[tilespmem:s9], [sflag:$0x1] =	stream.strided.gather [hbm4b:s8+s11], $0x800, s12, s11, $0x38;
	[tilespmem:$0x18200] =	vst v63  }
0x2d: {  	s9 =	spop (v2sf)  }
0x2e: {  	(v2sf) =	vpush v16, $0xC;
	[tilespmem:s10], [sflag:$0x1] =	stream.strided.gather [hbm4b:s9+s11], $0x800, s12, s11, $0x38;
	[tilespmem:$0x18200] =	vst v63  }
0x2f: {  	s10 =	spop (v2sf)  }
0x30: {  	(v2sf) =	vpush v16, $0xD;
	[tilespmem:s14], [sflag:$0x1] =	stream.strided.gather [hbm4b:s10+s11], $0x800, s12, s11, $0x38;
	[tilespmem:$0x18200] =	vst v63  }
0x31: {  	s14 =	spop (v2sf)  }
0x32: {  	(v2sf) =	vpush v16, $0xE;
	[tilespmem:s15], [sflag:$0x1] =	stream.strided.gather [hbm4b:s14+s11], $0x800, s12, s11, $0x38;
	[tilespmem:$0x18200] =	vst v63  }
0x33: {  	s15 =	spop (v2sf)  }
0x34: {  	(v2sf) =	vpush v16, $0xF;
	[tilespmem:s16], [sflag:$0x1] =	stream.strided.gather [hbm4b:s15+s11], $0x800, s12, s11, $0x38;
	[tilespmem:$0x18200] =	vst v63  }
0x35: {  	s16 =	spop (v2sf)  }
0x36: {  	[tilespmem:s17], [sflag:$0x1] =	stream.strided.gather [hbm4b:s16+s11], $0x800, s12, s11, $0x38;
	[tilespmem:$0x18200] =	vst v63  }
0x37: {  	s17 =	spop (v2sf)  }
0x38: {  	[tilespmem:s18], [sflag:$0x1] =	stream.strided.gather [hbm4b:s17+s11], $0x800, s12, s11, $0x38;
	[tilespmem:$0x18200] =	vst v63  }
0x39: {  	s18 =	spop (v2sf)  }
0x3a: {  	[tilespmem:s19], [sflag:$0x1] =	stream.strided.gather [hbm4b:s18+s11], $0x800, s12, s11, $0x38;
	[tilespmem:$0x18200] =	vst v63  }
0x3b: {  	s19 =	spop (v2sf)  }
0x3c: {  	[tilespmem:s21], [sflag:$0x1] =	stream.strided.gather [hbm4b:s19+s11], $0x800, s12, s11, $0x38;
	[tilespmem:$0x18200] =	vst v63  }
0x3d: {  	s21 =	spop (v2sf)  }
0x3e: {  	[tilespmem:s22], [sflag:$0x1] =	stream.strided.gather [hbm4b:s21+s11], $0x800, s12, s11, $0x38;
	[tilespmem:$0x18200] =	vst v63  }
0x3f: {  	s0 =	simm.s32 $0x0;
	s1 =	simm.s32 $0x1;
	s22 =	spop (v2sf)  }
0x40: {  	[tilespmem:s23], [sflag:$0x1] =	stream.strided.gather [hbm4b:s22+s11], $0x800, s12, s11, $0x38;
	[tilespmem:$0x18200] =	vst v63  }
0x41: {  	s2 =	simm.s32 $0x0;
	s19 =	simm.s32 $0x8A00;
	s23 =	spop (v2sf)  }
0x42: {  	[tilespmem:s24], [sflag:$0x1] =	stream.strided.gather [hbm4b:s23+s11], $0x800, s12, s11, $0x38;
	[tilespmem:$0x18200] =	vst v63  }
0x43: {  	s21 =	simm.s32 $0x9200;
	s22 =	simm.s32 $0x0;
	s24 =	spop (v2sf)  }
0x44: {  	[tilespmem:s25], [sflag:$0x1] =	stream.strided.gather [hbm4b:s24+s11], $0x800, s12, s11, $0x38;
	[tilespmem:$0x18200] =	vst v63  }
.LBB2_2:
0x45: {  	v16 =	vld [tilespmem:s2+$0x0];
	_ =	sdelay $0x4  }
0x46: {  	v17 =	vand.u32 $0xFFFFFF80, v16  }
0x47: {  	(v2sf) =	vpush v17, $0x0  }
0x48: {  	(v2sf) =	vpush v17, $0x1;
	_ =	sdelay $0x1  }
0x49: {  	(v2sf) =	vpush v17, $0x2;
	_ =	sdelay $0x1  }
0x4a: {  	(v2sf) =	vpush v17, $0x3;
	_ =	sdelay $0x1  }
0x4b: {  	(v2sf) =	vpush v17, $0x4;
	_ =	sdelay $0x1  }
0x4c: {  	(v2sf) =	vpush v17, $0x5;
	_ =	sdelay $0x1  }
0x4d: {  	(v2sf) =	vpush v17, $0x6;
	_ =	sdelay $0x1  }
0x4e: {  	(v2sf) =	vpush v17, $0x7;
	_ =	sdelay $0x1  }
0x4f: {  	s3 =	spop (v2sf);
	(v2sf) =	vpush v17, $0x8  }
0x50: {  	s24 =	spop (v2sf);
	s17 =	sadd.s32 s3, s5  }
0x51: {  	(v2sf) =	vpush v17, $0x9;
	[tilespmem:s30], [sflag:$0x2] =	stream.strided.gather [hbm4b:s17+s11], $0x800, s12, s11, $0x38;
	[tilespmem:$0x18200] =	vst v63  }
0x52: {  	s4 =	spop (v2sf);
	s18 =	sadd.s32 s24, s5  }
0x53: {  	(v2sf) =	vpush v17, $0xA;
	[tilespmem:s19], [sflag:$0x2] =	stream.strided.gather [hbm4b:s18+s11], $0x800, s12, s11, $0x38;
	[tilespmem:$0x18200] =	vst v63  }
0x54: {  	s25 =	spop (v2sf);
	s19 =	sadd.s32 s4, s5  }
0x55: {  	(v2sf) =	vpush v17, $0xB;
	[tilespmem:s21], [sflag:$0x2] =	stream.strided.gather [hbm4b:s19+s11], $0x800, s12, s11, $0x38;
	[tilespmem:$0x18200] =	vst v63  }
0x56: {  	s8 =	spop (v2sf);
	s21 =	sadd.s32 s25, s5  }
0x57: {  	(v2sf) =	vpush v17, $0xC;
	[tilespmem:s26], [sflag:$0x2] =	stream.strided.gather [hbm4b:s21+s11], $0x800, s12, s11, $0x38;
	[tilespmem:$0x18200] =	vst v63  }
0x58: {  	s23 =	sadd.s32 s8, s5;
	s26 =	spop (v2sf)  }
0x59: {  	(v2sf) =	vpush v17, $0xD;
	[tilespmem:s28], [sflag:$0x2] =	stream.strided.gather [hbm4b:s23+s11], $0x800, s12, s11, $0x38;
	[tilespmem:$0x18200] =	vst v63  }
0x5a: {  	[dreg:$0x8] =	wrdreg s2;
	s9 =	sadd.s32 s26, s5;
	s28 =	spop (v2sf)  }
0x5b: {  	(v2sf) =	vpush v17, $0xE;
	[tilespmem:s29], [sflag:$0x2] =	stream.strided.gather [hbm4b:s9+s11], $0x800, s12, s11, $0x38;
	[tilespmem:$0x18200] =	vst v63  }
0x5c: {  	s10 =	sadd.s32 s28, s5;
	s29 =	spop (v2sf);
	s9 =	simm.s32 $0xB200  }
0x5d: {  	(v2sf) =	vpush v17, $0xF;
	[tilespmem:s9], [sflag:$0x2] =	stream.strided.gather [hbm4b:s10+s11], $0x800, s12, s11, $0x38;
	[tilespmem:$0x18200] =	vst v63  }
0x5e: {  	s14 =	sadd.s32 s29, s5;
	s10 =	simm.s32 $0xBA00;
	s9 =	spop (v2sf)  }
0x5f: {  	[tilespmem:s10], [sflag:$0x2] =	stream.strided.gather [hbm4b:s14+s11], $0x800, s12, s11, $0x38;
	[tilespmem:$0x18200] =	vst v63  }
0x60: {  	s10 =	spop (v2sf);
	s15 =	sadd.s32 s9, s5;
	s14 =	simm.s32 $0xC200  }
0x61: {  	[tilespmem:s14], [sflag:$0x2] =	stream.strided.gather [hbm4b:s15+s11], $0x800, s12, s11, $0x38;
	[tilespmem:$0x18200] =	vst v63  }
0x62: {  	s2 =	spop (v2sf);
	s16 =	sadd.s32 s10, s5;
	s15 =	simm.s32 $0xCA00  }
0x63: {  	[tilespmem:s15], [sflag:$0x2] =	stream.strided.gather [hbm4b:s16+s11], $0x800, s12, s11, $0x38;
	[tilespmem:$0x18200] =	vst v63  }
0x64: {  	s14 =	spop (v2sf);
	s17 =	sadd.s32 s2, s5;
	s16 =	simm.s32 $0xD200  }
0x65: {  	[tilespmem:s16], [sflag:$0x2] =	stream.strided.gather [hbm4b:s17+s11], $0x800, s12, s11, $0x38;
	[tilespmem:$0x18200] =	vst v63  }
0x66: {  	s18 =	sadd.s32 s14, s5;
	s15 =	spop (v2sf);
	s17 =	simm.s32 $0xDA00  }
0x67: {  	[tilespmem:s17], [sflag:$0x2] =	stream.strided.gather [hbm4b:s18+s11], $0x800, s12, s11, $0x38;
	[tilespmem:$0x18200] =	vst v63  }
0x68: {  	s19 =	sadd.s32 s15, s5;
	s16 =	spop (v2sf);
	s18 =	simm.s32 $0xE200  }
0x69: {  	[tilespmem:s18], [sflag:$0x2] =	stream.strided.gather [hbm4b:s19+s11], $0x800, s12, s11, $0x38;
	[tilespmem:$0x18200] =	vst v63  }
0x6a: {  	s23 =	simm.s32 $0xEA00;
	s21 =	sadd.s32 s16, s5;
	s17 =	spop (v2sf)  }
0x6b: {  	[tilespmem:s23], [sflag:$0x2] =	stream.strided.gather [hbm4b:s21+s11], $0x800, s12, s11, $0x38;
	[tilespmem:$0x18200] =	vst v63  }
0x6c: {  	s18 =	spop (v2sf);
	s23 =	sadd.s32 s17, s5;
	s21 =	simm.s32 $0xF200  }
0x6d: {  	[tilespmem:s21], [sflag:$0x2] =	stream.strided.gather [hbm4b:s23+s11], $0x800, s12, s11, $0x38;
	[tilespmem:$0x18200] =	vst v63  }
0x6e: {  	s19 =	sadd.s32 s18, s5;
	s21 =	simm.s32 $0xFA00  }
0x6f: {  	[tilespmem:s21], [sflag:$0x2] =	stream.strided.gather [hbm4b:s19+s11], $0x800, s12, s11, $0x38;
	[tilespmem:$0x18200] =	vst v63  }
0x70: {  	_ =	swait.ge [sflag:s20], $0x800  }
0x71: {  	[sflag:s20] =	ssyncset.done $0x0  }
0x72: {  	[sflag:s20] =	ssyncadd.s32 $0xFFFFF800  }
0x73: {  	_ =	swait.ge [sflag:s20], $0x800  }
0x74: {  	[sflag:s20] =	ssyncset.done $0x0  }
0x75: {  	[sflag:s20] =	ssyncadd.s32 $0xFFFFF800  }
0x76: {  	_ =	swait.ge [sflag:s20], $0x800  }
0x77: {  	[sflag:s20] =	ssyncset.done $0x0  }
0x78: {  	[sflag:s20] =	ssyncadd.s32 $0xFFFFF800  }
0x79: {  	_ =	swait.ge [sflag:s20], $0x800  }
0x7a: {  	[sflag:s20] =	ssyncset.done $0x0  }
0x7b: {  	[sflag:s20] =	ssyncadd.s32 $0xFFFFF800  }
0x7c: {  	_ =	swait.ge [sflag:s20], $0x800  }
0x7d: {  	[sflag:s20] =	ssyncset.done $0x0  }
0x7e: {  	[sflag:s20] =	ssyncadd.s32 $0xFFFFF800  }
0x7f: {  	_ =	swait.ge [sflag:s20], $0x800  }
0x80: {  	[sflag:s20] =	ssyncset.done $0x0  }
0x81: {  	[sflag:s20] =	ssyncadd.s32 $0xFFFFF800  }
0x82: {  	_ =	swait.ge [sflag:s20], $0x800  }
0x83: {  	[sflag:s20] =	ssyncset.done $0x0  }
0x84: {  	[sflag:s20] =	ssyncadd.s32 $0xFFFFF800  }
0x85: {  	_ =	swait.ge [sflag:s20], $0x800  }
0x86: {  	[sflag:s20] =	ssyncset.done $0x0  }
0x87: {  	[sflag:s20] =	ssyncadd.s32 $0xFFFFF800  }
0x88: {  	_ =	swait.ge [sflag:s20], $0x800  }
0x89: {  	[sflag:s20] =	ssyncset.done $0x0  }
0x8a: {  	[sflag:s20] =	ssyncadd.s32 $0xFFFFF800  }
0x8b: {  	_ =	swait.ge [sflag:s20], $0x800  }
0x8c: {  	[sflag:s20] =	ssyncset.done $0x0  }
0x8d: {  	[sflag:s20] =	ssyncadd.s32 $0xFFFFF800  }
0x8e: {  	_ =	swait.ge [sflag:s20], $0x800  }
0x8f: {  	[sflag:s20] =	ssyncset.done $0x0  }
0x90: {  	[sflag:s20] =	ssyncadd.s32 $0xFFFFF800  }
0x91: {  	_ =	swait.ge [sflag:s20], $0x800  }
0x92: {  	[sflag:s20] =	ssyncset.done $0x0  }
0x93: {  	[sflag:s20] =	ssyncadd.s32 $0xFFFFF800  }
0x94: {  	_ =	swait.ge [sflag:s20], $0x800  }
0x95: {  	[sflag:s20] =	ssyncset.done $0x0  }
0x96: {  	[sflag:s20] =	ssyncadd.s32 $0xFFFFF800  }
0x97: {  	_ =	swait.ge [sflag:s20], $0x800  }
0x98: {  	[sflag:s20] =	ssyncset.done $0x0  }
0x99: {  	[sflag:s20] =	ssyncadd.s32 $0xFFFFF800  }
0x9a: {  	v31 =	vand.u32 $0x7F, v16;
	_ =	swait.ge [sflag:s20], $0x800  }
0x9b: {  	v16 =	vor.u32 v0, v31;
	[sflag:s20] =	ssyncset.done $0x0  }
0x9c: {  	[sflag:s20] =	ssyncadd.s32 $0xFFFFF800  }
0x9d: {  	_ =	swait.ge [sflag:s20], $0x800  }
0x9e: {  	[sflag:s20] =	ssyncset.done $0x0  }
0x9f: {  	[sflag:s20] =	ssyncadd.s32 $0xFFFFF800  }
0xa0: {  	v18 =	vld.idx.msk [tilespmem:v16+s13+$0x0], $0xffff  }
0xa1: {  	v17 =	vor.u32 v1, v31;
	_ =	sdelay $0x1  }
0xa2: {  	s19 =	sand.u32 $0x70, s0;
	s21 =	sand.u32 $0xC00, s22  }
0xa3: {  	s23 =	sor.u32 s19, s21  }
0xa4: {  	[tilespmem:s23+$0x10200] =	vst v18  }
0xa5: {  	v19 =	vld.idx.msk [tilespmem:v17+s13+$0x0], $0xffff  }
0xa6: {  	v49 =	vor.u32 v2, v31;
	_ =	sdelay $0x3  }
0xa7: {  	[tilespmem:s23+$0x10280] =	vst v19  }
0xa8: {  	v20 =	vld.idx.msk [tilespmem:v49+s13+$0x0], $0xffff  }
0xa9: {  	v50 =	vor.u32 v3, v31;
	_ =	sdelay $0x3  }
0xaa: {  	[tilespmem:s23+$0x10300] =	vst v20  }
0xab: {  	v21 =	vld.idx.msk [tilespmem:v50+s13+$0x0], $0xffff  }
0xac: {  	v51 =	vor.u32 v4, v31;
	_ =	sdelay $0x3  }
0xad: {  	[tilespmem:s23+$0x10380] =	vst v21  }
0xae: {  	v22 =	vld.idx.msk [tilespmem:v51+s13+$0x0], $0xffff  }
0xaf: {  	v52 =	vor.u32 v5, v31;
	_ =	sdelay $0x3  }
0xb0: {  	[tilespmem:s23+$0x10400] =	vst v22  }
0xb1: {  	v23 =	vld.idx.msk [tilespmem:v52+s13+$0x0], $0xffff  }
0xb2: {  	v53 =	vor.u32 v6, v31;
	_ =	sdelay $0x3  }
0xb3: {  	[tilespmem:s23+$0x10480] =	vst v23  }
0xb4: {  	v24 =	vld.idx.msk [tilespmem:v53+s13+$0x0], $0xffff  }
0xb5: {  	v54 =	vor.u32 v7, v31;
	_ =	sdelay $0x3  }
0xb6: {  	[tilespmem:s23+$0x10500] =	vst v24  }
0xb7: {  	v25 =	vld.idx.msk [tilespmem:v54+s13+$0x0], $0xffff  }
0xb8: {  	v55 =	vor.u32 v8, v31;
	_ =	sdelay $0x1  }
0xb9: {  	s21 =	sor.u32 s22, s0  }
0xba: {  	s19 =	sor.u32 $0x380, s21  }
0xbb: {  	[tilespmem:s19+$0x10200] =	vst v25  }
0xbc: {  	v26 =	vld.idx.msk [tilespmem:v55+s13+$0x0], $0xffff  }
0xbd: {  	v56 =	vor.u32 v9, v31;
	_ =	sdelay $0x3  }
0xbe: {  	[tilespmem:s23+$0x11200] =	vst v26  }
0xbf: {  	v27 =	vld.idx.msk [tilespmem:v56+s13+$0x0], $0xffff  }
0xc0: {  	v57 =	vor.u32 v10, v31;
	_ =	sdelay $0x3  }
0xc1: {  	[tilespmem:s23+$0x11280] =	vst v27  }
0xc2: {  	v28 =	vld.idx.msk [tilespmem:v57+s13+$0x0], $0xffff  }
0xc3: {  	v58 =	vor.u32 v11, v31;
	_ =	sdelay $0x3  }
0xc4: {  	[tilespmem:s23+$0x11300] =	vst v28  }
0xc5: {  	v29 =	vld.idx.msk [tilespmem:v58+s13+$0x0], $0xffff  }
0xc6: {  	v59 =	vor.u32 v12, v31;
	_ =	sdelay $0x3  }
0xc7: {  	[tilespmem:s23+$0x11380] =	vst v29  }
0xc8: {  	v30 =	vld.idx.msk [tilespmem:v59+s13+$0x0], $0xffff  }
0xc9: {  	v60 =	vor.u32 v13, v31;
	_ =	sdelay $0x3  }
0xca: {  	[tilespmem:s23+$0x11400] =	vst v30  }
0xcb: {  	v32 =	vld.idx.msk [tilespmem:v60+s13+$0x0], $0xffff  }
0xcc: {  	v61 =	vor.u32 v14, v31;
	_ =	sdelay $0x3  }
0xcd: {  	[tilespmem:s23+$0x11480] =	vst v32  }
0xce: {  	v32 =	vld.idx.msk [tilespmem:v61+s13+$0x0], $0xffff  }
0xcf: {  	v31 =	vor.u32 v15, v31;
	_ =	sdelay $0x3  }
0xd0: {  	[tilespmem:s23+$0x11500] =	vst v32  }
0xd1: {  	v32 =	vld.idx.msk [tilespmem:v31+s13+$0x0], $0xffff;
	_ =	sdelay $0x4  }
0xd2: {  	s21 =	sadd.s32 s3, s6;
	[tilespmem:s23+$0x11580] =	vst v32  }
0xd3: {  	[tilespmem:s13], [sflag:$0x1] =	stream.strided.gather [hbm4b:s21+s11], $0x800, s12, s11, $0x38;
	[tilespmem:$0x18200] =	vst v63  }
0xd4: {  	s19 =	sadd.s32 s24, s6;
	s21 =	simm.s32 $0xA00  }
0xd5: {  	[tilespmem:s21], [sflag:$0x1] =	stream.strided.gather [hbm4b:s19+s11], $0x800, s12, s11, $0x38;
	[tilespmem:$0x18200] =	vst v63  }
0xd6: {  	s19 =	sadd.s32 s4, s6;
	s21 =	simm.s32 $0x1200  }
0xd7: {  	[tilespmem:s21], [sflag:$0x1] =	stream.strided.gather [hbm4b:s19+s11], $0x800, s12, s11, $0x38;
	[tilespmem:$0x18200] =	vst v63  }
0xd8: {  	s19 =	sadd.s32 s25, s6;
	s21 =	simm.s32 $0x1A00  }
0xd9: {  	[tilespmem:s21], [sflag:$0x1] =	stream.strided.gather [hbm4b:s19+s11], $0x800, s12, s11, $0x38;
	[tilespmem:$0x18200] =	vst v63  }
0xda: {  	s19 =	sadd.s32 s8, s6;
	s21 =	simm.s32 $0x2200  }
0xdb: {  	[tilespmem:s21], [sflag:$0x1] =	stream.strided.gather [hbm4b:s19+s11], $0x800, s12, s11, $0x38;
	[tilespmem:$0x18200] =	vst v63  }
0xdc: {  	s19 =	sadd.s32 s26, s6;
	s21 =	simm.s32 $0x2A00  }
0xdd: {  	[tilespmem:s21], [sflag:$0x1] =	stream.strided.gather [hbm4b:s19+s11], $0x800, s12, s11, $0x38;
	[tilespmem:$0x18200] =	vst v63  }
0xde: {  	s19 =	sadd.s32 s28, s6;
	s21 =	simm.s32 $0x3200  }
0xdf: {  	[tilespmem:s21], [sflag:$0x1] =	stream.strided.gather [hbm4b:s19+s11], $0x800, s12, s11, $0x38;
	[tilespmem:$0x18200] =	vst v63  }
0xe0: {  	s19 =	sadd.s32 s29, s6;
	s21 =	simm.s32 $0x3A00  }
0xe1: {  	[tilespmem:s21], [sflag:$0x1] =	stream.strided.gather [hbm4b:s19+s11], $0x800, s12, s11, $0x38;
	[tilespmem:$0x18200] =	vst v63  }
0xe2: {  	s19 =	sadd.s32 s9, s6;
	s21 =	simm.s32 $0x4200  }
0xe3: {  	[tilespmem:s21], [sflag:$0x1] =	stream.strided.gather [hbm4b:s19+s11], $0x800, s12, s11, $0x38;
	[tilespmem:$0x18200] =	vst v63  }
0xe4: {  	s19 =	sadd.s32 s10, s6;
	s21 =	simm.s32 $0x4A00  }
0xe5: {  	[tilespmem:s21], [sflag:$0x1] =	stream.strided.gather [hbm4b:s19+s11], $0x800, s12, s11, $0x38;
	[tilespmem:$0x18200] =	vst v63  }
0xe6: {  	s19 =	sadd.s32 s2, s6;
	s21 =	simm.s32 $0x5200  }
0xe7: {  	[tilespmem:s21], [sflag:$0x1] =	stream.strided.gather [hbm4b:s19+s11], $0x800, s12, s11, $0x38;
	[tilespmem:$0x18200] =	vst v63  }
0xe8: {  	s19 =	sadd.s32 s14, s6;
	s21 =	simm.s32 $0x5A00  }
0xe9: {  	[tilespmem:s21], [sflag:$0x1] =	stream.strided.gather [hbm4b:s19+s11], $0x800, s12, s11, $0x38;
	[tilespmem:$0x18200] =	vst v63  }
0xea: {  	s19 =	sadd.s32 s15, s6;
	s21 =	simm.s32 $0x6200  }
0xeb: {  	[tilespmem:s21], [sflag:$0x1] =	stream.strided.gather [hbm4b:s19+s11], $0x800, s12, s11, $0x38;
	[tilespmem:$0x18200] =	vst v63  }
0xec: {  	s19 =	sadd.s32 s16, s6;
	s21 =	simm.s32 $0x6A00  }
0xed: {  	[tilespmem:s21], [sflag:$0x1] =	stream.strided.gather [hbm4b:s19+s11], $0x800, s12, s11, $0x38;
	[tilespmem:$0x18200] =	vst v63  }
0xee: {  	s19 =	sadd.s32 s17, s6;
	s21 =	simm.s32 $0x7200  }
0xef: {  	[tilespmem:s21], [sflag:$0x1] =	stream.strided.gather [hbm4b:s19+s11], $0x800, s12, s11, $0x38;
	[tilespmem:$0x18200] =	vst v63  }
0xf0: {  	s19 =	sadd.s32 s18, s6;
	s21 =	simm.s32 $0x7A00  }
0xf1: {  	[tilespmem:s21], [sflag:$0x1] =	stream.strided.gather [hbm4b:s19+s11], $0x800, s12, s11, $0x38;
	[tilespmem:$0x18200] =	vst v63  }
0xf2: {  	_ =	swait.ge [sflag:s31], $0x800  }
0xf3: {  	[sflag:s31] =	ssyncset.done $0x0  }
0xf4: {  	[sflag:s31] =	ssyncadd.s32 $0xFFFFF800  }
0xf5: {  	_ =	swait.ge [sflag:s31], $0x800  }
0xf6: {  	[sflag:s31] =	ssyncset.done $0x0  }
0xf7: {  	[sflag:s31] =	ssyncadd.s32 $0xFFFFF800  }
0xf8: {  	_ =	swait.ge [sflag:s31], $0x800  }
0xf9: {  	[sflag:s31] =	ssyncset.done $0x0  }
0xfa: {  	[sflag:s31] =	ssyncadd.s32 $0xFFFFF800  }
0xfb: {  	_ =	swait.ge [sflag:s31], $0x800  }
0xfc: {  	[sflag:s31] =	ssyncset.done $0x0  }
0xfd: {  	[sflag:s31] =	ssyncadd.s32 $0xFFFFF800  }
0xfe: {  	_ =	swait.ge [sflag:s31], $0x800  }
0xff: {  	[sflag:s31] =	ssyncset.done $0x0  }
0x100: {  	[sflag:s31] =	ssyncadd.s32 $0xFFFFF800  }
0x101: {  	_ =	swait.ge [sflag:s31], $0x800  }
0x102: {  	[sflag:s31] =	ssyncset.done $0x0  }
0x103: {  	[sflag:s31] =	ssyncadd.s32 $0xFFFFF800  }
0x104: {  	_ =	swait.ge [sflag:s31], $0x800  }
0x105: {  	[sflag:s31] =	ssyncset.done $0x0  }
0x106: {  	[sflag:s31] =	ssyncadd.s32 $0xFFFFF800  }
0x107: {  	_ =	swait.ge [sflag:s31], $0x800  }
0x108: {  	[sflag:s31] =	ssyncset.done $0x0  }
0x109: {  	[sflag:s31] =	ssyncadd.s32 $0xFFFFF800  }
0x10a: {  	_ =	swait.ge [sflag:s31], $0x800  }
0x10b: {  	[sflag:s31] =	ssyncset.done $0x0  }
0x10c: {  	[sflag:s31] =	ssyncadd.s32 $0xFFFFF800  }
0x10d: {  	_ =	swait.ge [sflag:s31], $0x800  }
0x10e: {  	[sflag:s31] =	ssyncset.done $0x0  }
0x10f: {  	[sflag:s31] =	ssyncadd.s32 $0xFFFFF800  }
0x110: {  	_ =	swait.ge [sflag:s31], $0x800  }
0x111: {  	[sflag:s31] =	ssyncset.done $0x0  }
0x112: {  	[sflag:s31] =	ssyncadd.s32 $0xFFFFF800  }
0x113: {  	_ =	swait.ge [sflag:s31], $0x800  }
0x114: {  	[sflag:s31] =	ssyncset.done $0x0  }
0x115: {  	[sflag:s31] =	ssyncadd.s32 $0xFFFFF800  }
0x116: {  	_ =	swait.ge [sflag:s31], $0x800  }
0x117: {  	[sflag:s31] =	ssyncset.done $0x0  }
0x118: {  	[sflag:s31] =	ssyncadd.s32 $0xFFFFF800  }
0x119: {  	_ =	swait.ge [sflag:s31], $0x800  }
0x11a: {  	[sflag:s31] =	ssyncset.done $0x0  }
0x11b: {  	[sflag:s31] =	ssyncadd.s32 $0xFFFFF800  }
0x11c: {  	_ =	swait.ge [sflag:s31], $0x800  }
0x11d: {  	[sflag:s31] =	ssyncset.done $0x0  }
0x11e: {  	[sflag:s31] =	ssyncadd.s32 $0xFFFFF800  }
0x11f: {  	_ =	swait.ge [sflag:s31], $0x800  }
0x120: {  	[sflag:s31] =	ssyncset.done $0x0  }
0x121: {  	[sflag:s31] =	ssyncadd.s32 $0xFFFFF800  }
0x122: {  	v62 =	vld.idx.msk [tilespmem:v16+s30+$0x0], $0xffff;
	_ =	sdelay $0x4  }
0x123: {  	[tilespmem:s23+$0x12200] =	vst v62  }
0x124: {  	v32 =	vld.idx.msk [tilespmem:v17+s30+$0x0], $0xffff;
	_ =	sdelay $0x4  }
0x125: {  	[tilespmem:s23+$0x12280] =	vst v32  }
0x126: {  	v32 =	vld.idx.msk [tilespmem:v49+s30+$0x0], $0xffff;
	_ =	sdelay $0x4  }
0x127: {  	[tilespmem:s23+$0x12300] =	vst v32  }
0x128: {  	v32 =	vld.idx.msk [tilespmem:v50+s30+$0x0], $0xffff;
	_ =	sdelay $0x4  }
0x129: {  	[tilespmem:s23+$0x12380] =	vst v32  }
0x12a: {  	v32 =	vld.idx.msk [tilespmem:v51+s30+$0x0], $0xffff;
	_ =	sdelay $0x4  }
0x12b: {  	[tilespmem:s23+$0x12400] =	vst v32  }
0x12c: {  	v32 =	vld.idx.msk [tilespmem:v52+s30+$0x0], $0xffff;
	_ =	sdelay $0x4  }
0x12d: {  	[tilespmem:s23+$0x12480] =	vst v32  }
0x12e: {  	v32 =	vld.idx.msk [tilespmem:v53+s30+$0x0], $0xffff;
	_ =	sdelay $0x4  }
0x12f: {  	[tilespmem:s23+$0x12500] =	vst v32  }
0x130: {  	v32 =	vld.idx.msk [tilespmem:v54+s30+$0x0], $0xffff;
	_ =	sdelay $0x4  }
0x131: {  	[tilespmem:s23+$0x12580] =	vst v32  }
0x132: {  	v32 =	vld.idx.msk [tilespmem:v55+s30+$0x0], $0xffff;
	_ =	sdelay $0x4  }
0x133: {  	[tilespmem:s23+$0x13200] =	vst v32  }
0x134: {  	v32 =	vld.idx.msk [tilespmem:v56+s30+$0x0], $0xffff;
	_ =	sdelay $0x4  }
0x135: {  	[tilespmem:s23+$0x13280] =	vst v32  }
0x136: {  	v32 =	vld.idx.msk [tilespmem:v57+s30+$0x0], $0xffff;
	_ =	sdelay $0x4  }
0x137: {  	[tilespmem:s23+$0x13300] =	vst v32  }
0x138: {  	v32 =	vld.idx.msk [tilespmem:v58+s30+$0x0], $0xffff;
	_ =	sdelay $0x4  }
0x139: {  	[tilespmem:s23+$0x13380] =	vst v32  }
0x13a: {  	v32 =	vld.idx.msk [tilespmem:v59+s30+$0x0], $0xffff;
	_ =	sdelay $0x4  }
0x13b: {  	[tilespmem:s23+$0x13400] =	vst v32  }
0x13c: {  	v32 =	vld.idx.msk [tilespmem:v60+s30+$0x0], $0xffff;
	_ =	sdelay $0x4  }
0x13d: {  	[tilespmem:s23+$0x13480] =	vst v32  }
0x13e: {  	v32 =	vld.idx.msk [tilespmem:v61+s30+$0x0], $0xffff;
	_ =	sdelay $0x4  }
0x13f: {  	[tilespmem:s23+$0x13500] =	vst v32  }
0x140: {  	v32 =	vld.idx.msk [tilespmem:v31+s30+$0x0], $0xffff;
	_ =	sdelay $0x4  }
0x141: {  	s3 =	sadd.s32 s3, s7;
	[tilespmem:s23+$0x13580] =	vst v32  }
0x142: {  	[tilespmem:s30], [sflag:$0x2] =	stream.strided.gather [hbm4b:s3+s11], $0x800, s12, s11, $0x38;
	[tilespmem:$0x18200] =	vst v63  }
0x143: {  	s19 =	simm.s32 $0x8A00;
	s3 =	sadd.s32 s24, s7  }
0x144: {  	[tilespmem:s19], [sflag:$0x2] =	stream.strided.gather [hbm4b:s3+s11], $0x800, s12, s11, $0x38;
	[tilespmem:$0x18200] =	vst v63  }
0x145: {  	s4 =	sadd.s32 s4, s7;
	s21 =	simm.s32 $0x9200  }
0x146: {  	[tilespmem:s21], [sflag:$0x2] =	stream.strided.gather [hbm4b:s4+s11], $0x800, s12, s11, $0x38;
	[tilespmem:$0x18200] =	vst v63  }
0x147: {  	s3 =	sadd.s32 s25, s7;
	s4 =	simm.s32 $0x9A00  }
0x148: {  	[tilespmem:s4], [sflag:$0x2] =	stream.strided.gather [hbm4b:s3+s11], $0x800, s12, s11, $0x38;
	[tilespmem:$0x18200] =	vst v63  }
0x149: {  	s3 =	sadd.s32 s8, s7;
	s4 =	simm.s32 $0xA200  }
0x14a: {  	[tilespmem:s4], [sflag:$0x2] =	stream.strided.gather [hbm4b:s3+s11], $0x800, s12, s11, $0x38;
	[tilespmem:$0x18200] =	vst v63  }
0x14b: {  	s3 =	sadd.s32 s26, s7;
	s4 =	simm.s32 $0xAA00  }
0x14c: {  	[tilespmem:s4], [sflag:$0x2] =	stream.strided.gather [hbm4b:s3+s11], $0x800, s12, s11, $0x38;
	[tilespmem:$0x18200] =	vst v63  }
0x14d: {  	s3 =	sadd.s32 s28, s7;
	s4 =	simm.s32 $0xB200  }
0x14e: {  	[tilespmem:s4], [sflag:$0x2] =	stream.strided.gather [hbm4b:s3+s11], $0x800, s12, s11, $0x38;
	[tilespmem:$0x18200] =	vst v63  }
0x14f: {  	s3 =	sadd.s32 s29, s7;
	s4 =	simm.s32 $0xBA00  }
0x150: {  	[tilespmem:s4], [sflag:$0x2] =	stream.strided.gather [hbm4b:s3+s11], $0x800, s12, s11, $0x38;
	[tilespmem:$0x18200] =	vst v63  }
0x151: {  	s4 =	sadd.s32 s9, s7;
	s9 =	simm.s32 $0xC200  }
0x152: {  	[tilespmem:s9], [sflag:$0x2] =	stream.strided.gather [hbm4b:s4+s11], $0x800, s12, s11, $0x38;
	[tilespmem:$0x18200] =	vst v63  }
0x153: {  	s4 =	sadd.s32 s10, s7;
	s9 =	simm.s32 $0xCA00  }
0x154: {  	[tilespmem:s9], [sflag:$0x2] =	stream.strided.gather [hbm4b:s4+s11], $0x800, s12, s11, $0x38;
	[tilespmem:$0x18200] =	vst v63  }
0x155: {  	s2 =	sadd.s32 s2, s7;
	s10 =	simm.s32 $0xD200  }
0x156: {  	[tilespmem:s10], [sflag:$0x2] =	stream.strided.gather [hbm4b:s2+s11], $0x800, s12, s11, $0x38;
	[tilespmem:$0x18200] =	vst v63  }
0x157: {  	s3 =	sadd.s32 s14, s7;
	s4 =	simm.s32 $0xDA00  }
0x158: {  	[tilespmem:s4], [sflag:$0x2] =	stream.strided.gather [hbm4b:s3+s11], $0x800, s12, s11, $0x38;
	[tilespmem:$0x18200] =	vst v63  }
0x159: {  	s9 =	sadd.s32 s15, s7;
	s10 =	simm.s32 $0xE200  }
0x15a: {  	[tilespmem:s10], [sflag:$0x2] =	stream.strided.gather [hbm4b:s9+s11], $0x800, s12, s11, $0x38;
	[tilespmem:$0x18200] =	vst v63  }
0x15b: {  	s14 =	sadd.s32 s16, s7;
	s15 =	simm.s32 $0xEA00  }
0x15c: {  	[tilespmem:s15], [sflag:$0x2] =	stream.strided.gather [hbm4b:s14+s11], $0x800, s12, s11, $0x38;
	[tilespmem:$0x18200] =	vst v63  }
0x15d: {  	s16 =	sadd.s32 s17, s7;
	s17 =	simm.s32 $0xF200  }
0x15e: {  	[tilespmem:s17], [sflag:$0x2] =	stream.strided.gather [hbm4b:s16+s11], $0x800, s12, s11, $0x38;
	[tilespmem:$0x18200] =	vst v63  }
0x15f: {  	s4 =	sadd.s32 s18, s7;
	s9 =	simm.s32 $0xFA00  }
0x160: {  	[tilespmem:s9], [sflag:$0x2] =	stream.strided.gather [hbm4b:s4+s11], $0x800, s12, s11, $0x38;
	[tilespmem:$0x18200] =	vst v63  }
0x161: {  	s8 =	rddreg [dreg:$0x1];
	_ =	swait.ge [sflag:s20], $0x800  }
0x162: {  	[sflag:s20] =	ssyncset.done $0x0  }
0x163: {  	[sflag:s20] =	ssyncadd.s32 $0xFFFFF800  }
0x164: {  	_ =	swait.ge [sflag:s20], $0x800  }
0x165: {  	[sflag:s20] =	ssyncset.done $0x0  }
0x166: {  	[sflag:s20] =	ssyncadd.s32 $0xFFFFF800  }
0x167: {  	_ =	swait.ge [sflag:s20], $0x800  }
0x168: {  	[sflag:s20] =	ssyncset.done $0x0  }
0x169: {  	[sflag:s20] =	ssyncadd.s32 $0xFFFFF800  }
0x16a: {  	_ =	swait.ge [sflag:s20], $0x800  }
0x16b: {  	[sflag:s20] =	ssyncset.done $0x0  }
0x16c: {  	[sflag:s20] =	ssyncadd.s32 $0xFFFFF800  }
0x16d: {  	_ =	swait.ge [sflag:s20], $0x800  }
0x16e: {  	[sflag:s20] =	ssyncset.done $0x0  }
0x16f: {  	[sflag:s20] =	ssyncadd.s32 $0xFFFFF800  }
0x170: {  	_ =	swait.ge [sflag:s20], $0x800  }
0x171: {  	[sflag:s20] =	ssyncset.done $0x0  }
0x172: {  	[sflag:s20] =	ssyncadd.s32 $0xFFFFF800  }
0x173: {  	_ =	swait.ge [sflag:s20], $0x800  }
0x174: {  	[sflag:s20] =	ssyncset.done $0x0  }
0x175: {  	[sflag:s20] =	ssyncadd.s32 $0xFFFFF800  }
0x176: {  	_ =	swait.ge [sflag:s20], $0x800  }
0x177: {  	[sflag:s20] =	ssyncset.done $0x0  }
0x178: {  	[sflag:s20] =	ssyncadd.s32 $0xFFFFF800  }
0x179: {  	_ =	swait.ge [sflag:s20], $0x800  }
0x17a: {  	[sflag:s20] =	ssyncset.done $0x0  }
0x17b: {  	[sflag:s20] =	ssyncadd.s32 $0xFFFFF800  }
0x17c: {  	_ =	swait.ge [sflag:s20], $0x800  }
0x17d: {  	[sflag:s20] =	ssyncset.done $0x0  }
0x17e: {  	[sflag:s20] =	ssyncadd.s32 $0xFFFFF800  }
0x17f: {  	_ =	swait.ge [sflag:s20], $0x800  }
0x180: {  	[sflag:s20] =	ssyncset.done $0x0  }
0x181: {  	[sflag:s20] =	ssyncadd.s32 $0xFFFFF800  }
0x182: {  	_ =	swait.ge [sflag:s20], $0x800  }
0x183: {  	[sflag:s20] =	ssyncset.done $0x0  }
0x184: {  	[sflag:s20] =	ssyncadd.s32 $0xFFFFF800  }
0x185: {  	_ =	swait.ge [sflag:s20], $0x800  }
0x186: {  	[sflag:s20] =	ssyncset.done $0x0  }
0x187: {  	[sflag:s20] =	ssyncadd.s32 $0xFFFFF800  }
0x188: {  	_ =	swait.ge [sflag:s20], $0x800  }
0x189: {  	[sflag:s20] =	ssyncset.done $0x0  }
0x18a: {  	[sflag:s20] =	ssyncadd.s32 $0xFFFFF800  }
0x18b: {  	_ =	swait.ge [sflag:s20], $0x800  }
0x18c: {  	[sflag:s20] =	ssyncset.done $0x0  }
0x18d: {  	[sflag:s20] =	ssyncadd.s32 $0xFFFFF800  }
0x18e: {  	_ =	swait.ge [sflag:s20], $0x800  }
0x18f: {  	[sflag:s20] =	ssyncset.done $0x0  }
0x190: {  	[sflag:s20] =	ssyncadd.s32 $0xFFFFF800  }
0x191: {  	v63 =	vld.idx.msk [tilespmem:v16+s13+$0x0], $0xffff;
	_ =	sdelay $0x4  }
0x192: {  	[tilespmem:s23+$0x14200] =	vst v63  }
0x193: {  	v32 =	vld.idx.msk [tilespmem:v17+s13+$0x0], $0xffff;
	_ =	sdelay $0x4  }
0x194: {  	[tilespmem:s23+$0x14280] =	vst v32  }
0x195: {  	v32 =	vld.idx.msk [tilespmem:v49+s13+$0x0], $0xffff;
	_ =	sdelay $0x4  }
0x196: {  	[tilespmem:s23+$0x14300] =	vst v32  }
0x197: {  	v32 =	vld.idx.msk [tilespmem:v50+s13+$0x0], $0xffff;
	_ =	sdelay $0x4  }
0x198: {  	[tilespmem:s23+$0x14380] =	vst v32  }
0x199: {  	v32 =	vld.idx.msk [tilespmem:v51+s13+$0x0], $0xffff;
	_ =	sdelay $0x4  }
0x19a: {  	[tilespmem:s23+$0x14400] =	vst v32  }
0x19b: {  	v32 =	vld.idx.msk [tilespmem:v52+s13+$0x0], $0xffff;
	_ =	sdelay $0x4  }
0x19c: {  	[tilespmem:s23+$0x14480] =	vst v32  }
0x19d: {  	v32 =	vld.idx.msk [tilespmem:v53+s13+$0x0], $0xffff;
	_ =	sdelay $0x4  }
0x19e: {  	[tilespmem:s23+$0x14500] =	vst v32  }
0x19f: {  	v32 =	vld.idx.msk [tilespmem:v54+s13+$0x0], $0xffff;
	_ =	sdelay $0x4  }
0x1a0: {  	[tilespmem:s23+$0x14580] =	vst v32  }
0x1a1: {  	v32 =	vld.idx.msk [tilespmem:v55+s13+$0x0], $0xffff;
	_ =	sdelay $0x4  }
0x1a2: {  	[tilespmem:s23+$0x15200] =	vst v32  }
0x1a3: {  	v32 =	vld.idx.msk [tilespmem:v56+s13+$0x0], $0xffff;
	_ =	sdelay $0x4  }
0x1a4: {  	[tilespmem:s23+$0x15280] =	vst v32  }
0x1a5: {  	v32 =	vld.idx.msk [tilespmem:v57+s13+$0x0], $0xffff;
	_ =	sdelay $0x4  }
0x1a6: {  	[tilespmem:s23+$0x15300] =	vst v32  }
0x1a7: {  	v32 =	vld.idx.msk [tilespmem:v58+s13+$0x0], $0xffff;
	_ =	sdelay $0x4  }
0x1a8: {  	[tilespmem:s23+$0x15380] =	vst v32  }
0x1a9: {  	v32 =	vld.idx.msk [tilespmem:v59+s13+$0x0], $0xffff;
	_ =	sdelay $0x4  }
0x1aa: {  	[tilespmem:s23+$0x15400] =	vst v32  }
0x1ab: {  	v32 =	vld.idx.msk [tilespmem:v60+s13+$0x0], $0xffff;
	_ =	sdelay $0x4  }
0x1ac: {  	[tilespmem:s23+$0x15480] =	vst v32  }
0x1ad: {  	v32 =	vld.idx.msk [tilespmem:v61+s13+$0x0], $0xffff;
	_ =	sdelay $0x4  }
0x1ae: {  	[tilespmem:s23+$0x15500] =	vst v32  }
0x1af: {  	v32 =	vld.idx.msk [tilespmem:v31+s13+$0x0], $0xffff;
	_ =	sdelay $0x3  }
0x1b0: {  	s10 =	smin.u32 s1, $0x1F  }
0x1b1: {  	s2 =	sshll.u32 s10, $0x4;
	[tilespmem:s23+$0x15580] =	vst v32  }
0x1b2: {  	v32 =	vld [tilespmem:s2+$0x0];
	_ =	sdelay $0x4  }
0x1b3: {  	v32 =	vand.u32 $0xFFFFFF80, v32  }
0x1b4: {  	v32 =	vadd.s32 s8, v32  }
0x1b5: {  	(v2sf) =	vpush v32, $0x0;
	_ =	sdelay $0x1  }
0x1b6: {  	(v2sf) =	vpush v32, $0x1;
	_ =	sdelay $0x1  }
0x1b7: {  	(v2sf) =	vpush v32, $0x2;
	_ =	sdelay $0x1  }
0x1b8: {  	(v2sf) =	vpush v32, $0x3;
	_ =	sdelay $0x1  }
0x1b9: {  	(v2sf) =	vpush v32, $0x4;
	_ =	sdelay $0x1  }
0x1ba: {  	(v2sf) =	vpush v32, $0x5;
	_ =	sdelay $0x1  }
0x1bb: {  	(v2sf) =	vpush v32, $0x6;
	_ =	sdelay $0x1  }
0x1bc: {  	(v2sf) =	vpush v32, $0x7  }
0x1bd: {  	s14 =	spop (v2sf)  }
0x1be: {  	(v2sf) =	vpush v32, $0x8;
	[tilespmem:s13], [sflag:$0x1] =	stream.strided.gather [hbm4b:s14+s11], $0x800, s12, s11, $0x38;
	[tilespmem:$0x18200] =	vst v63  }
0x1bf: {  	s16 =	simm.s32 $0xA00;
	s15 =	spop (v2sf)  }
0x1c0: {  	(v2sf) =	vpush v32, $0x9;
	[tilespmem:s16], [sflag:$0x1] =	stream.strided.gather [hbm4b:s15+s11], $0x800, s12, s11, $0x38;
	[tilespmem:$0x18200] =	vst v63  }
0x1c1: {  	s18 =	simm.s32 $0x1200;
	s17 =	spop (v2sf)  }
0x1c2: {  	(v2sf) =	vpush v32, $0xA;
	[tilespmem:s18], [sflag:$0x1] =	stream.strided.gather [hbm4b:s17+s11], $0x800, s12, s11, $0x38;
	[tilespmem:$0x18200] =	vst v63  }
0x1c3: {  	s9 =	simm.s32 $0x1A00;
	s4 =	spop (v2sf)  }
0x1c4: {  	(v2sf) =	vpush v32, $0xB;
	[tilespmem:s9], [sflag:$0x1] =	stream.strided.gather [hbm4b:s4+s11], $0x800, s12, s11, $0x38;
	[tilespmem:$0x18200] =	vst v63  }
0x1c5: {  	s14 =	simm.s32 $0x2200;
	s10 =	spop (v2sf)  }
0x1c6: {  	(v2sf) =	vpush v32, $0xC;
	[tilespmem:s14], [sflag:$0x1] =	stream.strided.gather [hbm4b:s10+s11], $0x800, s12, s11, $0x38;
	[tilespmem:$0x18200] =	vst v63  }
0x1c7: {  	s16 =	simm.s32 $0x2A00;
	s15 =	spop (v2sf)  }
0x1c8: {  	(v2sf) =	vpush v32, $0xD;
	[tilespmem:s16], [sflag:$0x1] =	stream.strided.gather [hbm4b:s15+s11], $0x800, s12, s11, $0x38;
	[tilespmem:$0x18200] =	vst v63  }
0x1c9: {  	s18 =	simm.s32 $0x3200;
	s17 =	spop (v2sf)  }
0x1ca: {  	(v2sf) =	vpush v32, $0xE;
	[tilespmem:s18], [sflag:$0x1] =	stream.strided.gather [hbm4b:s17+s11], $0x800, s12, s11, $0x38;
	[tilespmem:$0x18200] =	vst v63  }
0x1cb: {  	s4 =	spop (v2sf);
	s9 =	simm.s32 $0x3A00  }
0x1cc: {  	(v2sf) =	vpush v32, $0xF;
	[tilespmem:s9], [sflag:$0x1] =	stream.strided.gather [hbm4b:s4+s11], $0x800, s12, s11, $0x38;
	[tilespmem:$0x18200] =	vst v63  }
0x1cd: {  	s14 =	simm.s32 $0x4200;
	s10 =	spop (v2sf)  }
0x1ce: {  	[tilespmem:s14], [sflag:$0x1] =	stream.strided.gather [hbm4b:s10+s11], $0x800, s12, s11, $0x38;
	[tilespmem:$0x18200] =	vst v63  }
0x1cf: {  	s16 =	simm.s32 $0x4A00;
	s15 =	spop (v2sf)  }
0x1d0: {  	[tilespmem:s16], [sflag:$0x1] =	stream.strided.gather [hbm4b:s15+s11], $0x800, s12, s11, $0x38;
	[tilespmem:$0x18200] =	vst v63  }
0x1d1: {  	s18 =	simm.s32 $0x5200;
	s17 =	spop (v2sf)  }
0x1d2: {  	[tilespmem:s18], [sflag:$0x1] =	stream.strided.gather [hbm4b:s17+s11], $0x800, s12, s11, $0x38;
	[tilespmem:$0x18200] =	vst v63  }
0x1d3: {  	s4 =	simm.s32 $0x5A00;
	s3 =	spop (v2sf)  }
0x1d4: {  	[tilespmem:s4], [sflag:$0x1] =	stream.strided.gather [hbm4b:s3+s11], $0x800, s12, s11, $0x38;
	[tilespmem:$0x18200] =	vst v63  }
0x1d5: {  	s10 =	simm.s32 $0x6200;
	s9 =	spop (v2sf)  }
0x1d6: {  	[tilespmem:s10], [sflag:$0x1] =	stream.strided.gather [hbm4b:s9+s11], $0x800, s12, s11, $0x38;
	[tilespmem:$0x18200] =	vst v63  }
0x1d7: {  	s15 =	simm.s32 $0x6A00;
	s14 =	spop (v2sf)  }
0x1d8: {  	[tilespmem:s15], [sflag:$0x1] =	stream.strided.gather [hbm4b:s14+s11], $0x800, s12, s11, $0x38;
	[tilespmem:$0x18200] =	vst v63  }
0x1d9: {  	s24 =	simm.s32 $0x7200;
	s16 =	spop (v2sf)  }
0x1da: {  	[tilespmem:s24], [sflag:$0x1] =	stream.strided.gather [hbm4b:s16+s11], $0x800, s12, s11, $0x38;
	[tilespmem:$0x18200] =	vst v63  }
0x1db: {  	s25 =	simm.s32 $0x7A00;
	s17 =	spop (v2sf)  }
0x1dc: {  	[tilespmem:s25], [sflag:$0x1] =	stream.strided.gather [hbm4b:s17+s11], $0x800, s12, s11, $0x38;
	[tilespmem:$0x18200] =	vst v63  }
0x1dd: {  	s18 =	rddreg [dreg:$0x8];
	_ =	swait.ge [sflag:s31], $0x800  }
0x1de: {  	[sflag:s31] =	ssyncset.done $0x0  }
0x1df: {  	[sflag:s31] =	ssyncadd.s32 $0xFFFFF800  }
0x1e0: {  	_ =	swait.ge [sflag:s31], $0x800  }
0x1e1: {  	[sflag:s31] =	ssyncset.done $0x0  }
0x1e2: {  	[sflag:s31] =	ssyncadd.s32 $0xFFFFF800  }
0x1e3: {  	_ =	swait.ge [sflag:s31], $0x800  }
0x1e4: {  	[sflag:s31] =	ssyncset.done $0x0  }
0x1e5: {  	[sflag:s31] =	ssyncadd.s32 $0xFFFFF800  }
0x1e6: {  	_ =	swait.ge [sflag:s31], $0x800  }
0x1e7: {  	[sflag:s31] =	ssyncset.done $0x0  }
0x1e8: {  	[sflag:s31] =	ssyncadd.s32 $0xFFFFF800  }
0x1e9: {  	_ =	swait.ge [sflag:s31], $0x800  }
0x1ea: {  	[sflag:s31] =	ssyncset.done $0x0  }
0x1eb: {  	[sflag:s31] =	ssyncadd.s32 $0xFFFFF800  }
0x1ec: {  	_ =	swait.ge [sflag:s31], $0x800  }
0x1ed: {  	[sflag:s31] =	ssyncset.done $0x0  }
0x1ee: {  	[sflag:s31] =	ssyncadd.s32 $0xFFFFF800  }
0x1ef: {  	_ =	swait.ge [sflag:s31], $0x800  }
0x1f0: {  	[sflag:s31] =	ssyncset.done $0x0  }
0x1f1: {  	[sflag:s31] =	ssyncadd.s32 $0xFFFFF800  }
0x1f2: {  	_ =	swait.ge [sflag:s31], $0x800  }
0x1f3: {  	[sflag:s31] =	ssyncset.done $0x0  }
0x1f4: {  	[sflag:s31] =	ssyncadd.s32 $0xFFFFF800  }
0x1f5: {  	_ =	swait.ge [sflag:s31], $0x800  }
0x1f6: {  	[sflag:s31] =	ssyncset.done $0x0  }
0x1f7: {  	[sflag:s31] =	ssyncadd.s32 $0xFFFFF800  }
0x1f8: {  	_ =	swait.ge [sflag:s31], $0x800  }
0x1f9: {  	[sflag:s31] =	ssyncset.done $0x0  }
0x1fa: {  	[sflag:s31] =	ssyncadd.s32 $0xFFFFF800  }
0x1fb: {  	_ =	swait.ge [sflag:s31], $0x800  }
0x1fc: {  	[sflag:s31] =	ssyncset.done $0x0  }
0x1fd: {  	[sflag:s31] =	ssyncadd.s32 $0xFFFFF800  }
0x1fe: {  	_ =	swait.ge [sflag:s31], $0x800  }
0x1ff: {  	[sflag:s31] =	ssyncset.done $0x0  }
0x200: {  	[sflag:s31] =	ssyncadd.s32 $0xFFFFF800  }
0x201: {  	_ =	swait.ge [sflag:s31], $0x800  }
0x202: {  	[sflag:s31] =	ssyncset.done $0x0  }
0x203: {  	[sflag:s31] =	ssyncadd.s32 $0xFFFFF800  }
0x204: {  	_ =	swait.ge [sflag:s31], $0x800  }
0x205: {  	[sflag:s31] =	ssyncset.done $0x0  }
0x206: {  	[sflag:s31] =	ssyncadd.s32 $0xFFFFF800  }
0x207: {  	_ =	swait.ge [sflag:s31], $0x800  }
0x208: {  	[sflag:s31] =	ssyncset.done $0x0  }
0x209: {  	[sflag:s31] =	ssyncadd.s32 $0xFFFFF800  }
0x20a: {  	_ =	swait.ge [sflag:s31], $0x800  }
0x20b: {  	[sflag:s31] =	ssyncset.done $0x0  }
0x20c: {  	[sflag:s31] =	ssyncadd.s32 $0xFFFFF800  }
0x20d: {  	v16 =	vld.idx.msk [tilespmem:v16+s30+$0x0], $0xffff;
	_ =	sdelay $0x4  }
0x20e: {  	[tilespmem:s23+$0x16200] =	vst v16  }
0x20f: {  	v16 =	vld.idx.msk [tilespmem:v17+s30+$0x0], $0xffff;
	_ =	sdelay $0x4  }
0x210: {  	[tilespmem:s23+$0x16280] =	vst v16  }
0x211: {  	v16 =	vld.idx.msk [tilespmem:v49+s30+$0x0], $0xffff;
	_ =	sdelay $0x4  }
0x212: {  	[tilespmem:s23+$0x16300] =	vst v16  }
0x213: {  	v16 =	vld.idx.msk [tilespmem:v50+s30+$0x0], $0xffff;
	_ =	sdelay $0x4  }
0x214: {  	[tilespmem:s23+$0x16380] =	vst v16  }
0x215: {  	v16 =	vld.idx.msk [tilespmem:v51+s30+$0x0], $0xffff;
	_ =	sdelay $0x4  }
0x216: {  	[tilespmem:s23+$0x16400] =	vst v16  }
0x217: {  	v16 =	vld.idx.msk [tilespmem:v52+s30+$0x0], $0xffff;
	_ =	sdelay $0x4  }
0x218: {  	[tilespmem:s23+$0x16480] =	vst v16  }
0x219: {  	v16 =	vld.idx.msk [tilespmem:v53+s30+$0x0], $0xffff;
	_ =	sdelay $0x4  }
0x21a: {  	[tilespmem:s23+$0x16500] =	vst v16  }
0x21b: {  	v16 =	vld.idx.msk [tilespmem:v54+s30+$0x0], $0xffff;
	_ =	sdelay $0x4  }
0x21c: {  	[tilespmem:s23+$0x16580] =	vst v16  }
0x21d: {  	v16 =	vld.idx.msk [tilespmem:v55+s30+$0x0], $0xffff;
	_ =	sdelay $0x4  }
0x21e: {  	[tilespmem:s23+$0x17200] =	vst v16  }
0x21f: {  	v16 =	vld.idx.msk [tilespmem:v56+s30+$0x0], $0xffff;
	_ =	sdelay $0x4  }
0x220: {  	[tilespmem:s23+$0x17280] =	vst v16  }
0x221: {  	v16 =	vld.idx.msk [tilespmem:v57+s30+$0x0], $0xffff;
	_ =	sdelay $0x4  }
0x222: {  	[tilespmem:s23+$0x17300] =	vst v16  }
0x223: {  	v16 =	vld.idx.msk [tilespmem:v58+s30+$0x0], $0xffff;
	_ =	sdelay $0x4  }
0x224: {  	[tilespmem:s23+$0x17380] =	vst v16  }
0x225: {  	v16 =	vld.idx.msk [tilespmem:v59+s30+$0x0], $0xffff;
	_ =	sdelay $0x4  }
0x226: {  	[tilespmem:s23+$0x17400] =	vst v16  }
0x227: {  	v16 =	vld.idx.msk [tilespmem:v60+s30+$0x0], $0xffff;
	_ =	sdelay $0x4  }
0x228: {  	[tilespmem:s23+$0x17480] =	vst v16  }
0x229: {  	v16 =	vld.idx.msk [tilespmem:v61+s30+$0x0], $0xffff;
	_ =	sdelay $0x4  }
0x22a: {  	[tilespmem:s23+$0x17500] =	vst v16  }
0x22b: {  	p0 =	sne.s32 s1, $0x20;
	v16 =	vld.idx.msk [tilespmem:v31+s30+$0x0], $0xffff  }
.Ltmp0:
0x22c: {  	_ = 	snop;
	(pc) =	sbr.rel @p0 .LBB2_2-.Ltmp0, $4  }
0x22d: {  	_ = 	snop  }
0x22e: {  	s22 =	sadd.s32 $0x80, s22  }
0x22f: {  	s0 =	sadd.s32 $0x10, s0;
	s26 =	simm.s32 $0x9A00;
	s28 =	simm.s32 $0xA200  }
0x230: {  	s29 =	simm.s32 $0xAA00;
	s1 =	sadd.s32 $0x1, s1;
	s2 =	sadd.s32 $0x10, s18;
	[tilespmem:s23+$0x17580] =	vst v16  }
0x231: {  	_ =	swait.ge [sflag:s20], $0x800  }
0x232: {  	[sflag:s20] =	ssyncset.done $0x0  }
0x233: {  	[sflag:s20] =	ssyncadd.s32 $0xFFFFF800  }
0x234: {  	_ =	swait.ge [sflag:s20], $0x800  }
0x235: {  	[sflag:s20] =	ssyncset.done $0x0  }
0x236: {  	[sflag:s20] =	ssyncadd.s32 $0xFFFFF800  }
0x237: {  	_ =	swait.ge [sflag:s20], $0x800  }
0x238: {  	[sflag:s20] =	ssyncset.done $0x0  }
0x239: {  	[sflag:s20] =	ssyncadd.s32 $0xFFFFF800  }
0x23a: {  	_ =	swait.ge [sflag:s20], $0x800  }
0x23b: {  	[sflag:s20] =	ssyncset.done $0x0  }
0x23c: {  	[sflag:s20] =	ssyncadd.s32 $0xFFFFF800  }
0x23d: {  	_ =	swait.ge [sflag:s20], $0x800  }
0x23e: {  	[sflag:s20] =	ssyncset.done $0x0  }
0x23f: {  	[sflag:s20] =	ssyncadd.s32 $0xFFFFF800  }
0x240: {  	_ =	swait.ge [sflag:s20], $0x800  }
0x241: {  	[sflag:s20] =	ssyncset.done $0x0  }
0x242: {  	[sflag:s20] =	ssyncadd.s32 $0xFFFFF800  }
0x243: {  	_ =	swait.ge [sflag:s20], $0x800  }
0x244: {  	[sflag:s20] =	ssyncset.done $0x0  }
0x245: {  	[sflag:s20] =	ssyncadd.s32 $0xFFFFF800  }
0x246: {  	_ =	swait.ge [sflag:s20], $0x800  }
0x247: {  	[sflag:s20] =	ssyncset.done $0x0  }
0x248: {  	[sflag:s20] =	ssyncadd.s32 $0xFFFFF800  }
0x249: {  	_ =	swait.ge [sflag:s20], $0x800  }
0x24a: {  	[sflag:s20] =	ssyncset.done $0x0  }
0x24b: {  	[sflag:s20] =	ssyncadd.s32 $0xFFFFF800  }
0x24c: {  	_ =	swait.ge [sflag:s20], $0x800  }
0x24d: {  	[sflag:s20] =	ssyncset.done $0x0  }
0x24e: {  	[sflag:s20] =	ssyncadd.s32 $0xFFFFF800  }
0x24f: {  	_ =	swait.ge [sflag:s20], $0x800  }
0x250: {  	[sflag:s20] =	ssyncset.done $0x0  }
0x251: {  	[sflag:s20] =	ssyncadd.s32 $0xFFFFF800  }
0x252: {  	_ =	swait.ge [sflag:s20], $0x800  }
0x253: {  	[sflag:s20] =	ssyncset.done $0x0  }
0x254: {  	[sflag:s20] =	ssyncadd.s32 $0xFFFFF800  }
0x255: {  	_ =	swait.ge [sflag:s20], $0x800  }
0x256: {  	[sflag:s20] =	ssyncset.done $0x0  }
0x257: {  	[sflag:s20] =	ssyncadd.s32 $0xFFFFF800  }
0x258: {  	_ =	swait.ge [sflag:s20], $0x800  }
0x259: {  	[sflag:s20] =	ssyncset.done $0x0  }
0x25a: {  	[sflag:s20] =	ssyncadd.s32 $0xFFFFF800  }
0x25b: {  	_ =	swait.ge [sflag:s20], $0x800  }
0x25c: {  	[sflag:s20] =	ssyncset.done $0x0  }
0x25d: {  	[sflag:s20] =	ssyncadd.s32 $0xFFFFF800  }
0x25e: {  	_ =	swait.ge [sflag:s20], $0x800  }
0x25f: {  	s1 =	simm.s32 $0x1000;
	s2 =	simm.s32 $0x20000;
	[sflag:s20] =	ssyncset.done $0x0  }
0x260: {  	s3 =	simm.s32 $0x10200;
	s0 =	rddreg [dreg:$0x5];
	[sflag:s20] =	ssyncadd.s32 $0xFFFFF800  }
0x261: {  	[hbm4b:s0+s1] =	stream.strided.scatter [tilespmem:s3], [sflag:$0x3], $0x8000, s2, s1, $0x38;
	[tilespmem:$0x18200] =	vst v63  }
0x262: {  	s2 =	simm.s32 $0x3  }
0x263: {  	_ =	swait.ge [sflag:s2], $0x8000  }
0x264: {  	s22 =	rddreg [dreg:$0x7]  }
0x265: {  	s23 =	rddreg [dreg:$0x6];
	s1 =	sadd.s32 $0x1, s22  }
0x266: {  	s4 =	simm.s32 $0x1200;
	p0 =	sne.s32 s1, s23  }
.Ltmp1:
0x267: {  	s9 =	simm.s32 $0x1A00;
	s10 =	simm.s32 $0x2200;
	(pc) =	sbr.rel @p0 .LBB2_1-.Ltmp1, $4  }
0x268: {  	s14 =	simm.s32 $0x2A00;
	s15 =	simm.s32 $0x3200;
	s16 =	simm.s32 $0x3A00  }
0x269: {  	s17 =	simm.s32 $0x4200;
	s18 =	simm.s32 $0x4A00;
	s19 =	simm.s32 $0x5200  }
0x26a: {  	s21 =	simm.s32 $0x5A00;
	s3 =	simm.s32 $0xA00;
	[sflag:s2] =	ssyncset.done $0x0  }
0x26b: {  	[sflag:s2] =	ssyncadd.s32 $0xFFFF8000;
	s22 =	simm.s32 $0x6200;
	s23 =	simm.s32 $0x6A00  }
0x26c: {  	_ =	sfence.sel $0x180000  }
0x26d: {  	[bflag:$0x0] =	sbarrier.arrive $0xFFFF  }
0x26e: {  	_ =	strace $0x90000047  }
0x26f: {  	s0 =	stileid.u32;
	[bflag:$0x2] =	sbarrier.arrive $0xFFFF  }
0x270: {  	p0 =	sne.s32 s0, $0x0;
	s0 =	rddreg [dreg:$0x3]  }
0x271: {  	s0 =	sadd.s32 @!p0 $0x100000, s0  }
0x272: {  	[sflag:s0] =	ssyncadd.tile.s32 @!p0 $0x1;
	_ =	shalt  }
.Lfunc_end2:
_tile_overlayer_lowered:
.L_overlay_start_2:
0x273: {  	(tag) =	ssettag $0x2  }
0x274: {  	s0 =	rddreg [dreg:$0x0];
	s2 =	stileid.u32  }
0x275: {  	s1 =	rddreg [dreg:$0x1];
	p0 =	sne.s32 s2, $0x0  }
0x276: {  	s3 =	rddreg [dreg:$0x2];
	[bflag:$0x3] =	sbarrier.arrive $0xFFFF;
	s2 =	simm.s32 @!p0 $0x1C03  }
0x277: {  	[timem:s3], [sflag:s2] =	dma.local @!p0 [hbm:s0], s1  }
0x278: {  	s0 =	simm.s32 @!p0 $0x3  }
0x279: {  	_ =	swait.ge @!p0 [sflag:s0], s1  }
0x27a: {  	s1 =	ssub.s32 @!p0 $0x0, s1;
	[sflag:s0] =	ssyncset.done @!p0 $0x0  }
0x27b: {  	[sflag:s0] =	ssyncadd.s32 @!p0 s1  }
0x27c: {  	[bflag:$0x3] =	sbarrier.arrive $0xFFFF  }
0x27d: {  	_ =	shalt  }

</sc_bundles>
